<compile_context>
chip_gen: v7x
topology: tpu7x:2x2x1
jax: 0.10.2.dev20260603
libtpu: 0.0.44.dev20260713+nightly
codegen_flags: <defaults>
</compile_context>

<pallas_src>
import jax
import jax.numpy as jnp
from jax import lax
from jax.experimental import pallas as pl
from jax.experimental.pallas import tpu as pltpu
from jax.experimental.pallas import tpu_sc as plsc

N = 10000
D = 128
E = 320000
NC = 2
NS = 16
NW = NC * NS
EPT = E // NW
CH = 125
NCHUNK = EPT // CH
GRP = 8
NGRP = NCHUNK // GRP
NP = 10240
RPT = NP // NS
DW = 16

_T15_ROWS = (D, D, D, 16, 0)

_mesh = plsc.VectorSubcoreMesh(core_axis_name="c", subcore_axis_name="s",
                               num_cores=NC, num_subcores=NS)


def _fill_rows(ref, nrows, width, val):
    def body(i, carry):
        for p in range(width // 16):
            ref[i, pl.ds(p * 16, 16)] = jnp.full((16,), val, jnp.float32)
        return carry

    lax.fori_loop(0, nrows, body, None)


def _each_own_chunk(s, fn):
    for j in range(RPT // D):
        off = pl.multiple_of(s * RPT + j * D, D)
        t15 = _T15_ROWS[j]
        if t15 == D:
            fn(j, off, D)
        else:
            @pl.when(s < NS - 1)
            def _(j=j, off=off):
                fn(j, off, D)

            if t15 > 0:
                @pl.when(s == NS - 1)
                def _(j=j, off=off, t15=t15):
                    fn(j, off, t15)


def _deg_body(dst_hbm, out_hbm, idx_v, zb_v, acc_sh, sem):
    c = lax.axis_index("c")
    s = lax.axis_index("s")
    w = s * NC + c
    pltpu.sync_copy(dst_hbm.at[w], idx_v)
    _fill_rows(zb_v, D, DW, 0.0)

    for j in range(RPT // D):
        off = pl.multiple_of(s * RPT + j * D, D)
        pltpu.sync_copy(zb_v, acc_sh.at[pl.ds(off, D)])
    _fill_rows(zb_v, D, DW, 1.0)
    plsc.subcore_barrier()
    ones_rows = zb_v.at[pl.ds(0, CH)]

    def step(g, carry):
        for r in range(GRP):
            pltpu.async_copy(ones_rows, acc_sh.at[idx_v.at[g * GRP + r]],
                             sem, add=True)
        for r in range(GRP):
            pltpu.make_async_copy(ones_rows, acc_sh.at[idx_v.at[0]],
                                  sem).wait()
        return carry

    lax.fori_loop(0, NGRP, step, None)
    plsc.subcore_barrier()

    for j in range(RPT // D):
        off = pl.multiple_of(s * RPT + j * D, D)
        pltpu.sync_copy(acc_sh.at[pl.ds(off, D)], zb_v)
        pltpu.sync_copy(zb_v, out_hbm.at[c, pl.ds(s * RPT + j * D, D)])


_deg_call = pl.kernel(
    _deg_body,
    out_type=jax.ShapeDtypeStruct((NC, NP, DW), jnp.float32),
    mesh=_mesh,
    scratch_types=[
        pltpu.VMEM((NCHUNK, CH), jnp.int32),
        pltpu.VMEM((D, DW), jnp.float32),
        pltpu.VMEM_SHARED((NP, DW), jnp.float32),
        pltpu.SemaphoreType.DMA,
    ],
)


def _agg_body(hs_hbm, src_hbm, dst_hbm, out_hbm,
              idx_s, idx_d, rows_a, rows_b, acc_sh, sem_a, sem_b):
    c = lax.axis_index("c")
    s = lax.axis_index("s")
    w = s * NC + c
    pltpu.sync_copy(src_hbm.at[w], idx_s)
    pltpu.sync_copy(dst_hbm.at[w, pl.ds(0, GRP)], idx_d)
    _fill_rows(rows_a, D, D, 0.0)

    for j in range(RPT // D):
        off = pl.multiple_of(s * RPT + j * D, D)
        pltpu.sync_copy(rows_a, acc_sh.at[pl.ds(off, D)])
    plsc.subcore_barrier()
    bufs = (rows_a.at[pl.ds(0, CH)], rows_b.at[pl.ds(0, CH)])
    sems = (sem_a, sem_b)
    pltpu.async_copy(hs_hbm.at[idx_s.at[0]], bufs[0], sems[0])

    def group(g, carry):
        base = g * GRP
        for r in range(GRP):
            cur = r % 2
            nxt = 1 - cur
            nxt_chunk = base + r + 1

            @pl.when(nxt_chunk < NCHUNK)
            def _():
                pltpu.async_copy(hs_hbm.at[idx_s.at[nxt_chunk]],
                                 bufs[nxt], sems[nxt])

            pltpu.make_async_copy(hs_hbm.at[idx_s.at[0]], bufs[cur],
                                  sems[cur]).wait()
            pltpu.sync_copy(bufs[cur], acc_sh.at[idx_d.at[r]], add=True)

        @pl.when(g + 1 < NGRP)
        def _():
            off = pl.multiple_of((g + 1) * GRP, GRP)
            pltpu.sync_copy(dst_hbm.at[w, pl.ds(off, GRP)], idx_d)

        return carry

    lax.fori_loop(0, NGRP, group, None)
    plsc.subcore_barrier()

    for j in range(RPT // D):
        off = pl.multiple_of(s * RPT + j * D, D)
        pltpu.sync_copy(acc_sh.at[pl.ds(off, D)], rows_a)
        pltpu.sync_copy(rows_a, out_hbm.at[c, pl.ds(s * RPT + j * D, D)])


_agg_call = pl.kernel(
    _agg_body,
    out_type=jax.ShapeDtypeStruct((NC, NP, D), jnp.float32),
    mesh=_mesh,
    scratch_types=[
        pltpu.VMEM((NCHUNK, CH), jnp.int32),
        pltpu.VMEM((GRP, CH), jnp.int32),
        pltpu.VMEM((D, D), jnp.float32),
        pltpu.VMEM((D, D), jnp.float32),
        pltpu.VMEM_SHARED((NP, D), jnp.float32),
        pltpu.SemaphoreType.DMA,
        pltpu.SemaphoreType.DMA,
    ],
)

BN = 1000


def _dis_of(dacc_ref):
    deg = dacc_ref[0] + dacc_ref[1] + 1.0
    return lax.rsqrt(deg)[:, 0:1]


def _t1_body(x_ref, w_ref, dacc_ref, o_ref):
    ds = _dis_of(dacc_ref)
    h = jnp.dot(x_ref[...], w_ref[...], preferred_element_type=jnp.float32)
    o_ref[...] = h * ds


def _t2_body(agg_ref, h1s_ref, dacc_ref, b_ref, w_ref, o_ref):
    ds = _dis_of(dacc_ref)
    z = jnp.maximum(ds * (agg_ref[0] + agg_ref[1] + h1s_ref[...]) + b_ref[...],
                    0.0)
    o_ref[...] = jnp.dot(z, w_ref[...], preferred_element_type=jnp.float32) * ds


def _t3_body(agg_ref, h2s_ref, dacc_ref, b_ref, o_ref):
    ds = _dis_of(dacc_ref)
    o_ref[...] = ds * (agg_ref[0] + agg_ref[1] + h2s_ref[...]) + b_ref[...]


_row_spec = pl.BlockSpec((BN, D), lambda i: (i, 0))
_agg_spec = pl.BlockSpec((NC, BN, D), lambda i: (0, i, 0))
_dacc_spec = pl.BlockSpec((NC, BN, DW), lambda i: (0, i, 0))
_w_spec = pl.BlockSpec((D, D), lambda i: (0, 0))
_b_spec = pl.BlockSpec((D,), lambda i: (0,))
_out_struct = jax.ShapeDtypeStruct((N, D), jnp.float32)

_t1_call = pl.pallas_call(
    _t1_body, grid=(N // BN,),
    in_specs=[_row_spec, _w_spec, _dacc_spec],
    out_specs=_row_spec, out_shape=_out_struct)

_t2_call = pl.pallas_call(
    _t2_body, grid=(N // BN,),
    in_specs=[_agg_spec, _row_spec, _dacc_spec, _b_spec, _w_spec],
    out_specs=_row_spec, out_shape=_out_struct)

_t3_call = pl.pallas_call(
    _t3_body, grid=(N // BN,),
    in_specs=[_agg_spec, _row_spec, _dacc_spec, _b_spec],
    out_specs=_row_spec, out_shape=_out_struct)


@jax.jit
def kernel(x, edge_index, W1, b1, W2, b2):
    src = edge_index[0].reshape(NW, NCHUNK, CH)
    dst = edge_index[1].reshape(NW, NCHUNK, CH)
    dacc = _deg_call(dst)[:, :N]
    h1s = _t1_call(x, W1, dacc)
    agg1 = _agg_call(h1s, src, dst)
    h2s = _t2_call(agg1[:, :N], h1s, dacc, b1, W2)
    agg2 = _agg_call(h2s, src, dst)
    return _t3_call(agg2[:, :N], h2s, dacc, b2)

# --- scband reference (transcript-rebuilt; emitter-appended) ---
"""Pipeline reference for scband-gcn-7000796692945 (READ-ONLY COPY).

The authoritative reference and input builder live on the scoring server;
editing this copy changes nothing except your own understanding.
"""

import jax, jax.numpy as jnp
import numpy as np

N = 10000
E = 320000
D_IN = 128
D_HID = 128
D_OUT = 128


def gcn_conv(x, edge_index, W, b):
    n = x.shape[0]
    src = edge_index[0]
    dst = edge_index[1]
    # add self loops (PyG GCNConv default add_self_loops=True)
    loop = jnp.arange(n, dtype=src.dtype)
    src = jnp.concatenate([src, loop])
    dst = jnp.concatenate([dst, loop])
    # symmetric normalization with unit edge weights
    deg = jnp.zeros((n,), dtype=x.dtype).at[dst].add(1.0)
    deg_inv_sqrt = jnp.where(deg > 0, deg ** -0.5, 0.0)
    norm = deg_inv_sqrt[src] * deg_inv_sqrt[dst]
    h = x @ W
    msgs = h[src] * norm[:, None]
    out = jnp.zeros((n, h.shape[1]), dtype=x.dtype).at[dst].add(msgs)
    return out + b


def setup_inputs(seed: int = 0):
    key = jax.random.key(seed)
    k1, k2, k3, k4 = jax.random.split(key, 4)
    x = jax.random.normal(k1, (N, D_IN), dtype=jnp.float32)
    edge_index = jax.random.randint(k2, (2, E), 0, N, dtype=jnp.int32)
    # glorot init for GCNConv weights, zero bias (PyG default)
    s1 = (6.0 / (D_IN + D_HID)) ** 0.5
    W1 = jax.random.uniform(k3, (D_IN, D_HID), dtype=jnp.float32, minval=-s1, maxval=s1)
    b1 = jnp.zeros((D_HID,), dtype=jnp.float32)
    s2 = (6.0 / (D_HID + D_OUT)) ** 0.5
    W2 = jax.random.uniform(k4, (D_HID, D_OUT), dtype=jnp.float32, minval=-s2, maxval=s2)
    b2 = jnp.zeros((D_OUT,), dtype=jnp.float32)
    return {"x": x, "edge_index": edge_index, "W1": W1, "b1": b1, "W2": W2, "b2": b2}


def reference(x, edge_index, W1, b1, W2, b2):
    h = gcn_conv(x, edge_index, W1, b1)
    h = jax.nn.relu(h)
    # dropout p=0.0 -> identity (eval-equivalent / deterministic)
    out = gcn_conv(h, edge_index, W2, b2)
    return out

if __name__ == "__main__":
    import jax
    _d = setup_inputs()
    print(jax.jit(kernel)(*tuple(_d.values())))

</pallas_src>

<mosaic_0001>
#map = affine_map<(d0, d1) -> (0, 0)>
#map1 = affine_map<(d0, d1) -> (0, 0, 0)>
module attributes {stable_mosaic.version = 14 : i64} {
  func.func @_agg_body(%arg0: i32, %arg1: i32, %arg2: memref<10000x128xf32, #tpu.memory_space<hbm>>, %arg3: memref<32x80x125xi32, #tpu.memory_space<hbm>>, %arg4: memref<32x80x125xi32, #tpu.memory_space<hbm>>, %arg5: memref<2x10240x128xf32, #tpu.memory_space<hbm>>, %arg6: memref<80x125xi32, #tpu.memory_space<vmem>>, %arg7: memref<8x125xi32, #tpu.memory_space<vmem>>, %arg8: memref<128x128xf32, #tpu.memory_space<vmem>>, %arg9: memref<128x128xf32, #tpu.memory_space<vmem>>, %arg10: memref<10240x128xf32, #tpu.memory_space<vmem_shared>>, %arg11: memref<!tpu.dma_semaphore, #tpu.memory_space<semaphore_mem>>, %arg12: memref<!tpu.dma_semaphore, #tpu.memory_space<semaphore_mem>>) attributes {dimension_semantics = [#tpu.dimension_semantics<core_parallel>, #tpu.dimension_semantics<subcore_parallel>], iteration_bounds = array<i64: 2, 16>, scalar_prefetch = 0 : i64, scratch_operands = 7 : i64, tpu.core_type = #tpu.core_type<sc_vector_subcore>, window_params = [{transform_indices = #map}, {transform_indices = #map1}, {transform_indices = #map1}, {transform_indices = #map1}]} {
    %mul3A = arith.constant 2 : i32
    %mul3A_0 = arith.muli %arg1, %mul3A : i32
    %add3A = arith.addi %mul3A_0, %arg0 : i32
    "tpu.region"() ({
      %run_scoped3A = tpu.sem_alloc : memref<!tpu.dma_semaphore, #tpu.memory_space<semaphore_mem>>
      %dma_start3A_89 = arith.constant 0 : i32
      %dma_start3A_90 = arith.constant 0 : i32
      %dma_start3A_91 = tpu.memref_slice %arg3[%add3A, %dma_start3A_89, %dma_start3A_90] : memref<32x80x125xi32, #tpu.memory_space<hbm>> -> memref<1x80x125xi32, #tpu.memory_space<hbm>>
      %dma_start3A_92 = tpu.memref_squeeze %dma_start3A_91 : memref<1x80x125xi32, #tpu.memory_space<hbm>> -> memref<80x125xi32, #tpu.memory_space<hbm>>
      %dma_start3A_93 = arith.constant 0 : i32
      %dma_start3A_94 = arith.constant 0 : i32
      %dma_start3A_95 = tpu.memref_slice %arg3[%add3A, %dma_start3A_93, %dma_start3A_94] : memref<32x80x125xi32, #tpu.memory_space<hbm>> -> memref<1x80x125xi32, #tpu.memory_space<hbm>>
      %dma_start3A_96 = tpu.memref_squeeze %dma_start3A_95 : memref<1x80x125xi32, #tpu.memory_space<hbm>> -> memref<80x125xi32, #tpu.memory_space<hbm>>
      tpu.enqueue_dma source(%dma_start3A_96 : memref<80x125xi32, #tpu.memory_space<hbm>>) target(%arg6 : memref<80x125xi32, #tpu.memory_space<vmem>>) target_semaphore(%run_scoped3A : memref<!tpu.dma_semaphore, #tpu.memory_space<semaphore_mem>>)
      %dma_wait3A = arith.constant 0 : i32
      %dma_wait3A_97 = arith.constant 0 : i32
      %dma_wait3A_98 = tpu.memref_slice %arg3[%add3A, %dma_wait3A, %dma_wait3A_97] : memref<32x80x125xi32, #tpu.memory_space<hbm>> -> memref<1x80x125xi32, #tpu.memory_space<hbm>>
      %dma_wait3A_99 = tpu.memref_squeeze %dma_wait3A_98 : memref<1x80x125xi32, #tpu.memory_space<hbm>> -> memref<80x125xi32, #tpu.memory_space<hbm>>
      %dma_wait3A_100 = arith.constant 0 : i32
      %dma_wait3A_101 = arith.constant 0 : i32
      %dma_wait3A_102 = tpu.memref_slice %arg3[%add3A, %dma_wait3A_100, %dma_wait3A_101] : memref<32x80x125xi32, #tpu.memory_space<hbm>> -> memref<1x80x125xi32, #tpu.memory_space<hbm>>
      %dma_wait3A_103 = tpu.memref_squeeze %dma_wait3A_102 : memref<1x80x125xi32, #tpu.memory_space<hbm>> -> memref<80x125xi32, #tpu.memory_space<hbm>>
      tpu.wait_dma2 semaphore(%run_scoped3A : memref<!tpu.dma_semaphore, #tpu.memory_space<semaphore_mem>>) src(%dma_wait3A_103 : memref<80x125xi32, #tpu.memory_space<hbm>>) dst(%arg6 : memref<80x125xi32, #tpu.memory_space<vmem>>)
      tpu.yield
    }) : () -> ()
    "tpu.region"() ({
      %run_scoped3A = tpu.sem_alloc : memref<!tpu.dma_semaphore, #tpu.memory_space<semaphore_mem>>
      %dma_start3A_89 = arith.constant 0 : i32
      %dma_start3A_90 = arith.constant 0 : i32
      %dma_start3A_91 = tpu.memref_slice %arg4[%add3A, %dma_start3A_89, %dma_start3A_90] : memref<32x80x125xi32, #tpu.memory_space<hbm>> -> memref<1x8x125xi32, #tpu.memory_space<hbm>>
      %dma_start3A_92 = tpu.memref_squeeze %dma_start3A_91 : memref<1x8x125xi32, #tpu.memory_space<hbm>> -> memref<8x125xi32, #tpu.memory_space<hbm>>
      %dma_start3A_93 = arith.constant 0 : i32
      %dma_start3A_94 = arith.constant 0 : i32
      %dma_start3A_95 = tpu.memref_slice %arg4[%add3A, %dma_start3A_93, %dma_start3A_94] : memref<32x80x125xi32, #tpu.memory_space<hbm>> -> memref<1x8x125xi32, #tpu.memory_space<hbm>>
      %dma_start3A_96 = tpu.memref_squeeze %dma_start3A_95 : memref<1x8x125xi32, #tpu.memory_space<hbm>> -> memref<8x125xi32, #tpu.memory_space<hbm>>
      tpu.enqueue_dma source(%dma_start3A_96 : memref<8x125xi32, #tpu.memory_space<hbm>>) target(%arg7 : memref<8x125xi32, #tpu.memory_space<vmem>>) target_semaphore(%run_scoped3A : memref<!tpu.dma_semaphore, #tpu.memory_space<semaphore_mem>>)
      %dma_wait3A = arith.constant 0 : i32
      %dma_wait3A_97 = arith.constant 0 : i32
      %dma_wait3A_98 = tpu.memref_slice %arg4[%add3A, %dma_wait3A, %dma_wait3A_97] : memref<32x80x125xi32, #tpu.memory_space<hbm>> -> memref<1x8x125xi32, #tpu.memory_space<hbm>>
      %dma_wait3A_99 = tpu.memref_squeeze %dma_wait3A_98 : memref<1x8x125xi32, #tpu.memory_space<hbm>> -> memref<8x125xi32, #tpu.memory_space<hbm>>
      %dma_wait3A_100 = arith.constant 0 : i32
      %dma_wait3A_101 = arith.constant 0 : i32
      %dma_wait3A_102 = tpu.memref_slice %arg4[%add3A, %dma_wait3A_100, %dma_wait3A_101] : memref<32x80x125xi32, #tpu.memory_space<hbm>> -> memref<1x8x125xi32, #tpu.memory_space<hbm>>
      %dma_wait3A_103 = tpu.memref_squeeze %dma_wait3A_102 : memref<1x8x125xi32, #tpu.memory_space<hbm>> -> memref<8x125xi32, #tpu.memory_space<hbm>>
      tpu.wait_dma2 semaphore(%run_scoped3A : memref<!tpu.dma_semaphore, #tpu.memory_space<semaphore_mem>>) src(%dma_wait3A_103 : memref<8x125xi32, #tpu.memory_space<hbm>>) dst(%arg7 : memref<8x125xi32, #tpu.memory_space<vmem>>)
      tpu.yield
    }) : () -> ()
    %scan3A = arith.constant 0 : i32
    %scan3A_1 = arith.constant 128 : i32
    %scan3A_2 = arith.addi %scan3A, %scan3A_1 : i32
    %scan3A_3 = arith.constant 1 : i32
    scf.for %scan3A_89 = %scan3A to %scan3A_2 step %scan3A_3  : i32 {
      %broadcast_in_dim3A = arith.constant 0.000000e+00 : f32
      %broadcast_in_dim3A_90 = vector.broadcast %broadcast_in_dim3A : f32 to vector<16xf32>
      %swap3A = arith.index_cast %scan3A_89 : i32 to index
      %swap3A_91 = arith.constant 0 : index
      %swap3A_92 = tpu.vector_load %arg8[%swap3A, %swap3A_91] {strides = array<i32>} : memref<128x128xf32, #tpu.memory_space<vmem>>, vector<1x16xf32>,
      %swap3A_93 = vector.shape_cast %swap3A_92 : vector<1x16xf32> to vector<16xf32>
      %swap3A_94 = vector.shape_cast %broadcast_in_dim3A_90 : vector<16xf32> to vector<1x16xf32>
      tpu.vector_store %arg8[%swap3A, %swap3A_91], %swap3A_94 {strides = array<i32>} : memref<128x128xf32, #tpu.memory_space<vmem>>, vector<1x16xf32>,
      %broadcast_in_dim3A_95 = arith.constant 0.000000e+00 : f32
      %broadcast_in_dim3A_96 = vector.broadcast %broadcast_in_dim3A_95 : f32 to vector<16xf32>
      %swap3A_97 = arith.index_cast %scan3A_89 : i32 to index
      %swap3A_98 = arith.constant 16 : index
      %swap3A_99 = tpu.vector_load %arg8[%swap3A_97, %swap3A_98] {strides = array<i32>} : memref<128x128xf32, #tpu.memory_space<vmem>>, vector<1x16xf32>,
      %swap3A_100 = vector.shape_cast %swap3A_99 : vector<1x16xf32> to vector<16xf32>
      %swap3A_101 = vector.shape_cast %broadcast_in_dim3A_96 : vector<16xf32> to vector<1x16xf32>
      tpu.vector_store %arg8[%swap3A_97, %swap3A_98], %swap3A_101 {strides = array<i32>} : memref<128x128xf32, #tpu.memory_space<vmem>>, vector<1x16xf32>,
      %broadcast_in_dim3A_102 = arith.constant 0.000000e+00 : f32
      %broadcast_in_dim3A_103 = vector.broadcast %broadcast_in_dim3A_102 : f32 to vector<16xf32>
      %swap3A_104 = arith.index_cast %scan3A_89 : i32 to index
      %swap3A_105 = arith.constant 32 : index
      %swap3A_106 = tpu.vector_load %arg8[%swap3A_104, %swap3A_105] {strides = array<i32>} : memref<128x128xf32, #tpu.memory_space<vmem>>, vector<1x16xf32>,
      %swap3A_107 = vector.shape_cast %swap3A_106 : vector<1x16xf32> to vector<16xf32>
      %swap3A_108 = vector.shape_cast %broadcast_in_dim3A_103 : vector<16xf32> to vector<1x16xf32>
      tpu.vector_store %arg8[%swap3A_104, %swap3A_105], %swap3A_108 {strides = array<i32>} : memref<128x128xf32, #tpu.memory_space<vmem>>, vector<1x16xf32>,
      %broadcast_in_dim3A_109 = arith.constant 0.000000e+00 : f32
      %broadcast_in_dim3A_110 = vector.broadcast %broadcast_in_dim3A_109 : f32 to vector<16xf32>
      %swap3A_111 = arith.index_cast %scan3A_89 : i32 to index
      %swap3A_112 = arith.constant 48 : index
      %swap3A_113 = tpu.vector_load %arg8[%swap3A_111, %swap3A_112] {strides = array<i32>} : memref<128x128xf32, #tpu.memory_space<vmem>>, vector<1x16xf32>,
      %swap3A_114 = vector.shape_cast %swap3A_113 : vector<1x16xf32> to vector<16xf32>
      %swap3A_115 = vector.shape_cast %broadcast_in_dim3A_110 : vector<16xf32> to vector<1x16xf32>
      tpu.vector_store %arg8[%swap3A_111, %swap3A_112], %swap3A_115 {strides = array<i32>} : memref<128x128xf32, #tpu.memory_space<vmem>>, vector<1x16xf32>,
      %broadcast_in_dim3A_116 = arith.constant 0.000000e+00 : f32
      %broadcast_in_dim3A_117 = vector.broadcast %broadcast_in_dim3A_116 : f32 to vector<16xf32>
      %swap3A_118 = arith.index_cast %scan3A_89 : i32 to index
      %swap3A_119 = arith.constant 64 : index
      %swap3A_120 = tpu.vector_load %arg8[%swap3A_118, %swap3A_119] {strides = array<i32>} : memref<128x128xf32, #tpu.memory_space<vmem>>, vector<1x16xf32>,
      %swap3A_121 = vector.shape_cast %swap3A_120 : vector<1x16xf32> to vector<16xf32>
      %swap3A_122 = vector.shape_cast %broadcast_in_dim3A_117 : vector<16xf32> to vector<1x16xf32>
      tpu.vector_store %arg8[%swap3A_118, %swap3A_119], %swap3A_122 {strides = array<i32>} : memref<128x128xf32, #tpu.memory_space<vmem>>, vector<1x16xf32>,
      %broadcast_in_dim3A_123 = arith.constant 0.000000e+00 : f32
      %broadcast_in_dim3A_124 = vector.broadcast %broadcast_in_dim3A_123 : f32 to vector<16xf32>
      %swap3A_125 = arith.index_cast %scan3A_89 : i32 to index
      %swap3A_126 = arith.constant 80 : index
      %swap3A_127 = tpu.vector_load %arg8[%swap3A_125, %swap3A_126] {strides = array<i32>} : memref<128x128xf32, #tpu.memory_space<vmem>>, vector<1x16xf32>,
      %swap3A_128 = vector.shape_cast %swap3A_127 : vector<1x16xf32> to vector<16xf32>
      %swap3A_129 = vector.shape_cast %broadcast_in_dim3A_124 : vector<16xf32> to vector<1x16xf32>
      tpu.vector_store %arg8[%swap3A_125, %swap3A_126], %swap3A_129 {strides = array<i32>} : memref<128x128xf32, #tpu.memory_space<vmem>>, vector<1x16xf32>,
      %broadcast_in_dim3A_130 = arith.constant 0.000000e+00 : f32
      %broadcast_in_dim3A_131 = vector.broadcast %broadcast_in_dim3A_130 : f32 to vector<16xf32>
      %swap3A_132 = arith.index_cast %scan3A_89 : i32 to index
      %swap3A_133 = arith.constant 96 : index
      %swap3A_134 = tpu.vector_load %arg8[%swap3A_132, %swap3A_133] {strides = array<i32>} : memref<128x128xf32, #tpu.memory_space<vmem>>, vector<1x16xf32>,
      %swap3A_135 = vector.shape_cast %swap3A_134 : vector<1x16xf32> to vector<16xf32>
      %swap3A_136 = vector.shape_cast %broadcast_in_dim3A_131 : vector<16xf32> to vector<1x16xf32>
      tpu.vector_store %arg8[%swap3A_132, %swap3A_133], %swap3A_136 {strides = array<i32>} : memref<128x128xf32, #tpu.memory_space<vmem>>, vector<1x16xf32>,
      %broadcast_in_dim3A_137 = arith.constant 0.000000e+00 : f32
      %broadcast_in_dim3A_138 = vector.broadcast %broadcast_in_dim3A_137 : f32 to vector<16xf32>
      %swap3A_139 = arith.index_cast %scan3A_89 : i32 to index
      %swap3A_140 = arith.constant 112 : index
      %swap3A_141 = tpu.vector_load %arg8[%swap3A_139, %swap3A_140] {strides = array<i32>} : memref<128x128xf32, #tpu.memory_space<vmem>>, vector<1x16xf32>,
      %swap3A_142 = vector.shape_cast %swap3A_141 : vector<1x16xf32> to vector<16xf32>
      %swap3A_143 = vector.shape_cast %broadcast_in_dim3A_138 : vector<16xf32> to vector<1x16xf32>
      tpu.vector_store %arg8[%swap3A_139, %swap3A_140], %swap3A_143 {strides = array<i32>} : memref<128x128xf32, #tpu.memory_space<vmem>>, vector<1x16xf32>,
    }
    %scan3A_4 = arith.constant 128 : i32
    %mul3A_5 = arith.constant 640 : i32
    %mul3A_6 = arith.muli %arg1, %mul3A_5 : i32
    %add3A_7 = arith.constant 0 : i32
    %add3A_8 = arith.addi %mul3A_6, %add3A_7 : i32
    %multiple_of3A = tpu.assume_multiple %add3A_8, 128 : i32
    "tpu.region"() ({
      %run_scoped3A = tpu.sem_alloc : memref<!tpu.dma_semaphore, #tpu.memory_space<semaphore_mem>>
      %dma_start3A_89 = arith.constant 0 : i32
      %dma_start3A_90 = tpu.memref_slice %arg10[%multiple_of3A, %dma_start3A_89] : memref<10240x128xf32, #tpu.memory_space<vmem_shared>> -> memref<128x128xf32, #tpu.memory_space<vmem_shared>>
      %dma_start3A_91 = arith.constant 0 : i32
      %dma_start3A_92 = tpu.memref_slice %arg10[%multiple_of3A, %dma_start3A_91] : memref<10240x128xf32, #tpu.memory_space<vmem_shared>> -> memref<128x128xf32, #tpu.memory_space<vmem_shared>>
      tpu.enqueue_dma source(%arg8 : memref<128x128xf32, #tpu.memory_space<vmem>>) target(%dma_start3A_92 : memref<128x128xf32, #tpu.memory_space<vmem_shared>>) target_semaphore(%run_scoped3A : memref<!tpu.dma_semaphore, #tpu.memory_space<semaphore_mem>>)
      %dma_wait3A = arith.constant 0 : i32
      %dma_wait3A_93 = tpu.memref_slice %arg10[%multiple_of3A, %dma_wait3A] : memref<10240x128xf32, #tpu.memory_space<vmem_shared>> -> memref<128x128xf32, #tpu.memory_space<vmem_shared>>
      %dma_wait3A_94 = arith.constant 0 : i32
      %dma_wait3A_95 = tpu.memref_slice %arg10[%multiple_of3A, %dma_wait3A_94] : memref<10240x128xf32, #tpu.memory_space<vmem_shared>> -> memref<128x128xf32, #tpu.memory_space<vmem_shared>>
      tpu.wait_dma2 semaphore(%run_scoped3A : memref<!tpu.dma_semaphore, #tpu.memory_space<semaphore_mem>>) src(%arg8 : memref<128x128xf32, #tpu.memory_space<vmem>>) dst(%dma_wait3A_95 : memref<128x128xf32, #tpu.memory_space<vmem_shared>>)
      tpu.yield
    }) : () -> ()
    %mul3A_9 = arith.constant 640 : i32
    %mul3A_10 = arith.muli %arg1, %mul3A_9 : i32
    %add3A_11 = arith.constant 128 : i32
    %add3A_12 = arith.addi %mul3A_10, %add3A_11 : i32
    %multiple_of3A_13 = tpu.assume_multiple %add3A_12, 128 : i32
    "tpu.region"() ({
      %run_scoped3A = tpu.sem_alloc : memref<!tpu.dma_semaphore, #tpu.memory_space<semaphore_mem>>
      %dma_start3A_89 = arith.constant 0 : i32
      %dma_start3A_90 = tpu.memref_slice %arg10[%multiple_of3A_13, %dma_start3A_89] : memref<10240x128xf32, #tpu.memory_space<vmem_shared>> -> memref<128x128xf32, #tpu.memory_space<vmem_shared>>
      %dma_start3A_91 = arith.constant 0 : i32
      %dma_start3A_92 = tpu.memref_slice %arg10[%multiple_of3A_13, %dma_start3A_91] : memref<10240x128xf32, #tpu.memory_space<vmem_shared>> -> memref<128x128xf32, #tpu.memory_space<vmem_shared>>
      tpu.enqueue_dma source(%arg8 : memref<128x128xf32, #tpu.memory_space<vmem>>) target(%dma_start3A_92 : memref<128x128xf32, #tpu.memory_space<vmem_shared>>) target_semaphore(%run_scoped3A : memref<!tpu.dma_semaphore, #tpu.memory_space<semaphore_mem>>)
      %dma_wait3A = arith.constant 0 : i32
      %dma_wait3A_93 = tpu.memref_slice %arg10[%multiple_of3A_13, %dma_wait3A] : memref<10240x128xf32, #tpu.memory_space<vmem_shared>> -> memref<128x128xf32, #tpu.memory_space<vmem_shared>>
      %dma_wait3A_94 = arith.constant 0 : i32
      %dma_wait3A_95 = tpu.memref_slice %arg10[%multiple_of3A_13, %dma_wait3A_94] : memref<10240x128xf32, #tpu.memory_space<vmem_shared>> -> memref<128x128xf32, #tpu.memory_space<vmem_shared>>
      tpu.wait_dma2 semaphore(%run_scoped3A : memref<!tpu.dma_semaphore, #tpu.memory_space<semaphore_mem>>) src(%arg8 : memref<128x128xf32, #tpu.memory_space<vmem>>) dst(%dma_wait3A_95 : memref<128x128xf32, #tpu.memory_space<vmem_shared>>)
      tpu.yield
    }) : () -> ()
    %mul3A_14 = arith.constant 640 : i32
    %mul3A_15 = arith.muli %arg1, %mul3A_14 : i32
    %add3A_16 = arith.constant 256 : i32
    %add3A_17 = arith.addi %mul3A_15, %add3A_16 : i32
    %multiple_of3A_18 = tpu.assume_multiple %add3A_17, 128 : i32
    "tpu.region"() ({
      %run_scoped3A = tpu.sem_alloc : memref<!tpu.dma_semaphore, #tpu.memory_space<semaphore_mem>>
      %dma_start3A_89 = arith.constant 0 : i32
      %dma_start3A_90 = tpu.memref_slice %arg10[%multiple_of3A_18, %dma_start3A_89] : memref<10240x128xf32, #tpu.memory_space<vmem_shared>> -> memref<128x128xf32, #tpu.memory_space<vmem_shared>>
      %dma_start3A_91 = arith.constant 0 : i32
      %dma_start3A_92 = tpu.memref_slice %arg10[%multiple_of3A_18, %dma_start3A_91] : memref<10240x128xf32, #tpu.memory_space<vmem_shared>> -> memref<128x128xf32, #tpu.memory_space<vmem_shared>>
      tpu.enqueue_dma source(%arg8 : memref<128x128xf32, #tpu.memory_space<vmem>>) target(%dma_start3A_92 : memref<128x128xf32, #tpu.memory_space<vmem_shared>>) target_semaphore(%run_scoped3A : memref<!tpu.dma_semaphore, #tpu.memory_space<semaphore_mem>>)
      %dma_wait3A = arith.constant 0 : i32
      %dma_wait3A_93 = tpu.memref_slice %arg10[%multiple_of3A_18, %dma_wait3A] : memref<10240x128xf32, #tpu.memory_space<vmem_shared>> -> memref<128x128xf32, #tpu.memory_space<vmem_shared>>
      %dma_wait3A_94 = arith.constant 0 : i32
      %dma_wait3A_95 = tpu.memref_slice %arg10[%multiple_of3A_18, %dma_wait3A_94] : memref<10240x128xf32, #tpu.memory_space<vmem_shared>> -> memref<128x128xf32, #tpu.memory_space<vmem_shared>>
      tpu.wait_dma2 semaphore(%run_scoped3A : memref<!tpu.dma_semaphore, #tpu.memory_space<semaphore_mem>>) src(%arg8 : memref<128x128xf32, #tpu.memory_space<vmem>>) dst(%dma_wait3A_95 : memref<128x128xf32, #tpu.memory_space<vmem_shared>>)
      tpu.yield
    }) : () -> ()
    %mul3A_19 = arith.constant 640 : i32
    %mul3A_20 = arith.muli %arg1, %mul3A_19 : i32
    %add3A_21 = arith.constant 384 : i32
    %add3A_22 = arith.addi %mul3A_20, %add3A_21 : i32
    %multiple_of3A_23 = tpu.assume_multiple %add3A_22, 128 : i32
    "tpu.region"() ({
      %run_scoped3A = tpu.sem_alloc : memref<!tpu.dma_semaphore, #tpu.memory_space<semaphore_mem>>
      %dma_start3A_89 = arith.constant 0 : i32
      %dma_start3A_90 = tpu.memref_slice %arg10[%multiple_of3A_23, %dma_start3A_89] : memref<10240x128xf32, #tpu.memory_space<vmem_shared>> -> memref<128x128xf32, #tpu.memory_space<vmem_shared>>
      %dma_start3A_91 = arith.constant 0 : i32
      %dma_start3A_92 = tpu.memref_slice %arg10[%multiple_of3A_23, %dma_start3A_91] : memref<10240x128xf32, #tpu.memory_space<vmem_shared>> -> memref<128x128xf32, #tpu.memory_space<vmem_shared>>
      tpu.enqueue_dma source(%arg8 : memref<128x128xf32, #tpu.memory_space<vmem>>) target(%dma_start3A_92 : memref<128x128xf32, #tpu.memory_space<vmem_shared>>) target_semaphore(%run_scoped3A : memref<!tpu.dma_semaphore, #tpu.memory_space<semaphore_mem>>)
      %dma_wait3A = arith.constant 0 : i32
      %dma_wait3A_93 = tpu.memref_slice %arg10[%multiple_of3A_23, %dma_wait3A] : memref<10240x128xf32, #tpu.memory_space<vmem_shared>> -> memref<128x128xf32, #tpu.memory_space<vmem_shared>>
      %dma_wait3A_94 = arith.constant 0 : i32
      %dma_wait3A_95 = tpu.memref_slice %arg10[%multiple_of3A_23, %dma_wait3A_94] : memref<10240x128xf32, #tpu.memory_space<vmem_shared>> -> memref<128x128xf32, #tpu.memory_space<vmem_shared>>
      tpu.wait_dma2 semaphore(%run_scoped3A : memref<!tpu.dma_semaphore, #tpu.memory_space<semaphore_mem>>) src(%arg8 : memref<128x128xf32, #tpu.memory_space<vmem>>) dst(%dma_wait3A_95 : memref<128x128xf32, #tpu.memory_space<vmem_shared>>)
      tpu.yield
    }) : () -> ()
    %mul3A_24 = arith.constant 640 : i32
    %mul3A_25 = arith.muli %arg1, %mul3A_24 : i32
    %add3A_26 = arith.constant 512 : i32
    %add3A_27 = arith.addi %mul3A_25, %add3A_26 : i32
    %multiple_of3A_28 = tpu.assume_multiple %add3A_27, 128 : i32
    "tpu.region"() ({
      %run_scoped3A = tpu.sem_alloc : memref<!tpu.dma_semaphore, #tpu.memory_space<semaphore_mem>>
      %dma_start3A_89 = arith.constant 0 : i32
      %dma_start3A_90 = tpu.memref_slice %arg10[%multiple_of3A_28, %dma_start3A_89] : memref<10240x128xf32, #tpu.memory_space<vmem_shared>> -> memref<128x128xf32, #tpu.memory_space<vmem_shared>>
      %dma_start3A_91 = arith.constant 0 : i32
      %dma_start3A_92 = tpu.memref_slice %arg10[%multiple_of3A_28, %dma_start3A_91] : memref<10240x128xf32, #tpu.memory_space<vmem_shared>> -> memref<128x128xf32, #tpu.memory_space<vmem_shared>>
      tpu.enqueue_dma source(%arg8 : memref<128x128xf32, #tpu.memory_space<vmem>>) target(%dma_start3A_92 : memref<128x128xf32, #tpu.memory_space<vmem_shared>>) target_semaphore(%run_scoped3A : memref<!tpu.dma_semaphore, #tpu.memory_space<semaphore_mem>>)
      %dma_wait3A = arith.constant 0 : i32
      %dma_wait3A_93 = tpu.memref_slice %arg10[%multiple_of3A_28, %dma_wait3A] : memref<10240x128xf32, #tpu.memory_space<vmem_shared>> -> memref<128x128xf32, #tpu.memory_space<vmem_shared>>
      %dma_wait3A_94 = arith.constant 0 : i32
      %dma_wait3A_95 = tpu.memref_slice %arg10[%multiple_of3A_28, %dma_wait3A_94] : memref<10240x128xf32, #tpu.memory_space<vmem_shared>> -> memref<128x128xf32, #tpu.memory_space<vmem_shared>>
      tpu.wait_dma2 semaphore(%run_scoped3A : memref<!tpu.dma_semaphore, #tpu.memory_space<semaphore_mem>>) src(%arg8 : memref<128x128xf32, #tpu.memory_space<vmem>>) dst(%dma_wait3A_95 : memref<128x128xf32, #tpu.memory_space<vmem_shared>>)
      tpu.yield
    }) : () -> ()
    %barrier3A = arith.constant 0 : index
    tpu.barrier barrier_id(%barrier3A)
    %dma_start3A = arith.constant 0 : i32
    %dma_start3A_29 = arith.constant 0 : i32
    %dma_start3A_30 = arith.constant 0 : i32
    %dma_start3A_31 = tpu.memref_slice %arg8[%dma_start3A_29, %dma_start3A_30] : memref<128x128xf32, #tpu.memory_space<vmem>> -> memref<125x128xf32, #tpu.memory_space<vmem>>
    %dma_start3A_32 = arith.constant 0 : i32
    %dma_start3A_33 = tpu.memref_slice %arg6[%dma_start3A, %dma_start3A_32] : memref<80x125xi32, #tpu.memory_space<vmem>> -> memref<1x125xi32, #tpu.memory_space<vmem>>
    %dma_start3A_34 = tpu.memref_squeeze %dma_start3A_33 : memref<1x125xi32, #tpu.memory_space<vmem>> -> memref<125xi32, #tpu.memory_space<vmem>>
    %dma_start3A_35 = arith.constant 0 : i32
    %dma_start3A_36 = arith.constant 0 : i32
    %dma_start3A_37 = tpu.memref_slice %arg2[%dma_start3A_35, %dma_start3A_36] : memref<10000x128xf32, #tpu.memory_space<hbm>> -> memref<10000x128xf32, #tpu.memory_space<hbm>>
    tpu.enqueue_indirect_dma source(%dma_start3A_37 : memref<10000x128xf32, #tpu.memory_space<hbm>>) target(%dma_start3A_31 : memref<125x128xf32, #tpu.memory_space<vmem>>) offsets(%dma_start3A_34 : memref<125xi32, #tpu.memory_space<vmem>>) semaphore(%arg11 : memref<!tpu.dma_semaphore, #tpu.memory_space<semaphore_mem>>)
    %scan3A_38 = arith.constant 0 : i32
    %scan3A_39 = arith.constant 10 : i32
    %scan3A_40 = arith.addi %scan3A_38, %scan3A_39 : i32
    %scan3A_41 = arith.constant 1 : i32
    scf.for %scan3A_89 = %scan3A_38 to %scan3A_40 step %scan3A_41  : i32 {
      %mul3A_90 = arith.constant 8 : i32
      %mul3A_91 = arith.muli %scan3A_89, %mul3A_90 : i32
      %add3A_92 = arith.constant 0 : i32
      %add3A_93 = arith.addi %mul3A_91, %add3A_92 : i32
      %add3A_94 = arith.constant 1 : i32
      %add3A_95 = arith.addi %add3A_93, %add3A_94 : i32
      %lt3A = arith.constant 80 : i32
      %lt3A_96 = arith.cmpi slt, %add3A_95, %lt3A : i32
      %convert_element_type3A = arith.extui %lt3A_96 : i1 to i32
      %cond3A = arith.constant 0 : i32
      %cond3A_97 = arith.cmpi ne, %convert_element_type3A, %cond3A : i32
      scf.if %cond3A_97 {
        %dma_start3A_254 = arith.constant 0 : i32
        %dma_start3A_255 = arith.constant 0 : i32
        %dma_start3A_256 = tpu.memref_slice %arg9[%dma_start3A_254, %dma_start3A_255] : memref<128x128xf32, #tpu.memory_space<vmem>> -> memref<125x128xf32, #tpu.memory_space<vmem>>
        %dma_start3A_257 = arith.constant 0 : i32
        %dma_start3A_258 = tpu.memref_slice %arg6[%add3A_95, %dma_start3A_257] : memref<80x125xi32, #tpu.memory_space<vmem>> -> memref<1x125xi32, #tpu.memory_space<vmem>>
        %dma_start3A_259 = tpu.memref_squeeze %dma_start3A_258 : memref<1x125xi32, #tpu.memory_space<vmem>> -> memref<125xi32, #tpu.memory_space<vmem>>
        %dma_start3A_260 = arith.constant 0 : i32
        %dma_start3A_261 = arith.constant 0 : i32
        %dma_start3A_262 = tpu.memref_slice %arg2[%dma_start3A_260, %dma_start3A_261] : memref<10000x128xf32, #tpu.memory_space<hbm>> -> memref<10000x128xf32, #tpu.memory_space<hbm>>
        tpu.enqueue_indirect_dma source(%dma_start3A_262 : memref<10000x128xf32, #tpu.memory_space<hbm>>) target(%dma_start3A_256 : memref<125x128xf32, #tpu.memory_space<vmem>>) offsets(%dma_start3A_259 : memref<125xi32, #tpu.memory_space<vmem>>) semaphore(%arg12 : memref<!tpu.dma_semaphore, #tpu.memory_space<semaphore_mem>>)
      } else {
      }
      %dma_wait3A = arith.constant 0 : i32
      %dma_wait3A_98 = arith.constant 0 : i32
      %dma_wait3A_99 = arith.constant 0 : i32
      %dma_wait3A_100 = tpu.memref_slice %arg8[%dma_wait3A_98, %dma_wait3A_99] : memref<128x128xf32, #tpu.memory_space<vmem>> -> memref<125x128xf32, #tpu.memory_space<vmem>>
      %dma_wait3A_101 = arith.constant 0 : i32
      %dma_wait3A_102 = tpu.memref_slice %arg6[%dma_wait3A, %dma_wait3A_101] : memref<80x125xi32, #tpu.memory_space<vmem>> -> memref<1x125xi32, #tpu.memory_space<vmem>>
      %dma_wait3A_103 = tpu.memref_squeeze %dma_wait3A_102 : memref<1x125xi32, #tpu.memory_space<vmem>> -> memref<125xi32, #tpu.memory_space<vmem>>
      %dma_wait3A_104 = arith.constant 0 : i32
      %dma_wait3A_105 = arith.constant 0 : i32
      %dma_wait3A_106 = tpu.memref_slice %arg2[%dma_wait3A_104, %dma_wait3A_105] : memref<10000x128xf32, #tpu.memory_space<hbm>> -> memref<10000x128xf32, #tpu.memory_space<hbm>>
      tpu.wait_indirect_dma semaphore(%arg11 : memref<!tpu.dma_semaphore, #tpu.memory_space<semaphore_mem>>) src(%dma_wait3A_106 : memref<10000x128xf32, #tpu.memory_space<hbm>>) dst(%dma_wait3A_100 : memref<125x128xf32, #tpu.memory_space<vmem>>)
      %run_scoped3A = arith.constant 0 : i32
      "tpu.region"() ({
        %run_scoped3A_254 = tpu.sem_alloc : memref<!tpu.dma_semaphore, #tpu.memory_space<semaphore_mem>>
        %dma_start3A_255 = arith.constant 0 : i32
        %dma_start3A_256 = arith.constant 0 : i32
        %dma_start3A_257 = tpu.memref_slice %arg8[%dma_start3A_255, %dma_start3A_256] : memref<128x128xf32, #tpu.memory_space<vmem>> -> memref<125x128xf32, #tpu.memory_space<vmem>>
        %dma_start3A_258 = arith.constant 0 : i32
        %dma_start3A_259 = tpu.memref_slice %arg7[%run_scoped3A, %dma_start3A_258] : memref<8x125xi32, #tpu.memory_space<vmem>> -> memref<1x125xi32, #tpu.memory_space<vmem>>
        %dma_start3A_260 = tpu.memref_squeeze %dma_start3A_259 : memref<1x125xi32, #tpu.memory_space<vmem>> -> memref<125xi32, #tpu.memory_space<vmem>>
        %dma_start3A_261 = arith.constant 0 : i32
        %dma_start3A_262 = arith.constant 0 : i32
        %dma_start3A_263 = tpu.memref_slice %arg10[%dma_start3A_261, %dma_start3A_262] : memref<10240x128xf32, #tpu.memory_space<vmem_shared>> -> memref<10240x128xf32, #tpu.memory_space<vmem_shared>>
        tpu.enqueue_indirect_dma source(%dma_start3A_257 : memref<125x128xf32, #tpu.memory_space<vmem>>) target(%dma_start3A_263 : memref<10240x128xf32, #tpu.memory_space<vmem_shared>>) offsets(%dma_start3A_260 : memref<125xi32, #tpu.memory_space<vmem>>) semaphore(%run_scoped3A_254 : memref<!tpu.dma_semaphore, #tpu.memory_space<semaphore_mem>>) {add = true}
        %dma_wait3A_264 = arith.constant 0 : i32
        %dma_wait3A_265 = arith.constant 0 : i32
        %dma_wait3A_266 = tpu.memref_slice %arg8[%dma_wait3A_264, %dma_wait3A_265] : memref<128x128xf32, #tpu.memory_space<vmem>> -> memref<125x128xf32, #tpu.memory_space<vmem>>
        %dma_wait3A_267 = arith.constant 0 : i32
        %dma_wait3A_268 = tpu.memref_slice %arg7[%run_scoped3A, %dma_wait3A_267] : memref<8x125xi32, #tpu.memory_space<vmem>> -> memref<1x125xi32, #tpu.memory_space<vmem>>
        %dma_wait3A_269 = tpu.memref_squeeze %dma_wait3A_268 : memref<1x125xi32, #tpu.memory_space<vmem>> -> memref<125xi32, #tpu.memory_space<vmem>>
        %dma_wait3A_270 = arith.constant 0 : i32
        %dma_wait3A_271 = arith.constant 0 : i32
        %dma_wait3A_272 = tpu.memref_slice %arg10[%dma_wait3A_270, %dma_wait3A_271] : memref<10240x128xf32, #tpu.memory_space<vmem_shared>> -> memref<10240x128xf32, #tpu.memory_space<vmem_shared>>
        tpu.wait_indirect_dma semaphore(%run_scoped3A_254 : memref<!tpu.dma_semaphore, #tpu.memory_space<semaphore_mem>>) src(%dma_wait3A_266 : memref<125x128xf32, #tpu.memory_space<vmem>>) dst(%dma_wait3A_272 : memref<10240x128xf32, #tpu.memory_space<vmem_shared>>)
        tpu.yield
      }) : () -> ()
      %add3A_107 = arith.constant 1 : i32
      %add3A_108 = arith.addi %mul3A_91, %add3A_107 : i32
      %add3A_109 = arith.constant 1 : i32
      %add3A_110 = arith.addi %add3A_108, %add3A_109 : i32
      %lt3A_111 = arith.constant 80 : i32
      %lt3A_112 = arith.cmpi slt, %add3A_110, %lt3A_111 : i32
      %convert_element_type3A_113 = arith.extui %lt3A_112 : i1 to i32
      %cond3A_114 = arith.constant 0 : i32
      %cond3A_115 = arith.cmpi ne, %convert_element_type3A_113, %cond3A_114 : i32
      scf.if %cond3A_115 {
        %dma_start3A_254 = arith.constant 0 : i32
        %dma_start3A_255 = arith.constant 0 : i32
        %dma_start3A_256 = tpu.memref_slice %arg8[%dma_start3A_254, %dma_start3A_255] : memref<128x128xf32, #tpu.memory_space<vmem>> -> memref<125x128xf32, #tpu.memory_space<vmem>>
        %dma_start3A_257 = arith.constant 0 : i32
        %dma_start3A_258 = tpu.memref_slice %arg6[%add3A_110, %dma_start3A_257] : memref<80x125xi32, #tpu.memory_space<vmem>> -> memref<1x125xi32, #tpu.memory_space<vmem>>
        %dma_start3A_259 = tpu.memref_squeeze %dma_start3A_258 : memref<1x125xi32, #tpu.memory_space<vmem>> -> memref<125xi32, #tpu.memory_space<vmem>>
        %dma_start3A_260 = arith.constant 0 : i32
        %dma_start3A_261 = arith.constant 0 : i32
        %dma_start3A_262 = tpu.memref_slice %arg2[%dma_start3A_260, %dma_start3A_261] : memref<10000x128xf32, #tpu.memory_space<hbm>> -> memref<10000x128xf32, #tpu.memory_space<hbm>>
        tpu.enqueue_indirect_dma source(%dma_start3A_262 : memref<10000x128xf32, #tpu.memory_space<hbm>>) target(%dma_start3A_256 : memref<125x128xf32, #tpu.memory_space<vmem>>) offsets(%dma_start3A_259 : memref<125xi32, #tpu.memory_space<vmem>>) semaphore(%arg11 : memref<!tpu.dma_semaphore, #tpu.memory_space<semaphore_mem>>)
      } else {
      }
      %dma_wait3A_116 = arith.constant 0 : i32
      %dma_wait3A_117 = arith.constant 0 : i32
      %dma_wait3A_118 = arith.constant 0 : i32
      %dma_wait3A_119 = tpu.memref_slice %arg9[%dma_wait3A_117, %dma_wait3A_118] : memref<128x128xf32, #tpu.memory_space<vmem>> -> memref<125x128xf32, #tpu.memory_space<vmem>>
      %dma_wait3A_120 = arith.constant 0 : i32
      %dma_wait3A_121 = tpu.memref_slice %arg6[%dma_wait3A_116, %dma_wait3A_120] : memref<80x125xi32, #tpu.memory_space<vmem>> -> memref<1x125xi32, #tpu.memory_space<vmem>>
      %dma_wait3A_122 = tpu.memref_squeeze %dma_wait3A_121 : memref<1x125xi32, #tpu.memory_space<vmem>> -> memref<125xi32, #tpu.memory_space<vmem>>
      %dma_wait3A_123 = arith.constant 0 : i32
      %dma_wait3A_124 = arith.constant 0 : i32
      %dma_wait3A_125 = tpu.memref_slice %arg2[%dma_wait3A_123, %dma_wait3A_124] : memref<10000x128xf32, #tpu.memory_space<hbm>> -> memref<10000x128xf32, #tpu.memory_space<hbm>>
      tpu.wait_indirect_dma semaphore(%arg12 : memref<!tpu.dma_semaphore, #tpu.memory_space<semaphore_mem>>) src(%dma_wait3A_125 : memref<10000x128xf32, #tpu.memory_space<hbm>>) dst(%dma_wait3A_119 : memref<125x128xf32, #tpu.memory_space<vmem>>)
      %run_scoped3A_126 = arith.constant 1 : i32
      "tpu.region"() ({
        %run_scoped3A_254 = tpu.sem_alloc : memref<!tpu.dma_semaphore, #tpu.memory_space<semaphore_mem>>
        %dma_start3A_255 = arith.constant 0 : i32
        %dma_start3A_256 = arith.constant 0 : i32
        %dma_start3A_257 = tpu.memref_slice %arg9[%dma_start3A_255, %dma_start3A_256] : memref<128x128xf32, #tpu.memory_space<vmem>> -> memref<125x128xf32, #tpu.memory_space<vmem>>
        %dma_start3A_258 = arith.constant 0 : i32
        %dma_start3A_259 = tpu.memref_slice %arg7[%run_scoped3A_126, %dma_start3A_258] : memref<8x125xi32, #tpu.memory_space<vmem>> -> memref<1x125xi32, #tpu.memory_space<vmem>>
        %dma_start3A_260 = tpu.memref_squeeze %dma_start3A_259 : memref<1x125xi32, #tpu.memory_space<vmem>> -> memref<125xi32, #tpu.memory_space<vmem>>
        %dma_start3A_261 = arith.constant 0 : i32
        %dma_start3A_262 = arith.constant 0 : i32
        %dma_start3A_263 = tpu.memref_slice %arg10[%dma_start3A_261, %dma_start3A_262] : memref<10240x128xf32, #tpu.memory_space<vmem_shared>> -> memref<10240x128xf32, #tpu.memory_space<vmem_shared>>
        tpu.enqueue_indirect_dma source(%dma_start3A_257 : memref<125x128xf32, #tpu.memory_space<vmem>>) target(%dma_start3A_263 : memref<10240x128xf32, #tpu.memory_space<vmem_shared>>) offsets(%dma_start3A_260 : memref<125xi32, #tpu.memory_space<vmem>>) semaphore(%run_scoped3A_254 : memref<!tpu.dma_semaphore, #tpu.memory_space<semaphore_mem>>) {add = true}
        %dma_wait3A_264 = arith.constant 0 : i32
        %dma_wait3A_265 = arith.constant 0 : i32
        %dma_wait3A_266 = tpu.memref_slice %arg9[%dma_wait3A_264, %dma_wait3A_265] : memref<128x128xf32, #tpu.memory_space<vmem>> -> memref<125x128xf32, #tpu.memory_space<vmem>>
        %dma_wait3A_267 = arith.constant 0 : i32
        %dma_wait3A_268 = tpu.memref_slice %arg7[%run_scoped3A_126, %dma_wait3A_267] : memref<8x125xi32, #tpu.memory_space<vmem>> -> memref<1x125xi32, #tpu.memory_space<vmem>>
        %dma_wait3A_269 = tpu.memref_squeeze %dma_wait3A_268 : memref<1x125xi32, #tpu.memory_space<vmem>> -> memref<125xi32, #tpu.memory_space<vmem>>
        %dma_wait3A_270 = arith.constant 0 : i32
        %dma_wait3A_271 = arith.constant 0 : i32
        %dma_wait3A_272 = tpu.memref_slice %arg10[%dma_wait3A_270, %dma_wait3A_271] : memref<10240x128xf32, #tpu.memory_space<vmem_shared>> -> memref<10240x128xf32, #tpu.memory_space<vmem_shared>>
        tpu.wait_indirect_dma semaphore(%run_scoped3A_254 : memref<!tpu.dma_semaphore, #tpu.memory_space<semaphore_mem>>) src(%dma_wait3A_266 : memref<125x128xf32, #tpu.memory_space<vmem>>) dst(%dma_wait3A_272 : memref<10240x128xf32, #tpu.memory_space<vmem_shared>>)
        tpu.yield
      }) : () -> ()
      %add3A_127 = arith.constant 2 : i32
      %add3A_128 = arith.addi %mul3A_91, %add3A_127 : i32
      %add3A_129 = arith.constant 1 : i32
      %add3A_130 = arith.addi %add3A_128, %add3A_129 : i32
      %lt3A_131 = arith.constant 80 : i32
      %lt3A_132 = arith.cmpi slt, %add3A_130, %lt3A_131 : i32
      %convert_element_type3A_133 = arith.extui %lt3A_132 : i1 to i32
      %cond3A_134 = arith.constant 0 : i32
      %cond3A_135 = arith.cmpi ne, %convert_element_type3A_133, %cond3A_134 : i32
      scf.if %cond3A_135 {
        %dma_start3A_254 = arith.constant 0 : i32
        %dma_start3A_255 = arith.constant 0 : i32
        %dma_start3A_256 = tpu.memref_slice %arg9[%dma_start3A_254, %dma_start3A_255] : memref<128x128xf32, #tpu.memory_space<vmem>> -> memref<125x128xf32, #tpu.memory_space<vmem>>
        %dma_start3A_257 = arith.constant 0 : i32
        %dma_start3A_258 = tpu.memref_slice %arg6[%add3A_130, %dma_start3A_257] : memref<80x125xi32, #tpu.memory_space<vmem>> -> memref<1x125xi32, #tpu.memory_space<vmem>>
        %dma_start3A_259 = tpu.memref_squeeze %dma_start3A_258 : memref<1x125xi32, #tpu.memory_space<vmem>> -> memref<125xi32, #tpu.memory_space<vmem>>
        %dma_start3A_260 = arith.constant 0 : i32
        %dma_start3A_261 = arith.constant 0 : i32
        %dma_start3A_262 = tpu.memref_slice %arg2[%dma_start3A_260, %dma_start3A_261] : memref<10000x128xf32, #tpu.memory_space<hbm>> -> memref<10000x128xf32, #tpu.memory_space<hbm>>
        tpu.enqueue_indirect_dma source(%dma_start3A_262 : memref<10000x128xf32, #tpu.memory_space<hbm>>) target(%dma_start3A_256 : memref<125x128xf32, #tpu.memory_space<vmem>>) offsets(%dma_start3A_259 : memref<125xi32, #tpu.memory_space<vmem>>) semaphore(%arg12 : memref<!tpu.dma_semaphore, #tpu.memory_space<semaphore_mem>>)
      } else {
      }
      %dma_wait3A_136 = arith.constant 0 : i32
      %dma_wait3A_137 = arith.constant 0 : i32
      %dma_wait3A_138 = arith.constant 0 : i32
      %dma_wait3A_139 = tpu.memref_slice %arg8[%dma_wait3A_137, %dma_wait3A_138] : memref<128x128xf32, #tpu.memory_space<vmem>> -> memref<125x128xf32, #tpu.memory_space<vmem>>
      %dma_wait3A_140 = arith.constant 0 : i32
      %dma_wait3A_141 = tpu.memref_slice %arg6[%dma_wait3A_136, %dma_wait3A_140] : memref<80x125xi32, #tpu.memory_space<vmem>> -> memref<1x125xi32, #tpu.memory_space<vmem>>
      %dma_wait3A_142 = tpu.memref_squeeze %dma_wait3A_141 : memref<1x125xi32, #tpu.memory_space<vmem>> -> memref<125xi32, #tpu.memory_space<vmem>>
      %dma_wait3A_143 = arith.constant 0 : i32
      %dma_wait3A_144 = arith.constant 0 : i32
      %dma_wait3A_145 = tpu.memref_slice %arg2[%dma_wait3A_143, %dma_wait3A_144] : memref<10000x128xf32, #tpu.memory_space<hbm>> -> memref<10000x128xf32, #tpu.memory_space<hbm>>
      tpu.wait_indirect_dma semaphore(%arg11 : memref<!tpu.dma_semaphore, #tpu.memory_space<semaphore_mem>>) src(%dma_wait3A_145 : memref<10000x128xf32, #tpu.memory_space<hbm>>) dst(%dma_wait3A_139 : memref<125x128xf32, #tpu.memory_space<vmem>>)
      %run_scoped3A_146 = arith.constant 2 : i32
      "tpu.region"() ({
        %run_scoped3A_254 = tpu.sem_alloc : memref<!tpu.dma_semaphore, #tpu.memory_space<semaphore_mem>>
        %dma_start3A_255 = arith.constant 0 : i32
        %dma_start3A_256 = arith.constant 0 : i32
        %dma_start3A_257 = tpu.memref_slice %arg8[%dma_start3A_255, %dma_start3A_256] : memref<128x128xf32, #tpu.memory_space<vmem>> -> memref<125x128xf32, #tpu.memory_space<vmem>>
        %dma_start3A_258 = arith.constant 0 : i32
        %dma_start3A_259 = tpu.memref_slice %arg7[%run_scoped3A_146, %dma_start3A_258] : memref<8x125xi32, #tpu.memory_space<vmem>> -> memref<1x125xi32, #tpu.memory_space<vmem>>
        %dma_start3A_260 = tpu.memref_squeeze %dma_start3A_259 : memref<1x125xi32, #tpu.memory_space<vmem>> -> memref<125xi32, #tpu.memory_space<vmem>>
        %dma_start3A_261 = arith.constant 0 : i32
        %dma_start3A_262 = arith.constant 0 : i32
        %dma_start3A_263 = tpu.memref_slice %arg10[%dma_start3A_261, %dma_start3A_262] : memref<10240x128xf32, #tpu.memory_space<vmem_shared>> -> memref<10240x128xf32, #tpu.memory_space<vmem_shared>>
        tpu.enqueue_indirect_dma source(%dma_start3A_257 : memref<125x128xf32, #tpu.memory_space<vmem>>) target(%dma_start3A_263 : memref<10240x128xf32, #tpu.memory_space<vmem_shared>>) offsets(%dma_start3A_260 : memref<125xi32, #tpu.memory_space<vmem>>) semaphore(%run_scoped3A_254 : memref<!tpu.dma_semaphore, #tpu.memory_space<semaphore_mem>>) {add = true}
        %dma_wait3A_264 = arith.constant 0 : i32
        %dma_wait3A_265 = arith.constant 0 : i32
        %dma_wait3A_266 = tpu.memref_slice %arg8[%dma_wait3A_264, %dma_wait3A_265] : memref<128x128xf32, #tpu.memory_space<vmem>> -> memref<125x128xf32, #tpu.memory_space<vmem>>
        %dma_wait3A_267 = arith.constant 0 : i32
        %dma_wait3A_268 = tpu.memref_slice %arg7[%run_scoped3A_146, %dma_wait3A_267] : memref<8x125xi32, #tpu.memory_space<vmem>> -> memref<1x125xi32, #tpu.memory_space<vmem>>
        %dma_wait3A_269 = tpu.memref_squeeze %dma_wait3A_268 : memref<1x125xi32, #tpu.memory_space<vmem>> -> memref<125xi32, #tpu.memory_space<vmem>>
        %dma_wait3A_270 = arith.constant 0 : i32
        %dma_wait3A_271 = arith.constant 0 : i32
        %dma_wait3A_272 = tpu.memref_slice %arg10[%dma_wait3A_270, %dma_wait3A_271] : memref<10240x128xf32, #tpu.memory_space<vmem_shared>> -> memref<10240x128xf32, #tpu.memory_space<vmem_shared>>
        tpu.wait_indirect_dma semaphore(%run_scoped3A_254 : memref<!tpu.dma_semaphore, #tpu.memory_space<semaphore_mem>>) src(%dma_wait3A_266 : memref<125x128xf32, #tpu.memory_space<vmem>>) dst(%dma_wait3A_272 : memref<10240x128xf32, #tpu.memory_space<vmem_shared>>)
        tpu.yield
      }) : () -> ()
      %add3A_147 = arith.constant 3 : i32
      %add3A_148 = arith.addi %mul3A_91, %add3A_147 : i32
      %add3A_149 = arith.constant 1 : i32
      %add3A_150 = arith.addi %add3A_148, %add3A_149 : i32
      %lt3A_151 = arith.constant 80 : i32
      %lt3A_152 = arith.cmpi slt, %add3A_150, %lt3A_151 : i32
      %convert_element_type3A_153 = arith.extui %lt3A_152 : i1 to i32
      %cond3A_154 = arith.constant 0 : i32
      %cond3A_155 = arith.cmpi ne, %convert_element_type3A_153, %cond3A_154 : i32
      scf.if %cond3A_155 {
        %dma_start3A_254 = arith.constant 0 : i32
        %dma_start3A_255 = arith.constant 0 : i32
        %dma_start3A_256 = tpu.memref_slice %arg8[%dma_start3A_254, %dma_start3A_255] : memref<128x128xf32, #tpu.memory_space<vmem>> -> memref<125x128xf32, #tpu.memory_space<vmem>>
        %dma_start3A_257 = arith.constant 0 : i32
        %dma_start3A_258 = tpu.memref_slice %arg6[%add3A_150, %dma_start3A_257] : memref<80x125xi32, #tpu.memory_space<vmem>> -> memref<1x125xi32, #tpu.memory_space<vmem>>
        %dma_start3A_259 = tpu.memref_squeeze %dma_start3A_258 : memref<1x125xi32, #tpu.memory_space<vmem>> -> memref<125xi32, #tpu.memory_space<vmem>>
        %dma_start3A_260 = arith.constant 0 : i32
        %dma_start3A_261 = arith.constant 0 : i32
        %dma_start3A_262 = tpu.memref_slice %arg2[%dma_start3A_260, %dma_start3A_261] : memref<10000x128xf32, #tpu.memory_space<hbm>> -> memref<10000x128xf32, #tpu.memory_space<hbm>>
        tpu.enqueue_indirect_dma source(%dma_start3A_262 : memref<10000x128xf32, #tpu.memory_space<hbm>>) target(%dma_start3A_256 : memref<125x128xf32, #tpu.memory_space<vmem>>) offsets(%dma_start3A_259 : memref<125xi32, #tpu.memory_space<vmem>>) semaphore(%arg11 : memref<!tpu.dma_semaphore, #tpu.memory_space<semaphore_mem>>)
      } else {
      }
      %dma_wait3A_156 = arith.constant 0 : i32
      %dma_wait3A_157 = arith.constant 0 : i32
      %dma_wait3A_158 = arith.constant 0 : i32
      %dma_wait3A_159 = tpu.memref_slice %arg9[%dma_wait3A_157, %dma_wait3A_158] : memref<128x128xf32, #tpu.memory_space<vmem>> -> memref<125x128xf32, #tpu.memory_space<vmem>>
      %dma_wait3A_160 = arith.constant 0 : i32
      %dma_wait3A_161 = tpu.memref_slice %arg6[%dma_wait3A_156, %dma_wait3A_160] : memref<80x125xi32, #tpu.memory_space<vmem>> -> memref<1x125xi32, #tpu.memory_space<vmem>>
      %dma_wait3A_162 = tpu.memref_squeeze %dma_wait3A_161 : memref<1x125xi32, #tpu.memory_space<vmem>> -> memref<125xi32, #tpu.memory_space<vmem>>
      %dma_wait3A_163 = arith.constant 0 : i32
      %dma_wait3A_164 = arith.constant 0 : i32
      %dma_wait3A_165 = tpu.memref_slice %arg2[%dma_wait3A_163, %dma_wait3A_164] : memref<10000x128xf32, #tpu.memory_space<hbm>> -> memref<10000x128xf32, #tpu.memory_space<hbm>>
      tpu.wait_indirect_dma semaphore(%arg12 : memref<!tpu.dma_semaphore, #tpu.memory_space<semaphore_mem>>) src(%dma_wait3A_165 : memref<10000x128xf32, #tpu.memory_space<hbm>>) dst(%dma_wait3A_159 : memref<125x128xf32, #tpu.memory_space<vmem>>)
      %run_scoped3A_166 = arith.constant 3 : i32
      "tpu.region"() ({
        %run_scoped3A_254 = tpu.sem_alloc : memref<!tpu.dma_semaphore, #tpu.memory_space<semaphore_mem>>
        %dma_start3A_255 = arith.constant 0 : i32
        %dma_start3A_256 = arith.constant 0 : i32
        %dma_start3A_257 = tpu.memref_slice %arg9[%dma_start3A_255, %dma_start3A_256] : memref<128x128xf32, #tpu.memory_space<vmem>> -> memref<125x128xf32, #tpu.memory_space<vmem>>
        %dma_start3A_258 = arith.constant 0 : i32
        %dma_start3A_259 = tpu.memref_slice %arg7[%run_scoped3A_166, %dma_start3A_258] : memref<8x125xi32, #tpu.memory_space<vmem>> -> memref<1x125xi32, #tpu.memory_space<vmem>>
        %dma_start3A_260 = tpu.memref_squeeze %dma_start3A_259 : memref<1x125xi32, #tpu.memory_space<vmem>> -> memref<125xi32, #tpu.memory_space<vmem>>
        %dma_start3A_261 = arith.constant 0 : i32
        %dma_start3A_262 = arith.constant 0 : i32
        %dma_start3A_263 = tpu.memref_slice %arg10[%dma_start3A_261, %dma_start3A_262] : memref<10240x128xf32, #tpu.memory_space<vmem_shared>> -> memref<10240x128xf32, #tpu.memory_space<vmem_shared>>
        tpu.enqueue_indirect_dma source(%dma_start3A_257 : memref<125x128xf32, #tpu.memory_space<vmem>>) target(%dma_start3A_263 : memref<10240x128xf32, #tpu.memory_space<vmem_shared>>) offsets(%dma_start3A_260 : memref<125xi32, #tpu.memory_space<vmem>>) semaphore(%run_scoped3A_254 : memref<!tpu.dma_semaphore, #tpu.memory_space<semaphore_mem>>) {add = true}
        %dma_wait3A_264 = arith.constant 0 : i32
        %dma_wait3A_265 = arith.constant 0 : i32
        %dma_wait3A_266 = tpu.memref_slice %arg9[%dma_wait3A_264, %dma_wait3A_265] : memref<128x128xf32, #tpu.memory_space<vmem>> -> memref<125x128xf32, #tpu.memory_space<vmem>>
        %dma_wait3A_267 = arith.constant 0 : i32
        %dma_wait3A_268 = tpu.memref_slice %arg7[%run_scoped3A_166, %dma_wait3A_267] : memref<8x125xi32, #tpu.memory_space<vmem>> -> memref<1x125xi32, #tpu.memory_space<vmem>>
        %dma_wait3A_269 = tpu.memref_squeeze %dma_wait3A_268 : memref<1x125xi32, #tpu.memory_space<vmem>> -> memref<125xi32, #tpu.memory_space<vmem>>
        %dma_wait3A_270 = arith.constant 0 : i32
        %dma_wait3A_271 = arith.constant 0 : i32
        %dma_wait3A_272 = tpu.memref_slice %arg10[%dma_wait3A_270, %dma_wait3A_271] : memref<10240x128xf32, #tpu.memory_space<vmem_shared>> -> memref<10240x128xf32, #tpu.memory_space<vmem_shared>>
        tpu.wait_indirect_dma semaphore(%run_scoped3A_254 : memref<!tpu.dma_semaphore, #tpu.memory_space<semaphore_mem>>) src(%dma_wait3A_266 : memref<125x128xf32, #tpu.memory_space<vmem>>) dst(%dma_wait3A_272 : memref<10240x128xf32, #tpu.memory_space<vmem_shared>>)
        tpu.yield
      }) : () -> ()
      %add3A_167 = arith.constant 4 : i32
      %add3A_168 = arith.addi %mul3A_91, %add3A_167 : i32
      %add3A_169 = arith.constant 1 : i32
      %add3A_170 = arith.addi %add3A_168, %add3A_169 : i32
      %lt3A_171 = arith.constant 80 : i32
      %lt3A_172 = arith.cmpi slt, %add3A_170, %lt3A_171 : i32
      %convert_element_type3A_173 = arith.extui %lt3A_172 : i1 to i32
      %cond3A_174 = arith.constant 0 : i32
      %cond3A_175 = arith.cmpi ne, %convert_element_type3A_173, %cond3A_174 : i32
      scf.if %cond3A_175 {
        %dma_start3A_254 = arith.constant 0 : i32
        %dma_start3A_255 = arith.constant 0 : i32
        %dma_start3A_256 = tpu.memref_slice %arg9[%dma_start3A_254, %dma_start3A_255] : memref<128x128xf32, #tpu.memory_space<vmem>> -> memref<125x128xf32, #tpu.memory_space<vmem>>
        %dma_start3A_257 = arith.constant 0 : i32
        %dma_start3A_258 = tpu.memref_slice %arg6[%add3A_170, %dma_start3A_257] : memref<80x125xi32, #tpu.memory_space<vmem>> -> memref<1x125xi32, #tpu.memory_space<vmem>>
        %dma_start3A_259 = tpu.memref_squeeze %dma_start3A_258 : memref<1x125xi32, #tpu.memory_space<vmem>> -> memref<125xi32, #tpu.memory_space<vmem>>
        %dma_start3A_260 = arith.constant 0 : i32
        %dma_start3A_261 = arith.constant 0 : i32
        %dma_start3A_262 = tpu.memref_slice %arg2[%dma_start3A_260, %dma_start3A_261] : memref<10000x128xf32, #tpu.memory_space<hbm>> -> memref<10000x128xf32, #tpu.memory_space<hbm>>
        tpu.enqueue_indirect_dma source(%dma_start3A_262 : memref<10000x128xf32, #tpu.memory_space<hbm>>) target(%dma_start3A_256 : memref<125x128xf32, #tpu.memory_space<vmem>>) offsets(%dma_start3A_259 : memref<125xi32, #tpu.memory_space<vmem>>) semaphore(%arg12 : memref<!tpu.dma_semaphore, #tpu.memory_space<semaphore_mem>>)
      } else {
      }
      %dma_wait3A_176 = arith.constant 0 : i32
      %dma_wait3A_177 = arith.constant 0 : i32
      %dma_wait3A_178 = arith.constant 0 : i32
      %dma_wait3A_179 = tpu.memref_slice %arg8[%dma_wait3A_177, %dma_wait3A_178] : memref<128x128xf32, #tpu.memory_space<vmem>> -> memref<125x128xf32, #tpu.memory_space<vmem>>
      %dma_wait3A_180 = arith.constant 0 : i32
      %dma_wait3A_181 = tpu.memref_slice %arg6[%dma_wait3A_176, %dma_wait3A_180] : memref<80x125xi32, #tpu.memory_space<vmem>> -> memref<1x125xi32, #tpu.memory_space<vmem>>
      %dma_wait3A_182 = tpu.memref_squeeze %dma_wait3A_181 : memref<1x125xi32, #tpu.memory_space<vmem>> -> memref<125xi32, #tpu.memory_space<vmem>>
      %dma_wait3A_183 = arith.constant 0 : i32
      %dma_wait3A_184 = arith.constant 0 : i32
      %dma_wait3A_185 = tpu.memref_slice %arg2[%dma_wait3A_183, %dma_wait3A_184] : memref<10000x128xf32, #tpu.memory_space<hbm>> -> memref<10000x128xf32, #tpu.memory_space<hbm>>
      tpu.wait_indirect_dma semaphore(%arg11 : memref<!tpu.dma_semaphore, #tpu.memory_space<semaphore_mem>>) src(%dma_wait3A_185 : memref<10000x128xf32, #tpu.memory_space<hbm>>) dst(%dma_wait3A_179 : memref<125x128xf32, #tpu.memory_space<vmem>>)
      %run_scoped3A_186 = arith.constant 4 : i32
      "tpu.region"() ({
        %run_scoped3A_254 = tpu.sem_alloc : memref<!tpu.dma_semaphore, #tpu.memory_space<semaphore_mem>>
        %dma_start3A_255 = arith.constant 0 : i32
        %dma_start3A_256 = arith.constant 0 : i32
        %dma_start3A_257 = tpu.memref_slice %arg8[%dma_start3A_255, %dma_start3A_256] : memref<128x128xf32, #tpu.memory_space<vmem>> -> memref<125x128xf32, #tpu.memory_space<vmem>>
        %dma_start3A_258 = arith.constant 0 : i32
        %dma_start3A_259 = tpu.memref_slice %arg7[%run_scoped3A_186, %dma_start3A_258] : memref<8x125xi32, #tpu.memory_space<vmem>> -> memref<1x125xi32, #tpu.memory_space<vmem>>
        %dma_start3A_260 = tpu.memref_squeeze %dma_start3A_259 : memref<1x125xi32, #tpu.memory_space<vmem>> -> memref<125xi32, #tpu.memory_space<vmem>>
        %dma_start3A_261 = arith.constant 0 : i32
        %dma_start3A_262 = arith.constant 0 : i32
        %dma_start3A_263 = tpu.memref_slice %arg10[%dma_start3A_261, %dma_start3A_262] : memref<10240x128xf32, #tpu.memory_space<vmem_shared>> -> memref<10240x128xf32, #tpu.memory_space<vmem_shared>>
        tpu.enqueue_indirect_dma source(%dma_start3A_257 : memref<125x128xf32, #tpu.memory_space<vmem>>) target(%dma_start3A_263 : memref<10240x128xf32, #tpu.memory_space<vmem_shared>>) offsets(%dma_start3A_260 : memref<125xi32, #tpu.memory_space<vmem>>) semaphore(%run_scoped3A_254 : memref<!tpu.dma_semaphore, #tpu.memory_space<semaphore_mem>>) {add = true}
        %dma_wait3A_264 = arith.constant 0 : i32
        %dma_wait3A_265 = arith.constant 0 : i32
        %dma_wait3A_266 = tpu.memref_slice %arg8[%dma_wait3A_264, %dma_wait3A_265] : memref<128x128xf32, #tpu.memory_space<vmem>> -> memref<125x128xf32, #tpu.memory_space<vmem>>
        %dma_wait3A_267 = arith.constant 0 : i32
        %dma_wait3A_268 = tpu.memref_slice %arg7[%run_scoped3A_186, %dma_wait3A_267] : memref<8x125xi32, #tpu.memory_space<vmem>> -> memref<1x125xi32, #tpu.memory_space<vmem>>
        %dma_wait3A_269 = tpu.memref_squeeze %dma_wait3A_268 : memref<1x125xi32, #tpu.memory_space<vmem>> -> memref<125xi32, #tpu.memory_space<vmem>>
        %dma_wait3A_270 = arith.constant 0 : i32
        %dma_wait3A_271 = arith.constant 0 : i32
        %dma_wait3A_272 = tpu.memref_slice %arg10[%dma_wait3A_270, %dma_wait3A_271] : memref<10240x128xf32, #tpu.memory_space<vmem_shared>> -> memref<10240x128xf32, #tpu.memory_space<vmem_shared>>
        tpu.wait_indirect_dma semaphore(%run_scoped3A_254 : memref<!tpu.dma_semaphore, #tpu.memory_space<semaphore_mem>>) src(%dma_wait3A_266 : memref<125x128xf32, #tpu.memory_space<vmem>>) dst(%dma_wait3A_272 : memref<10240x128xf32, #tpu.memory_space<vmem_shared>>)
        tpu.yield
      }) : () -> ()
      %add3A_187 = arith.constant 5 : i32
      %add3A_188 = arith.addi %mul3A_91, %add3A_187 : i32
      %add3A_189 = arith.constant 1 : i32
      %add3A_190 = arith.addi %add3A_188, %add3A_189 : i32
      %lt3A_191 = arith.constant 80 : i32
      %lt3A_192 = arith.cmpi slt, %add3A_190, %lt3A_191 : i32
      %convert_element_type3A_193 = arith.extui %lt3A_192 : i1 to i32
      %cond3A_194 = arith.constant 0 : i32
      %cond3A_195 = arith.cmpi ne, %convert_element_type3A_193, %cond3A_194 : i32
      scf.if %cond3A_195 {
        %dma_start3A_254 = arith.constant 0 : i32
        %dma_start3A_255 = arith.constant 0 : i32
        %dma_start3A_256 = tpu.memref_slice %arg8[%dma_start3A_254, %dma_start3A_255] : memref<128x128xf32, #tpu.memory_space<vmem>> -> memref<125x128xf32, #tpu.memory_space<vmem>>
        %dma_start3A_257 = arith.constant 0 : i32
        %dma_start3A_258 = tpu.memref_slice %arg6[%add3A_190, %dma_start3A_257] : memref<80x125xi32, #tpu.memory_space<vmem>> -> memref<1x125xi32, #tpu.memory_space<vmem>>
        %dma_start3A_259 = tpu.memref_squeeze %dma_start3A_258 : memref<1x125xi32, #tpu.memory_space<vmem>> -> memref<125xi32, #tpu.memory_space<vmem>>
        %dma_start3A_260 = arith.constant 0 : i32
        %dma_start3A_261 = arith.constant 0 : i32
        %dma_start3A_262 = tpu.memref_slice %arg2[%dma_start3A_260, %dma_start3A_261] : memref<10000x128xf32, #tpu.memory_space<hbm>> -> memref<10000x128xf32, #tpu.memory_space<hbm>>
        tpu.enqueue_indirect_dma source(%dma_start3A_262 : memref<10000x128xf32, #tpu.memory_space<hbm>>) target(%dma_start3A_256 : memref<125x128xf32, #tpu.memory_space<vmem>>) offsets(%dma_start3A_259 : memref<125xi32, #tpu.memory_space<vmem>>) semaphore(%arg11 : memref<!tpu.dma_semaphore, #tpu.memory_space<semaphore_mem>>)
      } else {
      }
      %dma_wait3A_196 = arith.constant 0 : i32
      %dma_wait3A_197 = arith.constant 0 : i32
      %dma_wait3A_198 = arith.constant 0 : i32
      %dma_wait3A_199 = tpu.memref_slice %arg9[%dma_wait3A_197, %dma_wait3A_198] : memref<128x128xf32, #tpu.memory_space<vmem>> -> memref<125x128xf32, #tpu.memory_space<vmem>>
      %dma_wait3A_200 = arith.constant 0 : i32
      %dma_wait3A_201 = tpu.memref_slice %arg6[%dma_wait3A_196, %dma_wait3A_200] : memref<80x125xi32, #tpu.memory_space<vmem>> -> memref<1x125xi32, #tpu.memory_space<vmem>>
      %dma_wait3A_202 = tpu.memref_squeeze %dma_wait3A_201 : memref<1x125xi32, #tpu.memory_space<vmem>> -> memref<125xi32, #tpu.memory_space<vmem>>
      %dma_wait3A_203 = arith.constant 0 : i32
      %dma_wait3A_204 = arith.constant 0 : i32
      %dma_wait3A_205 = tpu.memref_slice %arg2[%dma_wait3A_203, %dma_wait3A_204] : memref<10000x128xf32, #tpu.memory_space<hbm>> -> memref<10000x128xf32, #tpu.memory_space<hbm>>
      tpu.wait_indirect_dma semaphore(%arg12 : memref<!tpu.dma_semaphore, #tpu.memory_space<semaphore_mem>>) src(%dma_wait3A_205 : memref<10000x128xf32, #tpu.memory_space<hbm>>) dst(%dma_wait3A_199 : memref<125x128xf32, #tpu.memory_space<vmem>>)
      %run_scoped3A_206 = arith.constant 5 : i32
      "tpu.region"() ({
        %run_scoped3A_254 = tpu.sem_alloc : memref<!tpu.dma_semaphore, #tpu.memory_space<semaphore_mem>>
        %dma_start3A_255 = arith.constant 0 : i32
        %dma_start3A_256 = arith.constant 0 : i32
        %dma_start3A_257 = tpu.memref_slice %arg9[%dma_start3A_255, %dma_start3A_256] : memref<128x128xf32, #tpu.memory_space<vmem>> -> memref<125x128xf32, #tpu.memory_space<vmem>>
        %dma_start3A_258 = arith.constant 0 : i32
        %dma_start3A_259 = tpu.memref_slice %arg7[%run_scoped3A_206, %dma_start3A_258] : memref<8x125xi32, #tpu.memory_space<vmem>> -> memref<1x125xi32, #tpu.memory_space<vmem>>
        %dma_start3A_260 = tpu.memref_squeeze %dma_start3A_259 : memref<1x125xi32, #tpu.memory_space<vmem>> -> memref<125xi32, #tpu.memory_space<vmem>>
        %dma_start3A_261 = arith.constant 0 : i32
        %dma_start3A_262 = arith.constant 0 : i32
        %dma_start3A_263 = tpu.memref_slice %arg10[%dma_start3A_261, %dma_start3A_262] : memref<10240x128xf32, #tpu.memory_space<vmem_shared>> -> memref<10240x128xf32, #tpu.memory_space<vmem_shared>>
        tpu.enqueue_indirect_dma source(%dma_start3A_257 : memref<125x128xf32, #tpu.memory_space<vmem>>) target(%dma_start3A_263 : memref<10240x128xf32, #tpu.memory_space<vmem_shared>>) offsets(%dma_start3A_260 : memref<125xi32, #tpu.memory_space<vmem>>) semaphore(%run_scoped3A_254 : memref<!tpu.dma_semaphore, #tpu.memory_space<semaphore_mem>>) {add = true}
        %dma_wait3A_264 = arith.constant 0 : i32
        %dma_wait3A_265 = arith.constant 0 : i32
        %dma_wait3A_266 = tpu.memref_slice %arg9[%dma_wait3A_264, %dma_wait3A_265] : memref<128x128xf32, #tpu.memory_space<vmem>> -> memref<125x128xf32, #tpu.memory_space<vmem>>
        %dma_wait3A_267 = arith.constant 0 : i32
        %dma_wait3A_268 = tpu.memref_slice %arg7[%run_scoped3A_206, %dma_wait3A_267] : memref<8x125xi32, #tpu.memory_space<vmem>> -> memref<1x125xi32, #tpu.memory_space<vmem>>
        %dma_wait3A_269 = tpu.memref_squeeze %dma_wait3A_268 : memref<1x125xi32, #tpu.memory_space<vmem>> -> memref<125xi32, #tpu.memory_space<vmem>>
        %dma_wait3A_270 = arith.constant 0 : i32
        %dma_wait3A_271 = arith.constant 0 : i32
        %dma_wait3A_272 = tpu.memref_slice %arg10[%dma_wait3A_270, %dma_wait3A_271] : memref<10240x128xf32, #tpu.memory_space<vmem_shared>> -> memref<10240x128xf32, #tpu.memory_space<vmem_shared>>
        tpu.wait_indirect_dma semaphore(%run_scoped3A_254 : memref<!tpu.dma_semaphore, #tpu.memory_space<semaphore_mem>>) src(%dma_wait3A_266 : memref<125x128xf32, #tpu.memory_space<vmem>>) dst(%dma_wait3A_272 : memref<10240x128xf32, #tpu.memory_space<vmem_shared>>)
        tpu.yield
      }) : () -> ()
      %add3A_207 = arith.constant 6 : i32
      %add3A_208 = arith.addi %mul3A_91, %add3A_207 : i32
      %add3A_209 = arith.constant 1 : i32
      %add3A_210 = arith.addi %add3A_208, %add3A_209 : i32
      %lt3A_211 = arith.constant 80 : i32
      %lt3A_212 = arith.cmpi slt, %add3A_210, %lt3A_211 : i32
      %convert_element_type3A_213 = arith.extui %lt3A_212 : i1 to i32
      %cond3A_214 = arith.constant 0 : i32
      %cond3A_215 = arith.cmpi ne, %convert_element_type3A_213, %cond3A_214 : i32
      scf.if %cond3A_215 {
        %dma_start3A_254 = arith.constant 0 : i32
        %dma_start3A_255 = arith.constant 0 : i32
        %dma_start3A_256 = tpu.memref_slice %arg9[%dma_start3A_254, %dma_start3A_255] : memref<128x128xf32, #tpu.memory_space<vmem>> -> memref<125x128xf32, #tpu.memory_space<vmem>>
        %dma_start3A_257 = arith.constant 0 : i32
        %dma_start3A_258 = tpu.memref_slice %arg6[%add3A_210, %dma_start3A_257] : memref<80x125xi32, #tpu.memory_space<vmem>> -> memref<1x125xi32, #tpu.memory_space<vmem>>
        %dma_start3A_259 = tpu.memref_squeeze %dma_start3A_258 : memref<1x125xi32, #tpu.memory_space<vmem>> -> memref<125xi32, #tpu.memory_space<vmem>>
        %dma_start3A_260 = arith.constant 0 : i32
        %dma_start3A_261 = arith.constant 0 : i32
        %dma_start3A_262 = tpu.memref_slice %arg2[%dma_start3A_260, %dma_start3A_261] : memref<10000x128xf32, #tpu.memory_space<hbm>> -> memref<10000x128xf32, #tpu.memory_space<hbm>>
        tpu.enqueue_indirect_dma source(%dma_start3A_262 : memref<10000x128xf32, #tpu.memory_space<hbm>>) target(%dma_start3A_256 : memref<125x128xf32, #tpu.memory_space<vmem>>) offsets(%dma_start3A_259 : memref<125xi32, #tpu.memory_space<vmem>>) semaphore(%arg12 : memref<!tpu.dma_semaphore, #tpu.memory_space<semaphore_mem>>)
      } else {
      }
      %dma_wait3A_216 = arith.constant 0 : i32
      %dma_wait3A_217 = arith.constant 0 : i32
      %dma_wait3A_218 = arith.constant 0 : i32
      %dma_wait3A_219 = tpu.memref_slice %arg8[%dma_wait3A_217, %dma_wait3A_218] : memref<128x128xf32, #tpu.memory_space<vmem>> -> memref<125x128xf32, #tpu.memory_space<vmem>>
      %dma_wait3A_220 = arith.constant 0 : i32
      %dma_wait3A_221 = tpu.memref_slice %arg6[%dma_wait3A_216, %dma_wait3A_220] : memref<80x125xi32, #tpu.memory_space<vmem>> -> memref<1x125xi32, #tpu.memory_space<vmem>>
      %dma_wait3A_222 = tpu.memref_squeeze %dma_wait3A_221 : memref<1x125xi32, #tpu.memory_space<vmem>> -> memref<125xi32, #tpu.memory_space<vmem>>
      %dma_wait3A_223 = arith.constant 0 : i32
      %dma_wait3A_224 = arith.constant 0 : i32
      %dma_wait3A_225 = tpu.memref_slice %arg2[%dma_wait3A_223, %dma_wait3A_224] : memref<10000x128xf32, #tpu.memory_space<hbm>> -> memref<10000x128xf32, #tpu.memory_space<hbm>>
      tpu.wait_indirect_dma semaphore(%arg11 : memref<!tpu.dma_semaphore, #tpu.memory_space<semaphore_mem>>) src(%dma_wait3A_225 : memref<10000x128xf32, #tpu.memory_space<hbm>>) dst(%dma_wait3A_219 : memref<125x128xf32, #tpu.memory_space<vmem>>)
      %run_scoped3A_226 = arith.constant 6 : i32
      "tpu.region"() ({
        %run_scoped3A_254 = tpu.sem_alloc : memref<!tpu.dma_semaphore, #tpu.memory_space<semaphore_mem>>
        %dma_start3A_255 = arith.constant 0 : i32
        %dma_start3A_256 = arith.constant 0 : i32
        %dma_start3A_257 = tpu.memref_slice %arg8[%dma_start3A_255, %dma_start3A_256] : memref<128x128xf32, #tpu.memory_space<vmem>> -> memref<125x128xf32, #tpu.memory_space<vmem>>
        %dma_start3A_258 = arith.constant 0 : i32
        %dma_start3A_259 = tpu.memref_slice %arg7[%run_scoped3A_226, %dma_start3A_258] : memref<8x125xi32, #tpu.memory_space<vmem>> -> memref<1x125xi32, #tpu.memory_space<vmem>>
        %dma_start3A_260 = tpu.memref_squeeze %dma_start3A_259 : memref<1x125xi32, #tpu.memory_space<vmem>> -> memref<125xi32, #tpu.memory_space<vmem>>
        %dma_start3A_261 = arith.constant 0 : i32
        %dma_start3A_262 = arith.constant 0 : i32
        %dma_start3A_263 = tpu.memref_slice %arg10[%dma_start3A_261, %dma_start3A_262] : memref<10240x128xf32, #tpu.memory_space<vmem_shared>> -> memref<10240x128xf32, #tpu.memory_space<vmem_shared>>
        tpu.enqueue_indirect_dma source(%dma_start3A_257 : memref<125x128xf32, #tpu.memory_space<vmem>>) target(%dma_start3A_263 : memref<10240x128xf32, #tpu.memory_space<vmem_shared>>) offsets(%dma_start3A_260 : memref<125xi32, #tpu.memory_space<vmem>>) semaphore(%run_scoped3A_254 : memref<!tpu.dma_semaphore, #tpu.memory_space<semaphore_mem>>) {add = true}
        %dma_wait3A_264 = arith.constant 0 : i32
        %dma_wait3A_265 = arith.constant 0 : i32
        %dma_wait3A_266 = tpu.memref_slice %arg8[%dma_wait3A_264, %dma_wait3A_265] : memref<128x128xf32, #tpu.memory_space<vmem>> -> memref<125x128xf32, #tpu.memory_space<vmem>>
        %dma_wait3A_267 = arith.constant 0 : i32
        %dma_wait3A_268 = tpu.memref_slice %arg7[%run_scoped3A_226, %dma_wait3A_267] : memref<8x125xi32, #tpu.memory_space<vmem>> -> memref<1x125xi32, #tpu.memory_space<vmem>>
        %dma_wait3A_269 = tpu.memref_squeeze %dma_wait3A_268 : memref<1x125xi32, #tpu.memory_space<vmem>> -> memref<125xi32, #tpu.memory_space<vmem>>
        %dma_wait3A_270 = arith.constant 0 : i32
        %dma_wait3A_271 = arith.constant 0 : i32
        %dma_wait3A_272 = tpu.memref_slice %arg10[%dma_wait3A_270, %dma_wait3A_271] : memref<10240x128xf32, #tpu.memory_space<vmem_shared>> -> memref<10240x128xf32, #tpu.memory_space<vmem_shared>>
        tpu.wait_indirect_dma semaphore(%run_scoped3A_254 : memref<!tpu.dma_semaphore, #tpu.memory_space<semaphore_mem>>) src(%dma_wait3A_266 : memref<125x128xf32, #tpu.memory_space<vmem>>) dst(%dma_wait3A_272 : memref<10240x128xf32, #tpu.memory_space<vmem_shared>>)
        tpu.yield
      }) : () -> ()
      %add3A_227 = arith.constant 7 : i32
      %add3A_228 = arith.addi %mul3A_91, %add3A_227 : i32
      %add3A_229 = arith.constant 1 : i32
      %add3A_230 = arith.addi %add3A_228, %add3A_229 : i32
      %lt3A_231 = arith.constant 80 : i32
      %lt3A_232 = arith.cmpi slt, %add3A_230, %lt3A_231 : i32
      %convert_element_type3A_233 = arith.extui %lt3A_232 : i1 to i32
      %cond3A_234 = arith.constant 0 : i32
      %cond3A_235 = arith.cmpi ne, %convert_element_type3A_233, %cond3A_234 : i32
      scf.if %cond3A_235 {
        %dma_start3A_254 = arith.constant 0 : i32
        %dma_start3A_255 = arith.constant 0 : i32
        %dma_start3A_256 = tpu.memref_slice %arg8[%dma_start3A_254, %dma_start3A_255] : memref<128x128xf32, #tpu.memory_space<vmem>> -> memref<125x128xf32, #tpu.memory_space<vmem>>
        %dma_start3A_257 = arith.constant 0 : i32
        %dma_start3A_258 = tpu.memref_slice %arg6[%add3A_230, %dma_start3A_257] : memref<80x125xi32, #tpu.memory_space<vmem>> -> memref<1x125xi32, #tpu.memory_space<vmem>>
        %dma_start3A_259 = tpu.memref_squeeze %dma_start3A_258 : memref<1x125xi32, #tpu.memory_space<vmem>> -> memref<125xi32, #tpu.memory_space<vmem>>
        %dma_start3A_260 = arith.constant 0 : i32
        %dma_start3A_261 = arith.constant 0 : i32
        %dma_start3A_262 = tpu.memref_slice %arg2[%dma_start3A_260, %dma_start3A_261] : memref<10000x128xf32, #tpu.memory_space<hbm>> -> memref<10000x128xf32, #tpu.memory_space<hbm>>
        tpu.enqueue_indirect_dma source(%dma_start3A_262 : memref<10000x128xf32, #tpu.memory_space<hbm>>) target(%dma_start3A_256 : memref<125x128xf32, #tpu.memory_space<vmem>>) offsets(%dma_start3A_259 : memref<125xi32, #tpu.memory_space<vmem>>) semaphore(%arg11 : memref<!tpu.dma_semaphore, #tpu.memory_space<semaphore_mem>>)
      } else {
      }
      %dma_wait3A_236 = arith.constant 0 : i32
      %dma_wait3A_237 = arith.constant 0 : i32
      %dma_wait3A_238 = arith.constant 0 : i32
      %dma_wait3A_239 = tpu.memref_slice %arg9[%dma_wait3A_237, %dma_wait3A_238] : memref<128x128xf32, #tpu.memory_space<vmem>> -> memref<125x128xf32, #tpu.memory_space<vmem>>
      %dma_wait3A_240 = arith.constant 0 : i32
      %dma_wait3A_241 = tpu.memref_slice %arg6[%dma_wait3A_236, %dma_wait3A_240] : memref<80x125xi32, #tpu.memory_space<vmem>> -> memref<1x125xi32, #tpu.memory_space<vmem>>
      %dma_wait3A_242 = tpu.memref_squeeze %dma_wait3A_241 : memref<1x125xi32, #tpu.memory_space<vmem>> -> memref<125xi32, #tpu.memory_space<vmem>>
      %dma_wait3A_243 = arith.constant 0 : i32
      %dma_wait3A_244 = arith.constant 0 : i32
      %dma_wait3A_245 = tpu.memref_slice %arg2[%dma_wait3A_243, %dma_wait3A_244] : memref<10000x128xf32, #tpu.memory_space<hbm>> -> memref<10000x128xf32, #tpu.memory_space<hbm>>
      tpu.wait_indirect_dma semaphore(%arg12 : memref<!tpu.dma_semaphore, #tpu.memory_space<semaphore_mem>>) src(%dma_wait3A_245 : memref<10000x128xf32, #tpu.memory_space<hbm>>) dst(%dma_wait3A_239 : memref<125x128xf32, #tpu.memory_space<vmem>>)
      %run_scoped3A_246 = arith.constant 7 : i32
      "tpu.region"() ({
        %run_scoped3A_254 = tpu.sem_alloc : memref<!tpu.dma_semaphore, #tpu.memory_space<semaphore_mem>>
        %dma_start3A_255 = arith.constant 0 : i32
        %dma_start3A_256 = arith.constant 0 : i32
        %dma_start3A_257 = tpu.memref_slice %arg9[%dma_start3A_255, %dma_start3A_256] : memref<128x128xf32, #tpu.memory_space<vmem>> -> memref<125x128xf32, #tpu.memory_space<vmem>>
        %dma_start3A_258 = arith.constant 0 : i32
        %dma_start3A_259 = tpu.memref_slice %arg7[%run_scoped3A_246, %dma_start3A_258] : memref<8x125xi32, #tpu.memory_space<vmem>> -> memref<1x125xi32, #tpu.memory_space<vmem>>
        %dma_start3A_260 = tpu.memref_squeeze %dma_start3A_259 : memref<1x125xi32, #tpu.memory_space<vmem>> -> memref<125xi32, #tpu.memory_space<vmem>>
        %dma_start3A_261 = arith.constant 0 : i32
        %dma_start3A_262 = arith.constant 0 : i32
        %dma_start3A_263 = tpu.memref_slice %arg10[%dma_start3A_261, %dma_start3A_262] : memref<10240x128xf32, #tpu.memory_space<vmem_shared>> -> memref<10240x128xf32, #tpu.memory_space<vmem_shared>>
        tpu.enqueue_indirect_dma source(%dma_start3A_257 : memref<125x128xf32, #tpu.memory_space<vmem>>) target(%dma_start3A_263 : memref<10240x128xf32, #tpu.memory_space<vmem_shared>>) offsets(%dma_start3A_260 : memref<125xi32, #tpu.memory_space<vmem>>) semaphore(%run_scoped3A_254 : memref<!tpu.dma_semaphore, #tpu.memory_space<semaphore_mem>>) {add = true}
        %dma_wait3A_264 = arith.constant 0 : i32
        %dma_wait3A_265 = arith.constant 0 : i32
        %dma_wait3A_266 = tpu.memref_slice %arg9[%dma_wait3A_264, %dma_wait3A_265] : memref<128x128xf32, #tpu.memory_space<vmem>> -> memref<125x128xf32, #tpu.memory_space<vmem>>
        %dma_wait3A_267 = arith.constant 0 : i32
        %dma_wait3A_268 = tpu.memref_slice %arg7[%run_scoped3A_246, %dma_wait3A_267] : memref<8x125xi32, #tpu.memory_space<vmem>> -> memref<1x125xi32, #tpu.memory_space<vmem>>
        %dma_wait3A_269 = tpu.memref_squeeze %dma_wait3A_268 : memref<1x125xi32, #tpu.memory_space<vmem>> -> memref<125xi32, #tpu.memory_space<vmem>>
        %dma_wait3A_270 = arith.constant 0 : i32
        %dma_wait3A_271 = arith.constant 0 : i32
        %dma_wait3A_272 = tpu.memref_slice %arg10[%dma_wait3A_270, %dma_wait3A_271] : memref<10240x128xf32, #tpu.memory_space<vmem_shared>> -> memref<10240x128xf32, #tpu.memory_space<vmem_shared>>
        tpu.wait_indirect_dma semaphore(%run_scoped3A_254 : memref<!tpu.dma_semaphore, #tpu.memory_space<semaphore_mem>>) src(%dma_wait3A_266 : memref<125x128xf32, #tpu.memory_space<vmem>>) dst(%dma_wait3A_272 : memref<10240x128xf32, #tpu.memory_space<vmem_shared>>)
        tpu.yield
      }) : () -> ()
      %add3A_247 = arith.constant 1 : i32
      %add3A_248 = arith.addi %scan3A_89, %add3A_247 : i32
      %lt3A_249 = arith.constant 10 : i32
      %lt3A_250 = arith.cmpi slt, %add3A_248, %lt3A_249 : i32
      %convert_element_type3A_251 = arith.extui %lt3A_250 : i1 to i32
      %cond3A_252 = arith.constant 0 : i32
      %cond3A_253 = arith.cmpi ne, %convert_element_type3A_251, %cond3A_252 : i32
      scf.if %cond3A_253 {
        %add3A_254 = arith.constant 1 : i32
        %add3A_255 = arith.addi %scan3A_89, %add3A_254 : i32
        %mul3A_256 = arith.constant 8 : i32
        %mul3A_257 = arith.muli %add3A_255, %mul3A_256 : i32
        %multiple_of3A_258 = tpu.assume_multiple %mul3A_257, 8 : i32
        "tpu.region"() ({
          %run_scoped3A_259 = tpu.sem_alloc : memref<!tpu.dma_semaphore, #tpu.memory_space<semaphore_mem>>
          %dma_start3A_260 = arith.constant 0 : i32
          %dma_start3A_261 = tpu.memref_slice %arg4[%add3A, %multiple_of3A_258, %dma_start3A_260] : memref<32x80x125xi32, #tpu.memory_space<hbm>> -> memref<1x8x125xi32, #tpu.memory_space<hbm>>
          %dma_start3A_262 = tpu.memref_squeeze %dma_start3A_261 : memref<1x8x125xi32, #tpu.memory_space<hbm>> -> memref<8x125xi32, #tpu.memory_space<hbm>>
          %dma_start3A_263 = arith.constant 0 : i32
          %dma_start3A_264 = tpu.memref_slice %arg4[%add3A, %multiple_of3A_258, %dma_start3A_263] : memref<32x80x125xi32, #tpu.memory_space<hbm>> -> memref<1x8x125xi32, #tpu.memory_space<hbm>>
          %dma_start3A_265 = tpu.memref_squeeze %dma_start3A_264 : memref<1x8x125xi32, #tpu.memory_space<hbm>> -> memref<8x125xi32, #tpu.memory_space<hbm>>
          tpu.enqueue_dma source(%dma_start3A_265 : memref<8x125xi32, #tpu.memory_space<hbm>>) target(%arg7 : memref<8x125xi32, #tpu.memory_space<vmem>>) target_semaphore(%run_scoped3A_259 : memref<!tpu.dma_semaphore, #tpu.memory_space<semaphore_mem>>)
          %dma_wait3A_266 = arith.constant 0 : i32
          %dma_wait3A_267 = tpu.memref_slice %arg4[%add3A, %multiple_of3A_258, %dma_wait3A_266] : memref<32x80x125xi32, #tpu.memory_space<hbm>> -> memref<1x8x125xi32, #tpu.memory_space<hbm>>
          %dma_wait3A_268 = tpu.memref_squeeze %dma_wait3A_267 : memref<1x8x125xi32, #tpu.memory_space<hbm>> -> memref<8x125xi32, #tpu.memory_space<hbm>>
          %dma_wait3A_269 = arith.constant 0 : i32
          %dma_wait3A_270 = tpu.memref_slice %arg4[%add3A, %multiple_of3A_258, %dma_wait3A_269] : memref<32x80x125xi32, #tpu.memory_space<hbm>> -> memref<1x8x125xi32, #tpu.memory_space<hbm>>
          %dma_wait3A_271 = tpu.memref_squeeze %dma_wait3A_270 : memref<1x8x125xi32, #tpu.memory_space<hbm>> -> memref<8x125xi32, #tpu.memory_space<hbm>>
          tpu.wait_dma2 semaphore(%run_scoped3A_259 : memref<!tpu.dma_semaphore, #tpu.memory_space<semaphore_mem>>) src(%dma_wait3A_271 : memref<8x125xi32, #tpu.memory_space<hbm>>) dst(%arg7 : memref<8x125xi32, #tpu.memory_space<vmem>>)
          tpu.yield
        }) : () -> ()
      } else {
      }
    }
    %scan3A_42 = arith.constant 10 : i32
    %barrier3A_43 = arith.constant 0 : index
    tpu.barrier barrier_id(%barrier3A_43)
    %mul3A_44 = arith.constant 640 : i32
    %mul3A_45 = arith.muli %arg1, %mul3A_44 : i32
    %add3A_46 = arith.constant 0 : i32
    %add3A_47 = arith.addi %mul3A_45, %add3A_46 : i32
    %multiple_of3A_48 = tpu.assume_multiple %add3A_47, 128 : i32
    "tpu.region"() ({
      %run_scoped3A = tpu.sem_alloc : memref<!tpu.dma_semaphore, #tpu.memory_space<semaphore_mem>>
      %dma_start3A_89 = arith.constant 0 : i32
      %dma_start3A_90 = tpu.memref_slice %arg10[%multiple_of3A_48, %dma_start3A_89] : memref<10240x128xf32, #tpu.memory_space<vmem_shared>> -> memref<128x128xf32, #tpu.memory_space<vmem_shared>>
      %dma_start3A_91 = arith.constant 0 : i32
      %dma_start3A_92 = tpu.memref_slice %arg10[%multiple_of3A_48, %dma_start3A_91] : memref<10240x128xf32, #tpu.memory_space<vmem_shared>> -> memref<128x128xf32, #tpu.memory_space<vmem_shared>>
      tpu.enqueue_dma source(%dma_start3A_92 : memref<128x128xf32, #tpu.memory_space<vmem_shared>>) target(%arg8 : memref<128x128xf32, #tpu.memory_space<vmem>>) target_semaphore(%run_scoped3A : memref<!tpu.dma_semaphore, #tpu.memory_space<semaphore_mem>>)
      %dma_wait3A = arith.constant 0 : i32
      %dma_wait3A_93 = tpu.memref_slice %arg10[%multiple_of3A_48, %dma_wait3A] : memref<10240x128xf32, #tpu.memory_space<vmem_shared>> -> memref<128x128xf32, #tpu.memory_space<vmem_shared>>
      %dma_wait3A_94 = arith.constant 0 : i32
      %dma_wait3A_95 = tpu.memref_slice %arg10[%multiple_of3A_48, %dma_wait3A_94] : memref<10240x128xf32, #tpu.memory_space<vmem_shared>> -> memref<128x128xf32, #tpu.memory_space<vmem_shared>>
      tpu.wait_dma2 semaphore(%run_scoped3A : memref<!tpu.dma_semaphore, #tpu.memory_space<semaphore_mem>>) src(%dma_wait3A_95 : memref<128x128xf32, #tpu.memory_space<vmem_shared>>) dst(%arg8 : memref<128x128xf32, #tpu.memory_space<vmem>>)
      tpu.yield
    }) : () -> ()
    %mul3A_49 = arith.constant 640 : i32
    %mul3A_50 = arith.muli %arg1, %mul3A_49 : i32
    %add3A_51 = arith.constant 0 : i32
    %add3A_52 = arith.addi %mul3A_50, %add3A_51 : i32
    "tpu.region"() ({
      %run_scoped3A = tpu.sem_alloc : memref<!tpu.dma_semaphore, #tpu.memory_space<semaphore_mem>>
      %dma_start3A_89 = arith.constant 0 : i32
      %dma_start3A_90 = tpu.memref_slice %arg5[%arg0, %add3A_52, %dma_start3A_89] : memref<2x10240x128xf32, #tpu.memory_space<hbm>> -> memref<1x128x128xf32, #tpu.memory_space<hbm>>
      %dma_start3A_91 = tpu.memref_squeeze %dma_start3A_90 : memref<1x128x128xf32, #tpu.memory_space<hbm>> -> memref<128x128xf32, #tpu.memory_space<hbm>>
      %dma_start3A_92 = arith.constant 0 : i32
      %dma_start3A_93 = tpu.memref_slice %arg5[%arg0, %add3A_52, %dma_start3A_92] : memref<2x10240x128xf32, #tpu.memory_space<hbm>> -> memref<1x128x128xf32, #tpu.memory_space<hbm>>
      %dma_start3A_94 = tpu.memref_squeeze %dma_start3A_93 : memref<1x128x128xf32, #tpu.memory_space<hbm>> -> memref<128x128xf32, #tpu.memory_space<hbm>>
      tpu.enqueue_dma source(%arg8 : memref<128x128xf32, #tpu.memory_space<vmem>>) target(%dma_start3A_94 : memref<128x128xf32, #tpu.memory_space<hbm>>) target_semaphore(%run_scoped3A : memref<!tpu.dma_semaphore, #tpu.memory_space<semaphore_mem>>)
      %dma_wait3A = arith.constant 0 : i32
      %dma_wait3A_95 = tpu.memref_slice %arg5[%arg0, %add3A_52, %dma_wait3A] : memref<2x10240x128xf32, #tpu.memory_space<hbm>> -> memref<1x128x128xf32, #tpu.memory_space<hbm>>
      %dma_wait3A_96 = tpu.memref_squeeze %dma_wait3A_95 : memref<1x128x128xf32, #tpu.memory_space<hbm>> -> memref<128x128xf32, #tpu.memory_space<hbm>>
      %dma_wait3A_97 = arith.constant 0 : i32
      %dma_wait3A_98 = tpu.memref_slice %arg5[%arg0, %add3A_52, %dma_wait3A_97] : memref<2x10240x128xf32, #tpu.memory_space<hbm>> -> memref<1x128x128xf32, #tpu.memory_space<hbm>>
      %dma_wait3A_99 = tpu.memref_squeeze %dma_wait3A_98 : memref<1x128x128xf32, #tpu.memory_space<hbm>> -> memref<128x128xf32, #tpu.memory_space<hbm>>
      tpu.wait_dma2 semaphore(%run_scoped3A : memref<!tpu.dma_semaphore, #tpu.memory_space<semaphore_mem>>) src(%arg8 : memref<128x128xf32, #tpu.memory_space<vmem>>) dst(%dma_wait3A_99 : memref<128x128xf32, #tpu.memory_space<hbm>>)
      tpu.yield
    }) : () -> ()
    %mul3A_53 = arith.constant 640 : i32
    %mul3A_54 = arith.muli %arg1, %mul3A_53 : i32
    %add3A_55 = arith.constant 128 : i32
    %add3A_56 = arith.addi %mul3A_54, %add3A_55 : i32
    %multiple_of3A_57 = tpu.assume_multiple %add3A_56, 128 : i32
    "tpu.region"() ({
      %run_scoped3A = tpu.sem_alloc : memref<!tpu.dma_semaphore, #tpu.memory_space<semaphore_mem>>
      %dma_start3A_89 = arith.constant 0 : i32
      %dma_start3A_90 = tpu.memref_slice %arg10[%multiple_of3A_57, %dma_start3A_89] : memref<10240x128xf32, #tpu.memory_space<vmem_shared>> -> memref<128x128xf32, #tpu.memory_space<vmem_shared>>
      %dma_start3A_91 = arith.constant 0 : i32
      %dma_start3A_92 = tpu.memref_slice %arg10[%multiple_of3A_57, %dma_start3A_91] : memref<10240x128xf32, #tpu.memory_space<vmem_shared>> -> memref<128x128xf32, #tpu.memory_space<vmem_shared>>
      tpu.enqueue_dma source(%dma_start3A_92 : memref<128x128xf32, #tpu.memory_space<vmem_shared>>) target(%arg8 : memref<128x128xf32, #tpu.memory_space<vmem>>) target_semaphore(%run_scoped3A : memref<!tpu.dma_semaphore, #tpu.memory_space<semaphore_mem>>)
      %dma_wait3A = arith.constant 0 : i32
      %dma_wait3A_93 = tpu.memref_slice %arg10[%multiple_of3A_57, %dma_wait3A] : memref<10240x128xf32, #tpu.memory_space<vmem_shared>> -> memref<128x128xf32, #tpu.memory_space<vmem_shared>>
      %dma_wait3A_94 = arith.constant 0 : i32
      %dma_wait3A_95 = tpu.memref_slice %arg10[%multiple_of3A_57, %dma_wait3A_94] : memref<10240x128xf32, #tpu.memory_space<vmem_shared>> -> memref<128x128xf32, #tpu.memory_space<vmem_shared>>
      tpu.wait_dma2 semaphore(%run_scoped3A : memref<!tpu.dma_semaphore, #tpu.memory_space<semaphore_mem>>) src(%dma_wait3A_95 : memref<128x128xf32, #tpu.memory_space<vmem_shared>>) dst(%arg8 : memref<128x128xf32, #tpu.memory_space<vmem>>)
      tpu.yield
    }) : () -> ()
    %mul3A_58 = arith.constant 640 : i32
    %mul3A_59 = arith.muli %arg1, %mul3A_58 : i32
    %add3A_60 = arith.constant 128 : i32
    %add3A_61 = arith.addi %mul3A_59, %add3A_60 : i32
    "tpu.region"() ({
      %run_scoped3A = tpu.sem_alloc : memref<!tpu.dma_semaphore, #tpu.memory_space<semaphore_mem>>
      %dma_start3A_89 = arith.constant 0 : i32
      %dma_start3A_90 = tpu.memref_slice %arg5[%arg0, %add3A_61, %dma_start3A_89] : memref<2x10240x128xf32, #tpu.memory_space<hbm>> -> memref<1x128x128xf32, #tpu.memory_space<hbm>>
      %dma_start3A_91 = tpu.memref_squeeze %dma_start3A_90 : memref<1x128x128xf32, #tpu.memory_space<hbm>> -> memref<128x128xf32, #tpu.memory_space<hbm>>
      %dma_start3A_92 = arith.constant 0 : i32
      %dma_start3A_93 = tpu.memref_slice %arg5[%arg0, %add3A_61, %dma_start3A_92] : memref<2x10240x128xf32, #tpu.memory_space<hbm>> -> memref<1x128x128xf32, #tpu.memory_space<hbm>>
      %dma_start3A_94 = tpu.memref_squeeze %dma_start3A_93 : memref<1x128x128xf32, #tpu.memory_space<hbm>> -> memref<128x128xf32, #tpu.memory_space<hbm>>
      tpu.enqueue_dma source(%arg8 : memref<128x128xf32, #tpu.memory_space<vmem>>) target(%dma_start3A_94 : memref<128x128xf32, #tpu.memory_space<hbm>>) target_semaphore(%run_scoped3A : memref<!tpu.dma_semaphore, #tpu.memory_space<semaphore_mem>>)
      %dma_wait3A = arith.constant 0 : i32
      %dma_wait3A_95 = tpu.memref_slice %arg5[%arg0, %add3A_61, %dma_wait3A] : memref<2x10240x128xf32, #tpu.memory_space<hbm>> -> memref<1x128x128xf32, #tpu.memory_space<hbm>>
      %dma_wait3A_96 = tpu.memref_squeeze %dma_wait3A_95 : memref<1x128x128xf32, #tpu.memory_space<hbm>> -> memref<128x128xf32, #tpu.memory_space<hbm>>
      %dma_wait3A_97 = arith.constant 0 : i32
      %dma_wait3A_98 = tpu.memref_slice %arg5[%arg0, %add3A_61, %dma_wait3A_97] : memref<2x10240x128xf32, #tpu.memory_space<hbm>> -> memref<1x128x128xf32, #tpu.memory_space<hbm>>
      %dma_wait3A_99 = tpu.memref_squeeze %dma_wait3A_98 : memref<1x128x128xf32, #tpu.memory_space<hbm>> -> memref<128x128xf32, #tpu.memory_space<hbm>>
      tpu.wait_dma2 semaphore(%run_scoped3A : memref<!tpu.dma_semaphore, #tpu.memory_space<semaphore_mem>>) src(%arg8 : memref<128x128xf32, #tpu.memory_space<vmem>>) dst(%dma_wait3A_99 : memref<128x128xf32, #tpu.memory_space<hbm>>)
      tpu.yield
    }) : () -> ()
    %mul3A_62 = arith.constant 640 : i32
    %mul3A_63 = arith.muli %arg1, %mul3A_62 : i32
    %add3A_64 = arith.constant 256 : i32
    %add3A_65 = arith.addi %mul3A_63, %add3A_64 : i32
    %multiple_of3A_66 = tpu.assume_multiple %add3A_65, 128 : i32
    "tpu.region"() ({
      %run_scoped3A = tpu.sem_alloc : memref<!tpu.dma_semaphore, #tpu.memory_space<semaphore_mem>>
      %dma_start3A_89 = arith.constant 0 : i32
      %dma_start3A_90 = tpu.memref_slice %arg10[%multiple_of3A_66, %dma_start3A_89] : memref<10240x128xf32, #tpu.memory_space<vmem_shared>> -> memref<128x128xf32, #tpu.memory_space<vmem_shared>>
      %dma_start3A_91 = arith.constant 0 : i32
      %dma_start3A_92 = tpu.memref_slice %arg10[%multiple_of3A_66, %dma_start3A_91] : memref<10240x128xf32, #tpu.memory_space<vmem_shared>> -> memref<128x128xf32, #tpu.memory_space<vmem_shared>>
      tpu.enqueue_dma source(%dma_start3A_92 : memref<128x128xf32, #tpu.memory_space<vmem_shared>>) target(%arg8 : memref<128x128xf32, #tpu.memory_space<vmem>>) target_semaphore(%run_scoped3A : memref<!tpu.dma_semaphore, #tpu.memory_space<semaphore_mem>>)
      %dma_wait3A = arith.constant 0 : i32
      %dma_wait3A_93 = tpu.memref_slice %arg10[%multiple_of3A_66, %dma_wait3A] : memref<10240x128xf32, #tpu.memory_space<vmem_shared>> -> memref<128x128xf32, #tpu.memory_space<vmem_shared>>
      %dma_wait3A_94 = arith.constant 0 : i32
      %dma_wait3A_95 = tpu.memref_slice %arg10[%multiple_of3A_66, %dma_wait3A_94] : memref<10240x128xf32, #tpu.memory_space<vmem_shared>> -> memref<128x128xf32, #tpu.memory_space<vmem_shared>>
      tpu.wait_dma2 semaphore(%run_scoped3A : memref<!tpu.dma_semaphore, #tpu.memory_space<semaphore_mem>>) src(%dma_wait3A_95 : memref<128x128xf32, #tpu.memory_space<vmem_shared>>) dst(%arg8 : memref<128x128xf32, #tpu.memory_space<vmem>>)
      tpu.yield
    }) : () -> ()
    %mul3A_67 = arith.constant 640 : i32
    %mul3A_68 = arith.muli %arg1, %mul3A_67 : i32
    %add3A_69 = arith.constant 256 : i32
    %add3A_70 = arith.addi %mul3A_68, %add3A_69 : i32
    "tpu.region"() ({
      %run_scoped3A = tpu.sem_alloc : memref<!tpu.dma_semaphore, #tpu.memory_space<semaphore_mem>>
      %dma_start3A_89 = arith.constant 0 : i32
      %dma_start3A_90 = tpu.memref_slice %arg5[%arg0, %add3A_70, %dma_start3A_89] : memref<2x10240x128xf32, #tpu.memory_space<hbm>> -> memref<1x128x128xf32, #tpu.memory_space<hbm>>
      %dma_start3A_91 = tpu.memref_squeeze %dma_start3A_90 : memref<1x128x128xf32, #tpu.memory_space<hbm>> -> memref<128x128xf32, #tpu.memory_space<hbm>>
      %dma_start3A_92 = arith.constant 0 : i32
      %dma_start3A_93 = tpu.memref_slice %arg5[%arg0, %add3A_70, %dma_start3A_92] : memref<2x10240x128xf32, #tpu.memory_space<hbm>> -> memref<1x128x128xf32, #tpu.memory_space<hbm>>
      %dma_start3A_94 = tpu.memref_squeeze %dma_start3A_93 : memref<1x128x128xf32, #tpu.memory_space<hbm>> -> memref<128x128xf32, #tpu.memory_space<hbm>>
      tpu.enqueue_dma source(%arg8 : memref<128x128xf32, #tpu.memory_space<vmem>>) target(%dma_start3A_94 : memref<128x128xf32, #tpu.memory_space<hbm>>) target_semaphore(%run_scoped3A : memref<!tpu.dma_semaphore, #tpu.memory_space<semaphore_mem>>)
      %dma_wait3A = arith.constant 0 : i32
      %dma_wait3A_95 = tpu.memref_slice %arg5[%arg0, %add3A_70, %dma_wait3A] : memref<2x10240x128xf32, #tpu.memory_space<hbm>> -> memref<1x128x128xf32, #tpu.memory_space<hbm>>
      %dma_wait3A_96 = tpu.memref_squeeze %dma_wait3A_95 : memref<1x128x128xf32, #tpu.memory_space<hbm>> -> memref<128x128xf32, #tpu.memory_space<hbm>>
      %dma_wait3A_97 = arith.constant 0 : i32
      %dma_wait3A_98 = tpu.memref_slice %arg5[%arg0, %add3A_70, %dma_wait3A_97] : memref<2x10240x128xf32, #tpu.memory_space<hbm>> -> memref<1x128x128xf32, #tpu.memory_space<hbm>>
      %dma_wait3A_99 = tpu.memref_squeeze %dma_wait3A_98 : memref<1x128x128xf32, #tpu.memory_space<hbm>> -> memref<128x128xf32, #tpu.memory_space<hbm>>
      tpu.wait_dma2 semaphore(%run_scoped3A : memref<!tpu.dma_semaphore, #tpu.memory_space<semaphore_mem>>) src(%arg8 : memref<128x128xf32, #tpu.memory_space<vmem>>) dst(%dma_wait3A_99 : memref<128x128xf32, #tpu.memory_space<hbm>>)
      tpu.yield
    }) : () -> ()
    %mul3A_71 = arith.constant 640 : i32
    %mul3A_72 = arith.muli %arg1, %mul3A_71 : i32
    %add3A_73 = arith.constant 384 : i32
    %add3A_74 = arith.addi %mul3A_72, %add3A_73 : i32
    %multiple_of3A_75 = tpu.assume_multiple %add3A_74, 128 : i32
    "tpu.region"() ({
      %run_scoped3A = tpu.sem_alloc : memref<!tpu.dma_semaphore, #tpu.memory_space<semaphore_mem>>
      %dma_start3A_89 = arith.constant 0 : i32
      %dma_start3A_90 = tpu.memref_slice %arg10[%multiple_of3A_75, %dma_start3A_89] : memref<10240x128xf32, #tpu.memory_space<vmem_shared>> -> memref<128x128xf32, #tpu.memory_space<vmem_shared>>
      %dma_start3A_91 = arith.constant 0 : i32
      %dma_start3A_92 = tpu.memref_slice %arg10[%multiple_of3A_75, %dma_start3A_91] : memref<10240x128xf32, #tpu.memory_space<vmem_shared>> -> memref<128x128xf32, #tpu.memory_space<vmem_shared>>
      tpu.enqueue_dma source(%dma_start3A_92 : memref<128x128xf32, #tpu.memory_space<vmem_shared>>) target(%arg8 : memref<128x128xf32, #tpu.memory_space<vmem>>) target_semaphore(%run_scoped3A : memref<!tpu.dma_semaphore, #tpu.memory_space<semaphore_mem>>)
      %dma_wait3A = arith.constant 0 : i32
      %dma_wait3A_93 = tpu.memref_slice %arg10[%multiple_of3A_75, %dma_wait3A] : memref<10240x128xf32, #tpu.memory_space<vmem_shared>> -> memref<128x128xf32, #tpu.memory_space<vmem_shared>>
      %dma_wait3A_94 = arith.constant 0 : i32
      %dma_wait3A_95 = tpu.memref_slice %arg10[%multiple_of3A_75, %dma_wait3A_94] : memref<10240x128xf32, #tpu.memory_space<vmem_shared>> -> memref<128x128xf32, #tpu.memory_space<vmem_shared>>
      tpu.wait_dma2 semaphore(%run_scoped3A : memref<!tpu.dma_semaphore, #tpu.memory_space<semaphore_mem>>) src(%dma_wait3A_95 : memref<128x128xf32, #tpu.memory_space<vmem_shared>>) dst(%arg8 : memref<128x128xf32, #tpu.memory_space<vmem>>)
      tpu.yield
    }) : () -> ()
    %mul3A_76 = arith.constant 640 : i32
    %mul3A_77 = arith.muli %arg1, %mul3A_76 : i32
    %add3A_78 = arith.constant 384 : i32
    %add3A_79 = arith.addi %mul3A_77, %add3A_78 : i32
    "tpu.region"() ({
      %run_scoped3A = tpu.sem_alloc : memref<!tpu.dma_semaphore, #tpu.memory_space<semaphore_mem>>
      %dma_start3A_89 = arith.constant 0 : i32
      %dma_start3A_90 = tpu.memref_slice %arg5[%arg0, %add3A_79, %dma_start3A_89] : memref<2x10240x128xf32, #tpu.memory_space<hbm>> -> memref<1x128x128xf32, #tpu.memory_space<hbm>>
      %dma_start3A_91 = tpu.memref_squeeze %dma_start3A_90 : memref<1x128x128xf32, #tpu.memory_space<hbm>> -> memref<128x128xf32, #tpu.memory_space<hbm>>
      %dma_start3A_92 = arith.constant 0 : i32
      %dma_start3A_93 = tpu.memref_slice %arg5[%arg0, %add3A_79, %dma_start3A_92] : memref<2x10240x128xf32, #tpu.memory_space<hbm>> -> memref<1x128x128xf32, #tpu.memory_space<hbm>>
      %dma_start3A_94 = tpu.memref_squeeze %dma_start3A_93 : memref<1x128x128xf32, #tpu.memory_space<hbm>> -> memref<128x128xf32, #tpu.memory_space<hbm>>
      tpu.enqueue_dma source(%arg8 : memref<128x128xf32, #tpu.memory_space<vmem>>) target(%dma_start3A_94 : memref<128x128xf32, #tpu.memory_space<hbm>>) target_semaphore(%run_scoped3A : memref<!tpu.dma_semaphore, #tpu.memory_space<semaphore_mem>>)
      %dma_wait3A = arith.constant 0 : i32
      %dma_wait3A_95 = tpu.memref_slice %arg5[%arg0, %add3A_79, %dma_wait3A] : memref<2x10240x128xf32, #tpu.memory_space<hbm>> -> memref<1x128x128xf32, #tpu.memory_space<hbm>>
      %dma_wait3A_96 = tpu.memref_squeeze %dma_wait3A_95 : memref<1x128x128xf32, #tpu.memory_space<hbm>> -> memref<128x128xf32, #tpu.memory_space<hbm>>
      %dma_wait3A_97 = arith.constant 0 : i32
      %dma_wait3A_98 = tpu.memref_slice %arg5[%arg0, %add3A_79, %dma_wait3A_97] : memref<2x10240x128xf32, #tpu.memory_space<hbm>> -> memref<1x128x128xf32, #tpu.memory_space<hbm>>
      %dma_wait3A_99 = tpu.memref_squeeze %dma_wait3A_98 : memref<1x128x128xf32, #tpu.memory_space<hbm>> -> memref<128x128xf32, #tpu.memory_space<hbm>>
      tpu.wait_dma2 semaphore(%run_scoped3A : memref<!tpu.dma_semaphore, #tpu.memory_space<semaphore_mem>>) src(%arg8 : memref<128x128xf32, #tpu.memory_space<vmem>>) dst(%dma_wait3A_99 : memref<128x128xf32, #tpu.memory_space<hbm>>)
      tpu.yield
    }) : () -> ()
    %mul3A_80 = arith.constant 640 : i32
    %mul3A_81 = arith.muli %arg1, %mul3A_80 : i32
    %add3A_82 = arith.constant 512 : i32
    %add3A_83 = arith.addi %mul3A_81, %add3A_82 : i32
    %multiple_of3A_84 = tpu.assume_multiple %add3A_83, 128 : i32
    "tpu.region"() ({
      %run_scoped3A = tpu.sem_alloc : memref<!tpu.dma_semaphore, #tpu.memory_space<semaphore_mem>>
      %dma_start3A_89 = arith.constant 0 : i32
      %dma_start3A_90 = tpu.memref_slice %arg10[%multiple_of3A_84, %dma_start3A_89] : memref<10240x128xf32, #tpu.memory_space<vmem_shared>> -> memref<128x128xf32, #tpu.memory_space<vmem_shared>>
      %dma_start3A_91 = arith.constant 0 : i32
      %dma_start3A_92 = tpu.memref_slice %arg10[%multiple_of3A_84, %dma_start3A_91] : memref<10240x128xf32, #tpu.memory_space<vmem_shared>> -> memref<128x128xf32, #tpu.memory_space<vmem_shared>>
      tpu.enqueue_dma source(%dma_start3A_92 : memref<128x128xf32, #tpu.memory_space<vmem_shared>>) target(%arg8 : memref<128x128xf32, #tpu.memory_space<vmem>>) target_semaphore(%run_scoped3A : memref<!tpu.dma_semaphore, #tpu.memory_space<semaphore_mem>>)
      %dma_wait3A = arith.constant 0 : i32
      %dma_wait3A_93 = tpu.memref_slice %arg10[%multiple_of3A_84, %dma_wait3A] : memref<10240x128xf32, #tpu.memory_space<vmem_shared>> -> memref<128x128xf32, #tpu.memory_space<vmem_shared>>
      %dma_wait3A_94 = arith.constant 0 : i32
      %dma_wait3A_95 = tpu.memref_slice %arg10[%multiple_of3A_84, %dma_wait3A_94] : memref<10240x128xf32, #tpu.memory_space<vmem_shared>> -> memref<128x128xf32, #tpu.memory_space<vmem_shared>>
      tpu.wait_dma2 semaphore(%run_scoped3A : memref<!tpu.dma_semaphore, #tpu.memory_space<semaphore_mem>>) src(%dma_wait3A_95 : memref<128x128xf32, #tpu.memory_space<vmem_shared>>) dst(%arg8 : memref<128x128xf32, #tpu.memory_space<vmem>>)
      tpu.yield
    }) : () -> ()
    %mul3A_85 = arith.constant 640 : i32
    %mul3A_86 = arith.muli %arg1, %mul3A_85 : i32
    %add3A_87 = arith.constant 512 : i32
    %add3A_88 = arith.addi %mul3A_86, %add3A_87 : i32
    "tpu.region"() ({
      %run_scoped3A = tpu.sem_alloc : memref<!tpu.dma_semaphore, #tpu.memory_space<semaphore_mem>>
      %dma_start3A_89 = arith.constant 0 : i32
      %dma_start3A_90 = tpu.memref_slice %arg5[%arg0, %add3A_88, %dma_start3A_89] : memref<2x10240x128xf32, #tpu.memory_space<hbm>> -> memref<1x128x128xf32, #tpu.memory_space<hbm>>
      %dma_start3A_91 = tpu.memref_squeeze %dma_start3A_90 : memref<1x128x128xf32, #tpu.memory_space<hbm>> -> memref<128x128xf32, #tpu.memory_space<hbm>>
      %dma_start3A_92 = arith.constant 0 : i32
      %dma_start3A_93 = tpu.memref_slice %arg5[%arg0, %add3A_88, %dma_start3A_92] : memref<2x10240x128xf32, #tpu.memory_space<hbm>> -> memref<1x128x128xf32, #tpu.memory_space<hbm>>
      %dma_start3A_94 = tpu.memref_squeeze %dma_start3A_93 : memref<1x128x128xf32, #tpu.memory_space<hbm>> -> memref<128x128xf32, #tpu.memory_space<hbm>>
      tpu.enqueue_dma source(%arg8 : memref<128x128xf32, #tpu.memory_space<vmem>>) target(%dma_start3A_94 : memref<128x128xf32, #tpu.memory_space<hbm>>) target_semaphore(%run_scoped3A : memref<!tpu.dma_semaphore, #tpu.memory_space<semaphore_mem>>)
      %dma_wait3A = arith.constant 0 : i32
      %dma_wait3A_95 = tpu.memref_slice %arg5[%arg0, %add3A_88, %dma_wait3A] : memref<2x10240x128xf32, #tpu.memory_space<hbm>> -> memref<1x128x128xf32, #tpu.memory_space<hbm>>
      %dma_wait3A_96 = tpu.memref_squeeze %dma_wait3A_95 : memref<1x128x128xf32, #tpu.memory_space<hbm>> -> memref<128x128xf32, #tpu.memory_space<hbm>>
      %dma_wait3A_97 = arith.constant 0 : i32
      %dma_wait3A_98 = tpu.memref_slice %arg5[%arg0, %add3A_88, %dma_wait3A_97] : memref<2x10240x128xf32, #tpu.memory_space<hbm>> -> memref<1x128x128xf32, #tpu.memory_space<hbm>>
      %dma_wait3A_99 = tpu.memref_squeeze %dma_wait3A_98 : memref<1x128x128xf32, #tpu.memory_space<hbm>> -> memref<128x128xf32, #tpu.memory_space<hbm>>
      tpu.wait_dma2 semaphore(%run_scoped3A : memref<!tpu.dma_semaphore, #tpu.memory_space<semaphore_mem>>) src(%arg8 : memref<128x128xf32, #tpu.memory_space<vmem>>) dst(%dma_wait3A_99 : memref<128x128xf32, #tpu.memory_space<hbm>>)
      tpu.yield
    }) : () -> ()
    return
  }
}

#map = affine_map<(d0, d1) -> (0, 0, 0)>
module attributes {stable_mosaic.version = 14 : i64} {
  func.func @_deg_body(%arg0: i32, %arg1: i32, %arg2: memref<32x80x125xi32, #tpu.memory_space<hbm>>, %arg3: memref<2x10240x16xf32, #tpu.memory_space<hbm>>, %arg4: memref<80x125xi32, #tpu.memory_space<vmem>>, %arg5: memref<128x16xf32, #tpu.memory_space<vmem>>, %arg6: memref<10240x16xf32, #tpu.memory_space<vmem_shared>>, %arg7: memref<!tpu.dma_semaphore, #tpu.memory_space<semaphore_mem>>) attributes {dimension_semantics = [#tpu.dimension_semantics<core_parallel>, #tpu.dimension_semantics<subcore_parallel>], iteration_bounds = array<i64: 2, 16>, scalar_prefetch = 0 : i64, scratch_operands = 4 : i64, tpu.core_type = #tpu.core_type<sc_vector_subcore>, window_params = [{transform_indices = #map}, {transform_indices = #map}]} {
    %mul3A = arith.constant 2 : i32
    %mul3A_0 = arith.muli %arg1, %mul3A : i32
    %add3A = arith.addi %mul3A_0, %arg0 : i32
    "tpu.region"() ({
      %run_scoped3A = tpu.sem_alloc : memref<!tpu.dma_semaphore, #tpu.memory_space<semaphore_mem>>
      %dma_start3A = arith.constant 0 : i32
      %dma_start3A_85 = arith.constant 0 : i32
      %dma_start3A_86 = tpu.memref_slice %arg2[%add3A, %dma_start3A, %dma_start3A_85] : memref<32x80x125xi32, #tpu.memory_space<hbm>> -> memref<1x80x125xi32, #tpu.memory_space<hbm>>
      %dma_start3A_87 = tpu.memref_squeeze %dma_start3A_86 : memref<1x80x125xi32, #tpu.memory_space<hbm>> -> memref<80x125xi32, #tpu.memory_space<hbm>>
      %dma_start3A_88 = arith.constant 0 : i32
      %dma_start3A_89 = arith.constant 0 : i32
      %dma_start3A_90 = tpu.memref_slice %arg2[%add3A, %dma_start3A_88, %dma_start3A_89] : memref<32x80x125xi32, #tpu.memory_space<hbm>> -> memref<1x80x125xi32, #tpu.memory_space<hbm>>
      %dma_start3A_91 = tpu.memref_squeeze %dma_start3A_90 : memref<1x80x125xi32, #tpu.memory_space<hbm>> -> memref<80x125xi32, #tpu.memory_space<hbm>>
      tpu.enqueue_dma source(%dma_start3A_91 : memref<80x125xi32, #tpu.memory_space<hbm>>) target(%arg4 : memref<80x125xi32, #tpu.memory_space<vmem>>) target_semaphore(%run_scoped3A : memref<!tpu.dma_semaphore, #tpu.memory_space<semaphore_mem>>)
      %dma_wait3A = arith.constant 0 : i32
      %dma_wait3A_92 = arith.constant 0 : i32
      %dma_wait3A_93 = tpu.memref_slice %arg2[%add3A, %dma_wait3A, %dma_wait3A_92] : memref<32x80x125xi32, #tpu.memory_space<hbm>> -> memref<1x80x125xi32, #tpu.memory_space<hbm>>
      %dma_wait3A_94 = tpu.memref_squeeze %dma_wait3A_93 : memref<1x80x125xi32, #tpu.memory_space<hbm>> -> memref<80x125xi32, #tpu.memory_space<hbm>>
      %dma_wait3A_95 = arith.constant 0 : i32
      %dma_wait3A_96 = arith.constant 0 : i32
      %dma_wait3A_97 = tpu.memref_slice %arg2[%add3A, %dma_wait3A_95, %dma_wait3A_96] : memref<32x80x125xi32, #tpu.memory_space<hbm>> -> memref<1x80x125xi32, #tpu.memory_space<hbm>>
      %dma_wait3A_98 = tpu.memref_squeeze %dma_wait3A_97 : memref<1x80x125xi32, #tpu.memory_space<hbm>> -> memref<80x125xi32, #tpu.memory_space<hbm>>
      tpu.wait_dma2 semaphore(%run_scoped3A : memref<!tpu.dma_semaphore, #tpu.memory_space<semaphore_mem>>) src(%dma_wait3A_98 : memref<80x125xi32, #tpu.memory_space<hbm>>) dst(%arg4 : memref<80x125xi32, #tpu.memory_space<vmem>>)
      tpu.yield
    }) : () -> ()
    %scan3A = arith.constant 0 : i32
    %scan3A_1 = arith.constant 128 : i32
    %scan3A_2 = arith.addi %scan3A, %scan3A_1 : i32
    %scan3A_3 = arith.constant 1 : i32
    scf.for %scan3A_85 = %scan3A to %scan3A_2 step %scan3A_3  : i32 {
      %broadcast_in_dim3A = arith.constant 0.000000e+00 : f32
      %broadcast_in_dim3A_86 = vector.broadcast %broadcast_in_dim3A : f32 to vector<16xf32>
      %swap3A = arith.index_cast %scan3A_85 : i32 to index
      %swap3A_87 = arith.constant 0 : index
      %swap3A_88 = tpu.vector_load %arg5[%swap3A, %swap3A_87] {strides = array<i32>} : memref<128x16xf32, #tpu.memory_space<vmem>>, vector<1x16xf32>,
      %swap3A_89 = vector.shape_cast %swap3A_88 : vector<1x16xf32> to vector<16xf32>
      %swap3A_90 = vector.shape_cast %broadcast_in_dim3A_86 : vector<16xf32> to vector<1x16xf32>
      tpu.vector_store %arg5[%swap3A, %swap3A_87], %swap3A_90 {strides = array<i32>} : memref<128x16xf32, #tpu.memory_space<vmem>>, vector<1x16xf32>,
    }
    %scan3A_4 = arith.constant 128 : i32
    %mul3A_5 = arith.constant 640 : i32
    %mul3A_6 = arith.muli %arg1, %mul3A_5 : i32
    %add3A_7 = arith.constant 0 : i32
    %add3A_8 = arith.addi %mul3A_6, %add3A_7 : i32
    %multiple_of3A = tpu.assume_multiple %add3A_8, 128 : i32
    "tpu.region"() ({
      %run_scoped3A = tpu.sem_alloc : memref<!tpu.dma_semaphore, #tpu.memory_space<semaphore_mem>>
      %dma_start3A = arith.constant 0 : i32
      %dma_start3A_85 = tpu.memref_slice %arg6[%multiple_of3A, %dma_start3A] : memref<10240x16xf32, #tpu.memory_space<vmem_shared>> -> memref<128x16xf32, #tpu.memory_space<vmem_shared>>
      %dma_start3A_86 = arith.constant 0 : i32
      %dma_start3A_87 = tpu.memref_slice %arg6[%multiple_of3A, %dma_start3A_86] : memref<10240x16xf32, #tpu.memory_space<vmem_shared>> -> memref<128x16xf32, #tpu.memory_space<vmem_shared>>
      tpu.enqueue_dma source(%arg5 : memref<128x16xf32, #tpu.memory_space<vmem>>) target(%dma_start3A_87 : memref<128x16xf32, #tpu.memory_space<vmem_shared>>) target_semaphore(%run_scoped3A : memref<!tpu.dma_semaphore, #tpu.memory_space<semaphore_mem>>)
      %dma_wait3A = arith.constant 0 : i32
      %dma_wait3A_88 = tpu.memref_slice %arg6[%multiple_of3A, %dma_wait3A] : memref<10240x16xf32, #tpu.memory_space<vmem_shared>> -> memref<128x16xf32, #tpu.memory_space<vmem_shared>>
      %dma_wait3A_89 = arith.constant 0 : i32
      %dma_wait3A_90 = tpu.memref_slice %arg6[%multiple_of3A, %dma_wait3A_89] : memref<10240x16xf32, #tpu.memory_space<vmem_shared>> -> memref<128x16xf32, #tpu.memory_space<vmem_shared>>
      tpu.wait_dma2 semaphore(%run_scoped3A : memref<!tpu.dma_semaphore, #tpu.memory_space<semaphore_mem>>) src(%arg5 : memref<128x16xf32, #tpu.memory_space<vmem>>) dst(%dma_wait3A_90 : memref<128x16xf32, #tpu.memory_space<vmem_shared>>)
      tpu.yield
    }) : () -> ()
    %mul3A_9 = arith.constant 640 : i32
    %mul3A_10 = arith.muli %arg1, %mul3A_9 : i32
    %add3A_11 = arith.constant 128 : i32
    %add3A_12 = arith.addi %mul3A_10, %add3A_11 : i32
    %multiple_of3A_13 = tpu.assume_multiple %add3A_12, 128 : i32
    "tpu.region"() ({
      %run_scoped3A = tpu.sem_alloc : memref<!tpu.dma_semaphore, #tpu.memory_space<semaphore_mem>>
      %dma_start3A = arith.constant 0 : i32
      %dma_start3A_85 = tpu.memref_slice %arg6[%multiple_of3A_13, %dma_start3A] : memref<10240x16xf32, #tpu.memory_space<vmem_shared>> -> memref<128x16xf32, #tpu.memory_space<vmem_shared>>
      %dma_start3A_86 = arith.constant 0 : i32
      %dma_start3A_87 = tpu.memref_slice %arg6[%multiple_of3A_13, %dma_start3A_86] : memref<10240x16xf32, #tpu.memory_space<vmem_shared>> -> memref<128x16xf32, #tpu.memory_space<vmem_shared>>
      tpu.enqueue_dma source(%arg5 : memref<128x16xf32, #tpu.memory_space<vmem>>) target(%dma_start3A_87 : memref<128x16xf32, #tpu.memory_space<vmem_shared>>) target_semaphore(%run_scoped3A : memref<!tpu.dma_semaphore, #tpu.memory_space<semaphore_mem>>)
      %dma_wait3A = arith.constant 0 : i32
      %dma_wait3A_88 = tpu.memref_slice %arg6[%multiple_of3A_13, %dma_wait3A] : memref<10240x16xf32, #tpu.memory_space<vmem_shared>> -> memref<128x16xf32, #tpu.memory_space<vmem_shared>>
      %dma_wait3A_89 = arith.constant 0 : i32
      %dma_wait3A_90 = tpu.memref_slice %arg6[%multiple_of3A_13, %dma_wait3A_89] : memref<10240x16xf32, #tpu.memory_space<vmem_shared>> -> memref<128x16xf32, #tpu.memory_space<vmem_shared>>
      tpu.wait_dma2 semaphore(%run_scoped3A : memref<!tpu.dma_semaphore, #tpu.memory_space<semaphore_mem>>) src(%arg5 : memref<128x16xf32, #tpu.memory_space<vmem>>) dst(%dma_wait3A_90 : memref<128x16xf32, #tpu.memory_space<vmem_shared>>)
      tpu.yield
    }) : () -> ()
    %mul3A_14 = arith.constant 640 : i32
    %mul3A_15 = arith.muli %arg1, %mul3A_14 : i32
    %add3A_16 = arith.constant 256 : i32
    %add3A_17 = arith.addi %mul3A_15, %add3A_16 : i32
    %multiple_of3A_18 = tpu.assume_multiple %add3A_17, 128 : i32
    "tpu.region"() ({
      %run_scoped3A = tpu.sem_alloc : memref<!tpu.dma_semaphore, #tpu.memory_space<semaphore_mem>>
      %dma_start3A = arith.constant 0 : i32
      %dma_start3A_85 = tpu.memref_slice %arg6[%multiple_of3A_18, %dma_start3A] : memref<10240x16xf32, #tpu.memory_space<vmem_shared>> -> memref<128x16xf32, #tpu.memory_space<vmem_shared>>
      %dma_start3A_86 = arith.constant 0 : i32
      %dma_start3A_87 = tpu.memref_slice %arg6[%multiple_of3A_18, %dma_start3A_86] : memref<10240x16xf32, #tpu.memory_space<vmem_shared>> -> memref<128x16xf32, #tpu.memory_space<vmem_shared>>
      tpu.enqueue_dma source(%arg5 : memref<128x16xf32, #tpu.memory_space<vmem>>) target(%dma_start3A_87 : memref<128x16xf32, #tpu.memory_space<vmem_shared>>) target_semaphore(%run_scoped3A : memref<!tpu.dma_semaphore, #tpu.memory_space<semaphore_mem>>)
      %dma_wait3A = arith.constant 0 : i32
      %dma_wait3A_88 = tpu.memref_slice %arg6[%multiple_of3A_18, %dma_wait3A] : memref<10240x16xf32, #tpu.memory_space<vmem_shared>> -> memref<128x16xf32, #tpu.memory_space<vmem_shared>>
      %dma_wait3A_89 = arith.constant 0 : i32
      %dma_wait3A_90 = tpu.memref_slice %arg6[%multiple_of3A_18, %dma_wait3A_89] : memref<10240x16xf32, #tpu.memory_space<vmem_shared>> -> memref<128x16xf32, #tpu.memory_space<vmem_shared>>
      tpu.wait_dma2 semaphore(%run_scoped3A : memref<!tpu.dma_semaphore, #tpu.memory_space<semaphore_mem>>) src(%arg5 : memref<128x16xf32, #tpu.memory_space<vmem>>) dst(%dma_wait3A_90 : memref<128x16xf32, #tpu.memory_space<vmem_shared>>)
      tpu.yield
    }) : () -> ()
    %mul3A_19 = arith.constant 640 : i32
    %mul3A_20 = arith.muli %arg1, %mul3A_19 : i32
    %add3A_21 = arith.constant 384 : i32
    %add3A_22 = arith.addi %mul3A_20, %add3A_21 : i32
    %multiple_of3A_23 = tpu.assume_multiple %add3A_22, 128 : i32
    "tpu.region"() ({
      %run_scoped3A = tpu.sem_alloc : memref<!tpu.dma_semaphore, #tpu.memory_space<semaphore_mem>>
      %dma_start3A = arith.constant 0 : i32
      %dma_start3A_85 = tpu.memref_slice %arg6[%multiple_of3A_23, %dma_start3A] : memref<10240x16xf32, #tpu.memory_space<vmem_shared>> -> memref<128x16xf32, #tpu.memory_space<vmem_shared>>
      %dma_start3A_86 = arith.constant 0 : i32
      %dma_start3A_87 = tpu.memref_slice %arg6[%multiple_of3A_23, %dma_start3A_86] : memref<10240x16xf32, #tpu.memory_space<vmem_shared>> -> memref<128x16xf32, #tpu.memory_space<vmem_shared>>
      tpu.enqueue_dma source(%arg5 : memref<128x16xf32, #tpu.memory_space<vmem>>) target(%dma_start3A_87 : memref<128x16xf32, #tpu.memory_space<vmem_shared>>) target_semaphore(%run_scoped3A : memref<!tpu.dma_semaphore, #tpu.memory_space<semaphore_mem>>)
      %dma_wait3A = arith.constant 0 : i32
      %dma_wait3A_88 = tpu.memref_slice %arg6[%multiple_of3A_23, %dma_wait3A] : memref<10240x16xf32, #tpu.memory_space<vmem_shared>> -> memref<128x16xf32, #tpu.memory_space<vmem_shared>>
      %dma_wait3A_89 = arith.constant 0 : i32
      %dma_wait3A_90 = tpu.memref_slice %arg6[%multiple_of3A_23, %dma_wait3A_89] : memref<10240x16xf32, #tpu.memory_space<vmem_shared>> -> memref<128x16xf32, #tpu.memory_space<vmem_shared>>
      tpu.wait_dma2 semaphore(%run_scoped3A : memref<!tpu.dma_semaphore, #tpu.memory_space<semaphore_mem>>) src(%arg5 : memref<128x16xf32, #tpu.memory_space<vmem>>) dst(%dma_wait3A_90 : memref<128x16xf32, #tpu.memory_space<vmem_shared>>)
      tpu.yield
    }) : () -> ()
    %mul3A_24 = arith.constant 640 : i32
    %mul3A_25 = arith.muli %arg1, %mul3A_24 : i32
    %add3A_26 = arith.constant 512 : i32
    %add3A_27 = arith.addi %mul3A_25, %add3A_26 : i32
    %multiple_of3A_28 = tpu.assume_multiple %add3A_27, 128 : i32
    "tpu.region"() ({
      %run_scoped3A = tpu.sem_alloc : memref<!tpu.dma_semaphore, #tpu.memory_space<semaphore_mem>>
      %dma_start3A = arith.constant 0 : i32
      %dma_start3A_85 = tpu.memref_slice %arg6[%multiple_of3A_28, %dma_start3A] : memref<10240x16xf32, #tpu.memory_space<vmem_shared>> -> memref<128x16xf32, #tpu.memory_space<vmem_shared>>
      %dma_start3A_86 = arith.constant 0 : i32
      %dma_start3A_87 = tpu.memref_slice %arg6[%multiple_of3A_28, %dma_start3A_86] : memref<10240x16xf32, #tpu.memory_space<vmem_shared>> -> memref<128x16xf32, #tpu.memory_space<vmem_shared>>
      tpu.enqueue_dma source(%arg5 : memref<128x16xf32, #tpu.memory_space<vmem>>) target(%dma_start3A_87 : memref<128x16xf32, #tpu.memory_space<vmem_shared>>) target_semaphore(%run_scoped3A : memref<!tpu.dma_semaphore, #tpu.memory_space<semaphore_mem>>)
      %dma_wait3A = arith.constant 0 : i32
      %dma_wait3A_88 = tpu.memref_slice %arg6[%multiple_of3A_28, %dma_wait3A] : memref<10240x16xf32, #tpu.memory_space<vmem_shared>> -> memref<128x16xf32, #tpu.memory_space<vmem_shared>>
      %dma_wait3A_89 = arith.constant 0 : i32
      %dma_wait3A_90 = tpu.memref_slice %arg6[%multiple_of3A_28, %dma_wait3A_89] : memref<10240x16xf32, #tpu.memory_space<vmem_shared>> -> memref<128x16xf32, #tpu.memory_space<vmem_shared>>
      tpu.wait_dma2 semaphore(%run_scoped3A : memref<!tpu.dma_semaphore, #tpu.memory_space<semaphore_mem>>) src(%arg5 : memref<128x16xf32, #tpu.memory_space<vmem>>) dst(%dma_wait3A_90 : memref<128x16xf32, #tpu.memory_space<vmem_shared>>)
      tpu.yield
    }) : () -> ()
    %scan3A_29 = arith.constant 0 : i32
    %scan3A_30 = arith.constant 128 : i32
    %scan3A_31 = arith.addi %scan3A_29, %scan3A_30 : i32
    %scan3A_32 = arith.constant 1 : i32
    scf.for %scan3A_85 = %scan3A_29 to %scan3A_31 step %scan3A_32  : i32 {
      %broadcast_in_dim3A = arith.constant 1.000000e+00 : f32
      %broadcast_in_dim3A_86 = vector.broadcast %broadcast_in_dim3A : f32 to vector<16xf32>
      %swap3A = arith.index_cast %scan3A_85 : i32 to index
      %swap3A_87 = arith.constant 0 : index
      %swap3A_88 = tpu.vector_load %arg5[%swap3A, %swap3A_87] {strides = array<i32>} : memref<128x16xf32, #tpu.memory_space<vmem>>, vector<1x16xf32>,
      %swap3A_89 = vector.shape_cast %swap3A_88 : vector<1x16xf32> to vector<16xf32>
      %swap3A_90 = vector.shape_cast %broadcast_in_dim3A_86 : vector<16xf32> to vector<1x16xf32>
      tpu.vector_store %arg5[%swap3A, %swap3A_87], %swap3A_90 {strides = array<i32>} : memref<128x16xf32, #tpu.memory_space<vmem>>, vector<1x16xf32>,
    }
    %scan3A_33 = arith.constant 128 : i32
    %barrier3A = arith.constant 0 : index
    tpu.barrier barrier_id(%barrier3A)
    %scan3A_34 = arith.constant 0 : i32
    %scan3A_35 = arith.constant 10 : i32
    %scan3A_36 = arith.addi %scan3A_34, %scan3A_35 : i32
    %scan3A_37 = arith.constant 1 : i32
    scf.for %scan3A_85 = %scan3A_34 to %scan3A_36 step %scan3A_37  : i32 {
      %mul3A_86 = arith.constant 8 : i32
      %mul3A_87 = arith.muli %scan3A_85, %mul3A_86 : i32
      %add3A_88 = arith.constant 0 : i32
      %add3A_89 = arith.addi %mul3A_87, %add3A_88 : i32
      %dma_start3A = arith.constant 0 : i32
      %dma_start3A_90 = arith.constant 0 : i32
      %dma_start3A_91 = tpu.memref_slice %arg5[%dma_start3A, %dma_start3A_90] : memref<128x16xf32, #tpu.memory_space<vmem>> -> memref<125x16xf32, #tpu.memory_space<vmem>>
      %dma_start3A_92 = arith.constant 0 : i32
      %dma_start3A_93 = tpu.memref_slice %arg4[%add3A_89, %dma_start3A_92] : memref<80x125xi32, #tpu.memory_space<vmem>> -> memref<1x125xi32, #tpu.memory_space<vmem>>
      %dma_start3A_94 = tpu.memref_squeeze %dma_start3A_93 : memref<1x125xi32, #tpu.memory_space<vmem>> -> memref<125xi32, #tpu.memory_space<vmem>>
      %dma_start3A_95 = arith.constant 0 : i32
      %dma_start3A_96 = arith.constant 0 : i32
      %dma_start3A_97 = tpu.memref_slice %arg6[%dma_start3A_95, %dma_start3A_96] : memref<10240x16xf32, #tpu.memory_space<vmem_shared>> -> memref<10240x16xf32, #tpu.memory_space<vmem_shared>>
      tpu.enqueue_indirect_dma source(%dma_start3A_91 : memref<125x16xf32, #tpu.memory_space<vmem>>) target(%dma_start3A_97 : memref<10240x16xf32, #tpu.memory_space<vmem_shared>>) offsets(%dma_start3A_94 : memref<125xi32, #tpu.memory_space<vmem>>) semaphore(%arg7 : memref<!tpu.dma_semaphore, #tpu.memory_space<semaphore_mem>>) {add = true}
      %mul3A_98 = arith.constant 8 : i32
      %mul3A_99 = arith.muli %scan3A_85, %mul3A_98 : i32
      %add3A_100 = arith.constant 1 : i32
      %add3A_101 = arith.addi %mul3A_99, %add3A_100 : i32
      %dma_start3A_102 = arith.constant 0 : i32
      %dma_start3A_103 = arith.constant 0 : i32
      %dma_start3A_104 = tpu.memref_slice %arg5[%dma_start3A_102, %dma_start3A_103] : memref<128x16xf32, #tpu.memory_space<vmem>> -> memref<125x16xf32, #tpu.memory_space<vmem>>
      %dma_start3A_105 = arith.constant 0 : i32
      %dma_start3A_106 = tpu.memref_slice %arg4[%add3A_101, %dma_start3A_105] : memref<80x125xi32, #tpu.memory_space<vmem>> -> memref<1x125xi32, #tpu.memory_space<vmem>>
      %dma_start3A_107 = tpu.memref_squeeze %dma_start3A_106 : memref<1x125xi32, #tpu.memory_space<vmem>> -> memref<125xi32, #tpu.memory_space<vmem>>
      %dma_start3A_108 = arith.constant 0 : i32
      %dma_start3A_109 = arith.constant 0 : i32
      %dma_start3A_110 = tpu.memref_slice %arg6[%dma_start3A_108, %dma_start3A_109] : memref<10240x16xf32, #tpu.memory_space<vmem_shared>> -> memref<10240x16xf32, #tpu.memory_space<vmem_shared>>
      tpu.enqueue_indirect_dma source(%dma_start3A_104 : memref<125x16xf32, #tpu.memory_space<vmem>>) target(%dma_start3A_110 : memref<10240x16xf32, #tpu.memory_space<vmem_shared>>) offsets(%dma_start3A_107 : memref<125xi32, #tpu.memory_space<vmem>>) semaphore(%arg7 : memref<!tpu.dma_semaphore, #tpu.memory_space<semaphore_mem>>) {add = true}
      %mul3A_111 = arith.constant 8 : i32
      %mul3A_112 = arith.muli %scan3A_85, %mul3A_111 : i32
      %add3A_113 = arith.constant 2 : i32
      %add3A_114 = arith.addi %mul3A_112, %add3A_113 : i32
      %dma_start3A_115 = arith.constant 0 : i32
      %dma_start3A_116 = arith.constant 0 : i32
      %dma_start3A_117 = tpu.memref_slice %arg5[%dma_start3A_115, %dma_start3A_116] : memref<128x16xf32, #tpu.memory_space<vmem>> -> memref<125x16xf32, #tpu.memory_space<vmem>>
      %dma_start3A_118 = arith.constant 0 : i32
      %dma_start3A_119 = tpu.memref_slice %arg4[%add3A_114, %dma_start3A_118] : memref<80x125xi32, #tpu.memory_space<vmem>> -> memref<1x125xi32, #tpu.memory_space<vmem>>
      %dma_start3A_120 = tpu.memref_squeeze %dma_start3A_119 : memref<1x125xi32, #tpu.memory_space<vmem>> -> memref<125xi32, #tpu.memory_space<vmem>>
      %dma_start3A_121 = arith.constant 0 : i32
      %dma_start3A_122 = arith.constant 0 : i32
      %dma_start3A_123 = tpu.memref_slice %arg6[%dma_start3A_121, %dma_start3A_122] : memref<10240x16xf32, #tpu.memory_space<vmem_shared>> -> memref<10240x16xf32, #tpu.memory_space<vmem_shared>>
      tpu.enqueue_indirect_dma source(%dma_start3A_117 : memref<125x16xf32, #tpu.memory_space<vmem>>) target(%dma_start3A_123 : memref<10240x16xf32, #tpu.memory_space<vmem_shared>>) offsets(%dma_start3A_120 : memref<125xi32, #tpu.memory_space<vmem>>) semaphore(%arg7 : memref<!tpu.dma_semaphore, #tpu.memory_space<semaphore_mem>>) {add = true}
      %mul3A_124 = arith.constant 8 : i32
      %mul3A_125 = arith.muli %scan3A_85, %mul3A_124 : i32
      %add3A_126 = arith.constant 3 : i32
      %add3A_127 = arith.addi %mul3A_125, %add3A_126 : i32
      %dma_start3A_128 = arith.constant 0 : i32
      %dma_start3A_129 = arith.constant 0 : i32
      %dma_start3A_130 = tpu.memref_slice %arg5[%dma_start3A_128, %dma_start3A_129] : memref<128x16xf32, #tpu.memory_space<vmem>> -> memref<125x16xf32, #tpu.memory_space<vmem>>
      %dma_start3A_131 = arith.constant 0 : i32
      %dma_start3A_132 = tpu.memref_slice %arg4[%add3A_127, %dma_start3A_131] : memref<80x125xi32, #tpu.memory_space<vmem>> -> memref<1x125xi32, #tpu.memory_space<vmem>>
      %dma_start3A_133 = tpu.memref_squeeze %dma_start3A_132 : memref<1x125xi32, #tpu.memory_space<vmem>> -> memref<125xi32, #tpu.memory_space<vmem>>
      %dma_start3A_134 = arith.constant 0 : i32
      %dma_start3A_135 = arith.constant 0 : i32
      %dma_start3A_136 = tpu.memref_slice %arg6[%dma_start3A_134, %dma_start3A_135] : memref<10240x16xf32, #tpu.memory_space<vmem_shared>> -> memref<10240x16xf32, #tpu.memory_space<vmem_shared>>
      tpu.enqueue_indirect_dma source(%dma_start3A_130 : memref<125x16xf32, #tpu.memory_space<vmem>>) target(%dma_start3A_136 : memref<10240x16xf32, #tpu.memory_space<vmem_shared>>) offsets(%dma_start3A_133 : memref<125xi32, #tpu.memory_space<vmem>>) semaphore(%arg7 : memref<!tpu.dma_semaphore, #tpu.memory_space<semaphore_mem>>) {add = true}
      %mul3A_137 = arith.constant 8 : i32
      %mul3A_138 = arith.muli %scan3A_85, %mul3A_137 : i32
      %add3A_139 = arith.constant 4 : i32
      %add3A_140 = arith.addi %mul3A_138, %add3A_139 : i32
      %dma_start3A_141 = arith.constant 0 : i32
      %dma_start3A_142 = arith.constant 0 : i32
      %dma_start3A_143 = tpu.memref_slice %arg5[%dma_start3A_141, %dma_start3A_142] : memref<128x16xf32, #tpu.memory_space<vmem>> -> memref<125x16xf32, #tpu.memory_space<vmem>>
      %dma_start3A_144 = arith.constant 0 : i32
      %dma_start3A_145 = tpu.memref_slice %arg4[%add3A_140, %dma_start3A_144] : memref<80x125xi32, #tpu.memory_space<vmem>> -> memref<1x125xi32, #tpu.memory_space<vmem>>
      %dma_start3A_146 = tpu.memref_squeeze %dma_start3A_145 : memref<1x125xi32, #tpu.memory_space<vmem>> -> memref<125xi32, #tpu.memory_space<vmem>>
      %dma_start3A_147 = arith.constant 0 : i32
      %dma_start3A_148 = arith.constant 0 : i32
      %dma_start3A_149 = tpu.memref_slice %arg6[%dma_start3A_147, %dma_start3A_148] : memref<10240x16xf32, #tpu.memory_space<vmem_shared>> -> memref<10240x16xf32, #tpu.memory_space<vmem_shared>>
      tpu.enqueue_indirect_dma source(%dma_start3A_143 : memref<125x16xf32, #tpu.memory_space<vmem>>) target(%dma_start3A_149 : memref<10240x16xf32, #tpu.memory_space<vmem_shared>>) offsets(%dma_start3A_146 : memref<125xi32, #tpu.memory_space<vmem>>) semaphore(%arg7 : memref<!tpu.dma_semaphore, #tpu.memory_space<semaphore_mem>>) {add = true}
      %mul3A_150 = arith.constant 8 : i32
      %mul3A_151 = arith.muli %scan3A_85, %mul3A_150 : i32
      %add3A_152 = arith.constant 5 : i32
      %add3A_153 = arith.addi %mul3A_151, %add3A_152 : i32
      %dma_start3A_154 = arith.constant 0 : i32
      %dma_start3A_155 = arith.constant 0 : i32
      %dma_start3A_156 = tpu.memref_slice %arg5[%dma_start3A_154, %dma_start3A_155] : memref<128x16xf32, #tpu.memory_space<vmem>> -> memref<125x16xf32, #tpu.memory_space<vmem>>
      %dma_start3A_157 = arith.constant 0 : i32
      %dma_start3A_158 = tpu.memref_slice %arg4[%add3A_153, %dma_start3A_157] : memref<80x125xi32, #tpu.memory_space<vmem>> -> memref<1x125xi32, #tpu.memory_space<vmem>>
      %dma_start3A_159 = tpu.memref_squeeze %dma_start3A_158 : memref<1x125xi32, #tpu.memory_space<vmem>> -> memref<125xi32, #tpu.memory_space<vmem>>
      %dma_start3A_160 = arith.constant 0 : i32
      %dma_start3A_161 = arith.constant 0 : i32
      %dma_start3A_162 = tpu.memref_slice %arg6[%dma_start3A_160, %dma_start3A_161] : memref<10240x16xf32, #tpu.memory_space<vmem_shared>> -> memref<10240x16xf32, #tpu.memory_space<vmem_shared>>
      tpu.enqueue_indirect_dma source(%dma_start3A_156 : memref<125x16xf32, #tpu.memory_space<vmem>>) target(%dma_start3A_162 : memref<10240x16xf32, #tpu.memory_space<vmem_shared>>) offsets(%dma_start3A_159 : memref<125xi32, #tpu.memory_space<vmem>>) semaphore(%arg7 : memref<!tpu.dma_semaphore, #tpu.memory_space<semaphore_mem>>) {add = true}
      %mul3A_163 = arith.constant 8 : i32
      %mul3A_164 = arith.muli %scan3A_85, %mul3A_163 : i32
      %add3A_165 = arith.constant 6 : i32
      %add3A_166 = arith.addi %mul3A_164, %add3A_165 : i32
      %dma_start3A_167 = arith.constant 0 : i32
      %dma_start3A_168 = arith.constant 0 : i32
      %dma_start3A_169 = tpu.memref_slice %arg5[%dma_start3A_167, %dma_start3A_168] : memref<128x16xf32, #tpu.memory_space<vmem>> -> memref<125x16xf32, #tpu.memory_space<vmem>>
      %dma_start3A_170 = arith.constant 0 : i32
      %dma_start3A_171 = tpu.memref_slice %arg4[%add3A_166, %dma_start3A_170] : memref<80x125xi32, #tpu.memory_space<vmem>> -> memref<1x125xi32, #tpu.memory_space<vmem>>
      %dma_start3A_172 = tpu.memref_squeeze %dma_start3A_171 : memref<1x125xi32, #tpu.memory_space<vmem>> -> memref<125xi32, #tpu.memory_space<vmem>>
      %dma_start3A_173 = arith.constant 0 : i32
      %dma_start3A_174 = arith.constant 0 : i32
      %dma_start3A_175 = tpu.memref_slice %arg6[%dma_start3A_173, %dma_start3A_174] : memref<10240x16xf32, #tpu.memory_space<vmem_shared>> -> memref<10240x16xf32, #tpu.memory_space<vmem_shared>>
      tpu.enqueue_indirect_dma source(%dma_start3A_169 : memref<125x16xf32, #tpu.memory_space<vmem>>) target(%dma_start3A_175 : memref<10240x16xf32, #tpu.memory_space<vmem_shared>>) offsets(%dma_start3A_172 : memref<125xi32, #tpu.memory_space<vmem>>) semaphore(%arg7 : memref<!tpu.dma_semaphore, #tpu.memory_space<semaphore_mem>>) {add = true}
      %mul3A_176 = arith.constant 8 : i32
      %mul3A_177 = arith.muli %scan3A_85, %mul3A_176 : i32
      %add3A_178 = arith.constant 7 : i32
      %add3A_179 = arith.addi %mul3A_177, %add3A_178 : i32
      %dma_start3A_180 = arith.constant 0 : i32
      %dma_start3A_181 = arith.constant 0 : i32
      %dma_start3A_182 = tpu.memref_slice %arg5[%dma_start3A_180, %dma_start3A_181] : memref<128x16xf32, #tpu.memory_space<vmem>> -> memref<125x16xf32, #tpu.memory_space<vmem>>
      %dma_start3A_183 = arith.constant 0 : i32
      %dma_start3A_184 = tpu.memref_slice %arg4[%add3A_179, %dma_start3A_183] : memref<80x125xi32, #tpu.memory_space<vmem>> -> memref<1x125xi32, #tpu.memory_space<vmem>>
      %dma_start3A_185 = tpu.memref_squeeze %dma_start3A_184 : memref<1x125xi32, #tpu.memory_space<vmem>> -> memref<125xi32, #tpu.memory_space<vmem>>
      %dma_start3A_186 = arith.constant 0 : i32
      %dma_start3A_187 = arith.constant 0 : i32
      %dma_start3A_188 = tpu.memref_slice %arg6[%dma_start3A_186, %dma_start3A_187] : memref<10240x16xf32, #tpu.memory_space<vmem_shared>> -> memref<10240x16xf32, #tpu.memory_space<vmem_shared>>
      tpu.enqueue_indirect_dma source(%dma_start3A_182 : memref<125x16xf32, #tpu.memory_space<vmem>>) target(%dma_start3A_188 : memref<10240x16xf32, #tpu.memory_space<vmem_shared>>) offsets(%dma_start3A_185 : memref<125xi32, #tpu.memory_space<vmem>>) semaphore(%arg7 : memref<!tpu.dma_semaphore, #tpu.memory_space<semaphore_mem>>) {add = true}
      %dma_wait3A = arith.constant 0 : i32
      %dma_wait3A_189 = arith.constant 0 : i32
      %dma_wait3A_190 = arith.constant 0 : i32
      %dma_wait3A_191 = tpu.memref_slice %arg5[%dma_wait3A_189, %dma_wait3A_190] : memref<128x16xf32, #tpu.memory_space<vmem>> -> memref<125x16xf32, #tpu.memory_space<vmem>>
      %dma_wait3A_192 = arith.constant 0 : i32
      %dma_wait3A_193 = tpu.memref_slice %arg4[%dma_wait3A, %dma_wait3A_192] : memref<80x125xi32, #tpu.memory_space<vmem>> -> memref<1x125xi32, #tpu.memory_space<vmem>>
      %dma_wait3A_194 = tpu.memref_squeeze %dma_wait3A_193 : memref<1x125xi32, #tpu.memory_space<vmem>> -> memref<125xi32, #tpu.memory_space<vmem>>
      %dma_wait3A_195 = arith.constant 0 : i32
      %dma_wait3A_196 = arith.constant 0 : i32
      %dma_wait3A_197 = tpu.memref_slice %arg6[%dma_wait3A_195, %dma_wait3A_196] : memref<10240x16xf32, #tpu.memory_space<vmem_shared>> -> memref<10240x16xf32, #tpu.memory_space<vmem_shared>>
      tpu.wait_indirect_dma semaphore(%arg7 : memref<!tpu.dma_semaphore, #tpu.memory_space<semaphore_mem>>) src(%dma_wait3A_191 : memref<125x16xf32, #tpu.memory_space<vmem>>) dst(%dma_wait3A_197 : memref<10240x16xf32, #tpu.memory_space<vmem_shared>>)
      %dma_wait3A_198 = arith.constant 0 : i32
      %dma_wait3A_199 = arith.constant 0 : i32
      %dma_wait3A_200 = arith.constant 0 : i32
      %dma_wait3A_201 = tpu.memref_slice %arg5[%dma_wait3A_199, %dma_wait3A_200] : memref<128x16xf32, #tpu.memory_space<vmem>> -> memref<125x16xf32, #tpu.memory_space<vmem>>
      %dma_wait3A_202 = arith.constant 0 : i32
      %dma_wait3A_203 = tpu.memref_slice %arg4[%dma_wait3A_198, %dma_wait3A_202] : memref<80x125xi32, #tpu.memory_space<vmem>> -> memref<1x125xi32, #tpu.memory_space<vmem>>
      %dma_wait3A_204 = tpu.memref_squeeze %dma_wait3A_203 : memref<1x125xi32, #tpu.memory_space<vmem>> -> memref<125xi32, #tpu.memory_space<vmem>>
      %dma_wait3A_205 = arith.constant 0 : i32
      %dma_wait3A_206 = arith.constant 0 : i32
      %dma_wait3A_207 = tpu.memref_slice %arg6[%dma_wait3A_205, %dma_wait3A_206] : memref<10240x16xf32, #tpu.memory_space<vmem_shared>> -> memref<10240x16xf32, #tpu.memory_space<vmem_shared>>
      tpu.wait_indirect_dma semaphore(%arg7 : memref<!tpu.dma_semaphore, #tpu.memory_space<semaphore_mem>>) src(%dma_wait3A_201 : memref<125x16xf32, #tpu.memory_space<vmem>>) dst(%dma_wait3A_207 : memref<10240x16xf32, #tpu.memory_space<vmem_shared>>)
      %dma_wait3A_208 = arith.constant 0 : i32
      %dma_wait3A_209 = arith.constant 0 : i32
      %dma_wait3A_210 = arith.constant 0 : i32
      %dma_wait3A_211 = tpu.memref_slice %arg5[%dma_wait3A_209, %dma_wait3A_210] : memref<128x16xf32, #tpu.memory_space<vmem>> -> memref<125x16xf32, #tpu.memory_space<vmem>>
      %dma_wait3A_212 = arith.constant 0 : i32
      %dma_wait3A_213 = tpu.memref_slice %arg4[%dma_wait3A_208, %dma_wait3A_212] : memref<80x125xi32, #tpu.memory_space<vmem>> -> memref<1x125xi32, #tpu.memory_space<vmem>>
      %dma_wait3A_214 = tpu.memref_squeeze %dma_wait3A_213 : memref<1x125xi32, #tpu.memory_space<vmem>> -> memref<125xi32, #tpu.memory_space<vmem>>
      %dma_wait3A_215 = arith.constant 0 : i32
      %dma_wait3A_216 = arith.constant 0 : i32
      %dma_wait3A_217 = tpu.memref_slice %arg6[%dma_wait3A_215, %dma_wait3A_216] : memref<10240x16xf32, #tpu.memory_space<vmem_shared>> -> memref<10240x16xf32, #tpu.memory_space<vmem_shared>>
      tpu.wait_indirect_dma semaphore(%arg7 : memref<!tpu.dma_semaphore, #tpu.memory_space<semaphore_mem>>) src(%dma_wait3A_211 : memref<125x16xf32, #tpu.memory_space<vmem>>) dst(%dma_wait3A_217 : memref<10240x16xf32, #tpu.memory_space<vmem_shared>>)
      %dma_wait3A_218 = arith.constant 0 : i32
      %dma_wait3A_219 = arith.constant 0 : i32
      %dma_wait3A_220 = arith.constant 0 : i32
      %dma_wait3A_221 = tpu.memref_slice %arg5[%dma_wait3A_219, %dma_wait3A_220] : memref<128x16xf32, #tpu.memory_space<vmem>> -> memref<125x16xf32, #tpu.memory_space<vmem>>
      %dma_wait3A_222 = arith.constant 0 : i32
      %dma_wait3A_223 = tpu.memref_slice %arg4[%dma_wait3A_218, %dma_wait3A_222] : memref<80x125xi32, #tpu.memory_space<vmem>> -> memref<1x125xi32, #tpu.memory_space<vmem>>
      %dma_wait3A_224 = tpu.memref_squeeze %dma_wait3A_223 : memref<1x125xi32, #tpu.memory_space<vmem>> -> memref<125xi32, #tpu.memory_space<vmem>>
      %dma_wait3A_225 = arith.constant 0 : i32
      %dma_wait3A_226 = arith.constant 0 : i32
      %dma_wait3A_227 = tpu.memref_slice %arg6[%dma_wait3A_225, %dma_wait3A_226] : memref<10240x16xf32, #tpu.memory_space<vmem_shared>> -> memref<10240x16xf32, #tpu.memory_space<vmem_shared>>
      tpu.wait_indirect_dma semaphore(%arg7 : memref<!tpu.dma_semaphore, #tpu.memory_space<semaphore_mem>>) src(%dma_wait3A_221 : memref<125x16xf32, #tpu.memory_space<vmem>>) dst(%dma_wait3A_227 : memref<10240x16xf32, #tpu.memory_space<vmem_shared>>)
      %dma_wait3A_228 = arith.constant 0 : i32
      %dma_wait3A_229 = arith.constant 0 : i32
      %dma_wait3A_230 = arith.constant 0 : i32
      %dma_wait3A_231 = tpu.memref_slice %arg5[%dma_wait3A_229, %dma_wait3A_230] : memref<128x16xf32, #tpu.memory_space<vmem>> -> memref<125x16xf32, #tpu.memory_space<vmem>>
      %dma_wait3A_232 = arith.constant 0 : i32
      %dma_wait3A_233 = tpu.memref_slice %arg4[%dma_wait3A_228, %dma_wait3A_232] : memref<80x125xi32, #tpu.memory_space<vmem>> -> memref<1x125xi32, #tpu.memory_space<vmem>>
      %dma_wait3A_234 = tpu.memref_squeeze %dma_wait3A_233 : memref<1x125xi32, #tpu.memory_space<vmem>> -> memref<125xi32, #tpu.memory_space<vmem>>
      %dma_wait3A_235 = arith.constant 0 : i32
      %dma_wait3A_236 = arith.constant 0 : i32
      %dma_wait3A_237 = tpu.memref_slice %arg6[%dma_wait3A_235, %dma_wait3A_236] : memref<10240x16xf32, #tpu.memory_space<vmem_shared>> -> memref<10240x16xf32, #tpu.memory_space<vmem_shared>>
      tpu.wait_indirect_dma semaphore(%arg7 : memref<!tpu.dma_semaphore, #tpu.memory_space<semaphore_mem>>) src(%dma_wait3A_231 : memref<125x16xf32, #tpu.memory_space<vmem>>) dst(%dma_wait3A_237 : memref<10240x16xf32, #tpu.memory_space<vmem_shared>>)
      %dma_wait3A_238 = arith.constant 0 : i32
      %dma_wait3A_239 = arith.constant 0 : i32
      %dma_wait3A_240 = arith.constant 0 : i32
      %dma_wait3A_241 = tpu.memref_slice %arg5[%dma_wait3A_239, %dma_wait3A_240] : memref<128x16xf32, #tpu.memory_space<vmem>> -> memref<125x16xf32, #tpu.memory_space<vmem>>
      %dma_wait3A_242 = arith.constant 0 : i32
      %dma_wait3A_243 = tpu.memref_slice %arg4[%dma_wait3A_238, %dma_wait3A_242] : memref<80x125xi32, #tpu.memory_space<vmem>> -> memref<1x125xi32, #tpu.memory_space<vmem>>
      %dma_wait3A_244 = tpu.memref_squeeze %dma_wait3A_243 : memref<1x125xi32, #tpu.memory_space<vmem>> -> memref<125xi32, #tpu.memory_space<vmem>>
      %dma_wait3A_245 = arith.constant 0 : i32
      %dma_wait3A_246 = arith.constant 0 : i32
      %dma_wait3A_247 = tpu.memref_slice %arg6[%dma_wait3A_245, %dma_wait3A_246] : memref<10240x16xf32, #tpu.memory_space<vmem_shared>> -> memref<10240x16xf32, #tpu.memory_space<vmem_shared>>
      tpu.wait_indirect_dma semaphore(%arg7 : memref<!tpu.dma_semaphore, #tpu.memory_space<semaphore_mem>>) src(%dma_wait3A_241 : memref<125x16xf32, #tpu.memory_space<vmem>>) dst(%dma_wait3A_247 : memref<10240x16xf32, #tpu.memory_space<vmem_shared>>)
      %dma_wait3A_248 = arith.constant 0 : i32
      %dma_wait3A_249 = arith.constant 0 : i32
      %dma_wait3A_250 = arith.constant 0 : i32
      %dma_wait3A_251 = tpu.memref_slice %arg5[%dma_wait3A_249, %dma_wait3A_250] : memref<128x16xf32, #tpu.memory_space<vmem>> -> memref<125x16xf32, #tpu.memory_space<vmem>>
      %dma_wait3A_252 = arith.constant 0 : i32
      %dma_wait3A_253 = tpu.memref_slice %arg4[%dma_wait3A_248, %dma_wait3A_252] : memref<80x125xi32, #tpu.memory_space<vmem>> -> memref<1x125xi32, #tpu.memory_space<vmem>>
      %dma_wait3A_254 = tpu.memref_squeeze %dma_wait3A_253 : memref<1x125xi32, #tpu.memory_space<vmem>> -> memref<125xi32, #tpu.memory_space<vmem>>
      %dma_wait3A_255 = arith.constant 0 : i32
      %dma_wait3A_256 = arith.constant 0 : i32
      %dma_wait3A_257 = tpu.memref_slice %arg6[%dma_wait3A_255, %dma_wait3A_256] : memref<10240x16xf32, #tpu.memory_space<vmem_shared>> -> memref<10240x16xf32, #tpu.memory_space<vmem_shared>>
      tpu.wait_indirect_dma semaphore(%arg7 : memref<!tpu.dma_semaphore, #tpu.memory_space<semaphore_mem>>) src(%dma_wait3A_251 : memref<125x16xf32, #tpu.memory_space<vmem>>) dst(%dma_wait3A_257 : memref<10240x16xf32, #tpu.memory_space<vmem_shared>>)
      %dma_wait3A_258 = arith.constant 0 : i32
      %dma_wait3A_259 = arith.constant 0 : i32
      %dma_wait3A_260 = arith.constant 0 : i32
      %dma_wait3A_261 = tpu.memref_slice %arg5[%dma_wait3A_259, %dma_wait3A_260] : memref<128x16xf32, #tpu.memory_space<vmem>> -> memref<125x16xf32, #tpu.memory_space<vmem>>
      %dma_wait3A_262 = arith.constant 0 : i32
      %dma_wait3A_263 = tpu.memref_slice %arg4[%dma_wait3A_258, %dma_wait3A_262] : memref<80x125xi32, #tpu.memory_space<vmem>> -> memref<1x125xi32, #tpu.memory_space<vmem>>
      %dma_wait3A_264 = tpu.memref_squeeze %dma_wait3A_263 : memref<1x125xi32, #tpu.memory_space<vmem>> -> memref<125xi32, #tpu.memory_space<vmem>>
      %dma_wait3A_265 = arith.constant 0 : i32
      %dma_wait3A_266 = arith.constant 0 : i32
      %dma_wait3A_267 = tpu.memref_slice %arg6[%dma_wait3A_265, %dma_wait3A_266] : memref<10240x16xf32, #tpu.memory_space<vmem_shared>> -> memref<10240x16xf32, #tpu.memory_space<vmem_shared>>
      tpu.wait_indirect_dma semaphore(%arg7 : memref<!tpu.dma_semaphore, #tpu.memory_space<semaphore_mem>>) src(%dma_wait3A_261 : memref<125x16xf32, #tpu.memory_space<vmem>>) dst(%dma_wait3A_267 : memref<10240x16xf32, #tpu.memory_space<vmem_shared>>)
    }
    %scan3A_38 = arith.constant 10 : i32
    %barrier3A_39 = arith.constant 0 : index
    tpu.barrier barrier_id(%barrier3A_39)
    %mul3A_40 = arith.constant 640 : i32
    %mul3A_41 = arith.muli %arg1, %mul3A_40 : i32
    %add3A_42 = arith.constant 0 : i32
    %add3A_43 = arith.addi %mul3A_41, %add3A_42 : i32
    %multiple_of3A_44 = tpu.assume_multiple %add3A_43, 128 : i32
    "tpu.region"() ({
      %run_scoped3A = tpu.sem_alloc : memref<!tpu.dma_semaphore, #tpu.memory_space<semaphore_mem>>
      %dma_start3A = arith.constant 0 : i32
      %dma_start3A_85 = tpu.memref_slice %arg6[%multiple_of3A_44, %dma_start3A] : memref<10240x16xf32, #tpu.memory_space<vmem_shared>> -> memref<128x16xf32, #tpu.memory_space<vmem_shared>>
      %dma_start3A_86 = arith.constant 0 : i32
      %dma_start3A_87 = tpu.memref_slice %arg6[%multiple_of3A_44, %dma_start3A_86] : memref<10240x16xf32, #tpu.memory_space<vmem_shared>> -> memref<128x16xf32, #tpu.memory_space<vmem_shared>>
      tpu.enqueue_dma source(%dma_start3A_87 : memref<128x16xf32, #tpu.memory_space<vmem_shared>>) target(%arg5 : memref<128x16xf32, #tpu.memory_space<vmem>>) target_semaphore(%run_scoped3A : memref<!tpu.dma_semaphore, #tpu.memory_space<semaphore_mem>>)
      %dma_wait3A = arith.constant 0 : i32
      %dma_wait3A_88 = tpu.memref_slice %arg6[%multiple_of3A_44, %dma_wait3A] : memref<10240x16xf32, #tpu.memory_space<vmem_shared>> -> memref<128x16xf32, #tpu.memory_space<vmem_shared>>
      %dma_wait3A_89 = arith.constant 0 : i32
      %dma_wait3A_90 = tpu.memref_slice %arg6[%multiple_of3A_44, %dma_wait3A_89] : memref<10240x16xf32, #tpu.memory_space<vmem_shared>> -> memref<128x16xf32, #tpu.memory_space<vmem_shared>>
      tpu.wait_dma2 semaphore(%run_scoped3A : memref<!tpu.dma_semaphore, #tpu.memory_space<semaphore_mem>>) src(%dma_wait3A_90 : memref<128x16xf32, #tpu.memory_space<vmem_shared>>) dst(%arg5 : memref<128x16xf32, #tpu.memory_space<vmem>>)
      tpu.yield
    }) : () -> ()
    %mul3A_45 = arith.constant 640 : i32
    %mul3A_46 = arith.muli %arg1, %mul3A_45 : i32
    %add3A_47 = arith.constant 0 : i32
    %add3A_48 = arith.addi %mul3A_46, %add3A_47 : i32
    "tpu.region"() ({
      %run_scoped3A = tpu.sem_alloc : memref<!tpu.dma_semaphore, #tpu.memory_space<semaphore_mem>>
      %dma_start3A = arith.constant 0 : i32
      %dma_start3A_85 = tpu.memref_slice %arg3[%arg0, %add3A_48, %dma_start3A] : memref<2x10240x16xf32, #tpu.memory_space<hbm>> -> memref<1x128x16xf32, #tpu.memory_space<hbm>>
      %dma_start3A_86 = tpu.memref_squeeze %dma_start3A_85 : memref<1x128x16xf32, #tpu.memory_space<hbm>> -> memref<128x16xf32, #tpu.memory_space<hbm>>
      %dma_start3A_87 = arith.constant 0 : i32
      %dma_start3A_88 = tpu.memref_slice %arg3[%arg0, %add3A_48, %dma_start3A_87] : memref<2x10240x16xf32, #tpu.memory_space<hbm>> -> memref<1x128x16xf32, #tpu.memory_space<hbm>>
      %dma_start3A_89 = tpu.memref_squeeze %dma_start3A_88 : memref<1x128x16xf32, #tpu.memory_space<hbm>> -> memref<128x16xf32, #tpu.memory_space<hbm>>
      tpu.enqueue_dma source(%arg5 : memref<128x16xf32, #tpu.memory_space<vmem>>) target(%dma_start3A_89 : memref<128x16xf32, #tpu.memory_space<hbm>>) target_semaphore(%run_scoped3A : memref<!tpu.dma_semaphore, #tpu.memory_space<semaphore_mem>>)
      %dma_wait3A = arith.constant 0 : i32
      %dma_wait3A_90 = tpu.memref_slice %arg3[%arg0, %add3A_48, %dma_wait3A] : memref<2x10240x16xf32, #tpu.memory_space<hbm>> -> memref<1x128x16xf32, #tpu.memory_space<hbm>>
      %dma_wait3A_91 = tpu.memref_squeeze %dma_wait3A_90 : memref<1x128x16xf32, #tpu.memory_space<hbm>> -> memref<128x16xf32, #tpu.memory_space<hbm>>
      %dma_wait3A_92 = arith.constant 0 : i32
      %dma_wait3A_93 = tpu.memref_slice %arg3[%arg0, %add3A_48, %dma_wait3A_92] : memref<2x10240x16xf32, #tpu.memory_space<hbm>> -> memref<1x128x16xf32, #tpu.memory_space<hbm>>
      %dma_wait3A_94 = tpu.memref_squeeze %dma_wait3A_93 : memref<1x128x16xf32, #tpu.memory_space<hbm>> -> memref<128x16xf32, #tpu.memory_space<hbm>>
      tpu.wait_dma2 semaphore(%run_scoped3A : memref<!tpu.dma_semaphore, #tpu.memory_space<semaphore_mem>>) src(%arg5 : memref<128x16xf32, #tpu.memory_space<vmem>>) dst(%dma_wait3A_94 : memref<128x16xf32, #tpu.memory_space<hbm>>)
      tpu.yield
    }) : () -> ()
    %mul3A_49 = arith.constant 640 : i32
    %mul3A_50 = arith.muli %arg1, %mul3A_49 : i32
    %add3A_51 = arith.constant 128 : i32
    %add3A_52 = arith.addi %mul3A_50, %add3A_51 : i32
    %multiple_of3A_53 = tpu.assume_multiple %add3A_52, 128 : i32
    "tpu.region"() ({
      %run_scoped3A = tpu.sem_alloc : memref<!tpu.dma_semaphore, #tpu.memory_space<semaphore_mem>>
      %dma_start3A = arith.constant 0 : i32
      %dma_start3A_85 = tpu.memref_slice %arg6[%multiple_of3A_53, %dma_start3A] : memref<10240x16xf32, #tpu.memory_space<vmem_shared>> -> memref<128x16xf32, #tpu.memory_space<vmem_shared>>
      %dma_start3A_86 = arith.constant 0 : i32
      %dma_start3A_87 = tpu.memref_slice %arg6[%multiple_of3A_53, %dma_start3A_86] : memref<10240x16xf32, #tpu.memory_space<vmem_shared>> -> memref<128x16xf32, #tpu.memory_space<vmem_shared>>
      tpu.enqueue_dma source(%dma_start3A_87 : memref<128x16xf32, #tpu.memory_space<vmem_shared>>) target(%arg5 : memref<128x16xf32, #tpu.memory_space<vmem>>) target_semaphore(%run_scoped3A : memref<!tpu.dma_semaphore, #tpu.memory_space<semaphore_mem>>)
      %dma_wait3A = arith.constant 0 : i32
      %dma_wait3A_88 = tpu.memref_slice %arg6[%multiple_of3A_53, %dma_wait3A] : memref<10240x16xf32, #tpu.memory_space<vmem_shared>> -> memref<128x16xf32, #tpu.memory_space<vmem_shared>>
      %dma_wait3A_89 = arith.constant 0 : i32
      %dma_wait3A_90 = tpu.memref_slice %arg6[%multiple_of3A_53, %dma_wait3A_89] : memref<10240x16xf32, #tpu.memory_space<vmem_shared>> -> memref<128x16xf32, #tpu.memory_space<vmem_shared>>
      tpu.wait_dma2 semaphore(%run_scoped3A : memref<!tpu.dma_semaphore, #tpu.memory_space<semaphore_mem>>) src(%dma_wait3A_90 : memref<128x16xf32, #tpu.memory_space<vmem_shared>>) dst(%arg5 : memref<128x16xf32, #tpu.memory_space<vmem>>)
      tpu.yield
    }) : () -> ()
    %mul3A_54 = arith.constant 640 : i32
    %mul3A_55 = arith.muli %arg1, %mul3A_54 : i32
    %add3A_56 = arith.constant 128 : i32
    %add3A_57 = arith.addi %mul3A_55, %add3A_56 : i32
    "tpu.region"() ({
      %run_scoped3A = tpu.sem_alloc : memref<!tpu.dma_semaphore, #tpu.memory_space<semaphore_mem>>
      %dma_start3A = arith.constant 0 : i32
      %dma_start3A_85 = tpu.memref_slice %arg3[%arg0, %add3A_57, %dma_start3A] : memref<2x10240x16xf32, #tpu.memory_space<hbm>> -> memref<1x128x16xf32, #tpu.memory_space<hbm>>
      %dma_start3A_86 = tpu.memref_squeeze %dma_start3A_85 : memref<1x128x16xf32, #tpu.memory_space<hbm>> -> memref<128x16xf32, #tpu.memory_space<hbm>>
      %dma_start3A_87 = arith.constant 0 : i32
      %dma_start3A_88 = tpu.memref_slice %arg3[%arg0, %add3A_57, %dma_start3A_87] : memref<2x10240x16xf32, #tpu.memory_space<hbm>> -> memref<1x128x16xf32, #tpu.memory_space<hbm>>
      %dma_start3A_89 = tpu.memref_squeeze %dma_start3A_88 : memref<1x128x16xf32, #tpu.memory_space<hbm>> -> memref<128x16xf32, #tpu.memory_space<hbm>>
      tpu.enqueue_dma source(%arg5 : memref<128x16xf32, #tpu.memory_space<vmem>>) target(%dma_start3A_89 : memref<128x16xf32, #tpu.memory_space<hbm>>) target_semaphore(%run_scoped3A : memref<!tpu.dma_semaphore, #tpu.memory_space<semaphore_mem>>)
      %dma_wait3A = arith.constant 0 : i32
      %dma_wait3A_90 = tpu.memref_slice %arg3[%arg0, %add3A_57, %dma_wait3A] : memref<2x10240x16xf32, #tpu.memory_space<hbm>> -> memref<1x128x16xf32, #tpu.memory_space<hbm>>
      %dma_wait3A_91 = tpu.memref_squeeze %dma_wait3A_90 : memref<1x128x16xf32, #tpu.memory_space<hbm>> -> memref<128x16xf32, #tpu.memory_space<hbm>>
      %dma_wait3A_92 = arith.constant 0 : i32
      %dma_wait3A_93 = tpu.memref_slice %arg3[%arg0, %add3A_57, %dma_wait3A_92] : memref<2x10240x16xf32, #tpu.memory_space<hbm>> -> memref<1x128x16xf32, #tpu.memory_space<hbm>>
      %dma_wait3A_94 = tpu.memref_squeeze %dma_wait3A_93 : memref<1x128x16xf32, #tpu.memory_space<hbm>> -> memref<128x16xf32, #tpu.memory_space<hbm>>
      tpu.wait_dma2 semaphore(%run_scoped3A : memref<!tpu.dma_semaphore, #tpu.memory_space<semaphore_mem>>) src(%arg5 : memref<128x16xf32, #tpu.memory_space<vmem>>) dst(%dma_wait3A_94 : memref<128x16xf32, #tpu.memory_space<hbm>>)
      tpu.yield
    }) : () -> ()
    %mul3A_58 = arith.constant 640 : i32
    %mul3A_59 = arith.muli %arg1, %mul3A_58 : i32
    %add3A_60 = arith.constant 256 : i32
    %add3A_61 = arith.addi %mul3A_59, %add3A_60 : i32
    %multiple_of3A_62 = tpu.assume_multiple %add3A_61, 128 : i32
    "tpu.region"() ({
      %run_scoped3A = tpu.sem_alloc : memref<!tpu.dma_semaphore, #tpu.memory_space<semaphore_mem>>
      %dma_start3A = arith.constant 0 : i32
      %dma_start3A_85 = tpu.memref_slice %arg6[%multiple_of3A_62, %dma_start3A] : memref<10240x16xf32, #tpu.memory_space<vmem_shared>> -> memref<128x16xf32, #tpu.memory_space<vmem_shared>>
      %dma_start3A_86 = arith.constant 0 : i32
      %dma_start3A_87 = tpu.memref_slice %arg6[%multiple_of3A_62, %dma_start3A_86] : memref<10240x16xf32, #tpu.memory_space<vmem_shared>> -> memref<128x16xf32, #tpu.memory_space<vmem_shared>>
      tpu.enqueue_dma source(%dma_start3A_87 : memref<128x16xf32, #tpu.memory_space<vmem_shared>>) target(%arg5 : memref<128x16xf32, #tpu.memory_space<vmem>>) target_semaphore(%run_scoped3A : memref<!tpu.dma_semaphore, #tpu.memory_space<semaphore_mem>>)
      %dma_wait3A = arith.constant 0 : i32
      %dma_wait3A_88 = tpu.memref_slice %arg6[%multiple_of3A_62, %dma_wait3A] : memref<10240x16xf32, #tpu.memory_space<vmem_shared>> -> memref<128x16xf32, #tpu.memory_space<vmem_shared>>
      %dma_wait3A_89 = arith.constant 0 : i32
      %dma_wait3A_90 = tpu.memref_slice %arg6[%multiple_of3A_62, %dma_wait3A_89] : memref<10240x16xf32, #tpu.memory_space<vmem_shared>> -> memref<128x16xf32, #tpu.memory_space<vmem_shared>>
      tpu.wait_dma2 semaphore(%run_scoped3A : memref<!tpu.dma_semaphore, #tpu.memory_space<semaphore_mem>>) src(%dma_wait3A_90 : memref<128x16xf32, #tpu.memory_space<vmem_shared>>) dst(%arg5 : memref<128x16xf32, #tpu.memory_space<vmem>>)
      tpu.yield
    }) : () -> ()
    %mul3A_63 = arith.constant 640 : i32
    %mul3A_64 = arith.muli %arg1, %mul3A_63 : i32
    %add3A_65 = arith.constant 256 : i32
    %add3A_66 = arith.addi %mul3A_64, %add3A_65 : i32
    "tpu.region"() ({
      %run_scoped3A = tpu.sem_alloc : memref<!tpu.dma_semaphore, #tpu.memory_space<semaphore_mem>>
      %dma_start3A = arith.constant 0 : i32
      %dma_start3A_85 = tpu.memref_slice %arg3[%arg0, %add3A_66, %dma_start3A] : memref<2x10240x16xf32, #tpu.memory_space<hbm>> -> memref<1x128x16xf32, #tpu.memory_space<hbm>>
      %dma_start3A_86 = tpu.memref_squeeze %dma_start3A_85 : memref<1x128x16xf32, #tpu.memory_space<hbm>> -> memref<128x16xf32, #tpu.memory_space<hbm>>
      %dma_start3A_87 = arith.constant 0 : i32
      %dma_start3A_88 = tpu.memref_slice %arg3[%arg0, %add3A_66, %dma_start3A_87] : memref<2x10240x16xf32, #tpu.memory_space<hbm>> -> memref<1x128x16xf32, #tpu.memory_space<hbm>>
      %dma_start3A_89 = tpu.memref_squeeze %dma_start3A_88 : memref<1x128x16xf32, #tpu.memory_space<hbm>> -> memref<128x16xf32, #tpu.memory_space<hbm>>
      tpu.enqueue_dma source(%arg5 : memref<128x16xf32, #tpu.memory_space<vmem>>) target(%dma_start3A_89 : memref<128x16xf32, #tpu.memory_space<hbm>>) target_semaphore(%run_scoped3A : memref<!tpu.dma_semaphore, #tpu.memory_space<semaphore_mem>>)
      %dma_wait3A = arith.constant 0 : i32
      %dma_wait3A_90 = tpu.memref_slice %arg3[%arg0, %add3A_66, %dma_wait3A] : memref<2x10240x16xf32, #tpu.memory_space<hbm>> -> memref<1x128x16xf32, #tpu.memory_space<hbm>>
      %dma_wait3A_91 = tpu.memref_squeeze %dma_wait3A_90 : memref<1x128x16xf32, #tpu.memory_space<hbm>> -> memref<128x16xf32, #tpu.memory_space<hbm>>
      %dma_wait3A_92 = arith.constant 0 : i32
      %dma_wait3A_93 = tpu.memref_slice %arg3[%arg0, %add3A_66, %dma_wait3A_92] : memref<2x10240x16xf32, #tpu.memory_space<hbm>> -> memref<1x128x16xf32, #tpu.memory_space<hbm>>
      %dma_wait3A_94 = tpu.memref_squeeze %dma_wait3A_93 : memref<1x128x16xf32, #tpu.memory_space<hbm>> -> memref<128x16xf32, #tpu.memory_space<hbm>>
      tpu.wait_dma2 semaphore(%run_scoped3A : memref<!tpu.dma_semaphore, #tpu.memory_space<semaphore_mem>>) src(%arg5 : memref<128x16xf32, #tpu.memory_space<vmem>>) dst(%dma_wait3A_94 : memref<128x16xf32, #tpu.memory_space<hbm>>)
      tpu.yield
    }) : () -> ()
    %mul3A_67 = arith.constant 640 : i32
    %mul3A_68 = arith.muli %arg1, %mul3A_67 : i32
    %add3A_69 = arith.constant 384 : i32
    %add3A_70 = arith.addi %mul3A_68, %add3A_69 : i32
    %multiple_of3A_71 = tpu.assume_multiple %add3A_70, 128 : i32
    "tpu.region"() ({
      %run_scoped3A = tpu.sem_alloc : memref<!tpu.dma_semaphore, #tpu.memory_space<semaphore_mem>>
      %dma_start3A = arith.constant 0 : i32
      %dma_start3A_85 = tpu.memref_slice %arg6[%multiple_of3A_71, %dma_start3A] : memref<10240x16xf32, #tpu.memory_space<vmem_shared>> -> memref<128x16xf32, #tpu.memory_space<vmem_shared>>
      %dma_start3A_86 = arith.constant 0 : i32
      %dma_start3A_87 = tpu.memref_slice %arg6[%multiple_of3A_71, %dma_start3A_86] : memref<10240x16xf32, #tpu.memory_space<vmem_shared>> -> memref<128x16xf32, #tpu.memory_space<vmem_shared>>
      tpu.enqueue_dma source(%dma_start3A_87 : memref<128x16xf32, #tpu.memory_space<vmem_shared>>) target(%arg5 : memref<128x16xf32, #tpu.memory_space<vmem>>) target_semaphore(%run_scoped3A : memref<!tpu.dma_semaphore, #tpu.memory_space<semaphore_mem>>)
      %dma_wait3A = arith.constant 0 : i32
      %dma_wait3A_88 = tpu.memref_slice %arg6[%multiple_of3A_71, %dma_wait3A] : memref<10240x16xf32, #tpu.memory_space<vmem_shared>> -> memref<128x16xf32, #tpu.memory_space<vmem_shared>>
      %dma_wait3A_89 = arith.constant 0 : i32
      %dma_wait3A_90 = tpu.memref_slice %arg6[%multiple_of3A_71, %dma_wait3A_89] : memref<10240x16xf32, #tpu.memory_space<vmem_shared>> -> memref<128x16xf32, #tpu.memory_space<vmem_shared>>
      tpu.wait_dma2 semaphore(%run_scoped3A : memref<!tpu.dma_semaphore, #tpu.memory_space<semaphore_mem>>) src(%dma_wait3A_90 : memref<128x16xf32, #tpu.memory_space<vmem_shared>>) dst(%arg5 : memref<128x16xf32, #tpu.memory_space<vmem>>)
      tpu.yield
    }) : () -> ()
    %mul3A_72 = arith.constant 640 : i32
    %mul3A_73 = arith.muli %arg1, %mul3A_72 : i32
    %add3A_74 = arith.constant 384 : i32
    %add3A_75 = arith.addi %mul3A_73, %add3A_74 : i32
    "tpu.region"() ({
      %run_scoped3A = tpu.sem_alloc : memref<!tpu.dma_semaphore, #tpu.memory_space<semaphore_mem>>
      %dma_start3A = arith.constant 0 : i32
      %dma_start3A_85 = tpu.memref_slice %arg3[%arg0, %add3A_75, %dma_start3A] : memref<2x10240x16xf32, #tpu.memory_space<hbm>> -> memref<1x128x16xf32, #tpu.memory_space<hbm>>
      %dma_start3A_86 = tpu.memref_squeeze %dma_start3A_85 : memref<1x128x16xf32, #tpu.memory_space<hbm>> -> memref<128x16xf32, #tpu.memory_space<hbm>>
      %dma_start3A_87 = arith.constant 0 : i32
      %dma_start3A_88 = tpu.memref_slice %arg3[%arg0, %add3A_75, %dma_start3A_87] : memref<2x10240x16xf32, #tpu.memory_space<hbm>> -> memref<1x128x16xf32, #tpu.memory_space<hbm>>
      %dma_start3A_89 = tpu.memref_squeeze %dma_start3A_88 : memref<1x128x16xf32, #tpu.memory_space<hbm>> -> memref<128x16xf32, #tpu.memory_space<hbm>>
      tpu.enqueue_dma source(%arg5 : memref<128x16xf32, #tpu.memory_space<vmem>>) target(%dma_start3A_89 : memref<128x16xf32, #tpu.memory_space<hbm>>) target_semaphore(%run_scoped3A : memref<!tpu.dma_semaphore, #tpu.memory_space<semaphore_mem>>)
      %dma_wait3A = arith.constant 0 : i32
      %dma_wait3A_90 = tpu.memref_slice %arg3[%arg0, %add3A_75, %dma_wait3A] : memref<2x10240x16xf32, #tpu.memory_space<hbm>> -> memref<1x128x16xf32, #tpu.memory_space<hbm>>
      %dma_wait3A_91 = tpu.memref_squeeze %dma_wait3A_90 : memref<1x128x16xf32, #tpu.memory_space<hbm>> -> memref<128x16xf32, #tpu.memory_space<hbm>>
      %dma_wait3A_92 = arith.constant 0 : i32
      %dma_wait3A_93 = tpu.memref_slice %arg3[%arg0, %add3A_75, %dma_wait3A_92] : memref<2x10240x16xf32, #tpu.memory_space<hbm>> -> memref<1x128x16xf32, #tpu.memory_space<hbm>>
      %dma_wait3A_94 = tpu.memref_squeeze %dma_wait3A_93 : memref<1x128x16xf32, #tpu.memory_space<hbm>> -> memref<128x16xf32, #tpu.memory_space<hbm>>
      tpu.wait_dma2 semaphore(%run_scoped3A : memref<!tpu.dma_semaphore, #tpu.memory_space<semaphore_mem>>) src(%arg5 : memref<128x16xf32, #tpu.memory_space<vmem>>) dst(%dma_wait3A_94 : memref<128x16xf32, #tpu.memory_space<hbm>>)
      tpu.yield
    }) : () -> ()
    %mul3A_76 = arith.constant 640 : i32
    %mul3A_77 = arith.muli %arg1, %mul3A_76 : i32
    %add3A_78 = arith.constant 512 : i32
    %add3A_79 = arith.addi %mul3A_77, %add3A_78 : i32
    %multiple_of3A_80 = tpu.assume_multiple %add3A_79, 128 : i32
    "tpu.region"() ({
      %run_scoped3A = tpu.sem_alloc : memref<!tpu.dma_semaphore, #tpu.memory_space<semaphore_mem>>
      %dma_start3A = arith.constant 0 : i32
      %dma_start3A_85 = tpu.memref_slice %arg6[%multiple_of3A_80, %dma_start3A] : memref<10240x16xf32, #tpu.memory_space<vmem_shared>> -> memref<128x16xf32, #tpu.memory_space<vmem_shared>>
      %dma_start3A_86 = arith.constant 0 : i32
      %dma_start3A_87 = tpu.memref_slice %arg6[%multiple_of3A_80, %dma_start3A_86] : memref<10240x16xf32, #tpu.memory_space<vmem_shared>> -> memref<128x16xf32, #tpu.memory_space<vmem_shared>>
      tpu.enqueue_dma source(%dma_start3A_87 : memref<128x16xf32, #tpu.memory_space<vmem_shared>>) target(%arg5 : memref<128x16xf32, #tpu.memory_space<vmem>>) target_semaphore(%run_scoped3A : memref<!tpu.dma_semaphore, #tpu.memory_space<semaphore_mem>>)
      %dma_wait3A = arith.constant 0 : i32
      %dma_wait3A_88 = tpu.memref_slice %arg6[%multiple_of3A_80, %dma_wait3A] : memref<10240x16xf32, #tpu.memory_space<vmem_shared>> -> memref<128x16xf32, #tpu.memory_space<vmem_shared>>
      %dma_wait3A_89 = arith.constant 0 : i32
      %dma_wait3A_90 = tpu.memref_slice %arg6[%multiple_of3A_80, %dma_wait3A_89] : memref<10240x16xf32, #tpu.memory_space<vmem_shared>> -> memref<128x16xf32, #tpu.memory_space<vmem_shared>>
      tpu.wait_dma2 semaphore(%run_scoped3A : memref<!tpu.dma_semaphore, #tpu.memory_space<semaphore_mem>>) src(%dma_wait3A_90 : memref<128x16xf32, #tpu.memory_space<vmem_shared>>) dst(%arg5 : memref<128x16xf32, #tpu.memory_space<vmem>>)
      tpu.yield
    }) : () -> ()
    %mul3A_81 = arith.constant 640 : i32
    %mul3A_82 = arith.muli %arg1, %mul3A_81 : i32
    %add3A_83 = arith.constant 512 : i32
    %add3A_84 = arith.addi %mul3A_82, %add3A_83 : i32
    "tpu.region"() ({
      %run_scoped3A = tpu.sem_alloc : memref<!tpu.dma_semaphore, #tpu.memory_space<semaphore_mem>>
      %dma_start3A = arith.constant 0 : i32
      %dma_start3A_85 = tpu.memref_slice %arg3[%arg0, %add3A_84, %dma_start3A] : memref<2x10240x16xf32, #tpu.memory_space<hbm>> -> memref<1x128x16xf32, #tpu.memory_space<hbm>>
      %dma_start3A_86 = tpu.memref_squeeze %dma_start3A_85 : memref<1x128x16xf32, #tpu.memory_space<hbm>> -> memref<128x16xf32, #tpu.memory_space<hbm>>
      %dma_start3A_87 = arith.constant 0 : i32
      %dma_start3A_88 = tpu.memref_slice %arg3[%arg0, %add3A_84, %dma_start3A_87] : memref<2x10240x16xf32, #tpu.memory_space<hbm>> -> memref<1x128x16xf32, #tpu.memory_space<hbm>>
      %dma_start3A_89 = tpu.memref_squeeze %dma_start3A_88 : memref<1x128x16xf32, #tpu.memory_space<hbm>> -> memref<128x16xf32, #tpu.memory_space<hbm>>
      tpu.enqueue_dma source(%arg5 : memref<128x16xf32, #tpu.memory_space<vmem>>) target(%dma_start3A_89 : memref<128x16xf32, #tpu.memory_space<hbm>>) target_semaphore(%run_scoped3A : memref<!tpu.dma_semaphore, #tpu.memory_space<semaphore_mem>>)
      %dma_wait3A = arith.constant 0 : i32
      %dma_wait3A_90 = tpu.memref_slice %arg3[%arg0, %add3A_84, %dma_wait3A] : memref<2x10240x16xf32, #tpu.memory_space<hbm>> -> memref<1x128x16xf32, #tpu.memory_space<hbm>>
      %dma_wait3A_91 = tpu.memref_squeeze %dma_wait3A_90 : memref<1x128x16xf32, #tpu.memory_space<hbm>> -> memref<128x16xf32, #tpu.memory_space<hbm>>
      %dma_wait3A_92 = arith.constant 0 : i32
      %dma_wait3A_93 = tpu.memref_slice %arg3[%arg0, %add3A_84, %dma_wait3A_92] : memref<2x10240x16xf32, #tpu.memory_space<hbm>> -> memref<1x128x16xf32, #tpu.memory_space<hbm>>
      %dma_wait3A_94 = tpu.memref_squeeze %dma_wait3A_93 : memref<1x128x16xf32, #tpu.memory_space<hbm>> -> memref<128x16xf32, #tpu.memory_space<hbm>>
      tpu.wait_dma2 semaphore(%run_scoped3A : memref<!tpu.dma_semaphore, #tpu.memory_space<semaphore_mem>>) src(%arg5 : memref<128x16xf32, #tpu.memory_space<vmem>>) dst(%dma_wait3A_94 : memref<128x16xf32, #tpu.memory_space<hbm>>)
      tpu.yield
    }) : () -> ()
    return
  }
}

#map = affine_map<(d0, d1) -> (0, 0)>
#map1 = affine_map<(d0, d1) -> (0, 0, 0)>
module attributes {stable_mosaic.version = 14 : i64} {
  func.func @_agg_body(%arg0: i32, %arg1: i32, %arg2: memref<10000x128xf32, #tpu.memory_space<hbm>>, %arg3: memref<32x80x125xi32, #tpu.memory_space<hbm>>, %arg4: memref<32x80x125xi32, #tpu.memory_space<hbm>>, %arg5: memref<2x10240x128xf32, #tpu.memory_space<hbm>>, %arg6: memref<80x125xi32, #tpu.memory_space<vmem>>, %arg7: memref<8x125xi32, #tpu.memory_space<vmem>>, %arg8: memref<128x128xf32, #tpu.memory_space<vmem>>, %arg9: memref<128x128xf32, #tpu.memory_space<vmem>>, %arg10: memref<10240x128xf32, #tpu.memory_space<vmem_shared>>, %arg11: memref<!tpu.dma_semaphore, #tpu.memory_space<semaphore_mem>>, %arg12: memref<!tpu.dma_semaphore, #tpu.memory_space<semaphore_mem>>) attributes {dimension_semantics = [#tpu.dimension_semantics<core_parallel>, #tpu.dimension_semantics<subcore_parallel>], iteration_bounds = array<i64: 2, 16>, scalar_prefetch = 0 : i64, scratch_operands = 7 : i64, tpu.core_type = #tpu.core_type<sc_vector_subcore>, window_params = [{transform_indices = #map}, {transform_indices = #map1}, {transform_indices = #map1}, {transform_indices = #map1}]} {
    %mul3A = arith.constant 2 : i32
    %mul3A_0 = arith.muli %arg1, %mul3A : i32
    %add3A = arith.addi %mul3A_0, %arg0 : i32
    "tpu.region"() ({
      %run_scoped3A = tpu.sem_alloc : memref<!tpu.dma_semaphore, #tpu.memory_space<semaphore_mem>>
      %dma_start3A_89 = arith.constant 0 : i32
      %dma_start3A_90 = arith.constant 0 : i32
      %dma_start3A_91 = tpu.memref_slice %arg3[%add3A, %dma_start3A_89, %dma_start3A_90] : memref<32x80x125xi32, #tpu.memory_space<hbm>> -> memref<1x80x125xi32, #tpu.memory_space<hbm>>
      %dma_start3A_92 = tpu.memref_squeeze %dma_start3A_91 : memref<1x80x125xi32, #tpu.memory_space<hbm>> -> memref<80x125xi32, #tpu.memory_space<hbm>>
      %dma_start3A_93 = arith.constant 0 : i32
      %dma_start3A_94 = arith.constant 0 : i32
      %dma_start3A_95 = tpu.memref_slice %arg3[%add3A, %dma_start3A_93, %dma_start3A_94] : memref<32x80x125xi32, #tpu.memory_space<hbm>> -> memref<1x80x125xi32, #tpu.memory_space<hbm>>
      %dma_start3A_96 = tpu.memref_squeeze %dma_start3A_95 : memref<1x80x125xi32, #tpu.memory_space<hbm>> -> memref<80x125xi32, #tpu.memory_space<hbm>>
      tpu.enqueue_dma source(%dma_start3A_96 : memref<80x125xi32, #tpu.memory_space<hbm>>) target(%arg6 : memref<80x125xi32, #tpu.memory_space<vmem>>) target_semaphore(%run_scoped3A : memref<!tpu.dma_semaphore, #tpu.memory_space<semaphore_mem>>)
      %dma_wait3A = arith.constant 0 : i32
      %dma_wait3A_97 = arith.constant 0 : i32
      %dma_wait3A_98 = tpu.memref_slice %arg3[%add3A, %dma_wait3A, %dma_wait3A_97] : memref<32x80x125xi32, #tpu.memory_space<hbm>> -> memref<1x80x125xi32, #tpu.memory_space<hbm>>
      %dma_wait3A_99 = tpu.memref_squeeze %dma_wait3A_98 : memref<1x80x125xi32, #tpu.memory_space<hbm>> -> memref<80x125xi32, #tpu.memory_space<hbm>>
      %dma_wait3A_100 = arith.constant 0 : i32
      %dma_wait3A_101 = arith.constant 0 : i32
      %dma_wait3A_102 = tpu.memref_slice %arg3[%add3A, %dma_wait3A_100, %dma_wait3A_101] : memref<32x80x125xi32, #tpu.memory_space<hbm>> -> memref<1x80x125xi32, #tpu.memory_space<hbm>>
      %dma_wait3A_103 = tpu.memref_squeeze %dma_wait3A_102 : memref<1x80x125xi32, #tpu.memory_space<hbm>> -> memref<80x125xi32, #tpu.memory_space<hbm>>
      tpu.wait_dma2 semaphore(%run_scoped3A : memref<!tpu.dma_semaphore, #tpu.memory_space<semaphore_mem>>) src(%dma_wait3A_103 : memref<80x125xi32, #tpu.memory_space<hbm>>) dst(%arg6 : memref<80x125xi32, #tpu.memory_space<vmem>>)
      tpu.yield
    }) : () -> ()
    "tpu.region"() ({
      %run_scoped3A = tpu.sem_alloc : memref<!tpu.dma_semaphore, #tpu.memory_space<semaphore_mem>>
      %dma_start3A_89 = arith.constant 0 : i32
      %dma_start3A_90 = arith.constant 0 : i32
      %dma_start3A_91 = tpu.memref_slice %arg4[%add3A, %dma_start3A_89, %dma_start3A_90] : memref<32x80x125xi32, #tpu.memory_space<hbm>> -> memref<1x8x125xi32, #tpu.memory_space<hbm>>
      %dma_start3A_92 = tpu.memref_squeeze %dma_start3A_91 : memref<1x8x125xi32, #tpu.memory_space<hbm>> -> memref<8x125xi32, #tpu.memory_space<hbm>>
      %dma_start3A_93 = arith.constant 0 : i32
      %dma_start3A_94 = arith.constant 0 : i32
      %dma_start3A_95 = tpu.memref_slice %arg4[%add3A, %dma_start3A_93, %dma_start3A_94] : memref<32x80x125xi32, #tpu.memory_space<hbm>> -> memref<1x8x125xi32, #tpu.memory_space<hbm>>
      %dma_start3A_96 = tpu.memref_squeeze %dma_start3A_95 : memref<1x8x125xi32, #tpu.memory_space<hbm>> -> memref<8x125xi32, #tpu.memory_space<hbm>>
      tpu.enqueue_dma source(%dma_start3A_96 : memref<8x125xi32, #tpu.memory_space<hbm>>) target(%arg7 : memref<8x125xi32, #tpu.memory_space<vmem>>) target_semaphore(%run_scoped3A : memref<!tpu.dma_semaphore, #tpu.memory_space<semaphore_mem>>)
      %dma_wait3A = arith.constant 0 : i32
      %dma_wait3A_97 = arith.constant 0 : i32
      %dma_wait3A_98 = tpu.memref_slice %arg4[%add3A, %dma_wait3A, %dma_wait3A_97] : memref<32x80x125xi32, #tpu.memory_space<hbm>> -> memref<1x8x125xi32, #tpu.memory_space<hbm>>
      %dma_wait3A_99 = tpu.memref_squeeze %dma_wait3A_98 : memref<1x8x125xi32, #tpu.memory_space<hbm>> -> memref<8x125xi32, #tpu.memory_space<hbm>>
      %dma_wait3A_100 = arith.constant 0 : i32
      %dma_wait3A_101 = arith.constant 0 : i32
      %dma_wait3A_102 = tpu.memref_slice %arg4[%add3A, %dma_wait3A_100, %dma_wait3A_101] : memref<32x80x125xi32, #tpu.memory_space<hbm>> -> memref<1x8x125xi32, #tpu.memory_space<hbm>>
      %dma_wait3A_103 = tpu.memref_squeeze %dma_wait3A_102 : memref<1x8x125xi32, #tpu.memory_space<hbm>> -> memref<8x125xi32, #tpu.memory_space<hbm>>
      tpu.wait_dma2 semaphore(%run_scoped3A : memref<!tpu.dma_semaphore, #tpu.memory_space<semaphore_mem>>) src(%dma_wait3A_103 : memref<8x125xi32, #tpu.memory_space<hbm>>) dst(%arg7 : memref<8x125xi32, #tpu.memory_space<vmem>>)
      tpu.yield
    }) : () -> ()
    %scan3A = arith.constant 0 : i32
    %scan3A_1 = arith.constant 128 : i32
    %scan3A_2 = arith.addi %scan3A, %scan3A_1 : i32
    %scan3A_3 = arith.constant 1 : i32
    scf.for %scan3A_89 = %scan3A to %scan3A_2 step %scan3A_3  : i32 {
      %broadcast_in_dim3A = arith.constant 0.000000e+00 : f32
      %broadcast_in_dim3A_90 = vector.broadcast %broadcast_in_dim3A : f32 to vector<16xf32>
      %swap3A = arith.index_cast %scan3A_89 : i32 to index
      %swap3A_91 = arith.constant 0 : index
      %swap3A_92 = tpu.vector_load %arg8[%swap3A, %swap3A_91] {strides = array<i32>} : memref<128x128xf32, #tpu.memory_space<vmem>>, vector<1x16xf32>,
      %swap3A_93 = vector.shape_cast %swap3A_92 : vector<1x16xf32> to vector<16xf32>
      %swap3A_94 = vector.shape_cast %broadcast_in_dim3A_90 : vector<16xf32> to vector<1x16xf32>
      tpu.vector_store %arg8[%swap3A, %swap3A_91], %swap3A_94 {strides = array<i32>} : memref<128x128xf32, #tpu.memory_space<vmem>>, vector<1x16xf32>,
      %broadcast_in_dim3A_95 = arith.constant 0.000000e+00 : f32
      %broadcast_in_dim3A_96 = vector.broadcast %broadcast_in_dim3A_95 : f32 to vector<16xf32>
      %swap3A_97 = arith.index_cast %scan3A_89 : i32 to index
      %swap3A_98 = arith.constant 16 : index
      %swap3A_99 = tpu.vector_load %arg8[%swap3A_97, %swap3A_98] {strides = array<i32>} : memref<128x128xf32, #tpu.memory_space<vmem>>, vector<1x16xf32>,
      %swap3A_100 = vector.shape_cast %swap3A_99 : vector<1x16xf32> to vector<16xf32>
      %swap3A_101 = vector.shape_cast %broadcast_in_dim3A_96 : vector<16xf32> to vector<1x16xf32>
      tpu.vector_store %arg8[%swap3A_97, %swap3A_98], %swap3A_101 {strides = array<i32>} : memref<128x128xf32, #tpu.memory_space<vmem>>, vector<1x16xf32>,
      %broadcast_in_dim3A_102 = arith.constant 0.000000e+00 : f32
      %broadcast_in_dim3A_103 = vector.broadcast %broadcast_in_dim3A_102 : f32 to vector<16xf32>
      %swap3A_104 = arith.index_cast %scan3A_89 : i32 to index
      %swap3A_105 = arith.constant 32 : index
      %swap3A_106 = tpu.vector_load %arg8[%swap3A_104, %swap3A_105] {strides = array<i32>} : memref<128x128xf32, #tpu.memory_space<vmem>>, vector<1x16xf32>,
      %swap3A_107 = vector.shape_cast %swap3A_106 : vector<1x16xf32> to vector<16xf32>
      %swap3A_108 = vector.shape_cast %broadcast_in_dim3A_103 : vector<16xf32> to vector<1x16xf32>
      tpu.vector_store %arg8[%swap3A_104, %swap3A_105], %swap3A_108 {strides = array<i32>} : memref<128x128xf32, #tpu.memory_space<vmem>>, vector<1x16xf32>,
      %broadcast_in_dim3A_109 = arith.constant 0.000000e+00 : f32
      %broadcast_in_dim3A_110 = vector.broadcast %broadcast_in_dim3A_109 : f32 to vector<16xf32>
      %swap3A_111 = arith.index_cast %scan3A_89 : i32 to index
      %swap3A_112 = arith.constant 48 : index
      %swap3A_113 = tpu.vector_load %arg8[%swap3A_111, %swap3A_112] {strides = array<i32>} : memref<128x128xf32, #tpu.memory_space<vmem>>, vector<1x16xf32>,
      %swap3A_114 = vector.shape_cast %swap3A_113 : vector<1x16xf32> to vector<16xf32>
      %swap3A_115 = vector.shape_cast %broadcast_in_dim3A_110 : vector<16xf32> to vector<1x16xf32>
      tpu.vector_store %arg8[%swap3A_111, %swap3A_112], %swap3A_115 {strides = array<i32>} : memref<128x128xf32, #tpu.memory_space<vmem>>, vector<1x16xf32>,
      %broadcast_in_dim3A_116 = arith.constant 0.000000e+00 : f32
      %broadcast_in_dim3A_117 = vector.broadcast %broadcast_in_dim3A_116 : f32 to vector<16xf32>
      %swap3A_118 = arith.index_cast %scan3A_89 : i32 to index
      %swap3A_119 = arith.constant 64 : index
      %swap3A_120 = tpu.vector_load %arg8[%swap3A_118, %swap3A_119] {strides = array<i32>} : memref<128x128xf32, #tpu.memory_space<vmem>>, vector<1x16xf32>,
      %swap3A_121 = vector.shape_cast %swap3A_120 : vector<1x16xf32> to vector<16xf32>
      %swap3A_122 = vector.shape_cast %broadcast_in_dim3A_117 : vector<16xf32> to vector<1x16xf32>
      tpu.vector_store %arg8[%swap3A_118, %swap3A_119], %swap3A_122 {strides = array<i32>} : memref<128x128xf32, #tpu.memory_space<vmem>>, vector<1x16xf32>,
      %broadcast_in_dim3A_123 = arith.constant 0.000000e+00 : f32
      %broadcast_in_dim3A_124 = vector.broadcast %broadcast_in_dim3A_123 : f32 to vector<16xf32>
      %swap3A_125 = arith.index_cast %scan3A_89 : i32 to index
      %swap3A_126 = arith.constant 80 : index
      %swap3A_127 = tpu.vector_load %arg8[%swap3A_125, %swap3A_126] {strides = array<i32>} : memref<128x128xf32, #tpu.memory_space<vmem>>, vector<1x16xf32>,
      %swap3A_128 = vector.shape_cast %swap3A_127 : vector<1x16xf32> to vector<16xf32>
      %swap3A_129 = vector.shape_cast %broadcast_in_dim3A_124 : vector<16xf32> to vector<1x16xf32>
      tpu.vector_store %arg8[%swap3A_125, %swap3A_126], %swap3A_129 {strides = array<i32>} : memref<128x128xf32, #tpu.memory_space<vmem>>, vector<1x16xf32>,
      %broadcast_in_dim3A_130 = arith.constant 0.000000e+00 : f32
      %broadcast_in_dim3A_131 = vector.broadcast %broadcast_in_dim3A_130 : f32 to vector<16xf32>
      %swap3A_132 = arith.index_cast %scan3A_89 : i32 to index
      %swap3A_133 = arith.constant 96 : index
      %swap3A_134 = tpu.vector_load %arg8[%swap3A_132, %swap3A_133] {strides = array<i32>} : memref<128x128xf32, #tpu.memory_space<vmem>>, vector<1x16xf32>,
      %swap3A_135 = vector.shape_cast %swap3A_134 : vector<1x16xf32> to vector<16xf32>
      %swap3A_136 = vector.shape_cast %broadcast_in_dim3A_131 : vector<16xf32> to vector<1x16xf32>
      tpu.vector_store %arg8[%swap3A_132, %swap3A_133], %swap3A_136 {strides = array<i32>} : memref<128x128xf32, #tpu.memory_space<vmem>>, vector<1x16xf32>,
      %broadcast_in_dim3A_137 = arith.constant 0.000000e+00 : f32
      %broadcast_in_dim3A_138 = vector.broadcast %broadcast_in_dim3A_137 : f32 to vector<16xf32>
      %swap3A_139 = arith.index_cast %scan3A_89 : i32 to index
      %swap3A_140 = arith.constant 112 : index
      %swap3A_141 = tpu.vector_load %arg8[%swap3A_139, %swap3A_140] {strides = array<i32>} : memref<128x128xf32, #tpu.memory_space<vmem>>, vector<1x16xf32>,
      %swap3A_142 = vector.shape_cast %swap3A_141 : vector<1x16xf32> to vector<16xf32>
      %swap3A_143 = vector.shape_cast %broadcast_in_dim3A_138 : vector<16xf32> to vector<1x16xf32>
      tpu.vector_store %arg8[%swap3A_139, %swap3A_140], %swap3A_143 {strides = array<i32>} : memref<128x128xf32, #tpu.memory_space<vmem>>, vector<1x16xf32>,
    }
    %scan3A_4 = arith.constant 128 : i32
    %mul3A_5 = arith.constant 640 : i32
    %mul3A_6 = arith.muli %arg1, %mul3A_5 : i32
    %add3A_7 = arith.constant 0 : i32
    %add3A_8 = arith.addi %mul3A_6, %add3A_7 : i32
    %multiple_of3A = tpu.assume_multiple %add3A_8, 128 : i32
    "tpu.region"() ({
      %run_scoped3A = tpu.sem_alloc : memref<!tpu.dma_semaphore, #tpu.memory_space<semaphore_mem>>
      %dma_start3A_89 = arith.constant 0 : i32
      %dma_start3A_90 = tpu.memref_slice %arg10[%multiple_of3A, %dma_start3A_89] : memref<10240x128xf32, #tpu.memory_space<vmem_shared>> -> memref<128x128xf32, #tpu.memory_space<vmem_shared>>
      %dma_start3A_91 = arith.constant 0 : i32
      %dma_start3A_92 = tpu.memref_slice %arg10[%multiple_of3A, %dma_start3A_91] : memref<10240x128xf32, #tpu.memory_space<vmem_shared>> -> memref<128x128xf32, #tpu.memory_space<vmem_shared>>
      tpu.enqueue_dma source(%arg8 : memref<128x128xf32, #tpu.memory_space<vmem>>) target(%dma_start3A_92 : memref<128x128xf32, #tpu.memory_space<vmem_shared>>) target_semaphore(%run_scoped3A : memref<!tpu.dma_semaphore, #tpu.memory_space<semaphore_mem>>)
      %dma_wait3A = arith.constant 0 : i32
      %dma_wait3A_93 = tpu.memref_slice %arg10[%multiple_of3A, %dma_wait3A] : memref<10240x128xf32, #tpu.memory_space<vmem_shared>> -> memref<128x128xf32, #tpu.memory_space<vmem_shared>>
      %dma_wait3A_94 = arith.constant 0 : i32
      %dma_wait3A_95 = tpu.memref_slice %arg10[%multiple_of3A, %dma_wait3A_94] : memref<10240x128xf32, #tpu.memory_space<vmem_shared>> -> memref<128x128xf32, #tpu.memory_space<vmem_shared>>
      tpu.wait_dma2 semaphore(%run_scoped3A : memref<!tpu.dma_semaphore, #tpu.memory_space<semaphore_mem>>) src(%arg8 : memref<128x128xf32, #tpu.memory_space<vmem>>) dst(%dma_wait3A_95 : memref<128x128xf32, #tpu.memory_space<vmem_shared>>)
      tpu.yield
    }) : () -> ()
    %mul3A_9 = arith.constant 640 : i32
    %mul3A_10 = arith.muli %arg1, %mul3A_9 : i32
    %add3A_11 = arith.constant 128 : i32
    %add3A_12 = arith.addi %mul3A_10, %add3A_11 : i32
    %multiple_of3A_13 = tpu.assume_multiple %add3A_12, 128 : i32
    "tpu.region"() ({
      %run_scoped3A = tpu.sem_alloc : memref<!tpu.dma_semaphore, #tpu.memory_space<semaphore_mem>>
      %dma_start3A_89 = arith.constant 0 : i32
      %dma_start3A_90 = tpu.memref_slice %arg10[%multiple_of3A_13, %dma_start3A_89] : memref<10240x128xf32, #tpu.memory_space<vmem_shared>> -> memref<128x128xf32, #tpu.memory_space<vmem_shared>>
      %dma_start3A_91 = arith.constant 0 : i32
      %dma_start3A_92 = tpu.memref_slice %arg10[%multiple_of3A_13, %dma_start3A_91] : memref<10240x128xf32, #tpu.memory_space<vmem_shared>> -> memref<128x128xf32, #tpu.memory_space<vmem_shared>>
      tpu.enqueue_dma source(%arg8 : memref<128x128xf32, #tpu.memory_space<vmem>>) target(%dma_start3A_92 : memref<128x128xf32, #tpu.memory_space<vmem_shared>>) target_semaphore(%run_scoped3A : memref<!tpu.dma_semaphore, #tpu.memory_space<semaphore_mem>>)
      %dma_wait3A = arith.constant 0 : i32
      %dma_wait3A_93 = tpu.memref_slice %arg10[%multiple_of3A_13, %dma_wait3A] : memref<10240x128xf32, #tpu.memory_space<vmem_shared>> -> memref<128x128xf32, #tpu.memory_space<vmem_shared>>
      %dma_wait3A_94 = arith.constant 0 : i32
      %dma_wait3A_95 = tpu.memref_slice %arg10[%multiple_of3A_13, %dma_wait3A_94] : memref<10240x128xf32, #tpu.memory_space<vmem_shared>> -> memref<128x128xf32, #tpu.memory_space<vmem_shared>>
      tpu.wait_dma2 semaphore(%run_scoped3A : memref<!tpu.dma_semaphore, #tpu.memory_space<semaphore_mem>>) src(%arg8 : memref<128x128xf32, #tpu.memory_space<vmem>>) dst(%dma_wait3A_95 : memref<128x128xf32, #tpu.memory_space<vmem_shared>>)
      tpu.yield
    }) : () -> ()
    %mul3A_14 = arith.constant 640 : i32
    %mul3A_15 = arith.muli %arg1, %mul3A_14 : i32
    %add3A_16 = arith.constant 256 : i32
    %add3A_17 = arith.addi %mul3A_15, %add3A_16 : i32
    %multiple_of3A_18 = tpu.assume_multiple %add3A_17, 128 : i32
    "tpu.region"() ({
      %run_scoped3A = tpu.sem_alloc : memref<!tpu.dma_semaphore, #tpu.memory_space<semaphore_mem>>
      %dma_start3A_89 = arith.constant 0 : i32
      %dma_start3A_90 = tpu.memref_slice %arg10[%multiple_of3A_18, %dma_start3A_89] : memref<10240x128xf32, #tpu.memory_space<vmem_shared>> -> memref<128x128xf32, #tpu.memory_space<vmem_shared>>
      %dma_start3A_91 = arith.constant 0 : i32
      %dma_start3A_92 = tpu.memref_slice %arg10[%multiple_of3A_18, %dma_start3A_91] : memref<10240x128xf32, #tpu.memory_space<vmem_shared>> -> memref<128x128xf32, #tpu.memory_space<vmem_shared>>
      tpu.enqueue_dma source(%arg8 : memref<128x128xf32, #tpu.memory_space<vmem>>) target(%dma_start3A_92 : memref<128x128xf32, #tpu.memory_space<vmem_shared>>) target_semaphore(%run_scoped3A : memref<!tpu.dma_semaphore, #tpu.memory_space<semaphore_mem>>)
      %dma_wait3A = arith.constant 0 : i32
      %dma_wait3A_93 = tpu.memref_slice %arg10[%multiple_of3A_18, %dma_wait3A] : memref<10240x128xf32, #tpu.memory_space<vmem_shared>> -> memref<128x128xf32, #tpu.memory_space<vmem_shared>>
      %dma_wait3A_94 = arith.constant 0 : i32
      %dma_wait3A_95 = tpu.memref_slice %arg10[%multiple_of3A_18, %dma_wait3A_94] : memref<10240x128xf32, #tpu.memory_space<vmem_shared>> -> memref<128x128xf32, #tpu.memory_space<vmem_shared>>
      tpu.wait_dma2 semaphore(%run_scoped3A : memref<!tpu.dma_semaphore, #tpu.memory_space<semaphore_mem>>) src(%arg8 : memref<128x128xf32, #tpu.memory_space<vmem>>) dst(%dma_wait3A_95 : memref<128x128xf32, #tpu.memory_space<vmem_shared>>)
      tpu.yield
    }) : () -> ()
    %mul3A_19 = arith.constant 640 : i32
    %mul3A_20 = arith.muli %arg1, %mul3A_19 : i32
    %add3A_21 = arith.constant 384 : i32
    %add3A_22 = arith.addi %mul3A_20, %add3A_21 : i32
    %multiple_of3A_23 = tpu.assume_multiple %add3A_22, 128 : i32
    "tpu.region"() ({
      %run_scoped3A = tpu.sem_alloc : memref<!tpu.dma_semaphore, #tpu.memory_space<semaphore_mem>>
      %dma_start3A_89 = arith.constant 0 : i32
      %dma_start3A_90 = tpu.memref_slice %arg10[%multiple_of3A_23, %dma_start3A_89] : memref<10240x128xf32, #tpu.memory_space<vmem_shared>> -> memref<128x128xf32, #tpu.memory_space<vmem_shared>>
      %dma_start3A_91 = arith.constant 0 : i32
      %dma_start3A_92 = tpu.memref_slice %arg10[%multiple_of3A_23, %dma_start3A_91] : memref<10240x128xf32, #tpu.memory_space<vmem_shared>> -> memref<128x128xf32, #tpu.memory_space<vmem_shared>>
      tpu.enqueue_dma source(%arg8 : memref<128x128xf32, #tpu.memory_space<vmem>>) target(%dma_start3A_92 : memref<128x128xf32, #tpu.memory_space<vmem_shared>>) target_semaphore(%run_scoped3A : memref<!tpu.dma_semaphore, #tpu.memory_space<semaphore_mem>>)
      %dma_wait3A = arith.constant 0 : i32
      %dma_wait3A_93 = tpu.memref_slice %arg10[%multiple_of3A_23, %dma_wait3A] : memref<10240x128xf32, #tpu.memory_space<vmem_shared>> -> memref<128x128xf32, #tpu.memory_space<vmem_shared>>
      %dma_wait3A_94 = arith.constant 0 : i32
      %dma_wait3A_95 = tpu.memref_slice %arg10[%multiple_of3A_23, %dma_wait3A_94] : memref<10240x128xf32, #tpu.memory_space<vmem_shared>> -> memref<128x128xf32, #tpu.memory_space<vmem_shared>>
      tpu.wait_dma2 semaphore(%run_scoped3A : memref<!tpu.dma_semaphore, #tpu.memory_space<semaphore_mem>>) src(%arg8 : memref<128x128xf32, #tpu.memory_space<vmem>>) dst(%dma_wait3A_95 : memref<128x128xf32, #tpu.memory_space<vmem_shared>>)
      tpu.yield
    }) : () -> ()
    %mul3A_24 = arith.constant 640 : i32
    %mul3A_25 = arith.muli %arg1, %mul3A_24 : i32
    %add3A_26 = arith.constant 512 : i32
    %add3A_27 = arith.addi %mul3A_25, %add3A_26 : i32
    %multiple_of3A_28 = tpu.assume_multiple %add3A_27, 128 : i32
    "tpu.region"() ({
      %run_scoped3A = tpu.sem_alloc : memref<!tpu.dma_semaphore, #tpu.memory_space<semaphore_mem>>
      %dma_start3A_89 = arith.constant 0 : i32
      %dma_start3A_90 = tpu.memref_slice %arg10[%multiple_of3A_28, %dma_start3A_89] : memref<10240x128xf32, #tpu.memory_space<vmem_shared>> -> memref<128x128xf32, #tpu.memory_space<vmem_shared>>
      %dma_start3A_91 = arith.constant 0 : i32
      %dma_start3A_92 = tpu.memref_slice %arg10[%multiple_of3A_28, %dma_start3A_91] : memref<10240x128xf32, #tpu.memory_space<vmem_shared>> -> memref<128x128xf32, #tpu.memory_space<vmem_shared>>
      tpu.enqueue_dma source(%arg8 : memref<128x128xf32, #tpu.memory_space<vmem>>) target(%dma_start3A_92 : memref<128x128xf32, #tpu.memory_space<vmem_shared>>) target_semaphore(%run_scoped3A : memref<!tpu.dma_semaphore, #tpu.memory_space<semaphore_mem>>)
      %dma_wait3A = arith.constant 0 : i32
      %dma_wait3A_93 = tpu.memref_slice %arg10[%multiple_of3A_28, %dma_wait3A] : memref<10240x128xf32, #tpu.memory_space<vmem_shared>> -> memref<128x128xf32, #tpu.memory_space<vmem_shared>>
      %dma_wait3A_94 = arith.constant 0 : i32
      %dma_wait3A_95 = tpu.memref_slice %arg10[%multiple_of3A_28, %dma_wait3A_94] : memref<10240x128xf32, #tpu.memory_space<vmem_shared>> -> memref<128x128xf32, #tpu.memory_space<vmem_shared>>
      tpu.wait_dma2 semaphore(%run_scoped3A : memref<!tpu.dma_semaphore, #tpu.memory_space<semaphore_mem>>) src(%arg8 : memref<128x128xf32, #tpu.memory_space<vmem>>) dst(%dma_wait3A_95 : memref<128x128xf32, #tpu.memory_space<vmem_shared>>)
      tpu.yield
    }) : () -> ()
    %barrier3A = arith.constant 0 : index
    tpu.barrier barrier_id(%barrier3A)
    %dma_start3A = arith.constant 0 : i32
    %dma_start3A_29 = arith.constant 0 : i32
    %dma_start3A_30 = arith.constant 0 : i32
    %dma_start3A_31 = tpu.memref_slice %arg8[%dma_start3A_29, %dma_start3A_30] : memref<128x128xf32, #tpu.memory_space<vmem>> -> memref<125x128xf32, #tpu.memory_space<vmem>>
    %dma_start3A_32 = arith.constant 0 : i32
    %dma_start3A_33 = tpu.memref_slice %arg6[%dma_start3A, %dma_start3A_32] : memref<80x125xi32, #tpu.memory_space<vmem>> -> memref<1x125xi32, #tpu.memory_space<vmem>>
    %dma_start3A_34 = tpu.memref_squeeze %dma_start3A_33 : memref<1x125xi32, #tpu.memory_space<vmem>> -> memref<125xi32, #tpu.memory_space<vmem>>
    %dma_start3A_35 = arith.constant 0 : i32
    %dma_start3A_36 = arith.constant 0 : i32
    %dma_start3A_37 = tpu.memref_slice %arg2[%dma_start3A_35, %dma_start3A_36] : memref<10000x128xf32, #tpu.memory_space<hbm>> -> memref<10000x128xf32, #tpu.memory_space<hbm>>
    tpu.enqueue_indirect_dma source(%dma_start3A_37 : memref<10000x128xf32, #tpu.memory_space<hbm>>) target(%dma_start3A_31 : memref<125x128xf32, #tpu.memory_space<vmem>>) offsets(%dma_start3A_34 : memref<125xi32, #tpu.memory_space<vmem>>) semaphore(%arg11 : memref<!tpu.dma_semaphore, #tpu.memory_space<semaphore_mem>>)
    %scan3A_38 = arith.constant 0 : i32
    %scan3A_39 = arith.constant 10 : i32
    %scan3A_40 = arith.addi %scan3A_38, %scan3A_39 : i32
    %scan3A_41 = arith.constant 1 : i32
    scf.for %scan3A_89 = %scan3A_38 to %scan3A_40 step %scan3A_41  : i32 {
      %mul3A_90 = arith.constant 8 : i32
      %mul3A_91 = arith.muli %scan3A_89, %mul3A_90 : i32
      %add3A_92 = arith.constant 0 : i32
      %add3A_93 = arith.addi %mul3A_91, %add3A_92 : i32
      %add3A_94 = arith.constant 1 : i32
      %add3A_95 = arith.addi %add3A_93, %add3A_94 : i32
      %lt3A = arith.constant 80 : i32
      %lt3A_96 = arith.cmpi slt, %add3A_95, %lt3A : i32
      %convert_element_type3A = arith.extui %lt3A_96 : i1 to i32
      %cond3A = arith.constant 0 : i32
      %cond3A_97 = arith.cmpi ne, %convert_element_type3A, %cond3A : i32
      scf.if %cond3A_97 {
        %dma_start3A_254 = arith.constant 0 : i32
        %dma_start3A_255 = arith.constant 0 : i32
        %dma_start3A_256 = tpu.memref_slice %arg9[%dma_start3A_254, %dma_start3A_255] : memref<128x128xf32, #tpu.memory_space<vmem>> -> memref<125x128xf32, #tpu.memory_space<vmem>>
        %dma_start3A_257 = arith.constant 0 : i32
        %dma_start3A_258 = tpu.memref_slice %arg6[%add3A_95, %dma_start3A_257] : memref<80x125xi32, #tpu.memory_space<vmem>> -> memref<1x125xi32, #tpu.memory_space<vmem>>
        %dma_start3A_259 = tpu.memref_squeeze %dma_start3A_258 : memref<1x125xi32, #tpu.memory_space<vmem>> -> memref<125xi32, #tpu.memory_space<vmem>>
        %dma_start3A_260 = arith.constant 0 : i32
        %dma_start3A_261 = arith.constant 0 : i32
        %dma_start3A_262 = tpu.memref_slice %arg2[%dma_start3A_260, %dma_start3A_261] : memref<10000x128xf32, #tpu.memory_space<hbm>> -> memref<10000x128xf32, #tpu.memory_space<hbm>>
        tpu.enqueue_indirect_dma source(%dma_start3A_262 : memref<10000x128xf32, #tpu.memory_space<hbm>>) target(%dma_start3A_256 : memref<125x128xf32, #tpu.memory_space<vmem>>) offsets(%dma_start3A_259 : memref<125xi32, #tpu.memory_space<vmem>>) semaphore(%arg12 : memref<!tpu.dma_semaphore, #tpu.memory_space<semaphore_mem>>)
      } else {
      }
      %dma_wait3A = arith.constant 0 : i32
      %dma_wait3A_98 = arith.constant 0 : i32
      %dma_wait3A_99 = arith.constant 0 : i32
      %dma_wait3A_100 = tpu.memref_slice %arg8[%dma_wait3A_98, %dma_wait3A_99] : memref<128x128xf32, #tpu.memory_space<vmem>> -> memref<125x128xf32, #tpu.memory_space<vmem>>
      %dma_wait3A_101 = arith.constant 0 : i32
      %dma_wait3A_102 = tpu.memref_slice %arg6[%dma_wait3A, %dma_wait3A_101] : memref<80x125xi32, #tpu.memory_space<vmem>> -> memref<1x125xi32, #tpu.memory_space<vmem>>
      %dma_wait3A_103 = tpu.memref_squeeze %dma_wait3A_102 : memref<1x125xi32, #tpu.memory_space<vmem>> -> memref<125xi32, #tpu.memory_space<vmem>>
      %dma_wait3A_104 = arith.constant 0 : i32
      %dma_wait3A_105 = arith.constant 0 : i32
      %dma_wait3A_106 = tpu.memref_slice %arg2[%dma_wait3A_104, %dma_wait3A_105] : memref<10000x128xf32, #tpu.memory_space<hbm>> -> memref<10000x128xf32, #tpu.memory_space<hbm>>
      tpu.wait_indirect_dma semaphore(%arg11 : memref<!tpu.dma_semaphore, #tpu.memory_space<semaphore_mem>>) src(%dma_wait3A_106 : memref<10000x128xf32, #tpu.memory_space<hbm>>) dst(%dma_wait3A_100 : memref<125x128xf32, #tpu.memory_space<vmem>>)
      %run_scoped3A = arith.constant 0 : i32
      "tpu.region"() ({
        %run_scoped3A_254 = tpu.sem_alloc : memref<!tpu.dma_semaphore, #tpu.memory_space<semaphore_mem>>
        %dma_start3A_255 = arith.constant 0 : i32
        %dma_start3A_256 = arith.constant 0 : i32
        %dma_start3A_257 = tpu.memref_slice %arg8[%dma_start3A_255, %dma_start3A_256] : memref<128x128xf32, #tpu.memory_space<vmem>> -> memref<125x128xf32, #tpu.memory_space<vmem>>
        %dma_start3A_258 = arith.constant 0 : i32
        %dma_start3A_259 = tpu.memref_slice %arg7[%run_scoped3A, %dma_start3A_258] : memref<8x125xi32, #tpu.memory_space<vmem>> -> memref<1x125xi32, #tpu.memory_space<vmem>>
        %dma_start3A_260 = tpu.memref_squeeze %dma_start3A_259 : memref<1x125xi32, #tpu.memory_space<vmem>> -> memref<125xi32, #tpu.memory_space<vmem>>
        %dma_start3A_261 = arith.constant 0 : i32
        %dma_start3A_262 = arith.constant 0 : i32
        %dma_start3A_263 = tpu.memref_slice %arg10[%dma_start3A_261, %dma_start3A_262] : memref<10240x128xf32, #tpu.memory_space<vmem_shared>> -> memref<10240x128xf32, #tpu.memory_space<vmem_shared>>
        tpu.enqueue_indirect_dma source(%dma_start3A_257 : memref<125x128xf32, #tpu.memory_space<vmem>>) target(%dma_start3A_263 : memref<10240x128xf32, #tpu.memory_space<vmem_shared>>) offsets(%dma_start3A_260 : memref<125xi32, #tpu.memory_space<vmem>>) semaphore(%run_scoped3A_254 : memref<!tpu.dma_semaphore, #tpu.memory_space<semaphore_mem>>) {add = true}
        %dma_wait3A_264 = arith.constant 0 : i32
        %dma_wait3A_265 = arith.constant 0 : i32
        %dma_wait3A_266 = tpu.memref_slice %arg8[%dma_wait3A_264, %dma_wait3A_265] : memref<128x128xf32, #tpu.memory_space<vmem>> -> memref<125x128xf32, #tpu.memory_space<vmem>>
        %dma_wait3A_267 = arith.constant 0 : i32
        %dma_wait3A_268 = tpu.memref_slice %arg7[%run_scoped3A, %dma_wait3A_267] : memref<8x125xi32, #tpu.memory_space<vmem>> -> memref<1x125xi32, #tpu.memory_space<vmem>>
        %dma_wait3A_269 = tpu.memref_squeeze %dma_wait3A_268 : memref<1x125xi32, #tpu.memory_space<vmem>> -> memref<125xi32, #tpu.memory_space<vmem>>
        %dma_wait3A_270 = arith.constant 0 : i32
        %dma_wait3A_271 = arith.constant 0 : i32
        %dma_wait3A_272 = tpu.memref_slice %arg10[%dma_wait3A_270, %dma_wait3A_271] : memref<10240x128xf32, #tpu.memory_space<vmem_shared>> -> memref<10240x128xf32, #tpu.memory_space<vmem_shared>>
        tpu.wait_indirect_dma semaphore(%run_scoped3A_254 : memref<!tpu.dma_semaphore, #tpu.memory_space<semaphore_mem>>) src(%dma_wait3A_266 : memref<125x128xf32, #tpu.memory_space<vmem>>) dst(%dma_wait3A_272 : memref<10240x128xf32, #tpu.memory_space<vmem_shared>>)
        tpu.yield
      }) : () -> ()
      %add3A_107 = arith.constant 1 : i32
      %add3A_108 = arith.addi %mul3A_91, %add3A_107 : i32
      %add3A_109 = arith.constant 1 : i32
      %add3A_110 = arith.addi %add3A_108, %add3A_109 : i32
      %lt3A_111 = arith.constant 80 : i32
      %lt3A_112 = arith.cmpi slt, %add3A_110, %lt3A_111 : i32
      %convert_element_type3A_113 = arith.extui %lt3A_112 : i1 to i32
      %cond3A_114 = arith.constant 0 : i32
      %cond3A_115 = arith.cmpi ne, %convert_element_type3A_113, %cond3A_114 : i32
      scf.if %cond3A_115 {
        %dma_start3A_254 = arith.constant 0 : i32
        %dma_start3A_255 = arith.constant 0 : i32
        %dma_start3A_256 = tpu.memref_slice %arg8[%dma_start3A_254, %dma_start3A_255] : memref<128x128xf32, #tpu.memory_space<vmem>> -> memref<125x128xf32, #tpu.memory_space<vmem>>
        %dma_start3A_257 = arith.constant 0 : i32
        %dma_start3A_258 = tpu.memref_slice %arg6[%add3A_110, %dma_start3A_257] : memref<80x125xi32, #tpu.memory_space<vmem>> -> memref<1x125xi32, #tpu.memory_space<vmem>>
        %dma_start3A_259 = tpu.memref_squeeze %dma_start3A_258 : memref<1x125xi32, #tpu.memory_space<vmem>> -> memref<125xi32, #tpu.memory_space<vmem>>
        %dma_start3A_260 = arith.constant 0 : i32
        %dma_start3A_261 = arith.constant 0 : i32
        %dma_start3A_262 = tpu.memref_slice %arg2[%dma_start3A_260, %dma_start3A_261] : memref<10000x128xf32, #tpu.memory_space<hbm>> -> memref<10000x128xf32, #tpu.memory_space<hbm>>
        tpu.enqueue_indirect_dma source(%dma_start3A_262 : memref<10000x128xf32, #tpu.memory_space<hbm>>) target(%dma_start3A_256 : memref<125x128xf32, #tpu.memory_space<vmem>>) offsets(%dma_start3A_259 : memref<125xi32, #tpu.memory_space<vmem>>) semaphore(%arg11 : memref<!tpu.dma_semaphore, #tpu.memory_space<semaphore_mem>>)
      } else {
      }
      %dma_wait3A_116 = arith.constant 0 : i32
      %dma_wait3A_117 = arith.constant 0 : i32
      %dma_wait3A_118 = arith.constant 0 : i32
      %dma_wait3A_119 = tpu.memref_slice %arg9[%dma_wait3A_117, %dma_wait3A_118] : memref<128x128xf32, #tpu.memory_space<vmem>> -> memref<125x128xf32, #tpu.memory_space<vmem>>
      %dma_wait3A_120 = arith.constant 0 : i32
      %dma_wait3A_121 = tpu.memref_slice %arg6[%dma_wait3A_116, %dma_wait3A_120] : memref<80x125xi32, #tpu.memory_space<vmem>> -> memref<1x125xi32, #tpu.memory_space<vmem>>
      %dma_wait3A_122 = tpu.memref_squeeze %dma_wait3A_121 : memref<1x125xi32, #tpu.memory_space<vmem>> -> memref<125xi32, #tpu.memory_space<vmem>>
      %dma_wait3A_123 = arith.constant 0 : i32
      %dma_wait3A_124 = arith.constant 0 : i32
      %dma_wait3A_125 = tpu.memref_slice %arg2[%dma_wait3A_123, %dma_wait3A_124] : memref<10000x128xf32, #tpu.memory_space<hbm>> -> memref<10000x128xf32, #tpu.memory_space<hbm>>
      tpu.wait_indirect_dma semaphore(%arg12 : memref<!tpu.dma_semaphore, #tpu.memory_space<semaphore_mem>>) src(%dma_wait3A_125 : memref<10000x128xf32, #tpu.memory_space<hbm>>) dst(%dma_wait3A_119 : memref<125x128xf32, #tpu.memory_space<vmem>>)
      %run_scoped3A_126 = arith.constant 1 : i32
      "tpu.region"() ({
        %run_scoped3A_254 = tpu.sem_alloc : memref<!tpu.dma_semaphore, #tpu.memory_space<semaphore_mem>>
        %dma_start3A_255 = arith.constant 0 : i32
        %dma_start3A_256 = arith.constant 0 : i32
        %dma_start3A_257 = tpu.memref_slice %arg9[%dma_start3A_255, %dma_start3A_256] : memref<128x128xf32, #tpu.memory_space<vmem>> -> memref<125x128xf32, #tpu.memory_space<vmem>>
        %dma_start3A_258 = arith.constant 0 : i32
        %dma_start3A_259 = tpu.memref_slice %arg7[%run_scoped3A_126, %dma_start3A_258] : memref<8x125xi32, #tpu.memory_space<vmem>> -> memref<1x125xi32, #tpu.memory_space<vmem>>
        %dma_start3A_260 = tpu.memref_squeeze %dma_start3A_259 : memref<1x125xi32, #tpu.memory_space<vmem>> -> memref<125xi32, #tpu.memory_space<vmem>>
        %dma_start3A_261 = arith.constant 0 : i32
        %dma_start3A_262 = arith.constant 0 : i32
        %dma_start3A_263 = tpu.memref_slice %arg10[%dma_start3A_261, %dma_start3A_262] : memref<10240x128xf32, #tpu.memory_space<vmem_shared>> -> memref<10240x128xf32, #tpu.memory_space<vmem_shared>>
        tpu.enqueue_indirect_dma source(%dma_start3A_257 : memref<125x128xf32, #tpu.memory_space<vmem>>) target(%dma_start3A_263 : memref<10240x128xf32, #tpu.memory_space<vmem_shared>>) offsets(%dma_start3A_260 : memref<125xi32, #tpu.memory_space<vmem>>) semaphore(%run_scoped3A_254 : memref<!tpu.dma_semaphore, #tpu.memory_space<semaphore_mem>>) {add = true}
        %dma_wait3A_264 = arith.constant 0 : i32
        %dma_wait3A_265 = arith.constant 0 : i32
        %dma_wait3A_266 = tpu.memref_slice %arg9[%dma_wait3A_264, %dma_wait3A_265] : memref<128x128xf32, #tpu.memory_space<vmem>> -> memref<125x128xf32, #tpu.memory_space<vmem>>
        %dma_wait3A_267 = arith.constant 0 : i32
        %dma_wait3A_268 = tpu.memref_slice %arg7[%run_scoped3A_126, %dma_wait3A_267] : memref<8x125xi32, #tpu.memory_space<vmem>> -> memref<1x125xi32, #tpu.memory_space<vmem>>
        %dma_wait3A_269 = tpu.memref_squeeze %dma_wait3A_268 : memref<1x125xi32, #tpu.memory_space<vmem>> -> memref<125xi32, #tpu.memory_space<vmem>>
        %dma_wait3A_270 = arith.constant 0 : i32
        %dma_wait3A_271 = arith.constant 0 : i32
        %dma_wait3A_272 = tpu.memref_slice %arg10[%dma_wait3A_270, %dma_wait3A_271] : memref<10240x128xf32, #tpu.memory_space<vmem_shared>> -> memref<10240x128xf32, #tpu.memory_space<vmem_shared>>
        tpu.wait_indirect_dma semaphore(%run_scoped3A_254 : memref<!tpu.dma_semaphore, #tpu.memory_space<semaphore_mem>>) src(%dma_wait3A_266 : memref<125x128xf32, #tpu.memory_space<vmem>>) dst(%dma_wait3A_272 : memref<10240x128xf32, #tpu.memory_space<vmem_shared>>)
        tpu.yield
      }) : () -> ()
      %add3A_127 = arith.constant 2 : i32
      %add3A_128 = arith.addi %mul3A_91, %add3A_127 : i32
      %add3A_129 = arith.constant 1 : i32
      %add3A_130 = arith.addi %add3A_128, %add3A_129 : i32
      %lt3A_131 = arith.constant 80 : i32
      %lt3A_132 = arith.cmpi slt, %add3A_130, %lt3A_131 : i32
      %convert_element_type3A_133 = arith.extui %lt3A_132 : i1 to i32
      %cond3A_134 = arith.constant 0 : i32
      %cond3A_135 = arith.cmpi ne, %convert_element_type3A_133, %cond3A_134 : i32
      scf.if %cond3A_135 {
        %dma_start3A_254 = arith.constant 0 : i32
        %dma_start3A_255 = arith.constant 0 : i32
        %dma_start3A_256 = tpu.memref_slice %arg9[%dma_start3A_254, %dma_start3A_255] : memref<128x128xf32, #tpu.memory_space<vmem>> -> memref<125x128xf32, #tpu.memory_space<vmem>>
        %dma_start3A_257 = arith.constant 0 : i32
        %dma_start3A_258 = tpu.memref_slice %arg6[%add3A_130, %dma_start3A_257] : memref<80x125xi32, #tpu.memory_space<vmem>> -> memref<1x125xi32, #tpu.memory_space<vmem>>
        %dma_start3A_259 = tpu.memref_squeeze %dma_start3A_258 : memref<1x125xi32, #tpu.memory_space<vmem>> -> memref<125xi32, #tpu.memory_space<vmem>>
        %dma_start3A_260 = arith.constant 0 : i32
        %dma_start3A_261 = arith.constant 0 : i32
        %dma_start3A_262 = tpu.memref_slice %arg2[%dma_start3A_260, %dma_start3A_261] : memref<10000x128xf32, #tpu.memory_space<hbm>> -> memref<10000x128xf32, #tpu.memory_space<hbm>>
        tpu.enqueue_indirect_dma source(%dma_start3A_262 : memref<10000x128xf32, #tpu.memory_space<hbm>>) target(%dma_start3A_256 : memref<125x128xf32, #tpu.memory_space<vmem>>) offsets(%dma_start3A_259 : memref<125xi32, #tpu.memory_space<vmem>>) semaphore(%arg12 : memref<!tpu.dma_semaphore, #tpu.memory_space<semaphore_mem>>)
      } else {
      }
      %dma_wait3A_136 = arith.constant 0 : i32
      %dma_wait3A_137 = arith.constant 0 : i32
      %dma_wait3A_138 = arith.constant 0 : i32
      %dma_wait3A_139 = tpu.memref_slice %arg8[%dma_wait3A_137, %dma_wait3A_138] : memref<128x128xf32, #tpu.memory_space<vmem>> -> memref<125x128xf32, #tpu.memory_space<vmem>>
      %dma_wait3A_140 = arith.constant 0 : i32
      %dma_wait3A_141 = tpu.memref_slice %arg6[%dma_wait3A_136, %dma_wait3A_140] : memref<80x125xi32, #tpu.memory_space<vmem>> -> memref<1x125xi32, #tpu.memory_space<vmem>>
      %dma_wait3A_142 = tpu.memref_squeeze %dma_wait3A_141 : memref<1x125xi32, #tpu.memory_space<vmem>> -> memref<125xi32, #tpu.memory_space<vmem>>
      %dma_wait3A_143 = arith.constant 0 : i32
      %dma_wait3A_144 = arith.constant 0 : i32
      %dma_wait3A_145 = tpu.memref_slice %arg2[%dma_wait3A_143, %dma_wait3A_144] : memref<10000x128xf32, #tpu.memory_space<hbm>> -> memref<10000x128xf32, #tpu.memory_space<hbm>>
      tpu.wait_indirect_dma semaphore(%arg11 : memref<!tpu.dma_semaphore, #tpu.memory_space<semaphore_mem>>) src(%dma_wait3A_145 : memref<10000x128xf32, #tpu.memory_space<hbm>>) dst(%dma_wait3A_139 : memref<125x128xf32, #tpu.memory_space<vmem>>)
      %run_scoped3A_146 = arith.constant 2 : i32
      "tpu.region"() ({
        %run_scoped3A_254 = tpu.sem_alloc : memref<!tpu.dma_semaphore, #tpu.memory_space<semaphore_mem>>
        %dma_start3A_255 = arith.constant 0 : i32
        %dma_start3A_256 = arith.constant 0 : i32
        %dma_start3A_257 = tpu.memref_slice %arg8[%dma_start3A_255, %dma_start3A_256] : memref<128x128xf32, #tpu.memory_space<vmem>> -> memref<125x128xf32, #tpu.memory_space<vmem>>
        %dma_start3A_258 = arith.constant 0 : i32
        %dma_start3A_259 = tpu.memref_slice %arg7[%run_scoped3A_146, %dma_start3A_258] : memref<8x125xi32, #tpu.memory_space<vmem>> -> memref<1x125xi32, #tpu.memory_space<vmem>>
        %dma_start3A_260 = tpu.memref_squeeze %dma_start3A_259 : memref<1x125xi32, #tpu.memory_space<vmem>> -> memref<125xi32, #tpu.memory_space<vmem>>
        %dma_start3A_261 = arith.constant 0 : i32
        %dma_start3A_262 = arith.constant 0 : i32
        %dma_start3A_263 = tpu.memref_slice %arg10[%dma_start3A_261, %dma_start3A_262] : memref<10240x128xf32, #tpu.memory_space<vmem_shared>> -> memref<10240x128xf32, #tpu.memory_space<vmem_shared>>
        tpu.enqueue_indirect_dma source(%dma_start3A_257 : memref<125x128xf32, #tpu.memory_space<vmem>>) target(%dma_start3A_263 : memref<10240x128xf32, #tpu.memory_space<vmem_shared>>) offsets(%dma_start3A_260 : memref<125xi32, #tpu.memory_space<vmem>>) semaphore(%run_scoped3A_254 : memref<!tpu.dma_semaphore, #tpu.memory_space<semaphore_mem>>) {add = true}
        %dma_wait3A_264 = arith.constant 0 : i32
        %dma_wait3A_265 = arith.constant 0 : i32
        %dma_wait3A_266 = tpu.memref_slice %arg8[%dma_wait3A_264, %dma_wait3A_265] : memref<128x128xf32, #tpu.memory_space<vmem>> -> memref<125x128xf32, #tpu.memory_space<vmem>>
        %dma_wait3A_267 = arith.constant 0 : i32
        %dma_wait3A_268 = tpu.memref_slice %arg7[%run_scoped3A_146, %dma_wait3A_267] : memref<8x125xi32, #tpu.memory_space<vmem>> -> memref<1x125xi32, #tpu.memory_space<vmem>>
        %dma_wait3A_269 = tpu.memref_squeeze %dma_wait3A_268 : memref<1x125xi32, #tpu.memory_space<vmem>> -> memref<125xi32, #tpu.memory_space<vmem>>
        %dma_wait3A_270 = arith.constant 0 : i32
        %dma_wait3A_271 = arith.constant 0 : i32
        %dma_wait3A_272 = tpu.memref_slice %arg10[%dma_wait3A_270, %dma_wait3A_271] : memref<10240x128xf32, #tpu.memory_space<vmem_shared>> -> memref<10240x128xf32, #tpu.memory_space<vmem_shared>>
        tpu.wait_indirect_dma semaphore(%run_scoped3A_254 : memref<!tpu.dma_semaphore, #tpu.memory_space<semaphore_mem>>) src(%dma_wait3A_266 : memref<125x128xf32, #tpu.memory_space<vmem>>) dst(%dma_wait3A_272 : memref<10240x128xf32, #tpu.memory_space<vmem_shared>>)
        tpu.yield
      }) : () -> ()
      %add3A_147 = arith.constant 3 : i32
      %add3A_148 = arith.addi %mul3A_91, %add3A_147 : i32
      %add3A_149 = arith.constant 1 : i32
      %add3A_150 = arith.addi %add3A_148, %add3A_149 : i32
      %lt3A_151 = arith.constant 80 : i32
      %lt3A_152 = arith.cmpi slt, %add3A_150, %lt3A_151 : i32
      %convert_element_type3A_153 = arith.extui %lt3A_152 : i1 to i32
      %cond3A_154 = arith.constant 0 : i32
      %cond3A_155 = arith.cmpi ne, %convert_element_type3A_153, %cond3A_154 : i32
      scf.if %cond3A_155 {
        %dma_start3A_254 = arith.constant 0 : i32
        %dma_start3A_255 = arith.constant 0 : i32
        %dma_start3A_256 = tpu.memref_slice %arg8[%dma_start3A_254, %dma_start3A_255] : memref<128x128xf32, #tpu.memory_space<vmem>> -> memref<125x128xf32, #tpu.memory_space<vmem>>
        %dma_start3A_257 = arith.constant 0 : i32
        %dma_start3A_258 = tpu.memref_slice %arg6[%add3A_150, %dma_start3A_257] : memref<80x125xi32, #tpu.memory_space<vmem>> -> memref<1x125xi32, #tpu.memory_space<vmem>>
        %dma_start3A_259 = tpu.memref_squeeze %dma_start3A_258 : memref<1x125xi32, #tpu.memory_space<vmem>> -> memref<125xi32, #tpu.memory_space<vmem>>
        %dma_start3A_260 = arith.constant 0 : i32
        %dma_start3A_261 = arith.constant 0 : i32
        %dma_start3A_262 = tpu.memref_slice %arg2[%dma_start3A_260, %dma_start3A_261] : memref<10000x128xf32, #tpu.memory_space<hbm>> -> memref<10000x128xf32, #tpu.memory_space<hbm>>
        tpu.enqueue_indirect_dma source(%dma_start3A_262 : memref<10000x128xf32, #tpu.memory_space<hbm>>) target(%dma_start3A_256 : memref<125x128xf32, #tpu.memory_space<vmem>>) offsets(%dma_start3A_259 : memref<125xi32, #tpu.memory_space<vmem>>) semaphore(%arg11 : memref<!tpu.dma_semaphore, #tpu.memory_space<semaphore_mem>>)
      } else {
      }
      %dma_wait3A_156 = arith.constant 0 : i32
      %dma_wait3A_157 = arith.constant 0 : i32
      %dma_wait3A_158 = arith.constant 0 : i32
      %dma_wait3A_159 = tpu.memref_slice %arg9[%dma_wait3A_157, %dma_wait3A_158] : memref<128x128xf32, #tpu.memory_space<vmem>> -> memref<125x128xf32, #tpu.memory_space<vmem>>
      %dma_wait3A_160 = arith.constant 0 : i32
      %dma_wait3A_161 = tpu.memref_slice %arg6[%dma_wait3A_156, %dma_wait3A_160] : memref<80x125xi32, #tpu.memory_space<vmem>> -> memref<1x125xi32, #tpu.memory_space<vmem>>
      %dma_wait3A_162 = tpu.memref_squeeze %dma_wait3A_161 : memref<1x125xi32, #tpu.memory_space<vmem>> -> memref<125xi32, #tpu.memory_space<vmem>>
      %dma_wait3A_163 = arith.constant 0 : i32
      %dma_wait3A_164 = arith.constant 0 : i32
      %dma_wait3A_165 = tpu.memref_slice %arg2[%dma_wait3A_163, %dma_wait3A_164] : memref<10000x128xf32, #tpu.memory_space<hbm>> -> memref<10000x128xf32, #tpu.memory_space<hbm>>
      tpu.wait_indirect_dma semaphore(%arg12 : memref<!tpu.dma_semaphore, #tpu.memory_space<semaphore_mem>>) src(%dma_wait3A_165 : memref<10000x128xf32, #tpu.memory_space<hbm>>) dst(%dma_wait3A_159 : memref<125x128xf32, #tpu.memory_space<vmem>>)
      %run_scoped3A_166 = arith.constant 3 : i32
      "tpu.region"() ({
        %run_scoped3A_254 = tpu.sem_alloc : memref<!tpu.dma_semaphore, #tpu.memory_space<semaphore_mem>>
        %dma_start3A_255 = arith.constant 0 : i32
        %dma_start3A_256 = arith.constant 0 : i32
        %dma_start3A_257 = tpu.memref_slice %arg9[%dma_start3A_255, %dma_start3A_256] : memref<128x128xf32, #tpu.memory_space<vmem>> -> memref<125x128xf32, #tpu.memory_space<vmem>>
        %dma_start3A_258 = arith.constant 0 : i32
        %dma_start3A_259 = tpu.memref_slice %arg7[%run_scoped3A_166, %dma_start3A_258] : memref<8x125xi32, #tpu.memory_space<vmem>> -> memref<1x125xi32, #tpu.memory_space<vmem>>
        %dma_start3A_260 = tpu.memref_squeeze %dma_start3A_259 : memref<1x125xi32, #tpu.memory_space<vmem>> -> memref<125xi32, #tpu.memory_space<vmem>>
        %dma_start3A_261 = arith.constant 0 : i32
        %dma_start3A_262 = arith.constant 0 : i32
        %dma_start3A_263 = tpu.memref_slice %arg10[%dma_start3A_261, %dma_start3A_262] : memref<10240x128xf32, #tpu.memory_space<vmem_shared>> -> memref<10240x128xf32, #tpu.memory_space<vmem_shared>>
        tpu.enqueue_indirect_dma source(%dma_start3A_257 : memref<125x128xf32, #tpu.memory_space<vmem>>) target(%dma_start3A_263 : memref<10240x128xf32, #tpu.memory_space<vmem_shared>>) offsets(%dma_start3A_260 : memref<125xi32, #tpu.memory_space<vmem>>) semaphore(%run_scoped3A_254 : memref<!tpu.dma_semaphore, #tpu.memory_space<semaphore_mem>>) {add = true}
        %dma_wait3A_264 = arith.constant 0 : i32
        %dma_wait3A_265 = arith.constant 0 : i32
        %dma_wait3A_266 = tpu.memref_slice %arg9[%dma_wait3A_264, %dma_wait3A_265] : memref<128x128xf32, #tpu.memory_space<vmem>> -> memref<125x128xf32, #tpu.memory_space<vmem>>
        %dma_wait3A_267 = arith.constant 0 : i32
        %dma_wait3A_268 = tpu.memref_slice %arg7[%run_scoped3A_166, %dma_wait3A_267] : memref<8x125xi32, #tpu.memory_space<vmem>> -> memref<1x125xi32, #tpu.memory_space<vmem>>
        %dma_wait3A_269 = tpu.memref_squeeze %dma_wait3A_268 : memref<1x125xi32, #tpu.memory_space<vmem>> -> memref<125xi32, #tpu.memory_space<vmem>>
        %dma_wait3A_270 = arith.constant 0 : i32
        %dma_wait3A_271 = arith.constant 0 : i32
        %dma_wait3A_272 = tpu.memref_slice %arg10[%dma_wait3A_270, %dma_wait3A_271] : memref<10240x128xf32, #tpu.memory_space<vmem_shared>> -> memref<10240x128xf32, #tpu.memory_space<vmem_shared>>
        tpu.wait_indirect_dma semaphore(%run_scoped3A_254 : memref<!tpu.dma_semaphore, #tpu.memory_space<semaphore_mem>>) src(%dma_wait3A_266 : memref<125x128xf32, #tpu.memory_space<vmem>>) dst(%dma_wait3A_272 : memref<10240x128xf32, #tpu.memory_space<vmem_shared>>)
        tpu.yield
      }) : () -> ()
      %add3A_167 = arith.constant 4 : i32
      %add3A_168 = arith.addi %mul3A_91, %add3A_167 : i32
      %add3A_169 = arith.constant 1 : i32
      %add3A_170 = arith.addi %add3A_168, %add3A_169 : i32
      %lt3A_171 = arith.constant 80 : i32
      %lt3A_172 = arith.cmpi slt, %add3A_170, %lt3A_171 : i32
      %convert_element_type3A_173 = arith.extui %lt3A_172 : i1 to i32
      %cond3A_174 = arith.constant 0 : i32
      %cond3A_175 = arith.cmpi ne, %convert_element_type3A_173, %cond3A_174 : i32
      scf.if %cond3A_175 {
        %dma_start3A_254 = arith.constant 0 : i32
        %dma_start3A_255 = arith.constant 0 : i32
        %dma_start3A_256 = tpu.memref_slice %arg9[%dma_start3A_254, %dma_start3A_255] : memref<128x128xf32, #tpu.memory_space<vmem>> -> memref<125x128xf32, #tpu.memory_space<vmem>>
        %dma_start3A_257 = arith.constant 0 : i32
        %dma_start3A_258 = tpu.memref_slice %arg6[%add3A_170, %dma_start3A_257] : memref<80x125xi32, #tpu.memory_space<vmem>> -> memref<1x125xi32, #tpu.memory_space<vmem>>
        %dma_start3A_259 = tpu.memref_squeeze %dma_start3A_258 : memref<1x125xi32, #tpu.memory_space<vmem>> -> memref<125xi32, #tpu.memory_space<vmem>>
        %dma_start3A_260 = arith.constant 0 : i32
        %dma_start3A_261 = arith.constant 0 : i32
        %dma_start3A_262 = tpu.memref_slice %arg2[%dma_start3A_260, %dma_start3A_261] : memref<10000x128xf32, #tpu.memory_space<hbm>> -> memref<10000x128xf32, #tpu.memory_space<hbm>>
        tpu.enqueue_indirect_dma source(%dma_start3A_262 : memref<10000x128xf32, #tpu.memory_space<hbm>>) target(%dma_start3A_256 : memref<125x128xf32, #tpu.memory_space<vmem>>) offsets(%dma_start3A_259 : memref<125xi32, #tpu.memory_space<vmem>>) semaphore(%arg12 : memref<!tpu.dma_semaphore, #tpu.memory_space<semaphore_mem>>)
      } else {
      }
      %dma_wait3A_176 = arith.constant 0 : i32
      %dma_wait3A_177 = arith.constant 0 : i32
      %dma_wait3A_178 = arith.constant 0 : i32
      %dma_wait3A_179 = tpu.memref_slice %arg8[%dma_wait3A_177, %dma_wait3A_178] : memref<128x128xf32, #tpu.memory_space<vmem>> -> memref<125x128xf32, #tpu.memory_space<vmem>>
      %dma_wait3A_180 = arith.constant 0 : i32
      %dma_wait3A_181 = tpu.memref_slice %arg6[%dma_wait3A_176, %dma_wait3A_180] : memref<80x125xi32, #tpu.memory_space<vmem>> -> memref<1x125xi32, #tpu.memory_space<vmem>>
      %dma_wait3A_182 = tpu.memref_squeeze %dma_wait3A_181 : memref<1x125xi32, #tpu.memory_space<vmem>> -> memref<125xi32, #tpu.memory_space<vmem>>
      %dma_wait3A_183 = arith.constant 0 : i32
      %dma_wait3A_184 = arith.constant 0 : i32
      %dma_wait3A_185 = tpu.memref_slice %arg2[%dma_wait3A_183, %dma_wait3A_184] : memref<10000x128xf32, #tpu.memory_space<hbm>> -> memref<10000x128xf32, #tpu.memory_space<hbm>>
      tpu.wait_indirect_dma semaphore(%arg11 : memref<!tpu.dma_semaphore, #tpu.memory_space<semaphore_mem>>) src(%dma_wait3A_185 : memref<10000x128xf32, #tpu.memory_space<hbm>>) dst(%dma_wait3A_179 : memref<125x128xf32, #tpu.memory_space<vmem>>)
      %run_scoped3A_186 = arith.constant 4 : i32
      "tpu.region"() ({
        %run_scoped3A_254 = tpu.sem_alloc : memref<!tpu.dma_semaphore, #tpu.memory_space<semaphore_mem>>
        %dma_start3A_255 = arith.constant 0 : i32
        %dma_start3A_256 = arith.constant 0 : i32
        %dma_start3A_257 = tpu.memref_slice %arg8[%dma_start3A_255, %dma_start3A_256] : memref<128x128xf32, #tpu.memory_space<vmem>> -> memref<125x128xf32, #tpu.memory_space<vmem>>
        %dma_start3A_258 = arith.constant 0 : i32
        %dma_start3A_259 = tpu.memref_slice %arg7[%run_scoped3A_186, %dma_start3A_258] : memref<8x125xi32, #tpu.memory_space<vmem>> -> memref<1x125xi32, #tpu.memory_space<vmem>>
        %dma_start3A_260 = tpu.memref_squeeze %dma_start3A_259 : memref<1x125xi32, #tpu.memory_space<vmem>> -> memref<125xi32, #tpu.memory_space<vmem>>
        %dma_start3A_261 = arith.constant 0 : i32
        %dma_start3A_262 = arith.constant 0 : i32
        %dma_start3A_263 = tpu.memref_slice %arg10[%dma_start3A_261, %dma_start3A_262] : memref<10240x128xf32, #tpu.memory_space<vmem_shared>> -> memref<10240x128xf32, #tpu.memory_space<vmem_shared>>
        tpu.enqueue_indirect_dma source(%dma_start3A_257 : memref<125x128xf32, #tpu.memory_space<vmem>>) target(%dma_start3A_263 : memref<10240x128xf32, #tpu.memory_space<vmem_shared>>) offsets(%dma_start3A_260 : memref<125xi32, #tpu.memory_space<vmem>>) semaphore(%run_scoped3A_254 : memref<!tpu.dma_semaphore, #tpu.memory_space<semaphore_mem>>) {add = true}
        %dma_wait3A_264 = arith.constant 0 : i32
        %dma_wait3A_265 = arith.constant 0 : i32
        %dma_wait3A_266 = tpu.memref_slice %arg8[%dma_wait3A_264, %dma_wait3A_265] : memref<128x128xf32, #tpu.memory_space<vmem>> -> memref<125x128xf32, #tpu.memory_space<vmem>>
        %dma_wait3A_267 = arith.constant 0 : i32
        %dma_wait3A_268 = tpu.memref_slice %arg7[%run_scoped3A_186, %dma_wait3A_267] : memref<8x125xi32, #tpu.memory_space<vmem>> -> memref<1x125xi32, #tpu.memory_space<vmem>>
        %dma_wait3A_269 = tpu.memref_squeeze %dma_wait3A_268 : memref<1x125xi32, #tpu.memory_space<vmem>> -> memref<125xi32, #tpu.memory_space<vmem>>
        %dma_wait3A_270 = arith.constant 0 : i32
        %dma_wait3A_271 = arith.constant 0 : i32
        %dma_wait3A_272 = tpu.memref_slice %arg10[%dma_wait3A_270, %dma_wait3A_271] : memref<10240x128xf32, #tpu.memory_space<vmem_shared>> -> memref<10240x128xf32, #tpu.memory_space<vmem_shared>>
        tpu.wait_indirect_dma semaphore(%run_scoped3A_254 : memref<!tpu.dma_semaphore, #tpu.memory_space<semaphore_mem>>) src(%dma_wait3A_266 : memref<125x128xf32, #tpu.memory_space<vmem>>) dst(%dma_wait3A_272 : memref<10240x128xf32, #tpu.memory_space<vmem_shared>>)
        tpu.yield
      }) : () -> ()
      %add3A_187 = arith.constant 5 : i32
      %add3A_188 = arith.addi %mul3A_91, %add3A_187 : i32
      %add3A_189 = arith.constant 1 : i32
      %add3A_190 = arith.addi %add3A_188, %add3A_189 : i32
      %lt3A_191 = arith.constant 80 : i32
      %lt3A_192 = arith.cmpi slt, %add3A_190, %lt3A_191 : i32
      %convert_element_type3A_193 = arith.extui %lt3A_192 : i1 to i32
      %cond3A_194 = arith.constant 0 : i32
      %cond3A_195 = arith.cmpi ne, %convert_element_type3A_193, %cond3A_194 : i32
      scf.if %cond3A_195 {
        %dma_start3A_254 = arith.constant 0 : i32
        %dma_start3A_255 = arith.constant 0 : i32
        %dma_start3A_256 = tpu.memref_slice %arg8[%dma_start3A_254, %dma_start3A_255] : memref<128x128xf32, #tpu.memory_space<vmem>> -> memref<125x128xf32, #tpu.memory_space<vmem>>
        %dma_start3A_257 = arith.constant 0 : i32
        %dma_start3A_258 = tpu.memref_slice %arg6[%add3A_190, %dma_start3A_257] : memref<80x125xi32, #tpu.memory_space<vmem>> -> memref<1x125xi32, #tpu.memory_space<vmem>>
        %dma_start3A_259 = tpu.memref_squeeze %dma_start3A_258 : memref<1x125xi32, #tpu.memory_space<vmem>> -> memref<125xi32, #tpu.memory_space<vmem>>
        %dma_start3A_260 = arith.constant 0 : i32
        %dma_start3A_261 = arith.constant 0 : i32
        %dma_start3A_262 = tpu.memref_slice %arg2[%dma_start3A_260, %dma_start3A_261] : memref<10000x128xf32, #tpu.memory_space<hbm>> -> memref<10000x128xf32, #tpu.memory_space<hbm>>
        tpu.enqueue_indirect_dma source(%dma_start3A_262 : memref<10000x128xf32, #tpu.memory_space<hbm>>) target(%dma_start3A_256 : memref<125x128xf32, #tpu.memory_space<vmem>>) offsets(%dma_start3A_259 : memref<125xi32, #tpu.memory_space<vmem>>) semaphore(%arg11 : memref<!tpu.dma_semaphore, #tpu.memory_space<semaphore_mem>>)
      } else {
      }
      %dma_wait3A_196 = arith.constant 0 : i32
      %dma_wait3A_197 = arith.constant 0 : i32
      %dma_wait3A_198 = arith.constant 0 : i32
      %dma_wait3A_199 = tpu.memref_slice %arg9[%dma_wait3A_197, %dma_wait3A_198] : memref<128x128xf32, #tpu.memory_space<vmem>> -> memref<125x128xf32, #tpu.memory_space<vmem>>
      %dma_wait3A_200 = arith.constant 0 : i32
      %dma_wait3A_201 = tpu.memref_slice %arg6[%dma_wait3A_196, %dma_wait3A_200] : memref<80x125xi32, #tpu.memory_space<vmem>> -> memref<1x125xi32, #tpu.memory_space<vmem>>
      %dma_wait3A_202 = tpu.memref_squeeze %dma_wait3A_201 : memref<1x125xi32, #tpu.memory_space<vmem>> -> memref<125xi32, #tpu.memory_space<vmem>>
      %dma_wait3A_203 = arith.constant 0 : i32
      %dma_wait3A_204 = arith.constant 0 : i32
      %dma_wait3A_205 = tpu.memref_slice %arg2[%dma_wait3A_203, %dma_wait3A_204] : memref<10000x128xf32, #tpu.memory_space<hbm>> -> memref<10000x128xf32, #tpu.memory_space<hbm>>
      tpu.wait_indirect_dma semaphore(%arg12 : memref<!tpu.dma_semaphore, #tpu.memory_space<semaphore_mem>>) src(%dma_wait3A_205 : memref<10000x128xf32, #tpu.memory_space<hbm>>) dst(%dma_wait3A_199 : memref<125x128xf32, #tpu.memory_space<vmem>>)
      %run_scoped3A_206 = arith.constant 5 : i32
      "tpu.region"() ({
        %run_scoped3A_254 = tpu.sem_alloc : memref<!tpu.dma_semaphore, #tpu.memory_space<semaphore_mem>>
        %dma_start3A_255 = arith.constant 0 : i32
        %dma_start3A_256 = arith.constant 0 : i32
        %dma_start3A_257 = tpu.memref_slice %arg9[%dma_start3A_255, %dma_start3A_256] : memref<128x128xf32, #tpu.memory_space<vmem>> -> memref<125x128xf32, #tpu.memory_space<vmem>>
        %dma_start3A_258 = arith.constant 0 : i32
        %dma_start3A_259 = tpu.memref_slice %arg7[%run_scoped3A_206, %dma_start3A_258] : memref<8x125xi32, #tpu.memory_space<vmem>> -> memref<1x125xi32, #tpu.memory_space<vmem>>
        %dma_start3A_260 = tpu.memref_squeeze %dma_start3A_259 : memref<1x125xi32, #tpu.memory_space<vmem>> -> memref<125xi32, #tpu.memory_space<vmem>>
        %dma_start3A_261 = arith.constant 0 : i32
        %dma_start3A_262 = arith.constant 0 : i32
        %dma_start3A_263 = tpu.memref_slice %arg10[%dma_start3A_261, %dma_start3A_262] : memref<10240x128xf32, #tpu.memory_space<vmem_shared>> -> memref<10240x128xf32, #tpu.memory_space<vmem_shared>>
        tpu.enqueue_indirect_dma source(%dma_start3A_257 : memref<125x128xf32, #tpu.memory_space<vmem>>) target(%dma_start3A_263 : memref<10240x128xf32, #tpu.memory_space<vmem_shared>>) offsets(%dma_start3A_260 : memref<125xi32, #tpu.memory_space<vmem>>) semaphore(%run_scoped3A_254 : memref<!tpu.dma_semaphore, #tpu.memory_space<semaphore_mem>>) {add = true}
        %dma_wait3A_264 = arith.constant 0 : i32
        %dma_wait3A_265 = arith.constant 0 : i32
        %dma_wait3A_266 = tpu.memref_slice %arg9[%dma_wait3A_264, %dma_wait3A_265] : memref<128x128xf32, #tpu.memory_space<vmem>> -> memref<125x128xf32, #tpu.memory_space<vmem>>
        %dma_wait3A_267 = arith.constant 0 : i32
        %dma_wait3A_268 = tpu.memref_slice %arg7[%run_scoped3A_206, %dma_wait3A_267] : memref<8x125xi32, #tpu.memory_space<vmem>> -> memref<1x125xi32, #tpu.memory_space<vmem>>
        %dma_wait3A_269 = tpu.memref_squeeze %dma_wait3A_268 : memref<1x125xi32, #tpu.memory_space<vmem>> -> memref<125xi32, #tpu.memory_space<vmem>>
        %dma_wait3A_270 = arith.constant 0 : i32
        %dma_wait3A_271 = arith.constant 0 : i32
        %dma_wait3A_272 = tpu.memref_slice %arg10[%dma_wait3A_270, %dma_wait3A_271] : memref<10240x128xf32, #tpu.memory_space<vmem_shared>> -> memref<10240x128xf32, #tpu.memory_space<vmem_shared>>
        tpu.wait_indirect_dma semaphore(%run_scoped3A_254 : memref<!tpu.dma_semaphore, #tpu.memory_space<semaphore_mem>>) src(%dma_wait3A_266 : memref<125x128xf32, #tpu.memory_space<vmem>>) dst(%dma_wait3A_272 : memref<10240x128xf32, #tpu.memory_space<vmem_shared>>)
        tpu.yield
      }) : () -> ()
      %add3A_207 = arith.constant 6 : i32
      %add3A_208 = arith.addi %mul3A_91, %add3A_207 : i32
      %add3A_209 = arith.constant 1 : i32
      %add3A_210 = arith.addi %add3A_208, %add3A_209 : i32
      %lt3A_211 = arith.constant 80 : i32
      %lt3A_212 = arith.cmpi slt, %add3A_210, %lt3A_211 : i32
      %convert_element_type3A_213 = arith.extui %lt3A_212 : i1 to i32
      %cond3A_214 = arith.constant 0 : i32
      %cond3A_215 = arith.cmpi ne, %convert_element_type3A_213, %cond3A_214 : i32
      scf.if %cond3A_215 {
        %dma_start3A_254 = arith.constant 0 : i32
        %dma_start3A_255 = arith.constant 0 : i32
        %dma_start3A_256 = tpu.memref_slice %arg9[%dma_start3A_254, %dma_start3A_255] : memref<128x128xf32, #tpu.memory_space<vmem>> -> memref<125x128xf32, #tpu.memory_space<vmem>>
        %dma_start3A_257 = arith.constant 0 : i32
        %dma_start3A_258 = tpu.memref_slice %arg6[%add3A_210, %dma_start3A_257] : memref<80x125xi32, #tpu.memory_space<vmem>> -> memref<1x125xi32, #tpu.memory_space<vmem>>
        %dma_start3A_259 = tpu.memref_squeeze %dma_start3A_258 : memref<1x125xi32, #tpu.memory_space<vmem>> -> memref<125xi32, #tpu.memory_space<vmem>>
        %dma_start3A_260 = arith.constant 0 : i32
        %dma_start3A_261 = arith.constant 0 : i32
        %dma_start3A_262 = tpu.memref_slice %arg2[%dma_start3A_260, %dma_start3A_261] : memref<10000x128xf32, #tpu.memory_space<hbm>> -> memref<10000x128xf32, #tpu.memory_space<hbm>>
        tpu.enqueue_indirect_dma source(%dma_start3A_262 : memref<10000x128xf32, #tpu.memory_space<hbm>>) target(%dma_start3A_256 : memref<125x128xf32, #tpu.memory_space<vmem>>) offsets(%dma_start3A_259 : memref<125xi32, #tpu.memory_space<vmem>>) semaphore(%arg12 : memref<!tpu.dma_semaphore, #tpu.memory_space<semaphore_mem>>)
      } else {
      }
      %dma_wait3A_216 = arith.constant 0 : i32
      %dma_wait3A_217 = arith.constant 0 : i32
      %dma_wait3A_218 = arith.constant 0 : i32
      %dma_wait3A_219 = tpu.memref_slice %arg8[%dma_wait3A_217, %dma_wait3A_218] : memref<128x128xf32, #tpu.memory_space<vmem>> -> memref<125x128xf32, #tpu.memory_space<vmem>>
      %dma_wait3A_220 = arith.constant 0 : i32
      %dma_wait3A_221 = tpu.memref_slice %arg6[%dma_wait3A_216, %dma_wait3A_220] : memref<80x125xi32, #tpu.memory_space<vmem>> -> memref<1x125xi32, #tpu.memory_space<vmem>>
      %dma_wait3A_222 = tpu.memref_squeeze %dma_wait3A_221 : memref<1x125xi32, #tpu.memory_space<vmem>> -> memref<125xi32, #tpu.memory_space<vmem>>
      %dma_wait3A_223 = arith.constant 0 : i32
      %dma_wait3A_224 = arith.constant 0 : i32
      %dma_wait3A_225 = tpu.memref_slice %arg2[%dma_wait3A_223, %dma_wait3A_224] : memref<10000x128xf32, #tpu.memory_space<hbm>> -> memref<10000x128xf32, #tpu.memory_space<hbm>>
      tpu.wait_indirect_dma semaphore(%arg11 : memref<!tpu.dma_semaphore, #tpu.memory_space<semaphore_mem>>) src(%dma_wait3A_225 : memref<10000x128xf32, #tpu.memory_space<hbm>>) dst(%dma_wait3A_219 : memref<125x128xf32, #tpu.memory_space<vmem>>)
      %run_scoped3A_226 = arith.constant 6 : i32
      "tpu.region"() ({
        %run_scoped3A_254 = tpu.sem_alloc : memref<!tpu.dma_semaphore, #tpu.memory_space<semaphore_mem>>
        %dma_start3A_255 = arith.constant 0 : i32
        %dma_start3A_256 = arith.constant 0 : i32
        %dma_start3A_257 = tpu.memref_slice %arg8[%dma_start3A_255, %dma_start3A_256] : memref<128x128xf32, #tpu.memory_space<vmem>> -> memref<125x128xf32, #tpu.memory_space<vmem>>
        %dma_start3A_258 = arith.constant 0 : i32
        %dma_start3A_259 = tpu.memref_slice %arg7[%run_scoped3A_226, %dma_start3A_258] : memref<8x125xi32, #tpu.memory_space<vmem>> -> memref<1x125xi32, #tpu.memory_space<vmem>>
        %dma_start3A_260 = tpu.memref_squeeze %dma_start3A_259 : memref<1x125xi32, #tpu.memory_space<vmem>> -> memref<125xi32, #tpu.memory_space<vmem>>
        %dma_start3A_261 = arith.constant 0 : i32
        %dma_start3A_262 = arith.constant 0 : i32
        %dma_start3A_263 = tpu.memref_slice %arg10[%dma_start3A_261, %dma_start3A_262] : memref<10240x128xf32, #tpu.memory_space<vmem_shared>> -> memref<10240x128xf32, #tpu.memory_space<vmem_shared>>
        tpu.enqueue_indirect_dma source(%dma_start3A_257 : memref<125x128xf32, #tpu.memory_space<vmem>>) target(%dma_start3A_263 : memref<10240x128xf32, #tpu.memory_space<vmem_shared>>) offsets(%dma_start3A_260 : memref<125xi32, #tpu.memory_space<vmem>>) semaphore(%run_scoped3A_254 : memref<!tpu.dma_semaphore, #tpu.memory_space<semaphore_mem>>) {add = true}
        %dma_wait3A_264 = arith.constant 0 : i32
        %dma_wait3A_265 = arith.constant 0 : i32
        %dma_wait3A_266 = tpu.memref_slice %arg8[%dma_wait3A_264, %dma_wait3A_265] : memref<128x128xf32, #tpu.memory_space<vmem>> -> memref<125x128xf32, #tpu.memory_space<vmem>>
        %dma_wait3A_267 = arith.constant 0 : i32
        %dma_wait3A_268 = tpu.memref_slice %arg7[%run_scoped3A_226, %dma_wait3A_267] : memref<8x125xi32, #tpu.memory_space<vmem>> -> memref<1x125xi32, #tpu.memory_space<vmem>>
        %dma_wait3A_269 = tpu.memref_squeeze %dma_wait3A_268 : memref<1x125xi32, #tpu.memory_space<vmem>> -> memref<125xi32, #tpu.memory_space<vmem>>
        %dma_wait3A_270 = arith.constant 0 : i32
        %dma_wait3A_271 = arith.constant 0 : i32
        %dma_wait3A_272 = tpu.memref_slice %arg10[%dma_wait3A_270, %dma_wait3A_271] : memref<10240x128xf32, #tpu.memory_space<vmem_shared>> -> memref<10240x128xf32, #tpu.memory_space<vmem_shared>>
        tpu.wait_indirect_dma semaphore(%run_scoped3A_254 : memref<!tpu.dma_semaphore, #tpu.memory_space<semaphore_mem>>) src(%dma_wait3A_266 : memref<125x128xf32, #tpu.memory_space<vmem>>) dst(%dma_wait3A_272 : memref<10240x128xf32, #tpu.memory_space<vmem_shared>>)
        tpu.yield
      }) : () -> ()
      %add3A_227 = arith.constant 7 : i32
      %add3A_228 = arith.addi %mul3A_91, %add3A_227 : i32
      %add3A_229 = arith.constant 1 : i32
      %add3A_230 = arith.addi %add3A_228, %add3A_229 : i32
      %lt3A_231 = arith.constant 80 : i32
      %lt3A_232 = arith.cmpi slt, %add3A_230, %lt3A_231 : i32
      %convert_element_type3A_233 = arith.extui %lt3A_232 : i1 to i32
      %cond3A_234 = arith.constant 0 : i32
      %cond3A_235 = arith.cmpi ne, %convert_element_type3A_233, %cond3A_234 : i32
      scf.if %cond3A_235 {
        %dma_start3A_254 = arith.constant 0 : i32
        %dma_start3A_255 = arith.constant 0 : i32
        %dma_start3A_256 = tpu.memref_slice %arg8[%dma_start3A_254, %dma_start3A_255] : memref<128x128xf32, #tpu.memory_space<vmem>> -> memref<125x128xf32, #tpu.memory_space<vmem>>
        %dma_start3A_257 = arith.constant 0 : i32
        %dma_start3A_258 = tpu.memref_slice %arg6[%add3A_230, %dma_start3A_257] : memref<80x125xi32, #tpu.memory_space<vmem>> -> memref<1x125xi32, #tpu.memory_space<vmem>>
        %dma_start3A_259 = tpu.memref_squeeze %dma_start3A_258 : memref<1x125xi32, #tpu.memory_space<vmem>> -> memref<125xi32, #tpu.memory_space<vmem>>
        %dma_start3A_260 = arith.constant 0 : i32
        %dma_start3A_261 = arith.constant 0 : i32
        %dma_start3A_262 = tpu.memref_slice %arg2[%dma_start3A_260, %dma_start3A_261] : memref<10000x128xf32, #tpu.memory_space<hbm>> -> memref<10000x128xf32, #tpu.memory_space<hbm>>
        tpu.enqueue_indirect_dma source(%dma_start3A_262 : memref<10000x128xf32, #tpu.memory_space<hbm>>) target(%dma_start3A_256 : memref<125x128xf32, #tpu.memory_space<vmem>>) offsets(%dma_start3A_259 : memref<125xi32, #tpu.memory_space<vmem>>) semaphore(%arg11 : memref<!tpu.dma_semaphore, #tpu.memory_space<semaphore_mem>>)
      } else {
      }
      %dma_wait3A_236 = arith.constant 0 : i32
      %dma_wait3A_237 = arith.constant 0 : i32
      %dma_wait3A_238 = arith.constant 0 : i32
      %dma_wait3A_239 = tpu.memref_slice %arg9[%dma_wait3A_237, %dma_wait3A_238] : memref<128x128xf32, #tpu.memory_space<vmem>> -> memref<125x128xf32, #tpu.memory_space<vmem>>
      %dma_wait3A_240 = arith.constant 0 : i32
      %dma_wait3A_241 = tpu.memref_slice %arg6[%dma_wait3A_236, %dma_wait3A_240] : memref<80x125xi32, #tpu.memory_space<vmem>> -> memref<1x125xi32, #tpu.memory_space<vmem>>
      %dma_wait3A_242 = tpu.memref_squeeze %dma_wait3A_241 : memref<1x125xi32, #tpu.memory_space<vmem>> -> memref<125xi32, #tpu.memory_space<vmem>>
      %dma_wait3A_243 = arith.constant 0 : i32
      %dma_wait3A_244 = arith.constant 0 : i32
      %dma_wait3A_245 = tpu.memref_slice %arg2[%dma_wait3A_243, %dma_wait3A_244] : memref<10000x128xf32, #tpu.memory_space<hbm>> -> memref<10000x128xf32, #tpu.memory_space<hbm>>
      tpu.wait_indirect_dma semaphore(%arg12 : memref<!tpu.dma_semaphore, #tpu.memory_space<semaphore_mem>>) src(%dma_wait3A_245 : memref<10000x128xf32, #tpu.memory_space<hbm>>) dst(%dma_wait3A_239 : memref<125x128xf32, #tpu.memory_space<vmem>>)
      %run_scoped3A_246 = arith.constant 7 : i32
      "tpu.region"() ({
        %run_scoped3A_254 = tpu.sem_alloc : memref<!tpu.dma_semaphore, #tpu.memory_space<semaphore_mem>>
        %dma_start3A_255 = arith.constant 0 : i32
        %dma_start3A_256 = arith.constant 0 : i32
        %dma_start3A_257 = tpu.memref_slice %arg9[%dma_start3A_255, %dma_start3A_256] : memref<128x128xf32, #tpu.memory_space<vmem>> -> memref<125x128xf32, #tpu.memory_space<vmem>>
        %dma_start3A_258 = arith.constant 0 : i32
        %dma_start3A_259 = tpu.memref_slice %arg7[%run_scoped3A_246, %dma_start3A_258] : memref<8x125xi32, #tpu.memory_space<vmem>> -> memref<1x125xi32, #tpu.memory_space<vmem>>
        %dma_start3A_260 = tpu.memref_squeeze %dma_start3A_259 : memref<1x125xi32, #tpu.memory_space<vmem>> -> memref<125xi32, #tpu.memory_space<vmem>>
        %dma_start3A_261 = arith.constant 0 : i32
        %dma_start3A_262 = arith.constant 0 : i32
        %dma_start3A_263 = tpu.memref_slice %arg10[%dma_start3A_261, %dma_start3A_262] : memref<10240x128xf32, #tpu.memory_space<vmem_shared>> -> memref<10240x128xf32, #tpu.memory_space<vmem_shared>>
        tpu.enqueue_indirect_dma source(%dma_start3A_257 : memref<125x128xf32, #tpu.memory_space<vmem>>) target(%dma_start3A_263 : memref<10240x128xf32, #tpu.memory_space<vmem_shared>>) offsets(%dma_start3A_260 : memref<125xi32, #tpu.memory_space<vmem>>) semaphore(%run_scoped3A_254 : memref<!tpu.dma_semaphore, #tpu.memory_space<semaphore_mem>>) {add = true}
        %dma_wait3A_264 = arith.constant 0 : i32
        %dma_wait3A_265 = arith.constant 0 : i32
        %dma_wait3A_266 = tpu.memref_slice %arg9[%dma_wait3A_264, %dma_wait3A_265] : memref<128x128xf32, #tpu.memory_space<vmem>> -> memref<125x128xf32, #tpu.memory_space<vmem>>
        %dma_wait3A_267 = arith.constant 0 : i32
        %dma_wait3A_268 = tpu.memref_slice %arg7[%run_scoped3A_246, %dma_wait3A_267] : memref<8x125xi32, #tpu.memory_space<vmem>> -> memref<1x125xi32, #tpu.memory_space<vmem>>
        %dma_wait3A_269 = tpu.memref_squeeze %dma_wait3A_268 : memref<1x125xi32, #tpu.memory_space<vmem>> -> memref<125xi32, #tpu.memory_space<vmem>>
        %dma_wait3A_270 = arith.constant 0 : i32
        %dma_wait3A_271 = arith.constant 0 : i32
        %dma_wait3A_272 = tpu.memref_slice %arg10[%dma_wait3A_270, %dma_wait3A_271] : memref<10240x128xf32, #tpu.memory_space<vmem_shared>> -> memref<10240x128xf32, #tpu.memory_space<vmem_shared>>
        tpu.wait_indirect_dma semaphore(%run_scoped3A_254 : memref<!tpu.dma_semaphore, #tpu.memory_space<semaphore_mem>>) src(%dma_wait3A_266 : memref<125x128xf32, #tpu.memory_space<vmem>>) dst(%dma_wait3A_272 : memref<10240x128xf32, #tpu.memory_space<vmem_shared>>)
        tpu.yield
      }) : () -> ()
      %add3A_247 = arith.constant 1 : i32
      %add3A_248 = arith.addi %scan3A_89, %add3A_247 : i32
      %lt3A_249 = arith.constant 10 : i32
      %lt3A_250 = arith.cmpi slt, %add3A_248, %lt3A_249 : i32
      %convert_element_type3A_251 = arith.extui %lt3A_250 : i1 to i32
      %cond3A_252 = arith.constant 0 : i32
      %cond3A_253 = arith.cmpi ne, %convert_element_type3A_251, %cond3A_252 : i32
      scf.if %cond3A_253 {
        %add3A_254 = arith.constant 1 : i32
        %add3A_255 = arith.addi %scan3A_89, %add3A_254 : i32
        %mul3A_256 = arith.constant 8 : i32
        %mul3A_257 = arith.muli %add3A_255, %mul3A_256 : i32
        %multiple_of3A_258 = tpu.assume_multiple %mul3A_257, 8 : i32
        "tpu.region"() ({
          %run_scoped3A_259 = tpu.sem_alloc : memref<!tpu.dma_semaphore, #tpu.memory_space<semaphore_mem>>
          %dma_start3A_260 = arith.constant 0 : i32
          %dma_start3A_261 = tpu.memref_slice %arg4[%add3A, %multiple_of3A_258, %dma_start3A_260] : memref<32x80x125xi32, #tpu.memory_space<hbm>> -> memref<1x8x125xi32, #tpu.memory_space<hbm>>
          %dma_start3A_262 = tpu.memref_squeeze %dma_start3A_261 : memref<1x8x125xi32, #tpu.memory_space<hbm>> -> memref<8x125xi32, #tpu.memory_space<hbm>>
          %dma_start3A_263 = arith.constant 0 : i32
          %dma_start3A_264 = tpu.memref_slice %arg4[%add3A, %multiple_of3A_258, %dma_start3A_263] : memref<32x80x125xi32, #tpu.memory_space<hbm>> -> memref<1x8x125xi32, #tpu.memory_space<hbm>>
          %dma_start3A_265 = tpu.memref_squeeze %dma_start3A_264 : memref<1x8x125xi32, #tpu.memory_space<hbm>> -> memref<8x125xi32, #tpu.memory_space<hbm>>
          tpu.enqueue_dma source(%dma_start3A_265 : memref<8x125xi32, #tpu.memory_space<hbm>>) target(%arg7 : memref<8x125xi32, #tpu.memory_space<vmem>>) target_semaphore(%run_scoped3A_259 : memref<!tpu.dma_semaphore, #tpu.memory_space<semaphore_mem>>)
          %dma_wait3A_266 = arith.constant 0 : i32
          %dma_wait3A_267 = tpu.memref_slice %arg4[%add3A, %multiple_of3A_258, %dma_wait3A_266] : memref<32x80x125xi32, #tpu.memory_space<hbm>> -> memref<1x8x125xi32, #tpu.memory_space<hbm>>
          %dma_wait3A_268 = tpu.memref_squeeze %dma_wait3A_267 : memref<1x8x125xi32, #tpu.memory_space<hbm>> -> memref<8x125xi32, #tpu.memory_space<hbm>>
          %dma_wait3A_269 = arith.constant 0 : i32
          %dma_wait3A_270 = tpu.memref_slice %arg4[%add3A, %multiple_of3A_258, %dma_wait3A_269] : memref<32x80x125xi32, #tpu.memory_space<hbm>> -> memref<1x8x125xi32, #tpu.memory_space<hbm>>
          %dma_wait3A_271 = tpu.memref_squeeze %dma_wait3A_270 : memref<1x8x125xi32, #tpu.memory_space<hbm>> -> memref<8x125xi32, #tpu.memory_space<hbm>>
          tpu.wait_dma2 semaphore(%run_scoped3A_259 : memref<!tpu.dma_semaphore, #tpu.memory_space<semaphore_mem>>) src(%dma_wait3A_271 : memref<8x125xi32, #tpu.memory_space<hbm>>) dst(%arg7 : memref<8x125xi32, #tpu.memory_space<vmem>>)
          tpu.yield
        }) : () -> ()
      } else {
      }
    }
    %scan3A_42 = arith.constant 10 : i32
    %barrier3A_43 = arith.constant 0 : index
    tpu.barrier barrier_id(%barrier3A_43)
    %mul3A_44 = arith.constant 640 : i32
    %mul3A_45 = arith.muli %arg1, %mul3A_44 : i32
    %add3A_46 = arith.constant 0 : i32
    %add3A_47 = arith.addi %mul3A_45, %add3A_46 : i32
    %multiple_of3A_48 = tpu.assume_multiple %add3A_47, 128 : i32
    "tpu.region"() ({
      %run_scoped3A = tpu.sem_alloc : memref<!tpu.dma_semaphore, #tpu.memory_space<semaphore_mem>>
      %dma_start3A_89 = arith.constant 0 : i32
      %dma_start3A_90 = tpu.memref_slice %arg10[%multiple_of3A_48, %dma_start3A_89] : memref<10240x128xf32, #tpu.memory_space<vmem_shared>> -> memref<128x128xf32, #tpu.memory_space<vmem_shared>>
      %dma_start3A_91 = arith.constant 0 : i32
      %dma_start3A_92 = tpu.memref_slice %arg10[%multiple_of3A_48, %dma_start3A_91] : memref<10240x128xf32, #tpu.memory_space<vmem_shared>> -> memref<128x128xf32, #tpu.memory_space<vmem_shared>>
      tpu.enqueue_dma source(%dma_start3A_92 : memref<128x128xf32, #tpu.memory_space<vmem_shared>>) target(%arg8 : memref<128x128xf32, #tpu.memory_space<vmem>>) target_semaphore(%run_scoped3A : memref<!tpu.dma_semaphore, #tpu.memory_space<semaphore_mem>>)
      %dma_wait3A = arith.constant 0 : i32
      %dma_wait3A_93 = tpu.memref_slice %arg10[%multiple_of3A_48, %dma_wait3A] : memref<10240x128xf32, #tpu.memory_space<vmem_shared>> -> memref<128x128xf32, #tpu.memory_space<vmem_shared>>
      %dma_wait3A_94 = arith.constant 0 : i32
      %dma_wait3A_95 = tpu.memref_slice %arg10[%multiple_of3A_48, %dma_wait3A_94] : memref<10240x128xf32, #tpu.memory_space<vmem_shared>> -> memref<128x128xf32, #tpu.memory_space<vmem_shared>>
      tpu.wait_dma2 semaphore(%run_scoped3A : memref<!tpu.dma_semaphore, #tpu.memory_space<semaphore_mem>>) src(%dma_wait3A_95 : memref<128x128xf32, #tpu.memory_space<vmem_shared>>) dst(%arg8 : memref<128x128xf32, #tpu.memory_space<vmem>>)
      tpu.yield
    }) : () -> ()
    %mul3A_49 = arith.constant 640 : i32
    %mul3A_50 = arith.muli %arg1, %mul3A_49 : i32
    %add3A_51 = arith.constant 0 : i32
    %add3A_52 = arith.addi %mul3A_50, %add3A_51 : i32
    "tpu.region"() ({
      %run_scoped3A = tpu.sem_alloc : memref<!tpu.dma_semaphore, #tpu.memory_space<semaphore_mem>>
      %dma_start3A_89 = arith.constant 0 : i32
      %dma_start3A_90 = tpu.memref_slice %arg5[%arg0, %add3A_52, %dma_start3A_89] : memref<2x10240x128xf32, #tpu.memory_space<hbm>> -> memref<1x128x128xf32, #tpu.memory_space<hbm>>
      %dma_start3A_91 = tpu.memref_squeeze %dma_start3A_90 : memref<1x128x128xf32, #tpu.memory_space<hbm>> -> memref<128x128xf32, #tpu.memory_space<hbm>>
      %dma_start3A_92 = arith.constant 0 : i32
      %dma_start3A_93 = tpu.memref_slice %arg5[%arg0, %add3A_52, %dma_start3A_92] : memref<2x10240x128xf32, #tpu.memory_space<hbm>> -> memref<1x128x128xf32, #tpu.memory_space<hbm>>
      %dma_start3A_94 = tpu.memref_squeeze %dma_start3A_93 : memref<1x128x128xf32, #tpu.memory_space<hbm>> -> memref<128x128xf32, #tpu.memory_space<hbm>>
      tpu.enqueue_dma source(%arg8 : memref<128x128xf32, #tpu.memory_space<vmem>>) target(%dma_start3A_94 : memref<128x128xf32, #tpu.memory_space<hbm>>) target_semaphore(%run_scoped3A : memref<!tpu.dma_semaphore, #tpu.memory_space<semaphore_mem>>)
      %dma_wait3A = arith.constant 0 : i32
      %dma_wait3A_95 = tpu.memref_slice %arg5[%arg0, %add3A_52, %dma_wait3A] : memref<2x10240x128xf32, #tpu.memory_space<hbm>> -> memref<1x128x128xf32, #tpu.memory_space<hbm>>
      %dma_wait3A_96 = tpu.memref_squeeze %dma_wait3A_95 : memref<1x128x128xf32, #tpu.memory_space<hbm>> -> memref<128x128xf32, #tpu.memory_space<hbm>>
      %dma_wait3A_97 = arith.constant 0 : i32
      %dma_wait3A_98 = tpu.memref_slice %arg5[%arg0, %add3A_52, %dma_wait3A_97] : memref<2x10240x128xf32, #tpu.memory_space<hbm>> -> memref<1x128x128xf32, #tpu.memory_space<hbm>>
      %dma_wait3A_99 = tpu.memref_squeeze %dma_wait3A_98 : memref<1x128x128xf32, #tpu.memory_space<hbm>> -> memref<128x128xf32, #tpu.memory_space<hbm>>
      tpu.wait_dma2 semaphore(%run_scoped3A : memref<!tpu.dma_semaphore, #tpu.memory_space<semaphore_mem>>) src(%arg8 : memref<128x128xf32, #tpu.memory_space<vmem>>) dst(%dma_wait3A_99 : memref<128x128xf32, #tpu.memory_space<hbm>>)
      tpu.yield
    }) : () -> ()
    %mul3A_53 = arith.constant 640 : i32
    %mul3A_54 = arith.muli %arg1, %mul3A_53 : i32
    %add3A_55 = arith.constant 128 : i32
    %add3A_56 = arith.addi %mul3A_54, %add3A_55 : i32
    %multiple_of3A_57 = tpu.assume_multiple %add3A_56, 128 : i32
    "tpu.region"() ({
      %run_scoped3A = tpu.sem_alloc : memref<!tpu.dma_semaphore, #tpu.memory_space<semaphore_mem>>
      %dma_start3A_89 = arith.constant 0 : i32
      %dma_start3A_90 = tpu.memref_slice %arg10[%multiple_of3A_57, %dma_start3A_89] : memref<10240x128xf32, #tpu.memory_space<vmem_shared>> -> memref<128x128xf32, #tpu.memory_space<vmem_shared>>
      %dma_start3A_91 = arith.constant 0 : i32
      %dma_start3A_92 = tpu.memref_slice %arg10[%multiple_of3A_57, %dma_start3A_91] : memref<10240x128xf32, #tpu.memory_space<vmem_shared>> -> memref<128x128xf32, #tpu.memory_space<vmem_shared>>
      tpu.enqueue_dma source(%dma_start3A_92 : memref<128x128xf32, #tpu.memory_space<vmem_shared>>) target(%arg8 : memref<128x128xf32, #tpu.memory_space<vmem>>) target_semaphore(%run_scoped3A : memref<!tpu.dma_semaphore, #tpu.memory_space<semaphore_mem>>)
      %dma_wait3A = arith.constant 0 : i32
      %dma_wait3A_93 = tpu.memref_slice %arg10[%multiple_of3A_57, %dma_wait3A] : memref<10240x128xf32, #tpu.memory_space<vmem_shared>> -> memref<128x128xf32, #tpu.memory_space<vmem_shared>>
      %dma_wait3A_94 = arith.constant 0 : i32
      %dma_wait3A_95 = tpu.memref_slice %arg10[%multiple_of3A_57, %dma_wait3A_94] : memref<10240x128xf32, #tpu.memory_space<vmem_shared>> -> memref<128x128xf32, #tpu.memory_space<vmem_shared>>
      tpu.wait_dma2 semaphore(%run_scoped3A : memref<!tpu.dma_semaphore, #tpu.memory_space<semaphore_mem>>) src(%dma_wait3A_95 : memref<128x128xf32, #tpu.memory_space<vmem_shared>>) dst(%arg8 : memref<128x128xf32, #tpu.memory_space<vmem>>)
      tpu.yield
    }) : () -> ()
    %mul3A_58 = arith.constant 640 : i32
    %mul3A_59 = arith.muli %arg1, %mul3A_58 : i32
    %add3A_60 = arith.constant 128 : i32
    %add3A_61 = arith.addi %mul3A_59, %add3A_60 : i32
    "tpu.region"() ({
      %run_scoped3A = tpu.sem_alloc : memref<!tpu.dma_semaphore, #tpu.memory_space<semaphore_mem>>
      %dma_start3A_89 = arith.constant 0 : i32
      %dma_start3A_90 = tpu.memref_slice %arg5[%arg0, %add3A_61, %dma_start3A_89] : memref<2x10240x128xf32, #tpu.memory_space<hbm>> -> memref<1x128x128xf32, #tpu.memory_space<hbm>>
      %dma_start3A_91 = tpu.memref_squeeze %dma_start3A_90 : memref<1x128x128xf32, #tpu.memory_space<hbm>> -> memref<128x128xf32, #tpu.memory_space<hbm>>
      %dma_start3A_92 = arith.constant 0 : i32
      %dma_start3A_93 = tpu.memref_slice %arg5[%arg0, %add3A_61, %dma_start3A_92] : memref<2x10240x128xf32, #tpu.memory_space<hbm>> -> memref<1x128x128xf32, #tpu.memory_space<hbm>>
      %dma_start3A_94 = tpu.memref_squeeze %dma_start3A_93 : memref<1x128x128xf32, #tpu.memory_space<hbm>> -> memref<128x128xf32, #tpu.memory_space<hbm>>
      tpu.enqueue_dma source(%arg8 : memref<128x128xf32, #tpu.memory_space<vmem>>) target(%dma_start3A_94 : memref<128x128xf32, #tpu.memory_space<hbm>>) target_semaphore(%run_scoped3A : memref<!tpu.dma_semaphore, #tpu.memory_space<semaphore_mem>>)
      %dma_wait3A = arith.constant 0 : i32
      %dma_wait3A_95 = tpu.memref_slice %arg5[%arg0, %add3A_61, %dma_wait3A] : memref<2x10240x128xf32, #tpu.memory_space<hbm>> -> memref<1x128x128xf32, #tpu.memory_space<hbm>>
      %dma_wait3A_96 = tpu.memref_squeeze %dma_wait3A_95 : memref<1x128x128xf32, #tpu.memory_space<hbm>> -> memref<128x128xf32, #tpu.memory_space<hbm>>
      %dma_wait3A_97 = arith.constant 0 : i32
      %dma_wait3A_98 = tpu.memref_slice %arg5[%arg0, %add3A_61, %dma_wait3A_97] : memref<2x10240x128xf32, #tpu.memory_space<hbm>> -> memref<1x128x128xf32, #tpu.memory_space<hbm>>
      %dma_wait3A_99 = tpu.memref_squeeze %dma_wait3A_98 : memref<1x128x128xf32, #tpu.memory_space<hbm>> -> memref<128x128xf32, #tpu.memory_space<hbm>>
      tpu.wait_dma2 semaphore(%run_scoped3A : memref<!tpu.dma_semaphore, #tpu.memory_space<semaphore_mem>>) src(%arg8 : memref<128x128xf32, #tpu.memory_space<vmem>>) dst(%dma_wait3A_99 : memref<128x128xf32, #tpu.memory_space<hbm>>)
      tpu.yield
    }) : () -> ()
    %mul3A_62 = arith.constant 640 : i32
    %mul3A_63 = arith.muli %arg1, %mul3A_62 : i32
    %add3A_64 = arith.constant 256 : i32
    %add3A_65 = arith.addi %mul3A_63, %add3A_64 : i32
    %multiple_of3A_66 = tpu.assume_multiple %add3A_65, 128 : i32
    "tpu.region"() ({
      %run_scoped3A = tpu.sem_alloc : memref<!tpu.dma_semaphore, #tpu.memory_space<semaphore_mem>>
      %dma_start3A_89 = arith.constant 0 : i32
      %dma_start3A_90 = tpu.memref_slice %arg10[%multiple_of3A_66, %dma_start3A_89] : memref<10240x128xf32, #tpu.memory_space<vmem_shared>> -> memref<128x128xf32, #tpu.memory_space<vmem_shared>>
      %dma_start3A_91 = arith.constant 0 : i32
      %dma_start3A_92 = tpu.memref_slice %arg10[%multiple_of3A_66, %dma_start3A_91] : memref<10240x128xf32, #tpu.memory_space<vmem_shared>> -> memref<128x128xf32, #tpu.memory_space<vmem_shared>>
      tpu.enqueue_dma source(%dma_start3A_92 : memref<128x128xf32, #tpu.memory_space<vmem_shared>>) target(%arg8 : memref<128x128xf32, #tpu.memory_space<vmem>>) target_semaphore(%run_scoped3A : memref<!tpu.dma_semaphore, #tpu.memory_space<semaphore_mem>>)
      %dma_wait3A = arith.constant 0 : i32
      %dma_wait3A_93 = tpu.memref_slice %arg10[%multiple_of3A_66, %dma_wait3A] : memref<10240x128xf32, #tpu.memory_space<vmem_shared>> -> memref<128x128xf32, #tpu.memory_space<vmem_shared>>
      %dma_wait3A_94 = arith.constant 0 : i32
      %dma_wait3A_95 = tpu.memref_slice %arg10[%multiple_of3A_66, %dma_wait3A_94] : memref<10240x128xf32, #tpu.memory_space<vmem_shared>> -> memref<128x128xf32, #tpu.memory_space<vmem_shared>>
      tpu.wait_dma2 semaphore(%run_scoped3A : memref<!tpu.dma_semaphore, #tpu.memory_space<semaphore_mem>>) src(%dma_wait3A_95 : memref<128x128xf32, #tpu.memory_space<vmem_shared>>) dst(%arg8 : memref<128x128xf32, #tpu.memory_space<vmem>>)
      tpu.yield
    }) : () -> ()
    %mul3A_67 = arith.constant 640 : i32
    %mul3A_68 = arith.muli %arg1, %mul3A_67 : i32
    %add3A_69 = arith.constant 256 : i32
    %add3A_70 = arith.addi %mul3A_68, %add3A_69 : i32
    "tpu.region"() ({
      %run_scoped3A = tpu.sem_alloc : memref<!tpu.dma_semaphore, #tpu.memory_space<semaphore_mem>>
      %dma_start3A_89 = arith.constant 0 : i32
      %dma_start3A_90 = tpu.memref_slice %arg5[%arg0, %add3A_70, %dma_start3A_89] : memref<2x10240x128xf32, #tpu.memory_space<hbm>> -> memref<1x128x128xf32, #tpu.memory_space<hbm>>
      %dma_start3A_91 = tpu.memref_squeeze %dma_start3A_90 : memref<1x128x128xf32, #tpu.memory_space<hbm>> -> memref<128x128xf32, #tpu.memory_space<hbm>>
      %dma_start3A_92 = arith.constant 0 : i32
      %dma_start3A_93 = tpu.memref_slice %arg5[%arg0, %add3A_70, %dma_start3A_92] : memref<2x10240x128xf32, #tpu.memory_space<hbm>> -> memref<1x128x128xf32, #tpu.memory_space<hbm>>
      %dma_start3A_94 = tpu.memref_squeeze %dma_start3A_93 : memref<1x128x128xf32, #tpu.memory_space<hbm>> -> memref<128x128xf32, #tpu.memory_space<hbm>>
      tpu.enqueue_dma source(%arg8 : memref<128x128xf32, #tpu.memory_space<vmem>>) target(%dma_start3A_94 : memref<128x128xf32, #tpu.memory_space<hbm>>) target_semaphore(%run_scoped3A : memref<!tpu.dma_semaphore, #tpu.memory_space<semaphore_mem>>)
      %dma_wait3A = arith.constant 0 : i32
      %dma_wait3A_95 = tpu.memref_slice %arg5[%arg0, %add3A_70, %dma_wait3A] : memref<2x10240x128xf32, #tpu.memory_space<hbm>> -> memref<1x128x128xf32, #tpu.memory_space<hbm>>
      %dma_wait3A_96 = tpu.memref_squeeze %dma_wait3A_95 : memref<1x128x128xf32, #tpu.memory_space<hbm>> -> memref<128x128xf32, #tpu.memory_space<hbm>>
      %dma_wait3A_97 = arith.constant 0 : i32
      %dma_wait3A_98 = tpu.memref_slice %arg5[%arg0, %add3A_70, %dma_wait3A_97] : memref<2x10240x128xf32, #tpu.memory_space<hbm>> -> memref<1x128x128xf32, #tpu.memory_space<hbm>>
      %dma_wait3A_99 = tpu.memref_squeeze %dma_wait3A_98 : memref<1x128x128xf32, #tpu.memory_space<hbm>> -> memref<128x128xf32, #tpu.memory_space<hbm>>
      tpu.wait_dma2 semaphore(%run_scoped3A : memref<!tpu.dma_semaphore, #tpu.memory_space<semaphore_mem>>) src(%arg8 : memref<128x128xf32, #tpu.memory_space<vmem>>) dst(%dma_wait3A_99 : memref<128x128xf32, #tpu.memory_space<hbm>>)
      tpu.yield
    }) : () -> ()
    %mul3A_71 = arith.constant 640 : i32
    %mul3A_72 = arith.muli %arg1, %mul3A_71 : i32
    %add3A_73 = arith.constant 384 : i32
    %add3A_74 = arith.addi %mul3A_72, %add3A_73 : i32
    %multiple_of3A_75 = tpu.assume_multiple %add3A_74, 128 : i32
    "tpu.region"() ({
      %run_scoped3A = tpu.sem_alloc : memref<!tpu.dma_semaphore, #tpu.memory_space<semaphore_mem>>
      %dma_start3A_89 = arith.constant 0 : i32
      %dma_start3A_90 = tpu.memref_slice %arg10[%multiple_of3A_75, %dma_start3A_89] : memref<10240x128xf32, #tpu.memory_space<vmem_shared>> -> memref<128x128xf32, #tpu.memory_space<vmem_shared>>
      %dma_start3A_91 = arith.constant 0 : i32
      %dma_start3A_92 = tpu.memref_slice %arg10[%multiple_of3A_75, %dma_start3A_91] : memref<10240x128xf32, #tpu.memory_space<vmem_shared>> -> memref<128x128xf32, #tpu.memory_space<vmem_shared>>
      tpu.enqueue_dma source(%dma_start3A_92 : memref<128x128xf32, #tpu.memory_space<vmem_shared>>) target(%arg8 : memref<128x128xf32, #tpu.memory_space<vmem>>) target_semaphore(%run_scoped3A : memref<!tpu.dma_semaphore, #tpu.memory_space<semaphore_mem>>)
      %dma_wait3A = arith.constant 0 : i32
      %dma_wait3A_93 = tpu.memref_slice %arg10[%multiple_of3A_75, %dma_wait3A] : memref<10240x128xf32, #tpu.memory_space<vmem_shared>> -> memref<128x128xf32, #tpu.memory_space<vmem_shared>>
      %dma_wait3A_94 = arith.constant 0 : i32
      %dma_wait3A_95 = tpu.memref_slice %arg10[%multiple_of3A_75, %dma_wait3A_94] : memref<10240x128xf32, #tpu.memory_space<vmem_shared>> -> memref<128x128xf32, #tpu.memory_space<vmem_shared>>
      tpu.wait_dma2 semaphore(%run_scoped3A : memref<!tpu.dma_semaphore, #tpu.memory_space<semaphore_mem>>) src(%dma_wait3A_95 : memref<128x128xf32, #tpu.memory_space<vmem_shared>>) dst(%arg8 : memref<128x128xf32, #tpu.memory_space<vmem>>)
      tpu.yield
    }) : () -> ()
    %mul3A_76 = arith.constant 640 : i32
    %mul3A_77 = arith.muli %arg1, %mul3A_76 : i32
    %add3A_78 = arith.constant 384 : i32
    %add3A_79 = arith.addi %mul3A_77, %add3A_78 : i32
    "tpu.region"() ({
      %run_scoped3A = tpu.sem_alloc : memref<!tpu.dma_semaphore, #tpu.memory_space<semaphore_mem>>
      %dma_start3A_89 = arith.constant 0 : i32
      %dma_start3A_90 = tpu.memref_slice %arg5[%arg0, %add3A_79, %dma_start3A_89] : memref<2x10240x128xf32, #tpu.memory_space<hbm>> -> memref<1x128x128xf32, #tpu.memory_space<hbm>>
      %dma_start3A_91 = tpu.memref_squeeze %dma_start3A_90 : memref<1x128x128xf32, #tpu.memory_space<hbm>> -> memref<128x128xf32, #tpu.memory_space<hbm>>
      %dma_start3A_92 = arith.constant 0 : i32
      %dma_start3A_93 = tpu.memref_slice %arg5[%arg0, %add3A_79, %dma_start3A_92] : memref<2x10240x128xf32, #tpu.memory_space<hbm>> -> memref<1x128x128xf32, #tpu.memory_space<hbm>>
      %dma_start3A_94 = tpu.memref_squeeze %dma_start3A_93 : memref<1x128x128xf32, #tpu.memory_space<hbm>> -> memref<128x128xf32, #tpu.memory_space<hbm>>
      tpu.enqueue_dma source(%arg8 : memref<128x128xf32, #tpu.memory_space<vmem>>) target(%dma_start3A_94 : memref<128x128xf32, #tpu.memory_space<hbm>>) target_semaphore(%run_scoped3A : memref<!tpu.dma_semaphore, #tpu.memory_space<semaphore_mem>>)
      %dma_wait3A = arith.constant 0 : i32
      %dma_wait3A_95 = tpu.memref_slice %arg5[%arg0, %add3A_79, %dma_wait3A] : memref<2x10240x128xf32, #tpu.memory_space<hbm>> -> memref<1x128x128xf32, #tpu.memory_space<hbm>>
      %dma_wait3A_96 = tpu.memref_squeeze %dma_wait3A_95 : memref<1x128x128xf32, #tpu.memory_space<hbm>> -> memref<128x128xf32, #tpu.memory_space<hbm>>
      %dma_wait3A_97 = arith.constant 0 : i32
      %dma_wait3A_98 = tpu.memref_slice %arg5[%arg0, %add3A_79, %dma_wait3A_97] : memref<2x10240x128xf32, #tpu.memory_space<hbm>> -> memref<1x128x128xf32, #tpu.memory_space<hbm>>
      %dma_wait3A_99 = tpu.memref_squeeze %dma_wait3A_98 : memref<1x128x128xf32, #tpu.memory_space<hbm>> -> memref<128x128xf32, #tpu.memory_space<hbm>>
      tpu.wait_dma2 semaphore(%run_scoped3A : memref<!tpu.dma_semaphore, #tpu.memory_space<semaphore_mem>>) src(%arg8 : memref<128x128xf32, #tpu.memory_space<vmem>>) dst(%dma_wait3A_99 : memref<128x128xf32, #tpu.memory_space<hbm>>)
      tpu.yield
    }) : () -> ()
    %mul3A_80 = arith.constant 640 : i32
    %mul3A_81 = arith.muli %arg1, %mul3A_80 : i32
    %add3A_82 = arith.constant 512 : i32
    %add3A_83 = arith.addi %mul3A_81, %add3A_82 : i32
    %multiple_of3A_84 = tpu.assume_multiple %add3A_83, 128 : i32
    "tpu.region"() ({
      %run_scoped3A = tpu.sem_alloc : memref<!tpu.dma_semaphore, #tpu.memory_space<semaphore_mem>>
      %dma_start3A_89 = arith.constant 0 : i32
      %dma_start3A_90 = tpu.memref_slice %arg10[%multiple_of3A_84, %dma_start3A_89] : memref<10240x128xf32, #tpu.memory_space<vmem_shared>> -> memref<128x128xf32, #tpu.memory_space<vmem_shared>>
      %dma_start3A_91 = arith.constant 0 : i32
      %dma_start3A_92 = tpu.memref_slice %arg10[%multiple_of3A_84, %dma_start3A_91] : memref<10240x128xf32, #tpu.memory_space<vmem_shared>> -> memref<128x128xf32, #tpu.memory_space<vmem_shared>>
      tpu.enqueue_dma source(%dma_start3A_92 : memref<128x128xf32, #tpu.memory_space<vmem_shared>>) target(%arg8 : memref<128x128xf32, #tpu.memory_space<vmem>>) target_semaphore(%run_scoped3A : memref<!tpu.dma_semaphore, #tpu.memory_space<semaphore_mem>>)
      %dma_wait3A = arith.constant 0 : i32
      %dma_wait3A_93 = tpu.memref_slice %arg10[%multiple_of3A_84, %dma_wait3A] : memref<10240x128xf32, #tpu.memory_space<vmem_shared>> -> memref<128x128xf32, #tpu.memory_space<vmem_shared>>
      %dma_wait3A_94 = arith.constant 0 : i32
      %dma_wait3A_95 = tpu.memref_slice %arg10[%multiple_of3A_84, %dma_wait3A_94] : memref<10240x128xf32, #tpu.memory_space<vmem_shared>> -> memref<128x128xf32, #tpu.memory_space<vmem_shared>>
      tpu.wait_dma2 semaphore(%run_scoped3A : memref<!tpu.dma_semaphore, #tpu.memory_space<semaphore_mem>>) src(%dma_wait3A_95 : memref<128x128xf32, #tpu.memory_space<vmem_shared>>) dst(%arg8 : memref<128x128xf32, #tpu.memory_space<vmem>>)
      tpu.yield
    }) : () -> ()
    %mul3A_85 = arith.constant 640 : i32
    %mul3A_86 = arith.muli %arg1, %mul3A_85 : i32
    %add3A_87 = arith.constant 512 : i32
    %add3A_88 = arith.addi %mul3A_86, %add3A_87 : i32
    "tpu.region"() ({
      %run_scoped3A = tpu.sem_alloc : memref<!tpu.dma_semaphore, #tpu.memory_space<semaphore_mem>>
      %dma_start3A_89 = arith.constant 0 : i32
      %dma_start3A_90 = tpu.memref_slice %arg5[%arg0, %add3A_88, %dma_start3A_89] : memref<2x10240x128xf32, #tpu.memory_space<hbm>> -> memref<1x128x128xf32, #tpu.memory_space<hbm>>
      %dma_start3A_91 = tpu.memref_squeeze %dma_start3A_90 : memref<1x128x128xf32, #tpu.memory_space<hbm>> -> memref<128x128xf32, #tpu.memory_space<hbm>>
      %dma_start3A_92 = arith.constant 0 : i32
      %dma_start3A_93 = tpu.memref_slice %arg5[%arg0, %add3A_88, %dma_start3A_92] : memref<2x10240x128xf32, #tpu.memory_space<hbm>> -> memref<1x128x128xf32, #tpu.memory_space<hbm>>
      %dma_start3A_94 = tpu.memref_squeeze %dma_start3A_93 : memref<1x128x128xf32, #tpu.memory_space<hbm>> -> memref<128x128xf32, #tpu.memory_space<hbm>>
      tpu.enqueue_dma source(%arg8 : memref<128x128xf32, #tpu.memory_space<vmem>>) target(%dma_start3A_94 : memref<128x128xf32, #tpu.memory_space<hbm>>) target_semaphore(%run_scoped3A : memref<!tpu.dma_semaphore, #tpu.memory_space<semaphore_mem>>)
      %dma_wait3A = arith.constant 0 : i32
      %dma_wait3A_95 = tpu.memref_slice %arg5[%arg0, %add3A_88, %dma_wait3A] : memref<2x10240x128xf32, #tpu.memory_space<hbm>> -> memref<1x128x128xf32, #tpu.memory_space<hbm>>
      %dma_wait3A_96 = tpu.memref_squeeze %dma_wait3A_95 : memref<1x128x128xf32, #tpu.memory_space<hbm>> -> memref<128x128xf32, #tpu.memory_space<hbm>>
      %dma_wait3A_97 = arith.constant 0 : i32
      %dma_wait3A_98 = tpu.memref_slice %arg5[%arg0, %add3A_88, %dma_wait3A_97] : memref<2x10240x128xf32, #tpu.memory_space<hbm>> -> memref<1x128x128xf32, #tpu.memory_space<hbm>>
      %dma_wait3A_99 = tpu.memref_squeeze %dma_wait3A_98 : memref<1x128x128xf32, #tpu.memory_space<hbm>> -> memref<128x128xf32, #tpu.memory_space<hbm>>
      tpu.wait_dma2 semaphore(%run_scoped3A : memref<!tpu.dma_semaphore, #tpu.memory_space<semaphore_mem>>) src(%arg8 : memref<128x128xf32, #tpu.memory_space<vmem>>) dst(%dma_wait3A_99 : memref<128x128xf32, #tpu.memory_space<hbm>>)
      tpu.yield
    }) : () -> ()
    return
  }
}

module attributes {stable_mosaic.version = 14 : i64} {
  func.func @_t1_body(%arg0: i32, %arg1: memref<1000x128xf32, #tpu.memory_space<vmem>>, %arg2: memref<128x128xf32, #tpu.memory_space<vmem>>, %arg3: memref<2x1000x16xf32, #tpu.memory_space<vmem>>, %arg4: memref<1000x128xf32, #tpu.memory_space<vmem>>) attributes {dimension_semantics = [#tpu.dimension_semantics<arbitrary>], iteration_bounds = array<i64: 10>, scalar_prefetch = 0 : i64, scratch_operands = 0 : i64, tpu.core_type = #tpu.core_type<tc>, window_params = [{transform_indices = @transform_0, window_bounds = array<i64: 1000, 128>}, {pipeline_mode = #tpu.pipeline_mode<synchronous>, transform_indices = @transform_1, window_bounds = array<i64: 128, 128>}, {transform_indices = @transform_2, window_bounds = array<i64: 2, 1000, 16>}, {transform_indices = @transform_3, window_bounds = array<i64: 1000, 128>}]} {
    %get3A = arith.constant 0 : index
    %get3A_0 = arith.constant 0 : index
    %get3A_1 = arith.constant 0 : index
    %get3A_2 = vector.load %arg3[%get3A, %get3A_0, %get3A_1] : memref<2x1000x16xf32, #tpu.memory_space<vmem>>, vector<1x1000x16xf32>
    %get3A_3 = vector.shape_cast %get3A_2 : vector<1x1000x16xf32> to vector<1000x16xf32>
    %get3A_4 = arith.constant 1 : index
    %get3A_5 = arith.constant 0 : index
    %get3A_6 = arith.constant 0 : index
    %get3A_7 = vector.load %arg3[%get3A_4, %get3A_5, %get3A_6] : memref<2x1000x16xf32, #tpu.memory_space<vmem>>, vector<1x1000x16xf32>
    %get3A_8 = vector.shape_cast %get3A_7 : vector<1x1000x16xf32> to vector<1000x16xf32>
    %add3A = arith.addf %get3A_3, %get3A_8 : vector<1000x16xf32>
    %add3A_9 = arith.constant 1.000000e+00 : f32
    %add3A_10 = vector.broadcast %add3A_9 : f32 to vector<1000x16xf32>
    %add3A_11 = arith.addf %add3A, %add3A_10 : vector<1000x16xf32>
    %rsqrt3A = math.rsqrt %add3A_11 : vector<1000x16xf32>
    %slice3A = vector.extract_strided_slice %rsqrt3A {offsets = [0, 0], sizes = [1000, 1], strides = [1, 1]} : vector<1000x16xf32> to vector<1000x1xf32>
    %get3A_12 = arith.constant 0 : index
    %get3A_13 = arith.constant 0 : index
    %get3A_14 = vector.load %arg1[%get3A_12, %get3A_13] : memref<1000x128xf32, #tpu.memory_space<vmem>>, vector<1000x128xf32>
    %get3A_15 = arith.constant 0 : index
    %get3A_16 = arith.constant 0 : index
    %get3A_17 = vector.load %arg2[%get3A_15, %get3A_16] : memref<128x128xf32, #tpu.memory_space<vmem>>, vector<128x128xf32>
    %dot_general3A = arith.constant dense<0.000000e+00> : vector<1000x128xf32>
    %dot_general3A_18 = tpu.matmul %get3A_14, %get3A_17, %dot_general3A {dimension_numbers = #tpu.dot_dimension_numbers<[1], [0], [0], [1], [0, 0, 1, 1], [], []>, transpose_lhs_hint = false} : vector<1000x128xf32>, vector<128x128xf32>, vector<1000x128xf32> -> vector<1000x128xf32>
    %mul3A = vector.broadcast %slice3A : vector<1000x1xf32> to vector<1000x128xf32>
    %mul3A_19 = arith.mulf %dot_general3A_18, %mul3A : vector<1000x128xf32>
    %swap3A = arith.constant 0 : index
    %swap3A_20 = arith.constant 0 : index
    %swap3A_21 = vector.load %arg4[%swap3A, %swap3A_20] : memref<1000x128xf32, #tpu.memory_space<vmem>>, vector<1000x128xf32>
    tpu.vector_store %arg4[%swap3A, %swap3A_20], %mul3A_19 {strides = array<i32>} : memref<1000x128xf32, #tpu.memory_space<vmem>>, vector<1000x128xf32>,
    return
  }
  func.func @transform_0(%arg0: i32) -> (i32, i32) {
    %c0_i32 = arith.constant 0 : i32
    %c0_i32_0 = arith.constant 0 : i32
    return %arg0, %c0_i32 : i32, i32
  }
  func.func @transform_1(%arg0: i32) -> (i32, i32) {
    %c0_i32 = arith.constant 0 : i32
    %c0_i32_0 = arith.constant 0 : i32
    %c0_i32_1 = arith.constant 0 : i32
    return %c0_i32, %c0_i32_0 : i32, i32
  }
  func.func @transform_2(%arg0: i32) -> (i32, i32, i32) {
    %c0_i32 = arith.constant 0 : i32
    %c0_i32_0 = arith.constant 0 : i32
    %c0_i32_1 = arith.constant 0 : i32
    return %c0_i32, %arg0, %c0_i32_0 : i32, i32, i32
  }
  func.func @transform_3(%arg0: i32) -> (i32, i32) {
    %c0_i32 = arith.constant 0 : i32
    %c0_i32_0 = arith.constant 0 : i32
    return %arg0, %c0_i32 : i32, i32
  }
}

module attributes {stable_mosaic.version = 14 : i64} {
  func.func @_t2_body(%arg0: i32, %arg1: memref<2x1000x128xf32, #tpu.memory_space<vmem>>, %arg2: memref<1000x128xf32, #tpu.memory_space<vmem>>, %arg3: memref<2x1000x16xf32, #tpu.memory_space<vmem>>, %arg4: memref<128xf32, #tpu.memory_space<vmem>>, %arg5: memref<128x128xf32, #tpu.memory_space<vmem>>, %arg6: memref<1000x128xf32, #tpu.memory_space<vmem>>) attributes {dimension_semantics = [#tpu.dimension_semantics<arbitrary>], iteration_bounds = array<i64: 10>, scalar_prefetch = 0 : i64, scratch_operands = 0 : i64, tpu.core_type = #tpu.core_type<tc>, window_params = [{transform_indices = @transform_0, window_bounds = array<i64: 2, 1000, 128>}, {transform_indices = @transform_1, window_bounds = array<i64: 1000, 128>}, {transform_indices = @transform_2, window_bounds = array<i64: 2, 1000, 16>}, {pipeline_mode = #tpu.pipeline_mode<synchronous>, transform_indices = @transform_3, window_bounds = array<i64: 128>}, {pipeline_mode = #tpu.pipeline_mode<synchronous>, transform_indices = @transform_4, window_bounds = array<i64: 128, 128>}, {transform_indices = @transform_5, window_bounds = array<i64: 1000, 128>}]} {
    %get3A = arith.constant 0 : index
    %get3A_0 = arith.constant 0 : index
    %get3A_1 = arith.constant 0 : index
    %get3A_2 = vector.load %arg3[%get3A, %get3A_0, %get3A_1] : memref<2x1000x16xf32, #tpu.memory_space<vmem>>, vector<1x1000x16xf32>
    %get3A_3 = vector.shape_cast %get3A_2 : vector<1x1000x16xf32> to vector<1000x16xf32>
    %get3A_4 = arith.constant 1 : index
    %get3A_5 = arith.constant 0 : index
    %get3A_6 = arith.constant 0 : index
    %get3A_7 = vector.load %arg3[%get3A_4, %get3A_5, %get3A_6] : memref<2x1000x16xf32, #tpu.memory_space<vmem>>, vector<1x1000x16xf32>
    %get3A_8 = vector.shape_cast %get3A_7 : vector<1x1000x16xf32> to vector<1000x16xf32>
    %add3A = arith.addf %get3A_3, %get3A_8 : vector<1000x16xf32>
    %add3A_9 = arith.constant 1.000000e+00 : f32
    %add3A_10 = vector.broadcast %add3A_9 : f32 to vector<1000x16xf32>
    %add3A_11 = arith.addf %add3A, %add3A_10 : vector<1000x16xf32>
    %rsqrt3A = math.rsqrt %add3A_11 : vector<1000x16xf32>
    %slice3A = vector.extract_strided_slice %rsqrt3A {offsets = [0, 0], sizes = [1000, 1], strides = [1, 1]} : vector<1000x16xf32> to vector<1000x1xf32>
    %get3A_12 = arith.constant 0 : index
    %get3A_13 = arith.constant 0 : index
    %get3A_14 = arith.constant 0 : index
    %get3A_15 = vector.load %arg1[%get3A_12, %get3A_13, %get3A_14] : memref<2x1000x128xf32, #tpu.memory_space<vmem>>, vector<1x1000x128xf32>
    %get3A_16 = vector.shape_cast %get3A_15 : vector<1x1000x128xf32> to vector<1000x128xf32>
    %get3A_17 = arith.constant 1 : index
    %get3A_18 = arith.constant 0 : index
    %get3A_19 = arith.constant 0 : index
    %get3A_20 = vector.load %arg1[%get3A_17, %get3A_18, %get3A_19] : memref<2x1000x128xf32, #tpu.memory_space<vmem>>, vector<1x1000x128xf32>
    %get3A_21 = vector.shape_cast %get3A_20 : vector<1x1000x128xf32> to vector<1000x128xf32>
    %add3A_22 = arith.addf %get3A_16, %get3A_21 : vector<1000x128xf32>
    %get3A_23 = arith.constant 0 : index
    %get3A_24 = arith.constant 0 : index
    %get3A_25 = vector.load %arg2[%get3A_23, %get3A_24] : memref<1000x128xf32, #tpu.memory_space<vmem>>, vector<1000x128xf32>
    %add3A_26 = arith.addf %add3A_22, %get3A_25 : vector<1000x128xf32>
    %mul3A = vector.broadcast %slice3A : vector<1000x1xf32> to vector<1000x128xf32>
    %mul3A_27 = arith.mulf %mul3A, %add3A_26 : vector<1000x128xf32>
    %get3A_28 = arith.constant 0 : index
    %get3A_29 = vector.load %arg4[%get3A_28] : memref<128xf32, #tpu.memory_space<vmem>>, vector<128xf32>
    %broadcast_in_dim3A = vector.shape_cast %get3A_29 : vector<128xf32> to vector<1x128xf32>
    %add3A_30 = vector.broadcast %broadcast_in_dim3A : vector<1x128xf32> to vector<1000x128xf32>
    %add3A_31 = arith.addf %mul3A_27, %add3A_30 : vector<1000x128xf32>
    %max3A = arith.constant 0.000000e+00 : f32
    %max3A_32 = vector.broadcast %max3A : f32 to vector<1000x128xf32>
    %max3A_33 = arith.maximumf %add3A_31, %max3A_32 : vector<1000x128xf32>
    %get3A_34 = arith.constant 0 : index
    %get3A_35 = arith.constant 0 : index
    %get3A_36 = vector.load %arg5[%get3A_34, %get3A_35] : memref<128x128xf32, #tpu.memory_space<vmem>>, vector<128x128xf32>
    %dot_general3A = arith.constant dense<0.000000e+00> : vector<1000x128xf32>
    %dot_general3A_37 = tpu.matmul %max3A_33, %get3A_36, %dot_general3A {dimension_numbers = #tpu.dot_dimension_numbers<[1], [0], [0], [1], [0, 0, 1, 1], [], []>, transpose_lhs_hint = false} : vector<1000x128xf32>, vector<128x128xf32>, vector<1000x128xf32> -> vector<1000x128xf32>
    %mul3A_38 = vector.broadcast %slice3A : vector<1000x1xf32> to vector<1000x128xf32>
    %mul3A_39 = arith.mulf %dot_general3A_37, %mul3A_38 : vector<1000x128xf32>
    %swap3A = arith.constant 0 : index
    %swap3A_40 = arith.constant 0 : index
    %swap3A_41 = vector.load %arg6[%swap3A, %swap3A_40] : memref<1000x128xf32, #tpu.memory_space<vmem>>, vector<1000x128xf32>
    tpu.vector_store %arg6[%swap3A, %swap3A_40], %mul3A_39 {strides = array<i32>} : memref<1000x128xf32, #tpu.memory_space<vmem>>, vector<1000x128xf32>,
    return
  }
  func.func @transform_0(%arg0: i32) -> (i32, i32, i32) {
    %c0_i32 = arith.constant 0 : i32
    %c0_i32_0 = arith.constant 0 : i32
    %c0_i32_1 = arith.constant 0 : i32
    return %c0_i32, %arg0, %c0_i32_0 : i32, i32, i32
  }
  func.func @transform_1(%arg0: i32) -> (i32, i32) {
    %c0_i32 = arith.constant 0 : i32
    %c0_i32_0 = arith.constant 0 : i32
    return %arg0, %c0_i32 : i32, i32
  }
  func.func @transform_2(%arg0: i32) -> (i32, i32, i32) {
    %c0_i32 = arith.constant 0 : i32
    %c0_i32_0 = arith.constant 0 : i32
    %c0_i32_1 = arith.constant 0 : i32
    return %c0_i32, %arg0, %c0_i32_0 : i32, i32, i32
  }
  func.func @transform_3(%arg0: i32) -> i32 {
    %c0_i32 = arith.constant 0 : i32
    %c0_i32_0 = arith.constant 0 : i32
    return %c0_i32 : i32
  }
  func.func @transform_4(%arg0: i32) -> (i32, i32) {
    %c0_i32 = arith.constant 0 : i32
    %c0_i32_0 = arith.constant 0 : i32
    %c0_i32_1 = arith.constant 0 : i32
    return %c0_i32, %c0_i32_0 : i32, i32
  }
  func.func @transform_5(%arg0: i32) -> (i32, i32) {
    %c0_i32 = arith.constant 0 : i32
    %c0_i32_0 = arith.constant 0 : i32
    return %arg0, %c0_i32 : i32, i32
  }
}

module attributes {stable_mosaic.version = 14 : i64} {
  func.func @_t3_body(%arg0: i32, %arg1: memref<2x1000x128xf32, #tpu.memory_space<vmem>>, %arg2: memref<1000x128xf32, #tpu.memory_space<vmem>>, %arg3: memref<2x1000x16xf32, #tpu.memory_space<vmem>>, %arg4: memref<128xf32, #tpu.memory_space<vmem>>, %arg5: memref<1000x128xf32, #tpu.memory_space<vmem>>) attributes {dimension_semantics = [#tpu.dimension_semantics<arbitrary>], iteration_bounds = array<i64: 10>, scalar_prefetch = 0 : i64, scratch_operands = 0 : i64, tpu.core_type = #tpu.core_type<tc>, window_params = [{transform_indices = @transform_0, window_bounds = array<i64: 2, 1000, 128>}, {transform_indices = @transform_1, window_bounds = array<i64: 1000, 128>}, {transform_indices = @transform_2, window_bounds = array<i64: 2, 1000, 16>}, {pipeline_mode = #tpu.pipeline_mode<synchronous>, transform_indices = @transform_3, window_bounds = array<i64: 128>}, {transform_indices = @transform_4, window_bounds = array<i64: 1000, 128>}]} {
    %get3A = arith.constant 0 : index
    %get3A_0 = arith.constant 0 : index
    %get3A_1 = arith.constant 0 : index
    %get3A_2 = vector.load %arg3[%get3A, %get3A_0, %get3A_1] : memref<2x1000x16xf32, #tpu.memory_space<vmem>>, vector<1x1000x16xf32>
    %get3A_3 = vector.shape_cast %get3A_2 : vector<1x1000x16xf32> to vector<1000x16xf32>
    %get3A_4 = arith.constant 1 : index
    %get3A_5 = arith.constant 0 : index
    %get3A_6 = arith.constant 0 : index
    %get3A_7 = vector.load %arg3[%get3A_4, %get3A_5, %get3A_6] : memref<2x1000x16xf32, #tpu.memory_space<vmem>>, vector<1x1000x16xf32>
    %get3A_8 = vector.shape_cast %get3A_7 : vector<1x1000x16xf32> to vector<1000x16xf32>
    %add3A = arith.addf %get3A_3, %get3A_8 : vector<1000x16xf32>
    %add3A_9 = arith.constant 1.000000e+00 : f32
    %add3A_10 = vector.broadcast %add3A_9 : f32 to vector<1000x16xf32>
    %add3A_11 = arith.addf %add3A, %add3A_10 : vector<1000x16xf32>
    %rsqrt3A = math.rsqrt %add3A_11 : vector<1000x16xf32>
    %slice3A = vector.extract_strided_slice %rsqrt3A {offsets = [0, 0], sizes = [1000, 1], strides = [1, 1]} : vector<1000x16xf32> to vector<1000x1xf32>
    %get3A_12 = arith.constant 0 : index
    %get3A_13 = arith.constant 0 : index
    %get3A_14 = arith.constant 0 : index
    %get3A_15 = vector.load %arg1[%get3A_12, %get3A_13, %get3A_14] : memref<2x1000x128xf32, #tpu.memory_space<vmem>>, vector<1x1000x128xf32>
    %get3A_16 = vector.shape_cast %get3A_15 : vector<1x1000x128xf32> to vector<1000x128xf32>
    %get3A_17 = arith.constant 1 : index
    %get3A_18 = arith.constant 0 : index
    %get3A_19 = arith.constant 0 : index
    %get3A_20 = vector.load %arg1[%get3A_17, %get3A_18, %get3A_19] : memref<2x1000x128xf32, #tpu.memory_space<vmem>>, vector<1x1000x128xf32>
    %get3A_21 = vector.shape_cast %get3A_20 : vector<1x1000x128xf32> to vector<1000x128xf32>
    %add3A_22 = arith.addf %get3A_16, %get3A_21 : vector<1000x128xf32>
    %get3A_23 = arith.constant 0 : index
    %get3A_24 = arith.constant 0 : index
    %get3A_25 = vector.load %arg2[%get3A_23, %get3A_24] : memref<1000x128xf32, #tpu.memory_space<vmem>>, vector<1000x128xf32>
    %add3A_26 = arith.addf %add3A_22, %get3A_25 : vector<1000x128xf32>
    %mul3A = vector.broadcast %slice3A : vector<1000x1xf32> to vector<1000x128xf32>
    %mul3A_27 = arith.mulf %mul3A, %add3A_26 : vector<1000x128xf32>
    %get3A_28 = arith.constant 0 : index
    %get3A_29 = vector.load %arg4[%get3A_28] : memref<128xf32, #tpu.memory_space<vmem>>, vector<128xf32>
    %broadcast_in_dim3A = vector.shape_cast %get3A_29 : vector<128xf32> to vector<1x128xf32>
    %add3A_30 = vector.broadcast %broadcast_in_dim3A : vector<1x128xf32> to vector<1000x128xf32>
    %add3A_31 = arith.addf %mul3A_27, %add3A_30 : vector<1000x128xf32>
    %swap3A = arith.constant 0 : index
    %swap3A_32 = arith.constant 0 : index
    %swap3A_33 = vector.load %arg5[%swap3A, %swap3A_32] : memref<1000x128xf32, #tpu.memory_space<vmem>>, vector<1000x128xf32>
    tpu.vector_store %arg5[%swap3A, %swap3A_32], %add3A_31 {strides = array<i32>} : memref<1000x128xf32, #tpu.memory_space<vmem>>, vector<1000x128xf32>,
    return
  }
  func.func @transform_0(%arg0: i32) -> (i32, i32, i32) {
    %c0_i32 = arith.constant 0 : i32
    %c0_i32_0 = arith.constant 0 : i32
    %c0_i32_1 = arith.constant 0 : i32
    return %c0_i32, %arg0, %c0_i32_0 : i32, i32, i32
  }
  func.func @transform_1(%arg0: i32) -> (i32, i32) {
    %c0_i32 = arith.constant 0 : i32
    %c0_i32_0 = arith.constant 0 : i32
    return %arg0, %c0_i32 : i32, i32
  }
  func.func @transform_2(%arg0: i32) -> (i32, i32, i32) {
    %c0_i32 = arith.constant 0 : i32
    %c0_i32_0 = arith.constant 0 : i32
    %c0_i32_1 = arith.constant 0 : i32
    return %c0_i32, %arg0, %c0_i32_0 : i32, i32, i32
  }
  func.func @transform_3(%arg0: i32) -> i32 {
    %c0_i32 = arith.constant 0 : i32
    %c0_i32_0 = arith.constant 0 : i32
    return %c0_i32 : i32
  }
  func.func @transform_4(%arg0: i32) -> (i32, i32) {
    %c0_i32 = arith.constant 0 : i32
    %c0_i32_0 = arith.constant 0 : i32
    return %arg0, %c0_i32 : i32, i32
  }
}

</mosaic_0001>

<sc_bundles>
// kernel: kernel.11.cloned.1.call-start
scs
__scs_entry_jumppad:
0x0: {  	(pc) =	sbr.rel $0x88, $3  }
0x1: {  	(tag) =	ssettag $0x0;
	lr =	simm.s32 $0x1  }
0x2: {  	[smem:$0x3F9B] =	sst lr;
	_ =	strace $0xD0000000  }
0x3: {  	_ = 	snop  }
0x4: {  	_ = 	snop  }
0x5: {  	_ = 	snop  }
0x6: {  	_ = 	snop  }
0x7: {  	_ = 	snop  }
__scs_overlays_trampoline_lowered:
0x8: {  	[smem:$0x3FAA] =	sst s0  }
0x9: {  	[smem:$0x3FAB] =	sst s1  }
0xa: {  	[smem:$0x3FAC] =	sst s2  }
0xb: {  	[smem:$0x3FAD] =	sst s3  }
0xc: {  	[smem:$0x3FAE] =	sst s4  }
0xd: {  	[smem:$0x3FAF] =	sst s5  }
0xe: {  	[smem:$0x3FB0] =	sst s6  }
0xf: {  	[smem:$0x3FB1] =	sst s7  }
0x10: {  	[smem:$0x3FB2] =	sst s8  }
0x11: {  	[smem:$0x3FB3] =	sst s9;
	s0 =	simm.s32 @!p0 $0x0  }
0x12: {  	s1 =	sld [smem:$0x3F99];
	s0 =	simm.s32 @p0 $0x1  }
0x13: {  	[smem:$0x3FB4] =	sst s0;
	s0 =	simm.s32 @!p1 $0x0  }
0x14: {  	s2 =	sld [smem:$0x3F98];
	s0 =	simm.s32 @p1 $0x1  }
0x15: {  	[smem:$0x3FB5] =	sst s0;
	s0 =	simm.s32 @!p2 $0x0  }
0x16: {  	s3 =	sld [smem:$0x3FDB];
	s0 =	simm.s32 @p2 $0x1  }
0x17: {  	s4 =	simm.s32 $0x1BF5;
	[smem:$0x3FB7] =	sst s0  }
0x18: {  	s0 =	sld [smem:$0x3F9A];
	_ =	swait.ge [sflag:s4], $0x0  }
0x19: {  	s7 =	sld [smem:$0x3F9B]  }
0x1a: {  	s8 =	sadd.s32 $0xFFFFE003, lr  }
0x1b: {  	s9 =	sadd.s32 $0xFFFFFEF7, lr;
	s5 =	simm.s32 $0xFFFFFFFF;
	p2 =	slt.u32 s8, $0xFFFFF086  }
0x1c: {  	p1 =	slt.u32 s9, $0xF7A;
	s5 =	simm.s32 @!p2 $0x0  }
0x1d: {  	s5 =	simm.s32 @p1 $0x1;
	p0 =	seq.s32 s7, s2  }
0x1e: {  	s7 =	smul.u32 @!p0 $0xF7A, s2;
	p2 =	seq.s32 @!p0 s5, $0x0  }
0x1f: {  	s9 =	smul.u32 $0xF7A, s1;
	s8 =	simm.s32 @!p0 $0x1BF5;
	p2 =	por !p2, p0  }
0x20: {  	[sflag:s8] =	ssyncset.s32 @!p0 $0xFFFFF086;
	s6 =	sadd.s32 @!p0 s3, s7;
	s7 =	simm.s32 @!p0 $0x108  }
0x21: {  	s3 =	sadd.s32 s3, s9;
	s6 =	sadd.s32 @!p0 $0x88, s6;
	s7 =	simm.s32 @p2 $0x1082  }
0x22: {  	[simem:s7], [sflag:s8] =	dma.local @!p0 [hbm:s6], $0xF7A  }
0x23: {  	s9 =	sor.u32 $0xD0000000, s2;
	s6 =	simm.s32 $0x108;
	_ =	swait.ge @!p0 [sflag:s8], $0x0  }
0x24: {  	s3 =	sadd.s32 $0x88, s3;
	s6 =	simm.s32 @!p1 $0x1082;
	[sflag:s4] =	ssyncset.s32 $0xFFFFF086  }
0x25: {  	[simem:s6], [sflag:s4] =	dma.local [hbm:s3], $0xF7A  }
0x26: {  	[smem:$0x3F9B] =	sst s1;
	(tag) =	ssettag s2;
	_ =	strace s9  }
0x27: {  	s1 =	sld [smem:$0x3FAB]  }
0x28: {  	s2 =	sld [smem:$0x3FAC]  }
0x29: {  	s4 =	sld [smem:$0x3FAE]  }
0x2a: {  	p0 =	seq.s32 s5, $0x0;
	s5 =	sld [smem:$0x3FAF]  }
0x2b: {  	s6 =	sld [smem:$0x3FB0]  }
0x2c: {  	s7 =	sld [smem:$0x3FB1]  }
0x2d: {  	s3 =	simm.s32 $0x108;
	s8 =	sld [smem:$0x3FB2]  }
0x2e: {  	s3 =	simm.s32 @!p0 $0x1082;
	s9 =	sld [smem:$0x3FB3]  }
0x2f: {  	lr =	sadd.s32 s0, s3;
	s0 =	sld [smem:$0x3FAA]  }
0x30: {  	s3 =	sld [smem:$0x3FAD]  }
0x31: {  	[smem:$0x3FB6] =	sst s10  }
0x32: {  	s10 =	sld [smem:$0x3FB4];
	_ =	sdelay $0x3  }
0x33: {  	p0 =	seq.s32 s10, $0x1;
	s10 =	sld [smem:$0x3FB6];
	_ =	sdelay $0x3  }
0x34: {  	[smem:$0x3FB6] =	sst s10  }
0x35: {  	s10 =	sld [smem:$0x3FB5];
	_ =	sdelay $0x3  }
0x36: {  	p1 =	seq.s32 s10, $0x1;
	s10 =	sld [smem:$0x3FB6];
	_ =	sdelay $0x3  }
0x37: {  	[smem:$0x3FB6] =	sst s10  }
0x38: {  	s10 =	sld [smem:$0x3FB7]  }
0x39: {  	_ = 	snop;
	(pc) =	sbr.ind lr, $3  }
0x3a: {  	_ = 	snop  }
0x3b: {  	_ = 	snop  }
0x3c: {  	p2 =	seq.s32 s10, $0x1;
	s10 =	sld [smem:$0x3FB6]  }
0x3d: {  	_ =	shalt  }
0x3e: {  	_ =	shalt  }
0x3f: {  	_ =	shalt  }
0x40: {  	_ =	shalt  }
0x41: {  	_ =	shalt  }
0x42: {  	_ =	shalt  }
0x43: {  	_ =	shalt  }
0x44: {  	_ =	shalt  }
0x45: {  	_ =	shalt  }
0x46: {  	_ =	shalt  }
0x47: {  	_ =	shalt  }
0x48: {  	_ =	shalt  }
0x49: {  	_ =	shalt  }
0x4a: {  	_ =	shalt  }
0x4b: {  	_ =	shalt  }
0x4c: {  	_ =	shalt  }
0x4d: {  	_ =	shalt  }
0x4e: {  	_ =	shalt  }
0x4f: {  	_ =	shalt  }
0x50: {  	_ =	shalt  }
0x51: {  	_ =	shalt  }
0x52: {  	_ =	shalt  }
0x53: {  	_ =	shalt  }
0x54: {  	_ =	shalt  }
0x55: {  	_ =	shalt  }
0x56: {  	_ =	shalt  }
0x57: {  	_ =	shalt  }
0x58: {  	_ =	shalt  }
0x59: {  	_ =	shalt  }
0x5a: {  	_ =	shalt  }
0x5b: {  	_ =	shalt  }
0x5c: {  	_ =	shalt  }
0x5d: {  	_ =	shalt  }
0x5e: {  	_ =	shalt  }
0x5f: {  	_ =	shalt  }
0x60: {  	_ =	shalt  }
0x61: {  	_ =	shalt  }
0x62: {  	_ =	shalt  }
0x63: {  	_ =	shalt  }
0x64: {  	_ =	shalt  }
0x65: {  	_ =	shalt  }
0x66: {  	_ =	shalt  }
0x67: {  	_ =	shalt  }
0x68: {  	_ =	shalt  }
0x69: {  	_ =	shalt  }
0x6a: {  	_ =	shalt  }
0x6b: {  	_ =	shalt  }
0x6c: {  	_ =	shalt  }
0x6d: {  	_ =	shalt  }
0x6e: {  	_ =	shalt  }
0x6f: {  	_ =	shalt  }
0x70: {  	_ =	shalt  }
0x71: {  	_ =	shalt  }
0x72: {  	_ =	shalt  }
0x73: {  	_ =	shalt  }
0x74: {  	_ =	shalt  }
0x75: {  	_ =	shalt  }
0x76: {  	_ =	shalt  }
0x77: {  	_ =	shalt  }
0x78: {  	_ =	shalt  }
0x79: {  	_ =	shalt  }
0x7a: {  	_ =	shalt  }
0x7b: {  	_ =	shalt  }
0x7c: {  	_ =	shalt  }
0x7d: {  	_ =	shalt  }
0x7e: {  	_ =	shalt  }
0x7f: {  	_ =	shalt  }
0x80: {  	_ =	shalt  }
0x81: {  	_ =	shalt  }
0x82: {  	_ =	shalt  }
0x83: {  	_ =	shalt  }
0x84: {  	_ =	shalt  }
0x85: {  	_ =	shalt  }
0x86: {  	_ =	shalt  }
0x87: {  	_ =	shalt  }
.Lfunc_end0:
.L_simem_size_0:
called_computation.1_lowered:
.L_overlay_start_0:
0x88: {  	s2 =	sld [smem:$0x3FD9]  }
0x89: {  	s3 =	sld [smem:$0x3FFE];
	_ =	sdelay $0x1  }
0x8a: {  	s1 =	srdreg.scid  }
0x8b: {  	s0 =	sand.u32 $0x1, s1  }
0x8c: {  	s17 =	sshll.u32 s0, $0xA;
	s2 =	sadd.s32 s3, s2  }
0x8d: {  	s2 =	sadd.s32 s2, s17  }
0x8e: {  	[smem:$0x3FC2] =	sst s2  }
0x8f: {  	_ = 	snop  }
0x90: {  	s2 =	sld [smem:$0x3FD0];
	(tm) =	ssettm $0x1  }
0x91: {  	s18 =	sld [smem:$0x3FFB];
	_ =	sdelay $0x3  }
0x92: {  	_ =	strace s18  }
0x93: {  	s3 =	sld [smem:$0x3FFC];
	_ =	sdelay $0x3  }
0x94: {  	_ =	strace s3  }
0x95: {  	s3 =	sld [smem:$0x3FFD];
	_ =	sdelay $0x3  }
0x96: {  	_ =	strace s3  }
0x97: {  	_ =	strace $0x8FFFFFFF  }
0x98: {  	s19 =	sld [smem:$0x3FDB];
	_ =	sdelay $0x1  }
0x99: {  	s4 =	simm.s32 $_scs_section_size  }
0x9a: {  	s5 =	simm.s32 $_size__tile_overlayer_lowered;
	s6 =	simm.s32 $_tile_overlayer_lowered  }
0x9b: {  	s22 =	simm.s32 $0x1BFF;
	s21 =	sshll.u32 s6, $0x1;
	s3 =	sadd.s32 s4, s19  }
0x9c: {  	s7 =	simm.s32 $0x0;
	s20 =	sshll.u32 s5, $0x1;
	s5 =	sadd.s32 s21, s3  }
0x9d: {  	[timem:s7], [sflag:s22] =	dma.local [hbm:s5], s20  }
0x9e: {  	_ =	swait.ge [sflag:s22], s20  }
0x9f: {  	s4 =	ssub.s32 $0x0, s20;
	[sflag:s22] =	ssyncset.done $0x0  }
0xa0: {  	[sflag:s22] =	ssyncadd.s32 s4;
	_ =	sdelay $0x1  }
0xa1: {  	s23 =	simm.s32 $0x1B8B  }
0xa2: {  	_ =	swait.ge [sflag:s23], $0x1  }
0xa3: {  	[sflag:s23] =	ssyncset.done $0x0  }
0xa4: {  	s25 =	simm.s32 $0x1B8E;
	s24 =	sld [smem:$0x3FFE];
	[sflag:s23] =	ssyncadd.s32 $0xFFFFFFFF  }
0xa5: {  	s26 =	simm.s32 $execute0_lowered;
	[smem:$0x3FD2] =	sst s25  }
0xa6: {  	s5 =	sshll.u32 s26, $0x1;
	_ =	strace $0x80000049;
	[dreg:$0x1] =	wrdreg $0xFFFFFFFF  }
0xa7: {  	s28 =	simm.s32 $_size_execute0_lowered;
	s3 =	sadd.s32 s3, s5;
	[dreg:$0x0] =	wrdreg $0x0  }
0xa8: {  	s5 =	sshll.u32 s28, $0x1;
	[dreg:$0x2] =	wrdreg s3  }
0xa9: {  	[dreg:$0x3] =	wrdreg s5  }
0xaa: {  	[dreg:$0x4] =	wrdreg $0xC0  }
0xab: {  	_ =	task [dreg:s7], $0x5FFFF  }
0xac: {  	[dreg:$0x1] =	wrdreg $0xFFFFFFFF  }
0xad: {  	[dreg:$0x0] =	wrdreg $0x60  }
0xae: {  	[dreg:$0x2] =	wrdreg s2  }
0xaf: {  	[dreg:$0x3] =	wrdreg s24  }
0xb0: {  	[dreg:$0x4] =	wrdreg $0xAC000  }
0xb1: {  	[dreg:$0x5] =	wrdreg $0x9  }
0xb2: {  	_ =	task.clear_ibuf [dreg:s7], $0x6FFFF;
	_ =	strace $0x90000049  }
0xb3: {  	s29 =	simm.s32 $0x9;
	_ =	strace $0x8000004B  }
0xb4: {  	_ =	swait.ge [sflag:s29], $0x1  }
0xb5: {  	[sflag:s29] =	ssyncadd.s32 $0xFFFFFFFF  }
0xb6: {  	_ =	strace $0x9000004B  }
0xb7: {  	_ =	sfence  }
0xb8: {  	s30 =	sld [smem:$0x0];
	_ =	sdelay $0x2  }
0xb9: {  	s31 =	sshll.u32 s1, $0xD;
	s1 =	sshrl.u32 s1, $0x2  }
0xba: {  	s3 =	sand.u32 $0x4000, s31;
	s1 =	sadd.s32 s1, s30  }
0xbb: {  	s0 =	sor.u32 s3, s0;
	s1 =	sshll.u32 s1, $0x11  }
0xbc: {  	s0 =	sor.u32 s1, s0  }
0xbd: {  	s0 =	sadd.s32 $0x8F2B, s0  }
0xbe: {  	[sflag:s0] =	ssyncadd.remote.s32 $0x1  }
0xbf: {  	_ =	sfence.sel $0xFFFF  }
0xc0: {  	[dreg:$0x0] =	wrdreg $0xFFFFFFFF;
	(pc) =	sbr.abs _section_cstart, $3  }
0xc1: {  	[dreg:$0x1] =	wrdreg $0xFFFFFFFF  }
0xc2: {  	_ =	task.clear_ibuf [dreg:s7], $0x2FFFF;
	_ =	strace $0x9FFFFFFF  }
0xc3: {  	(tm) =	ssettm $0x7FFFFFFF  }
tec
execute0_lowered:
.L_overlay_start_1:
0x0: {  	(tag) =	ssettag $0x1  }
0x1: {  	s0 =	srdreg.scid;
	s1 =	rddreg [dreg:$0x0]  }
0x2: {  	s18 =	stileid.u32;
	s5 =	rddreg [dreg:$0x1]  }
0x3: {  	s3 =	rddreg [dreg:$0x2];
	s4 =	simm.s32 $0x0;
	s19 =	simm.s32 $0x3  }
0x4: {  	s20 =	simm.s32 $0x2800;
	s21 =	simm.s32 $0x2C00;
	s28 =	simm.s32 $0x2880  }
0x5: {  	s29 =	simm.s32 $0x2900;
	s30 =	simm.s32 $0x2980;
	s9 =	smul.u32 $0x50000, s18  }
0x6: {  	s31 =	simm.s32 $0x2A00;
	s0 =	sand.u32 $0x1, s0;
	s10 =	smul.u32 $0x14000, s18  }
0x7: {  	s2 =	sshll.u32 s18, $0x1;
	[smem:$0x7FF] =	sst s4;
	s18 =	smul.u32 $0x5000, s18  }
0x8: {  	s12 =	sadd.s32 $0x2400, s5;
	s2 =	sor.u32 s0, s2;
	s15 =	smul.u32 $0x140000, s0  }
0x9: {  	_ =	strace $0x8000004A;
	s7 =	ssub.s32 $0x2, s0;
	s0 =	smul.u32 $0x2800, s0  }
0xa: {  	s2 =	smul.u32 $0x2800, s2;
	s8 =	sshrl.u32 s7, $0x1;
	s22 =	sshrl.u32 s9, $0x2  }
0xb: {  	s23 =	sadd.s32 $0x4000, s10;
	s14 =	sadd.s32 $0x8000, s10;
	s24 =	sadd.s32 $0xC000, s10  }
0xc: {  	s16 =	sadd.s32 $0x10000, s10;
	s13 =	ssub.s32 s7, s8;
	s7 =	sadd.s32 s22, s3  }
0xd: {  	s8 =	sadd.s32 s23, s3;
	s9 =	sadd.s32 s14, s3;
	s17 =	sadd.s32 s10, s15  }
0xe: {  	s10 =	sadd.s32 s24, s3;
	s11 =	sadd.s32 s16, s3;
	s14 =	sadd.s32 s15, s14  }
0xf: {  	s26 =	sadd.s32 s15, s16;
	s0 =	sadd.s32 s0, s18;
	s22 =	simm.s32 $0x7D  }
0x10: {  	s2 =	sshrl.u32 s2, $0x3;
	s17 =	sshrl.u32 s17, $0x3;
	s14 =	sshrl.u32 s14, $0x3  }
0x11: {  	s0 =	sor.u32 $0x400, s0;
	s6 =	sadd.s32 s2, s5;
	s2 =	sadd.s32 s12, s2  }
0x12: {  	s5 =	sadd.s32 $0x66400, s5;
	s6 =	sadd.s32 $0x5C400, s6;
	[dreg:$0x5] =	wrdreg s2  }
0x13: {  	s0 =	sshrl.u32 s0, $0x3;
	s17 =	sadd.s32 s5, s17;
	[dreg:$0x4] =	wrdreg s6  }
0x14: {  	s25 =	sadd.s32 s5, s14;
	s2 =	sadd.s32 s15, s24;
	[dreg:$0x6] =	wrdreg s17  }
0x15: {  	s24 =	simm.s32 $0x1;
	s6 =	sadd.s32 s15, s23;
	[dreg:$0x8] =	wrdreg s25  }
0x16: {  	s2 =	sshrl.u32 s2, $0x3;
	s17 =	smax.u32 s13, $0x1;
	s13 =	sadd.s32 s0, s12  }
.Ltmp0:
0x17: {  	s23 =	simm.s32 $0x6C00;
	s25 =	simm.s32 $0x4;
	(pc) =	sbr.rel .LBB2_1-.Ltmp0, $4  }
0x18: {  	s0 =	simm.s32 $0x2B00;
	s6 =	sshrl.u32 s6, $0x3;
	s2 =	sadd.s32 s5, s2  }
0x19: {  	s6 =	sadd.s32 s5, s6;
	[dreg:$0x9] =	wrdreg s2;
	s2 =	simm.s32 $0x2A80  }
0x1a: {  	[dreg:$0x7] =	wrdreg s6;
	s6 =	sshrl.u32 s26, $0x3;
	s26 =	simm.s32 $0x2  }
0x1b: {  	v0 =	vimm.f32 $0.0e+00;
	s16 =	sadd.s32 s5, s6;
	s5 =	simm.s32 $0x2B80;
	s6 =	simm.s32 $0x0  }
.LBB2_6:
0x1c: {  	_ =	swait.ge [sflag:s26], $0x3E80  }
0x1d: {  	[sflag:s26] =	ssyncset.done $0x0  }
0x1e: {  	[sflag:s26] =	ssyncadd.s32 $0xFFFFC180  }
0x1f: {  	[spmem:s3] =	stream.indirect.scatter.add.f32 [tilespmem:s23], [sflag:$0x4], $0x80, s5, s22, $0xb8;
	[tilespmem:$0x1EC00] =	vst v63  }
0x20: {  	_ =	swait.ge [sflag:s25], $0x3E80  }
0x21: {  	[sflag:s25] =	ssyncset.done $0x0  }
0x22: {  	[sflag:s25] =	ssyncadd.s32 $0xFFFFC180  }
.LBB2_7:
0x23: {  	[bflag:$0x0] =	sbarrier.arrive $0xFFFF  }
0x24: {  	[tilespmem:s21], [sflag:$0x3] =	stream.linear.gather [spmem:s7], $0x4000, $0x38;
	[tilespmem:$0x1EC00] =	vst v63  }
0x25: {  	_ =	swait.ge [sflag:s19], $0x4000  }
0x26: {  	[sflag:s19] =	ssyncset.done $0x0  }
0x27: {  	s12 =	rddreg [dreg:$0x6];
	[sflag:s19] =	ssyncadd.s32 $0xFFFFC000  }
0x28: {  	[hbm4b:s12+s4] =	stream.linear.scatter [tilespmem:s21], [sflag:$0x3], $0x4000, $0x38;
	[tilespmem:$0x1EC00] =	vst v63  }
0x29: {  	_ =	swait.ge [sflag:s19], $0x4000  }
0x2a: {  	[sflag:s19] =	ssyncset.done $0x0  }
0x2b: {  	[sflag:s19] =	ssyncadd.s32 $0xFFFFC000  }
0x2c: {  	[tilespmem:s21], [sflag:$0x3] =	stream.linear.gather [spmem:s8], $0x4000, $0x38;
	[tilespmem:$0x1EC00] =	vst v63  }
0x2d: {  	_ =	swait.ge [sflag:s19], $0x4000  }
0x2e: {  	[sflag:s19] =	ssyncset.done $0x0  }
0x2f: {  	s14 =	rddreg [dreg:$0x7];
	[sflag:s19] =	ssyncadd.s32 $0xFFFFC000  }
0x30: {  	[hbm4b:s14+s4] =	stream.linear.scatter [tilespmem:s21], [sflag:$0x3], $0x4000, $0x38;
	[tilespmem:$0x1EC00] =	vst v63  }
0x31: {  	_ =	swait.ge [sflag:s19], $0x4000  }
0x32: {  	[sflag:s19] =	ssyncset.done $0x0  }
0x33: {  	[sflag:s19] =	ssyncadd.s32 $0xFFFFC000  }
0x34: {  	[tilespmem:s21], [sflag:$0x3] =	stream.linear.gather [spmem:s9], $0x4000, $0x38;
	[tilespmem:$0x1EC00] =	vst v63  }
0x35: {  	_ =	swait.ge [sflag:s19], $0x4000  }
0x36: {  	[sflag:s19] =	ssyncset.done $0x0  }
0x37: {  	s15 =	rddreg [dreg:$0x8];
	[sflag:s19] =	ssyncadd.s32 $0xFFFFC000  }
0x38: {  	[hbm4b:s15+s4] =	stream.linear.scatter [tilespmem:s21], [sflag:$0x3], $0x4000, $0x38;
	[tilespmem:$0x1EC00] =	vst v63  }
0x39: {  	_ =	swait.ge [sflag:s19], $0x4000  }
0x3a: {  	[sflag:s19] =	ssyncset.done $0x0  }
0x3b: {  	[sflag:s19] =	ssyncadd.s32 $0xFFFFC000  }
0x3c: {  	[tilespmem:s21], [sflag:$0x3] =	stream.linear.gather [spmem:s10], $0x4000, $0x38;
	[tilespmem:$0x1EC00] =	vst v63  }
0x3d: {  	_ =	swait.ge [sflag:s19], $0x4000  }
0x3e: {  	[sflag:s19] =	ssyncset.done $0x0  }
0x3f: {  	s18 =	rddreg [dreg:$0x9];
	[sflag:s19] =	ssyncadd.s32 $0xFFFFC000  }
0x40: {  	[hbm4b:s18+s4] =	stream.linear.scatter [tilespmem:s21], [sflag:$0x3], $0x4000, $0x38;
	[tilespmem:$0x1EC00] =	vst v63  }
0x41: {  	_ =	swait.ge [sflag:s19], $0x4000  }
0x42: {  	[sflag:s19] =	ssyncset.done $0x0  }
0x43: {  	[sflag:s19] =	ssyncadd.s32 $0xFFFFC000  }
0x44: {  	[tilespmem:s21], [sflag:$0x3] =	stream.linear.gather [spmem:s11], $0x4000, $0x38;
	[tilespmem:$0x1EC00] =	vst v63  }
0x45: {  	s6 =	sadd.s32 $0x1, s6;
	_ =	swait.ge [sflag:s19], $0x4000  }
0x46: {  	p0 =	sne.s32 s6, s17;
	[sflag:s19] =	ssyncset.done $0x0  }
.Ltmp1:
0x47: {  	[sflag:s19] =	ssyncadd.s32 $0xFFFFC000;
	(pc) =	sbr.rel @!p0 .LBB2_8-.Ltmp1, $4  }
0x48: {  	[hbm4b:s16+s4] =	stream.linear.scatter [tilespmem:s21], [sflag:$0x3], $0x4000, $0x38;
	[tilespmem:$0x1EC00] =	vst v63  }
0x49: {  	_ =	swait.ge [sflag:s19], $0x4000  }
0x4a: {  	[sflag:s19] =	ssyncset.done $0x0  }
0x4b: {  	[sflag:s19] =	ssyncadd.s32 $0xFFFFC000  }
.LBB2_1:
0x4c: {  	s12 =	rddreg [dreg:$0x4]  }
0x4d: {  	[tilespmem:s4], [sflag:$0x3] =	stream.linear.gather [hbm4b:s12+s4], $0x2800, $0x38;
	[tilespmem:$0x1EC00] =	vst v63  }
0x4e: {  	_ =	swait.ge [sflag:s19], $0x2800  }
0x4f: {  	[sflag:s19] =	ssyncset.done $0x0  }
0x50: {  	s18 =	rddreg [dreg:$0x5];
	[sflag:s19] =	ssyncadd.s32 $0xFFFFD800  }
0x51: {  	[tilespmem:s20], [sflag:$0x3] =	stream.linear.gather [hbm4b:s18+s4], $0x400, $0x38;
	[tilespmem:$0x1EC00] =	vst v63  }
0x52: {  	_ =	swait.ge [sflag:s19], $0x400  }
0x53: {  	[sflag:s19] =	ssyncset.done $0x0  }
0x54: {  	s14 =	simm.s32 $0x200;
	s12 =	simm.s32 $0x0;
	[sflag:s19] =	ssyncadd.s32 $0xFFFFFC00  }
.LBB2_2:
0x55: {  	p0 =	sne.s32 s14, $0xFE00;
	[tilespmem:s12+$0x2C70] =	vst v0  }
0x56: {  	[tilespmem:s12+$0x2C00] =	vst v0  }
0x57: {  	[tilespmem:s12+$0x2C10] =	vst v0  }
.Ltmp2:
0x58: {  	[tilespmem:s12+$0x2C20] =	vst v0;
	(pc) =	sbr.rel @p0 .LBB2_2-.Ltmp2, $4  }
0x59: {  	[tilespmem:s12+$0x2C30] =	vst v0  }
0x5a: {  	[tilespmem:s12+$0x2C40] =	vst v0  }
0x5b: {  	[tilespmem:s12+$0x2C50] =	vst v0  }
0x5c: {  	[tilespmem:s12+$0x2C60] =	vst v0;
	s12 =	sshra.s32 s14, $0x2;
	s14 =	sadd.s32 $0x200, s14  }
0x5d: {  	[tilespmem:s12+$0x2C70] =	vst v0  }
0x5e: {  	[tilespmem:s12+$0x2C00] =	vst v0  }
0x5f: {  	[tilespmem:s12+$0x2C10] =	vst v0  }
0x60: {  	[tilespmem:s12+$0x2C20] =	vst v0  }
0x61: {  	[tilespmem:s12+$0x2C30] =	vst v0  }
0x62: {  	[tilespmem:s12+$0x2C40] =	vst v0  }
0x63: {  	[tilespmem:s12+$0x2C50] =	vst v0  }
0x64: {  	[tilespmem:s12+$0x2C60] =	vst v0  }
0x65: {  	[spmem:s7] =	stream.linear.scatter [tilespmem:s21], [sflag:$0x3], $0x4000, $0x38;
	[tilespmem:$0x1EC00] =	vst v63  }
0x66: {  	_ =	swait.ge [sflag:s19], $0x4000  }
0x67: {  	[sflag:s19] =	ssyncset.done $0x0  }
0x68: {  	[sflag:s19] =	ssyncadd.s32 $0xFFFFC000  }
0x69: {  	[spmem:s8] =	stream.linear.scatter [tilespmem:s21], [sflag:$0x3], $0x4000, $0x38;
	[tilespmem:$0x1EC00] =	vst v63  }
0x6a: {  	_ =	swait.ge [sflag:s19], $0x4000  }
0x6b: {  	[sflag:s19] =	ssyncset.done $0x0  }
0x6c: {  	[sflag:s19] =	ssyncadd.s32 $0xFFFFC000  }
0x6d: {  	[spmem:s9] =	stream.linear.scatter [tilespmem:s21], [sflag:$0x3], $0x4000, $0x38;
	[tilespmem:$0x1EC00] =	vst v63  }
0x6e: {  	_ =	swait.ge [sflag:s19], $0x4000  }
0x6f: {  	[sflag:s19] =	ssyncset.done $0x0  }
0x70: {  	[sflag:s19] =	ssyncadd.s32 $0xFFFFC000  }
0x71: {  	[spmem:s10] =	stream.linear.scatter [tilespmem:s21], [sflag:$0x3], $0x4000, $0x38;
	[tilespmem:$0x1EC00] =	vst v63  }
0x72: {  	_ =	swait.ge [sflag:s19], $0x4000  }
0x73: {  	[sflag:s19] =	ssyncset.done $0x0  }
0x74: {  	[sflag:s19] =	ssyncadd.s32 $0xFFFFC000  }
0x75: {  	[spmem:s11] =	stream.linear.scatter [tilespmem:s21], [sflag:$0x3], $0x4000, $0x38;
	[tilespmem:$0x1EC00] =	vst v63  }
0x76: {  	_ =	swait.ge [sflag:s19], $0x4000  }
0x77: {  	[sflag:s19] =	ssyncset.done $0x0  }
0x78: {  	[sflag:s19] =	ssyncadd.s32 $0xFFFFC000  }
0x79: {  	s12 =	simm.s32 $0x0;
	s18 =	smov.u32 s13;
	[bflag:$0x0] =	sbarrier.arrive $0xFFFF  }
0x7a: {  	[tilespmem:s21], [sflag:$0x1] =	stream.indirect.gather [hbm4b:s1+s22], $0x80, s12, s22, $0xb8;
	[tilespmem:$0x1EC00] =	vst v63  }
.LBB2_4:
0x7b: {  	s14 =	sshra.s32 s12, $0x2  }
0x7c: {  	s15 =	sadd.s32 $0x80, s14  }
0x7d: {  	[tilespmem:s23], [sflag:$0x2] =	stream.indirect.gather [hbm4b:s1+s22], $0x80, s15, s22, $0xb8;
	[tilespmem:$0x1EC00] =	vst v63  }
0x7e: {  	_ =	swait.ge [sflag:s24], $0x3E80  }
0x7f: {  	[sflag:s24] =	ssyncset.done $0x0  }
0x80: {  	[sflag:s24] =	ssyncadd.s32 $0xFFFFC180  }
0x81: {  	[spmem:s3] =	stream.indirect.scatter.add.f32 [tilespmem:s21], [sflag:$0x4], $0x80, s20, s22, $0xb8;
	[tilespmem:$0x1EC00] =	vst v63  }
0x82: {  	_ =	swait.ge [sflag:s25], $0x3E80  }
0x83: {  	[sflag:s25] =	ssyncset.done $0x0  }
0x84: {  	s15 =	sadd.s32 $0x100, s14;
	[sflag:s25] =	ssyncadd.s32 $0xFFFFC180  }
0x85: {  	[tilespmem:s21], [sflag:$0x1] =	stream.indirect.gather [hbm4b:s1+s22], $0x80, s15, s22, $0xb8;
	[tilespmem:$0x1EC00] =	vst v63  }
0x86: {  	_ =	swait.ge [sflag:s26], $0x3E80  }
0x87: {  	[sflag:s26] =	ssyncset.done $0x0  }
0x88: {  	[sflag:s26] =	ssyncadd.s32 $0xFFFFC180  }
0x89: {  	[spmem:s3] =	stream.indirect.scatter.add.f32 [tilespmem:s23], [sflag:$0x4], $0x80, s28, s22, $0xb8;
	[tilespmem:$0x1EC00] =	vst v63  }
0x8a: {  	_ =	swait.ge [sflag:s25], $0x3E80  }
0x8b: {  	[sflag:s25] =	ssyncset.done $0x0  }
0x8c: {  	s15 =	sadd.s32 $0x180, s14;
	[sflag:s25] =	ssyncadd.s32 $0xFFFFC180  }
0x8d: {  	[tilespmem:s23], [sflag:$0x2] =	stream.indirect.gather [hbm4b:s1+s22], $0x80, s15, s22, $0xb8;
	[tilespmem:$0x1EC00] =	vst v63  }
0x8e: {  	_ =	swait.ge [sflag:s24], $0x3E80  }
0x8f: {  	[sflag:s24] =	ssyncset.done $0x0  }
0x90: {  	[sflag:s24] =	ssyncadd.s32 $0xFFFFC180  }
0x91: {  	[spmem:s3] =	stream.indirect.scatter.add.f32 [tilespmem:s21], [sflag:$0x4], $0x80, s29, s22, $0xb8;
	[tilespmem:$0x1EC00] =	vst v63  }
0x92: {  	_ =	swait.ge [sflag:s25], $0x3E80  }
0x93: {  	[sflag:s25] =	ssyncset.done $0x0  }
0x94: {  	s15 =	sadd.s32 $0x200, s14;
	[sflag:s25] =	ssyncadd.s32 $0xFFFFC180  }
0x95: {  	[tilespmem:s21], [sflag:$0x1] =	stream.indirect.gather [hbm4b:s1+s22], $0x80, s15, s22, $0xb8;
	[tilespmem:$0x1EC00] =	vst v63  }
0x96: {  	_ =	swait.ge [sflag:s26], $0x3E80  }
0x97: {  	[sflag:s26] =	ssyncset.done $0x0  }
0x98: {  	[sflag:s26] =	ssyncadd.s32 $0xFFFFC180  }
0x99: {  	[spmem:s3] =	stream.indirect.scatter.add.f32 [tilespmem:s23], [sflag:$0x4], $0x80, s30, s22, $0xb8;
	[tilespmem:$0x1EC00] =	vst v63  }
0x9a: {  	_ =	swait.ge [sflag:s25], $0x3E80  }
0x9b: {  	[sflag:s25] =	ssyncset.done $0x0  }
0x9c: {  	s15 =	sadd.s32 $0x280, s14;
	[sflag:s25] =	ssyncadd.s32 $0xFFFFC180  }
0x9d: {  	[tilespmem:s23], [sflag:$0x2] =	stream.indirect.gather [hbm4b:s1+s22], $0x80, s15, s22, $0xb8;
	[tilespmem:$0x1EC00] =	vst v63  }
0x9e: {  	_ =	swait.ge [sflag:s24], $0x3E80  }
0x9f: {  	[sflag:s24] =	ssyncset.done $0x0  }
0xa0: {  	[sflag:s24] =	ssyncadd.s32 $0xFFFFC180  }
0xa1: {  	[spmem:s3] =	stream.indirect.scatter.add.f32 [tilespmem:s21], [sflag:$0x4], $0x80, s31, s22, $0xb8;
	[tilespmem:$0x1EC00] =	vst v63  }
0xa2: {  	_ =	swait.ge [sflag:s25], $0x3E80  }
0xa3: {  	[sflag:s25] =	ssyncset.done $0x0  }
0xa4: {  	s15 =	sadd.s32 $0x300, s14;
	[sflag:s25] =	ssyncadd.s32 $0xFFFFC180  }
0xa5: {  	[tilespmem:s21], [sflag:$0x1] =	stream.indirect.gather [hbm4b:s1+s22], $0x80, s15, s22, $0xb8;
	[tilespmem:$0x1EC00] =	vst v63  }
0xa6: {  	_ =	swait.ge [sflag:s26], $0x3E80  }
0xa7: {  	[sflag:s26] =	ssyncset.done $0x0  }
0xa8: {  	[sflag:s26] =	ssyncadd.s32 $0xFFFFC180  }
0xa9: {  	[spmem:s3] =	stream.indirect.scatter.add.f32 [tilespmem:s23], [sflag:$0x4], $0x80, s2, s22, $0xb8;
	[tilespmem:$0x1EC00] =	vst v63  }
0xaa: {  	_ =	swait.ge [sflag:s25], $0x3E80  }
0xab: {  	[sflag:s25] =	ssyncset.done $0x0  }
0xac: {  	s15 =	sadd.s32 $0x380, s14;
	[sflag:s25] =	ssyncadd.s32 $0xFFFFC180  }
0xad: {  	[tilespmem:s23], [sflag:$0x2] =	stream.indirect.gather [hbm4b:s1+s22], $0x80, s15, s22, $0xb8;
	[tilespmem:$0x1EC00] =	vst v63  }
0xae: {  	_ =	swait.ge [sflag:s24], $0x3E80  }
0xaf: {  	p0 =	seq.s32 s12, $0x9000;
	[sflag:s24] =	ssyncset.done $0x0  }
.Ltmp3:
0xb0: {  	[sflag:s24] =	ssyncadd.s32 $0xFFFFC180;
	(pc) =	sbr.rel @p0 .LBB2_6-.Ltmp3, $4  }
0xb1: {  	[spmem:s3] =	stream.indirect.scatter.add.f32 [tilespmem:s21], [sflag:$0x4], $0x80, s0, s22, $0xb8;
	[tilespmem:$0x1EC00] =	vst v63  }
0xb2: {  	_ =	swait.ge [sflag:s25], $0x3E80  }
0xb3: {  	[sflag:s25] =	ssyncset.done $0x0  }
0xb4: {  	[sflag:s25] =	ssyncadd.s32 $0xFFFFC180  }
0xb5: {  	s14 =	sadd.s32 $0x400, s14  }
0xb6: {  	[tilespmem:s21], [sflag:$0x1] =	stream.indirect.gather [hbm4b:s1+s22], $0x80, s14, s22, $0xb8;
	[tilespmem:$0x1EC00] =	vst v63  }
0xb7: {  	_ =	swait.ge [sflag:s26], $0x3E80  }
0xb8: {  	[sflag:s26] =	ssyncset.done $0x0  }
0xb9: {  	[sflag:s26] =	ssyncadd.s32 $0xFFFFC180  }
0xba: {  	[spmem:s3] =	stream.indirect.scatter.add.f32 [tilespmem:s23], [sflag:$0x4], $0x80, s5, s22, $0xb8;
	[tilespmem:$0x1EC00] =	vst v63  }
0xbb: {  	_ =	swait.ge [sflag:s25], $0x3E80  }
0xbc: {  	s12 =	sadd.s32 $0x1000, s12;
	[sflag:s25] =	ssyncset.done $0x0  }
0xbd: {  	p0 =	seq.s32 s12, $0xA000;
	[sflag:s25] =	ssyncadd.s32 $0xFFFFC180  }
0xbe: {  	[tilespmem:s20], [sflag:$0x3] =	stream.linear.gather [hbm4b:s18+s4], $0x400, $0x38;
	[tilespmem:$0x1EC00] =	vst v63  }
.Ltmp4:
0xbf: {  	_ = 	snop;
	(pc) =	sbr.rel @!p0 .LBB2_4-.Ltmp4, $4  }
.Ltmp5:
0xc0: {  	_ = 	snop;
	(pc) =	sbr.rel @p0 .LBB2_7-.Ltmp5, $4  }
0xc1: {  	_ =	swait.ge [sflag:s19], $0x400  }
0xc2: {  	[sflag:s19] =	ssyncset.done $0x0  }
0xc3: {  	s18 =	sadd.s32 $0x80, s18;
	[sflag:s19] =	ssyncadd.s32 $0xFFFFFC00  }
0xc4: {  	_ = 	snop  }
.LBB2_8:
0xc5: {  	_ =	sfence.sel $0x180000  }
0xc6: {  	[bflag:$0x0] =	sbarrier.arrive $0xFFFF  }
0xc7: {  	_ =	strace $0x9000004A  }
0xc8: {  	s0 =	stileid.u32;
	[bflag:$0x2] =	sbarrier.arrive $0xFFFF  }
0xc9: {  	p0 =	sne.s32 s0, $0x0;
	s0 =	rddreg [dreg:$0x3]  }
0xca: {  	s0 =	sadd.s32 @!p0 $0x100000, s0  }
0xcb: {  	[sflag:s0] =	ssyncadd.tile.s32 @!p0 $0x1;
	_ =	shalt  }
.Lfunc_end2:
_tile_overlayer_lowered:
.L_overlay_start_2:
0xcc: {  	(tag) =	ssettag $0x2  }
0xcd: {  	s0 =	rddreg [dreg:$0x0];
	s2 =	stileid.u32  }
0xce: {  	s1 =	rddreg [dreg:$0x1];
	p0 =	sne.s32 s2, $0x0  }
0xcf: {  	s3 =	rddreg [dreg:$0x2];
	[bflag:$0x3] =	sbarrier.arrive $0xFFFF;
	s2 =	simm.s32 @!p0 $0x1C03  }
0xd0: {  	[timem:s3], [sflag:s2] =	dma.local @!p0 [hbm:s0], s1  }
0xd1: {  	s0 =	simm.s32 @!p0 $0x3  }
0xd2: {  	_ =	swait.ge @!p0 [sflag:s0], s1  }
0xd3: {  	s1 =	ssub.s32 @!p0 $0x0, s1;
	[sflag:s0] =	ssyncset.done @!p0 $0x0  }
0xd4: {  	[sflag:s0] =	ssyncadd.s32 @!p0 s1  }
0xd5: {  	[bflag:$0x3] =	sbarrier.arrive $0xFFFF  }
0xd6: {  	_ =	shalt  }

// kernel: kernel.14.cloned.1.call-start
scs
__scs_entry_jumppad:
0x0: {  	(pc) =	sbr.rel $0x88, $3  }
0x1: {  	(tag) =	ssettag $0x0;
	lr =	simm.s32 $0x1  }
0x2: {  	[smem:$0x3F9B] =	sst lr;
	_ =	strace $0xD0000000  }
0x3: {  	_ = 	snop  }
0x4: {  	_ = 	snop  }
0x5: {  	_ = 	snop  }
0x6: {  	_ = 	snop  }
0x7: {  	_ = 	snop  }
__scs_overlays_trampoline_lowered:
0x8: {  	[smem:$0x3FAA] =	sst s0  }
0x9: {  	[smem:$0x3FAB] =	sst s1  }
0xa: {  	[smem:$0x3FAC] =	sst s2  }
0xb: {  	[smem:$0x3FAD] =	sst s3  }
0xc: {  	[smem:$0x3FAE] =	sst s4  }
0xd: {  	[smem:$0x3FAF] =	sst s5  }
0xe: {  	[smem:$0x3FB0] =	sst s6  }
0xf: {  	[smem:$0x3FB1] =	sst s7  }
0x10: {  	[smem:$0x3FB2] =	sst s8  }
0x11: {  	[smem:$0x3FB3] =	sst s9;
	s0 =	simm.s32 @!p0 $0x0  }
0x12: {  	s1 =	sld [smem:$0x3F99];
	s0 =	simm.s32 @p0 $0x1  }
0x13: {  	[smem:$0x3FB4] =	sst s0;
	s0 =	simm.s32 @!p1 $0x0  }
0x14: {  	s2 =	sld [smem:$0x3F98];
	s0 =	simm.s32 @p1 $0x1  }
0x15: {  	[smem:$0x3FB5] =	sst s0;
	s0 =	simm.s32 @!p2 $0x0  }
0x16: {  	s3 =	sld [smem:$0x3FDB];
	s0 =	simm.s32 @p2 $0x1  }
0x17: {  	s4 =	simm.s32 $0x1BF5;
	[smem:$0x3FB7] =	sst s0  }
0x18: {  	s0 =	sld [smem:$0x3F9A];
	_ =	swait.ge [sflag:s4], $0x0  }
0x19: {  	s7 =	sld [smem:$0x3F9B]  }
0x1a: {  	s8 =	sadd.s32 $0xFFFFE003, lr  }
0x1b: {  	s9 =	sadd.s32 $0xFFFFFEF7, lr;
	s5 =	simm.s32 $0xFFFFFFFF;
	p2 =	slt.u32 s8, $0xFFFFF086  }
0x1c: {  	p1 =	slt.u32 s9, $0xF7A;
	s5 =	simm.s32 @!p2 $0x0  }
0x1d: {  	s5 =	simm.s32 @p1 $0x1;
	p0 =	seq.s32 s7, s2  }
0x1e: {  	s7 =	smul.u32 @!p0 $0xF7A, s2;
	p2 =	seq.s32 @!p0 s5, $0x0  }
0x1f: {  	s9 =	smul.u32 $0xF7A, s1;
	s8 =	simm.s32 @!p0 $0x1BF5;
	p2 =	por !p2, p0  }
0x20: {  	[sflag:s8] =	ssyncset.s32 @!p0 $0xFFFFF086;
	s6 =	sadd.s32 @!p0 s3, s7;
	s7 =	simm.s32 @!p0 $0x108  }
0x21: {  	s3 =	sadd.s32 s3, s9;
	s6 =	sadd.s32 @!p0 $0x88, s6;
	s7 =	simm.s32 @p2 $0x1082  }
0x22: {  	[simem:s7], [sflag:s8] =	dma.local @!p0 [hbm:s6], $0xF7A  }
0x23: {  	s9 =	sor.u32 $0xD0000000, s2;
	s6 =	simm.s32 $0x108;
	_ =	swait.ge @!p0 [sflag:s8], $0x0  }
0x24: {  	s3 =	sadd.s32 $0x88, s3;
	s6 =	simm.s32 @!p1 $0x1082;
	[sflag:s4] =	ssyncset.s32 $0xFFFFF086  }
0x25: {  	[simem:s6], [sflag:s4] =	dma.local [hbm:s3], $0xF7A  }
0x26: {  	[smem:$0x3F9B] =	sst s1;
	(tag) =	ssettag s2;
	_ =	strace s9  }
0x27: {  	s1 =	sld [smem:$0x3FAB]  }
0x28: {  	s2 =	sld [smem:$0x3FAC]  }
0x29: {  	s4 =	sld [smem:$0x3FAE]  }
0x2a: {  	p0 =	seq.s32 s5, $0x0;
	s5 =	sld [smem:$0x3FAF]  }
0x2b: {  	s6 =	sld [smem:$0x3FB0]  }
0x2c: {  	s7 =	sld [smem:$0x3FB1]  }
0x2d: {  	s3 =	simm.s32 $0x108;
	s8 =	sld [smem:$0x3FB2]  }
0x2e: {  	s3 =	simm.s32 @!p0 $0x1082;
	s9 =	sld [smem:$0x3FB3]  }
0x2f: {  	lr =	sadd.s32 s0, s3;
	s0 =	sld [smem:$0x3FAA]  }
0x30: {  	s3 =	sld [smem:$0x3FAD]  }
0x31: {  	[smem:$0x3FB6] =	sst s10  }
0x32: {  	s10 =	sld [smem:$0x3FB4];
	_ =	sdelay $0x3  }
0x33: {  	p0 =	seq.s32 s10, $0x1;
	s10 =	sld [smem:$0x3FB6];
	_ =	sdelay $0x3  }
0x34: {  	[smem:$0x3FB6] =	sst s10  }
0x35: {  	s10 =	sld [smem:$0x3FB5];
	_ =	sdelay $0x3  }
0x36: {  	p1 =	seq.s32 s10, $0x1;
	s10 =	sld [smem:$0x3FB6];
	_ =	sdelay $0x3  }
0x37: {  	[smem:$0x3FB6] =	sst s10  }
0x38: {  	s10 =	sld [smem:$0x3FB7]  }
0x39: {  	_ = 	snop;
	(pc) =	sbr.ind lr, $3  }
0x3a: {  	_ = 	snop  }
0x3b: {  	_ = 	snop  }
0x3c: {  	p2 =	seq.s32 s10, $0x1;
	s10 =	sld [smem:$0x3FB6]  }
0x3d: {  	_ =	shalt  }
0x3e: {  	_ =	shalt  }
0x3f: {  	_ =	shalt  }
0x40: {  	_ =	shalt  }
0x41: {  	_ =	shalt  }
0x42: {  	_ =	shalt  }
0x43: {  	_ =	shalt  }
0x44: {  	_ =	shalt  }
0x45: {  	_ =	shalt  }
0x46: {  	_ =	shalt  }
0x47: {  	_ =	shalt  }
0x48: {  	_ =	shalt  }
0x49: {  	_ =	shalt  }
0x4a: {  	_ =	shalt  }
0x4b: {  	_ =	shalt  }
0x4c: {  	_ =	shalt  }
0x4d: {  	_ =	shalt  }
0x4e: {  	_ =	shalt  }
0x4f: {  	_ =	shalt  }
0x50: {  	_ =	shalt  }
0x51: {  	_ =	shalt  }
0x52: {  	_ =	shalt  }
0x53: {  	_ =	shalt  }
0x54: {  	_ =	shalt  }
0x55: {  	_ =	shalt  }
0x56: {  	_ =	shalt  }
0x57: {  	_ =	shalt  }
0x58: {  	_ =	shalt  }
0x59: {  	_ =	shalt  }
0x5a: {  	_ =	shalt  }
0x5b: {  	_ =	shalt  }
0x5c: {  	_ =	shalt  }
0x5d: {  	_ =	shalt  }
0x5e: {  	_ =	shalt  }
0x5f: {  	_ =	shalt  }
0x60: {  	_ =	shalt  }
0x61: {  	_ =	shalt  }
0x62: {  	_ =	shalt  }
0x63: {  	_ =	shalt  }
0x64: {  	_ =	shalt  }
0x65: {  	_ =	shalt  }
0x66: {  	_ =	shalt  }
0x67: {  	_ =	shalt  }
0x68: {  	_ =	shalt  }
0x69: {  	_ =	shalt  }
0x6a: {  	_ =	shalt  }
0x6b: {  	_ =	shalt  }
0x6c: {  	_ =	shalt  }
0x6d: {  	_ =	shalt  }
0x6e: {  	_ =	shalt  }
0x6f: {  	_ =	shalt  }
0x70: {  	_ =	shalt  }
0x71: {  	_ =	shalt  }
0x72: {  	_ =	shalt  }
0x73: {  	_ =	shalt  }
0x74: {  	_ =	shalt  }
0x75: {  	_ =	shalt  }
0x76: {  	_ =	shalt  }
0x77: {  	_ =	shalt  }
0x78: {  	_ =	shalt  }
0x79: {  	_ =	shalt  }
0x7a: {  	_ =	shalt  }
0x7b: {  	_ =	shalt  }
0x7c: {  	_ =	shalt  }
0x7d: {  	_ =	shalt  }
0x7e: {  	_ =	shalt  }
0x7f: {  	_ =	shalt  }
0x80: {  	_ =	shalt  }
0x81: {  	_ =	shalt  }
0x82: {  	_ =	shalt  }
0x83: {  	_ =	shalt  }
0x84: {  	_ =	shalt  }
0x85: {  	_ =	shalt  }
0x86: {  	_ =	shalt  }
0x87: {  	_ =	shalt  }
.Lfunc_end0:
.L_simem_size_0:
called_computation.2_lowered:
.L_overlay_start_0:
0x88: {  	s2 =	sld [smem:$0x3FD9]  }
0x89: {  	s3 =	sld [smem:$0x3FFE];
	_ =	sdelay $0x1  }
0x8a: {  	s1 =	srdreg.scid  }
0x8b: {  	s0 =	sand.u32 $0x1, s1  }
0x8c: {  	s17 =	sshll.u32 s0, $0xA;
	s2 =	sadd.s32 s3, s2  }
0x8d: {  	s2 =	sadd.s32 s2, s17  }
0x8e: {  	[smem:$0x3FC2] =	sst s2  }
0x8f: {  	_ = 	snop  }
0x90: {  	s2 =	sld [smem:$0x3FD0];
	(tm) =	ssettm $0x1  }
0x91: {  	s18 =	sld [smem:$0x3FFB];
	_ =	sdelay $0x3  }
0x92: {  	_ =	strace s18  }
0x93: {  	s3 =	sld [smem:$0x3FFC];
	_ =	sdelay $0x3  }
0x94: {  	_ =	strace s3  }
0x95: {  	s3 =	sld [smem:$0x3FFD];
	_ =	sdelay $0x3  }
0x96: {  	_ =	strace s3  }
0x97: {  	_ =	strace $0x8FFFFFFF  }
0x98: {  	s19 =	sld [smem:$0x3FDB];
	_ =	sdelay $0x1  }
0x99: {  	s4 =	simm.s32 $_scs_section_size  }
0x9a: {  	s5 =	simm.s32 $_size__tile_overlayer_lowered;
	s6 =	simm.s32 $_tile_overlayer_lowered  }
0x9b: {  	s22 =	simm.s32 $0x1BFF;
	s21 =	sshll.u32 s6, $0x1;
	s3 =	sadd.s32 s4, s19  }
0x9c: {  	s7 =	simm.s32 $0x0;
	s20 =	sshll.u32 s5, $0x1;
	s5 =	sadd.s32 s21, s3  }
0x9d: {  	[timem:s7], [sflag:s22] =	dma.local [hbm:s5], s20  }
0x9e: {  	_ =	swait.ge [sflag:s22], s20  }
0x9f: {  	s4 =	ssub.s32 $0x0, s20;
	[sflag:s22] =	ssyncset.done $0x0  }
0xa0: {  	[sflag:s22] =	ssyncadd.s32 s4;
	_ =	sdelay $0x1  }
0xa1: {  	s23 =	simm.s32 $0x1B8B  }
0xa2: {  	_ =	swait.ge [sflag:s23], $0x1  }
0xa3: {  	[sflag:s23] =	ssyncset.done $0x0  }
0xa4: {  	s25 =	simm.s32 $0x1B8E;
	s24 =	sld [smem:$0x3FFE];
	[sflag:s23] =	ssyncadd.s32 $0xFFFFFFFF  }
0xa5: {  	s26 =	simm.s32 $execute0_lowered;
	[smem:$0x3FD2] =	sst s25  }
0xa6: {  	s5 =	sshll.u32 s26, $0x1;
	_ =	strace $0x8000004C;
	[dreg:$0x1] =	wrdreg $0xFFFFFFFF  }
0xa7: {  	s28 =	simm.s32 $_size_execute0_lowered;
	s3 =	sadd.s32 s3, s5;
	[dreg:$0x0] =	wrdreg $0x0  }
0xa8: {  	s5 =	sshll.u32 s28, $0x1;
	[dreg:$0x2] =	wrdreg s3  }
0xa9: {  	[dreg:$0x3] =	wrdreg s5  }
0xaa: {  	[dreg:$0x4] =	wrdreg $0xC0  }
0xab: {  	_ =	task [dreg:s7], $0x5FFFF  }
0xac: {  	[dreg:$0x1] =	wrdreg $0xFFFFFFFF  }
0xad: {  	[dreg:$0x0] =	wrdreg $0x60  }
0xae: {  	[dreg:$0x2] =	wrdreg s2  }
0xaf: {  	[dreg:$0x3] =	wrdreg s24  }
0xb0: {  	[dreg:$0x4] =	wrdreg $0xAC000  }
0xb1: {  	[dreg:$0x5] =	wrdreg $0x9  }
0xb2: {  	_ =	task.clear_ibuf [dreg:s7], $0x6FFFF;
	_ =	strace $0x9000004C  }
0xb3: {  	s29 =	simm.s32 $0x9;
	_ =	strace $0x8000004E  }
0xb4: {  	_ =	swait.ge [sflag:s29], $0x1  }
0xb5: {  	[sflag:s29] =	ssyncadd.s32 $0xFFFFFFFF  }
0xb6: {  	_ =	strace $0x9000004E  }
0xb7: {  	_ =	sfence  }
0xb8: {  	s30 =	sld [smem:$0x0];
	_ =	sdelay $0x2  }
0xb9: {  	s31 =	sshll.u32 s1, $0xD;
	s1 =	sshrl.u32 s1, $0x2  }
0xba: {  	s3 =	sand.u32 $0x4000, s31;
	s1 =	sadd.s32 s1, s30  }
0xbb: {  	s0 =	sor.u32 s3, s0;
	s1 =	sshll.u32 s1, $0x11  }
0xbc: {  	s0 =	sor.u32 s1, s0  }
0xbd: {  	s0 =	sadd.s32 $0x8F2B, s0  }
0xbe: {  	[sflag:s0] =	ssyncadd.remote.s32 $0x1  }
0xbf: {  	_ =	sfence.sel $0xFFFF  }
0xc0: {  	[dreg:$0x0] =	wrdreg $0xFFFFFFFF;
	(pc) =	sbr.abs _section_cstart, $3  }
0xc1: {  	[dreg:$0x1] =	wrdreg $0xFFFFFFFF  }
0xc2: {  	_ =	task.clear_ibuf [dreg:s7], $0x2FFFF;
	_ =	strace $0x9FFFFFFF  }
0xc3: {  	(tm) =	ssettm $0x7FFFFFFF  }
tec
execute0_lowered:
.L_overlay_start_1:
0x0: {  	(tag) =	ssettag $0x1  }
0x1: {  	s0 =	srdreg.scid;
	s1 =	rddreg [dreg:$0x0]  }
0x2: {  	s18 =	stileid.u32;
	s5 =	rddreg [dreg:$0x1]  }
0x3: {  	s3 =	rddreg [dreg:$0x2];
	s4 =	simm.s32 $0x0;
	s19 =	simm.s32 $0x3  }
0x4: {  	s20 =	simm.s32 $0x2800;
	s21 =	simm.s32 $0x2C00;
	s28 =	simm.s32 $0x2880  }
0x5: {  	s29 =	simm.s32 $0x2900;
	s30 =	simm.s32 $0x2980;
	s9 =	smul.u32 $0x50000, s18  }
0x6: {  	s31 =	simm.s32 $0x2A00;
	s0 =	sand.u32 $0x1, s0;
	s10 =	smul.u32 $0x14000, s18  }
0x7: {  	s2 =	sshll.u32 s18, $0x1;
	[smem:$0x7FF] =	sst s4;
	s18 =	smul.u32 $0x5000, s18  }
0x8: {  	s12 =	sadd.s32 $0x2400, s5;
	s2 =	sor.u32 s0, s2;
	s15 =	smul.u32 $0x140000, s0  }
0x9: {  	_ =	strace $0x8000004D;
	s7 =	ssub.s32 $0x2, s0;
	s0 =	smul.u32 $0x2800, s0  }
0xa: {  	s2 =	smul.u32 $0x2800, s2;
	s8 =	sshrl.u32 s7, $0x1;
	s22 =	sshrl.u32 s9, $0x2  }
0xb: {  	s23 =	sadd.s32 $0x4000, s10;
	s14 =	sadd.s32 $0x8000, s10;
	s24 =	sadd.s32 $0xC000, s10  }
0xc: {  	s16 =	sadd.s32 $0x10000, s10;
	s13 =	ssub.s32 s7, s8;
	s7 =	sadd.s32 s22, s3  }
0xd: {  	s8 =	sadd.s32 s23, s3;
	s9 =	sadd.s32 s14, s3;
	s17 =	sadd.s32 s10, s15  }
0xe: {  	s10 =	sadd.s32 s24, s3;
	s11 =	sadd.s32 s16, s3;
	s14 =	sadd.s32 s15, s14  }
0xf: {  	s26 =	sadd.s32 s15, s16;
	s0 =	sadd.s32 s0, s18;
	s22 =	simm.s32 $0x7D  }
0x10: {  	s2 =	sshrl.u32 s2, $0x3;
	s17 =	sshrl.u32 s17, $0x3;
	s14 =	sshrl.u32 s14, $0x3  }
0x11: {  	s0 =	sor.u32 $0x400, s0;
	s6 =	sadd.s32 s2, s5;
	s2 =	sadd.s32 s12, s2  }
0x12: {  	s5 =	sadd.s32 $0x66400, s5;
	s6 =	sadd.s32 $0x5C400, s6;
	[dreg:$0x5] =	wrdreg s2  }
0x13: {  	s0 =	sshrl.u32 s0, $0x3;
	s17 =	sadd.s32 s5, s17;
	[dreg:$0x4] =	wrdreg s6  }
0x14: {  	s25 =	sadd.s32 s5, s14;
	s2 =	sadd.s32 s15, s24;
	[dreg:$0x6] =	wrdreg s17  }
0x15: {  	s24 =	simm.s32 $0x1;
	s6 =	sadd.s32 s15, s23;
	[dreg:$0x8] =	wrdreg s25  }
0x16: {  	s2 =	sshrl.u32 s2, $0x3;
	s17 =	smax.u32 s13, $0x1;
	s13 =	sadd.s32 s0, s12  }
.Ltmp0:
0x17: {  	s23 =	simm.s32 $0x6C00;
	s25 =	simm.s32 $0x4;
	(pc) =	sbr.rel .LBB2_1-.Ltmp0, $4  }
0x18: {  	s0 =	simm.s32 $0x2B00;
	s6 =	sshrl.u32 s6, $0x3;
	s2 =	sadd.s32 s5, s2  }
0x19: {  	s6 =	sadd.s32 s5, s6;
	[dreg:$0x9] =	wrdreg s2;
	s2 =	simm.s32 $0x2A80  }
0x1a: {  	[dreg:$0x7] =	wrdreg s6;
	s6 =	sshrl.u32 s26, $0x3;
	s26 =	simm.s32 $0x2  }
0x1b: {  	v0 =	vimm.f32 $0.0e+00;
	s16 =	sadd.s32 s5, s6;
	s5 =	simm.s32 $0x2B80;
	s6 =	simm.s32 $0x0  }
.LBB2_6:
0x1c: {  	_ =	swait.ge [sflag:s26], $0x3E80  }
0x1d: {  	[sflag:s26] =	ssyncset.done $0x0  }
0x1e: {  	[sflag:s26] =	ssyncadd.s32 $0xFFFFC180  }
0x1f: {  	[spmem:s3] =	stream.indirect.scatter.add.f32 [tilespmem:s23], [sflag:$0x4], $0x80, s5, s22, $0xb8;
	[tilespmem:$0x1EC00] =	vst v63  }
0x20: {  	_ =	swait.ge [sflag:s25], $0x3E80  }
0x21: {  	[sflag:s25] =	ssyncset.done $0x0  }
0x22: {  	[sflag:s25] =	ssyncadd.s32 $0xFFFFC180  }
.LBB2_7:
0x23: {  	[bflag:$0x0] =	sbarrier.arrive $0xFFFF  }
0x24: {  	[tilespmem:s21], [sflag:$0x3] =	stream.linear.gather [spmem:s7], $0x4000, $0x38;
	[tilespmem:$0x1EC00] =	vst v63  }
0x25: {  	_ =	swait.ge [sflag:s19], $0x4000  }
0x26: {  	[sflag:s19] =	ssyncset.done $0x0  }
0x27: {  	s12 =	rddreg [dreg:$0x6];
	[sflag:s19] =	ssyncadd.s32 $0xFFFFC000  }
0x28: {  	[hbm4b:s12+s4] =	stream.linear.scatter [tilespmem:s21], [sflag:$0x3], $0x4000, $0x38;
	[tilespmem:$0x1EC00] =	vst v63  }
0x29: {  	_ =	swait.ge [sflag:s19], $0x4000  }
0x2a: {  	[sflag:s19] =	ssyncset.done $0x0  }
0x2b: {  	[sflag:s19] =	ssyncadd.s32 $0xFFFFC000  }
0x2c: {  	[tilespmem:s21], [sflag:$0x3] =	stream.linear.gather [spmem:s8], $0x4000, $0x38;
	[tilespmem:$0x1EC00] =	vst v63  }
0x2d: {  	_ =	swait.ge [sflag:s19], $0x4000  }
0x2e: {  	[sflag:s19] =	ssyncset.done $0x0  }
0x2f: {  	s14 =	rddreg [dreg:$0x7];
	[sflag:s19] =	ssyncadd.s32 $0xFFFFC000  }
0x30: {  	[hbm4b:s14+s4] =	stream.linear.scatter [tilespmem:s21], [sflag:$0x3], $0x4000, $0x38;
	[tilespmem:$0x1EC00] =	vst v63  }
0x31: {  	_ =	swait.ge [sflag:s19], $0x4000  }
0x32: {  	[sflag:s19] =	ssyncset.done $0x0  }
0x33: {  	[sflag:s19] =	ssyncadd.s32 $0xFFFFC000  }
0x34: {  	[tilespmem:s21], [sflag:$0x3] =	stream.linear.gather [spmem:s9], $0x4000, $0x38;
	[tilespmem:$0x1EC00] =	vst v63  }
0x35: {  	_ =	swait.ge [sflag:s19], $0x4000  }
0x36: {  	[sflag:s19] =	ssyncset.done $0x0  }
0x37: {  	s15 =	rddreg [dreg:$0x8];
	[sflag:s19] =	ssyncadd.s32 $0xFFFFC000  }
0x38: {  	[hbm4b:s15+s4] =	stream.linear.scatter [tilespmem:s21], [sflag:$0x3], $0x4000, $0x38;
	[tilespmem:$0x1EC00] =	vst v63  }
0x39: {  	_ =	swait.ge [sflag:s19], $0x4000  }
0x3a: {  	[sflag:s19] =	ssyncset.done $0x0  }
0x3b: {  	[sflag:s19] =	ssyncadd.s32 $0xFFFFC000  }
0x3c: {  	[tilespmem:s21], [sflag:$0x3] =	stream.linear.gather [spmem:s10], $0x4000, $0x38;
	[tilespmem:$0x1EC00] =	vst v63  }
0x3d: {  	_ =	swait.ge [sflag:s19], $0x4000  }
0x3e: {  	[sflag:s19] =	ssyncset.done $0x0  }
0x3f: {  	s18 =	rddreg [dreg:$0x9];
	[sflag:s19] =	ssyncadd.s32 $0xFFFFC000  }
0x40: {  	[hbm4b:s18+s4] =	stream.linear.scatter [tilespmem:s21], [sflag:$0x3], $0x4000, $0x38;
	[tilespmem:$0x1EC00] =	vst v63  }
0x41: {  	_ =	swait.ge [sflag:s19], $0x4000  }
0x42: {  	[sflag:s19] =	ssyncset.done $0x0  }
0x43: {  	[sflag:s19] =	ssyncadd.s32 $0xFFFFC000  }
0x44: {  	[tilespmem:s21], [sflag:$0x3] =	stream.linear.gather [spmem:s11], $0x4000, $0x38;
	[tilespmem:$0x1EC00] =	vst v63  }
0x45: {  	s6 =	sadd.s32 $0x1, s6;
	_ =	swait.ge [sflag:s19], $0x4000  }
0x46: {  	p0 =	sne.s32 s6, s17;
	[sflag:s19] =	ssyncset.done $0x0  }
.Ltmp1:
0x47: {  	[sflag:s19] =	ssyncadd.s32 $0xFFFFC000;
	(pc) =	sbr.rel @!p0 .LBB2_8-.Ltmp1, $4  }
0x48: {  	[hbm4b:s16+s4] =	stream.linear.scatter [tilespmem:s21], [sflag:$0x3], $0x4000, $0x38;
	[tilespmem:$0x1EC00] =	vst v63  }
0x49: {  	_ =	swait.ge [sflag:s19], $0x4000  }
0x4a: {  	[sflag:s19] =	ssyncset.done $0x0  }
0x4b: {  	[sflag:s19] =	ssyncadd.s32 $0xFFFFC000  }
.LBB2_1:
0x4c: {  	s12 =	rddreg [dreg:$0x4]  }
0x4d: {  	[tilespmem:s4], [sflag:$0x3] =	stream.linear.gather [hbm4b:s12+s4], $0x2800, $0x38;
	[tilespmem:$0x1EC00] =	vst v63  }
0x4e: {  	_ =	swait.ge [sflag:s19], $0x2800  }
0x4f: {  	[sflag:s19] =	ssyncset.done $0x0  }
0x50: {  	s18 =	rddreg [dreg:$0x5];
	[sflag:s19] =	ssyncadd.s32 $0xFFFFD800  }
0x51: {  	[tilespmem:s20], [sflag:$0x3] =	stream.linear.gather [hbm4b:s18+s4], $0x400, $0x38;
	[tilespmem:$0x1EC00] =	vst v63  }
0x52: {  	_ =	swait.ge [sflag:s19], $0x400  }
0x53: {  	[sflag:s19] =	ssyncset.done $0x0  }
0x54: {  	s14 =	simm.s32 $0x200;
	s12 =	simm.s32 $0x0;
	[sflag:s19] =	ssyncadd.s32 $0xFFFFFC00  }
.LBB2_2:
0x55: {  	p0 =	sne.s32 s14, $0xFE00;
	[tilespmem:s12+$0x2C70] =	vst v0  }
0x56: {  	[tilespmem:s12+$0x2C00] =	vst v0  }
0x57: {  	[tilespmem:s12+$0x2C10] =	vst v0  }
.Ltmp2:
0x58: {  	[tilespmem:s12+$0x2C20] =	vst v0;
	(pc) =	sbr.rel @p0 .LBB2_2-.Ltmp2, $4  }
0x59: {  	[tilespmem:s12+$0x2C30] =	vst v0  }
0x5a: {  	[tilespmem:s12+$0x2C40] =	vst v0  }
0x5b: {  	[tilespmem:s12+$0x2C50] =	vst v0  }
0x5c: {  	[tilespmem:s12+$0x2C60] =	vst v0;
	s12 =	sshra.s32 s14, $0x2;
	s14 =	sadd.s32 $0x200, s14  }
0x5d: {  	[tilespmem:s12+$0x2C70] =	vst v0  }
0x5e: {  	[tilespmem:s12+$0x2C00] =	vst v0  }
0x5f: {  	[tilespmem:s12+$0x2C10] =	vst v0  }
0x60: {  	[tilespmem:s12+$0x2C20] =	vst v0  }
0x61: {  	[tilespmem:s12+$0x2C30] =	vst v0  }
0x62: {  	[tilespmem:s12+$0x2C40] =	vst v0  }
0x63: {  	[tilespmem:s12+$0x2C50] =	vst v0  }
0x64: {  	[tilespmem:s12+$0x2C60] =	vst v0  }
0x65: {  	[spmem:s7] =	stream.linear.scatter [tilespmem:s21], [sflag:$0x3], $0x4000, $0x38;
	[tilespmem:$0x1EC00] =	vst v63  }
0x66: {  	_ =	swait.ge [sflag:s19], $0x4000  }
0x67: {  	[sflag:s19] =	ssyncset.done $0x0  }
0x68: {  	[sflag:s19] =	ssyncadd.s32 $0xFFFFC000  }
0x69: {  	[spmem:s8] =	stream.linear.scatter [tilespmem:s21], [sflag:$0x3], $0x4000, $0x38;
	[tilespmem:$0x1EC00] =	vst v63  }
0x6a: {  	_ =	swait.ge [sflag:s19], $0x4000  }
0x6b: {  	[sflag:s19] =	ssyncset.done $0x0  }
0x6c: {  	[sflag:s19] =	ssyncadd.s32 $0xFFFFC000  }
0x6d: {  	[spmem:s9] =	stream.linear.scatter [tilespmem:s21], [sflag:$0x3], $0x4000, $0x38;
	[tilespmem:$0x1EC00] =	vst v63  }
0x6e: {  	_ =	swait.ge [sflag:s19], $0x4000  }
0x6f: {  	[sflag:s19] =	ssyncset.done $0x0  }
0x70: {  	[sflag:s19] =	ssyncadd.s32 $0xFFFFC000  }
0x71: {  	[spmem:s10] =	stream.linear.scatter [tilespmem:s21], [sflag:$0x3], $0x4000, $0x38;
	[tilespmem:$0x1EC00] =	vst v63  }
0x72: {  	_ =	swait.ge [sflag:s19], $0x4000  }
0x73: {  	[sflag:s19] =	ssyncset.done $0x0  }
0x74: {  	[sflag:s19] =	ssyncadd.s32 $0xFFFFC000  }
0x75: {  	[spmem:s11] =	stream.linear.scatter [tilespmem:s21], [sflag:$0x3], $0x4000, $0x38;
	[tilespmem:$0x1EC00] =	vst v63  }
0x76: {  	_ =	swait.ge [sflag:s19], $0x4000  }
0x77: {  	[sflag:s19] =	ssyncset.done $0x0  }
0x78: {  	[sflag:s19] =	ssyncadd.s32 $0xFFFFC000  }
0x79: {  	s12 =	simm.s32 $0x0;
	s18 =	smov.u32 s13;
	[bflag:$0x0] =	sbarrier.arrive $0xFFFF  }
0x7a: {  	[tilespmem:s21], [sflag:$0x1] =	stream.indirect.gather [hbm4b:s1+s22], $0x80, s12, s22, $0xb8;
	[tilespmem:$0x1EC00] =	vst v63  }
.LBB2_4:
0x7b: {  	s14 =	sshra.s32 s12, $0x2  }
0x7c: {  	s15 =	sadd.s32 $0x80, s14  }
0x7d: {  	[tilespmem:s23], [sflag:$0x2] =	stream.indirect.gather [hbm4b:s1+s22], $0x80, s15, s22, $0xb8;
	[tilespmem:$0x1EC00] =	vst v63  }
0x7e: {  	_ =	swait.ge [sflag:s24], $0x3E80  }
0x7f: {  	[sflag:s24] =	ssyncset.done $0x0  }
0x80: {  	[sflag:s24] =	ssyncadd.s32 $0xFFFFC180  }
0x81: {  	[spmem:s3] =	stream.indirect.scatter.add.f32 [tilespmem:s21], [sflag:$0x4], $0x80, s20, s22, $0xb8;
	[tilespmem:$0x1EC00] =	vst v63  }
0x82: {  	_ =	swait.ge [sflag:s25], $0x3E80  }
0x83: {  	[sflag:s25] =	ssyncset.done $0x0  }
0x84: {  	s15 =	sadd.s32 $0x100, s14;
	[sflag:s25] =	ssyncadd.s32 $0xFFFFC180  }
0x85: {  	[tilespmem:s21], [sflag:$0x1] =	stream.indirect.gather [hbm4b:s1+s22], $0x80, s15, s22, $0xb8;
	[tilespmem:$0x1EC00] =	vst v63  }
0x86: {  	_ =	swait.ge [sflag:s26], $0x3E80  }
0x87: {  	[sflag:s26] =	ssyncset.done $0x0  }
0x88: {  	[sflag:s26] =	ssyncadd.s32 $0xFFFFC180  }
0x89: {  	[spmem:s3] =	stream.indirect.scatter.add.f32 [tilespmem:s23], [sflag:$0x4], $0x80, s28, s22, $0xb8;
	[tilespmem:$0x1EC00] =	vst v63  }
0x8a: {  	_ =	swait.ge [sflag:s25], $0x3E80  }
0x8b: {  	[sflag:s25] =	ssyncset.done $0x0  }
0x8c: {  	s15 =	sadd.s32 $0x180, s14;
	[sflag:s25] =	ssyncadd.s32 $0xFFFFC180  }
0x8d: {  	[tilespmem:s23], [sflag:$0x2] =	stream.indirect.gather [hbm4b:s1+s22], $0x80, s15, s22, $0xb8;
	[tilespmem:$0x1EC00] =	vst v63  }
0x8e: {  	_ =	swait.ge [sflag:s24], $0x3E80  }
0x8f: {  	[sflag:s24] =	ssyncset.done $0x0  }
0x90: {  	[sflag:s24] =	ssyncadd.s32 $0xFFFFC180  }
0x91: {  	[spmem:s3] =	stream.indirect.scatter.add.f32 [tilespmem:s21], [sflag:$0x4], $0x80, s29, s22, $0xb8;
	[tilespmem:$0x1EC00] =	vst v63  }
0x92: {  	_ =	swait.ge [sflag:s25], $0x3E80  }
0x93: {  	[sflag:s25] =	ssyncset.done $0x0  }
0x94: {  	s15 =	sadd.s32 $0x200, s14;
	[sflag:s25] =	ssyncadd.s32 $0xFFFFC180  }
0x95: {  	[tilespmem:s21], [sflag:$0x1] =	stream.indirect.gather [hbm4b:s1+s22], $0x80, s15, s22, $0xb8;
	[tilespmem:$0x1EC00] =	vst v63  }
0x96: {  	_ =	swait.ge [sflag:s26], $0x3E80  }
0x97: {  	[sflag:s26] =	ssyncset.done $0x0  }
0x98: {  	[sflag:s26] =	ssyncadd.s32 $0xFFFFC180  }
0x99: {  	[spmem:s3] =	stream.indirect.scatter.add.f32 [tilespmem:s23], [sflag:$0x4], $0x80, s30, s22, $0xb8;
	[tilespmem:$0x1EC00] =	vst v63  }
0x9a: {  	_ =	swait.ge [sflag:s25], $0x3E80  }
0x9b: {  	[sflag:s25] =	ssyncset.done $0x0  }
0x9c: {  	s15 =	sadd.s32 $0x280, s14;
	[sflag:s25] =	ssyncadd.s32 $0xFFFFC180  }
0x9d: {  	[tilespmem:s23], [sflag:$0x2] =	stream.indirect.gather [hbm4b:s1+s22], $0x80, s15, s22, $0xb8;
	[tilespmem:$0x1EC00] =	vst v63  }
0x9e: {  	_ =	swait.ge [sflag:s24], $0x3E80  }
0x9f: {  	[sflag:s24] =	ssyncset.done $0x0  }
0xa0: {  	[sflag:s24] =	ssyncadd.s32 $0xFFFFC180  }
0xa1: {  	[spmem:s3] =	stream.indirect.scatter.add.f32 [tilespmem:s21], [sflag:$0x4], $0x80, s31, s22, $0xb8;
	[tilespmem:$0x1EC00] =	vst v63  }
0xa2: {  	_ =	swait.ge [sflag:s25], $0x3E80  }
0xa3: {  	[sflag:s25] =	ssyncset.done $0x0  }
0xa4: {  	s15 =	sadd.s32 $0x300, s14;
	[sflag:s25] =	ssyncadd.s32 $0xFFFFC180  }
0xa5: {  	[tilespmem:s21], [sflag:$0x1] =	stream.indirect.gather [hbm4b:s1+s22], $0x80, s15, s22, $0xb8;
	[tilespmem:$0x1EC00] =	vst v63  }
0xa6: {  	_ =	swait.ge [sflag:s26], $0x3E80  }
0xa7: {  	[sflag:s26] =	ssyncset.done $0x0  }
0xa8: {  	[sflag:s26] =	ssyncadd.s32 $0xFFFFC180  }
0xa9: {  	[spmem:s3] =	stream.indirect.scatter.add.f32 [tilespmem:s23], [sflag:$0x4], $0x80, s2, s22, $0xb8;
	[tilespmem:$0x1EC00] =	vst v63  }
0xaa: {  	_ =	swait.ge [sflag:s25], $0x3E80  }
0xab: {  	[sflag:s25] =	ssyncset.done $0x0  }
0xac: {  	s15 =	sadd.s32 $0x380, s14;
	[sflag:s25] =	ssyncadd.s32 $0xFFFFC180  }
0xad: {  	[tilespmem:s23], [sflag:$0x2] =	stream.indirect.gather [hbm4b:s1+s22], $0x80, s15, s22, $0xb8;
	[tilespmem:$0x1EC00] =	vst v63  }
0xae: {  	_ =	swait.ge [sflag:s24], $0x3E80  }
0xaf: {  	p0 =	seq.s32 s12, $0x9000;
	[sflag:s24] =	ssyncset.done $0x0  }
.Ltmp3:
0xb0: {  	[sflag:s24] =	ssyncadd.s32 $0xFFFFC180;
	(pc) =	sbr.rel @p0 .LBB2_6-.Ltmp3, $4  }
0xb1: {  	[spmem:s3] =	stream.indirect.scatter.add.f32 [tilespmem:s21], [sflag:$0x4], $0x80, s0, s22, $0xb8;
	[tilespmem:$0x1EC00] =	vst v63  }
0xb2: {  	_ =	swait.ge [sflag:s25], $0x3E80  }
0xb3: {  	[sflag:s25] =	ssyncset.done $0x0  }
0xb4: {  	[sflag:s25] =	ssyncadd.s32 $0xFFFFC180  }
0xb5: {  	s14 =	sadd.s32 $0x400, s14  }
0xb6: {  	[tilespmem:s21], [sflag:$0x1] =	stream.indirect.gather [hbm4b:s1+s22], $0x80, s14, s22, $0xb8;
	[tilespmem:$0x1EC00] =	vst v63  }
0xb7: {  	_ =	swait.ge [sflag:s26], $0x3E80  }
0xb8: {  	[sflag:s26] =	ssyncset.done $0x0  }
0xb9: {  	[sflag:s26] =	ssyncadd.s32 $0xFFFFC180  }
0xba: {  	[spmem:s3] =	stream.indirect.scatter.add.f32 [tilespmem:s23], [sflag:$0x4], $0x80, s5, s22, $0xb8;
	[tilespmem:$0x1EC00] =	vst v63  }
0xbb: {  	_ =	swait.ge [sflag:s25], $0x3E80  }
0xbc: {  	s12 =	sadd.s32 $0x1000, s12;
	[sflag:s25] =	ssyncset.done $0x0  }
0xbd: {  	p0 =	seq.s32 s12, $0xA000;
	[sflag:s25] =	ssyncadd.s32 $0xFFFFC180  }
0xbe: {  	[tilespmem:s20], [sflag:$0x3] =	stream.linear.gather [hbm4b:s18+s4], $0x400, $0x38;
	[tilespmem:$0x1EC00] =	vst v63  }
.Ltmp4:
0xbf: {  	_ = 	snop;
	(pc) =	sbr.rel @!p0 .LBB2_4-.Ltmp4, $4  }
.Ltmp5:
0xc0: {  	_ = 	snop;
	(pc) =	sbr.rel @p0 .LBB2_7-.Ltmp5, $4  }
0xc1: {  	_ =	swait.ge [sflag:s19], $0x400  }
0xc2: {  	[sflag:s19] =	ssyncset.done $0x0  }
0xc3: {  	s18 =	sadd.s32 $0x80, s18;
	[sflag:s19] =	ssyncadd.s32 $0xFFFFFC00  }
0xc4: {  	_ = 	snop  }
.LBB2_8:
0xc5: {  	_ =	sfence.sel $0x180000  }
0xc6: {  	[bflag:$0x0] =	sbarrier.arrive $0xFFFF  }
0xc7: {  	_ =	strace $0x9000004D  }
0xc8: {  	s0 =	stileid.u32;
	[bflag:$0x2] =	sbarrier.arrive $0xFFFF  }
0xc9: {  	p0 =	sne.s32 s0, $0x0;
	s0 =	rddreg [dreg:$0x3]  }
0xca: {  	s0 =	sadd.s32 @!p0 $0x100000, s0  }
0xcb: {  	[sflag:s0] =	ssyncadd.tile.s32 @!p0 $0x1;
	_ =	shalt  }
.Lfunc_end2:
_tile_overlayer_lowered:
.L_overlay_start_2:
0xcc: {  	(tag) =	ssettag $0x2  }
0xcd: {  	s0 =	rddreg [dreg:$0x0];
	s2 =	stileid.u32  }
0xce: {  	s1 =	rddreg [dreg:$0x1];
	p0 =	sne.s32 s2, $0x0  }
0xcf: {  	s3 =	rddreg [dreg:$0x2];
	[bflag:$0x3] =	sbarrier.arrive $0xFFFF;
	s2 =	simm.s32 @!p0 $0x1C03  }
0xd0: {  	[timem:s3], [sflag:s2] =	dma.local @!p0 [hbm:s0], s1  }
0xd1: {  	s0 =	simm.s32 @!p0 $0x3  }
0xd2: {  	_ =	swait.ge @!p0 [sflag:s0], s1  }
0xd3: {  	s1 =	ssub.s32 @!p0 $0x0, s1;
	[sflag:s0] =	ssyncset.done @!p0 $0x0  }
0xd4: {  	[sflag:s0] =	ssyncadd.s32 @!p0 s1  }
0xd5: {  	[bflag:$0x3] =	sbarrier.arrive $0xFFFF  }
0xd6: {  	_ =	shalt  }

// kernel: kernel.8.cloned.1.call-start
scs
__scs_entry_jumppad:
0x0: {  	(pc) =	sbr.rel $0x88, $3  }
0x1: {  	(tag) =	ssettag $0x0;
	lr =	simm.s32 $0x1  }
0x2: {  	[smem:$0x3F9B] =	sst lr;
	_ =	strace $0xD0000000  }
0x3: {  	_ = 	snop  }
0x4: {  	_ = 	snop  }
0x5: {  	_ = 	snop  }
0x6: {  	_ = 	snop  }
0x7: {  	_ = 	snop  }
__scs_overlays_trampoline_lowered:
0x8: {  	[smem:$0x3FAA] =	sst s0  }
0x9: {  	[smem:$0x3FAB] =	sst s1  }
0xa: {  	[smem:$0x3FAC] =	sst s2  }
0xb: {  	[smem:$0x3FAD] =	sst s3  }
0xc: {  	[smem:$0x3FAE] =	sst s4  }
0xd: {  	[smem:$0x3FAF] =	sst s5  }
0xe: {  	[smem:$0x3FB0] =	sst s6  }
0xf: {  	[smem:$0x3FB1] =	sst s7  }
0x10: {  	[smem:$0x3FB2] =	sst s8  }
0x11: {  	[smem:$0x3FB3] =	sst s9;
	s0 =	simm.s32 @!p0 $0x0  }
0x12: {  	s1 =	sld [smem:$0x3F99];
	s0 =	simm.s32 @p0 $0x1  }
0x13: {  	[smem:$0x3FB4] =	sst s0;
	s0 =	simm.s32 @!p1 $0x0  }
0x14: {  	s2 =	sld [smem:$0x3F98];
	s0 =	simm.s32 @p1 $0x1  }
0x15: {  	[smem:$0x3FB5] =	sst s0;
	s0 =	simm.s32 @!p2 $0x0  }
0x16: {  	s3 =	sld [smem:$0x3FDB];
	s0 =	simm.s32 @p2 $0x1  }
0x17: {  	s4 =	simm.s32 $0x1BF5;
	[smem:$0x3FB7] =	sst s0  }
0x18: {  	s0 =	sld [smem:$0x3F9A];
	_ =	swait.ge [sflag:s4], $0x0  }
0x19: {  	s7 =	sld [smem:$0x3F9B]  }
0x1a: {  	s8 =	sadd.s32 $0xFFFFE003, lr  }
0x1b: {  	s9 =	sadd.s32 $0xFFFFFEF7, lr;
	s5 =	simm.s32 $0xFFFFFFFF;
	p2 =	slt.u32 s8, $0xFFFFF086  }
0x1c: {  	p1 =	slt.u32 s9, $0xF7A;
	s5 =	simm.s32 @!p2 $0x0  }
0x1d: {  	s5 =	simm.s32 @p1 $0x1;
	p0 =	seq.s32 s7, s2  }
0x1e: {  	s7 =	smul.u32 @!p0 $0xF7A, s2;
	p2 =	seq.s32 @!p0 s5, $0x0  }
0x1f: {  	s9 =	smul.u32 $0xF7A, s1;
	s8 =	simm.s32 @!p0 $0x1BF5;
	p2 =	por !p2, p0  }
0x20: {  	[sflag:s8] =	ssyncset.s32 @!p0 $0xFFFFF086;
	s6 =	sadd.s32 @!p0 s3, s7;
	s7 =	simm.s32 @!p0 $0x108  }
0x21: {  	s3 =	sadd.s32 s3, s9;
	s6 =	sadd.s32 @!p0 $0x88, s6;
	s7 =	simm.s32 @p2 $0x1082  }
0x22: {  	[simem:s7], [sflag:s8] =	dma.local @!p0 [hbm:s6], $0xF7A  }
0x23: {  	s9 =	sor.u32 $0xD0000000, s2;
	s6 =	simm.s32 $0x108;
	_ =	swait.ge @!p0 [sflag:s8], $0x0  }
0x24: {  	s3 =	sadd.s32 $0x88, s3;
	s6 =	simm.s32 @!p1 $0x1082;
	[sflag:s4] =	ssyncset.s32 $0xFFFFF086  }
0x25: {  	[simem:s6], [sflag:s4] =	dma.local [hbm:s3], $0xF7A  }
0x26: {  	[smem:$0x3F9B] =	sst s1;
	(tag) =	ssettag s2;
	_ =	strace s9  }
0x27: {  	s1 =	sld [smem:$0x3FAB]  }
0x28: {  	s2 =	sld [smem:$0x3FAC]  }
0x29: {  	s4 =	sld [smem:$0x3FAE]  }
0x2a: {  	p0 =	seq.s32 s5, $0x0;
	s5 =	sld [smem:$0x3FAF]  }
0x2b: {  	s6 =	sld [smem:$0x3FB0]  }
0x2c: {  	s7 =	sld [smem:$0x3FB1]  }
0x2d: {  	s3 =	simm.s32 $0x108;
	s8 =	sld [smem:$0x3FB2]  }
0x2e: {  	s3 =	simm.s32 @!p0 $0x1082;
	s9 =	sld [smem:$0x3FB3]  }
0x2f: {  	lr =	sadd.s32 s0, s3;
	s0 =	sld [smem:$0x3FAA]  }
0x30: {  	s3 =	sld [smem:$0x3FAD]  }
0x31: {  	[smem:$0x3FB6] =	sst s10  }
0x32: {  	s10 =	sld [smem:$0x3FB4];
	_ =	sdelay $0x3  }
0x33: {  	p0 =	seq.s32 s10, $0x1;
	s10 =	sld [smem:$0x3FB6];
	_ =	sdelay $0x3  }
0x34: {  	[smem:$0x3FB6] =	sst s10  }
0x35: {  	s10 =	sld [smem:$0x3FB5];
	_ =	sdelay $0x3  }
0x36: {  	p1 =	seq.s32 s10, $0x1;
	s10 =	sld [smem:$0x3FB6];
	_ =	sdelay $0x3  }
0x37: {  	[smem:$0x3FB6] =	sst s10  }
0x38: {  	s10 =	sld [smem:$0x3FB7]  }
0x39: {  	_ = 	snop;
	(pc) =	sbr.ind lr, $3  }
0x3a: {  	_ = 	snop  }
0x3b: {  	_ = 	snop  }
0x3c: {  	p2 =	seq.s32 s10, $0x1;
	s10 =	sld [smem:$0x3FB6]  }
0x3d: {  	_ =	shalt  }
0x3e: {  	_ =	shalt  }
0x3f: {  	_ =	shalt  }
0x40: {  	_ =	shalt  }
0x41: {  	_ =	shalt  }
0x42: {  	_ =	shalt  }
0x43: {  	_ =	shalt  }
0x44: {  	_ =	shalt  }
0x45: {  	_ =	shalt  }
0x46: {  	_ =	shalt  }
0x47: {  	_ =	shalt  }
0x48: {  	_ =	shalt  }
0x49: {  	_ =	shalt  }
0x4a: {  	_ =	shalt  }
0x4b: {  	_ =	shalt  }
0x4c: {  	_ =	shalt  }
0x4d: {  	_ =	shalt  }
0x4e: {  	_ =	shalt  }
0x4f: {  	_ =	shalt  }
0x50: {  	_ =	shalt  }
0x51: {  	_ =	shalt  }
0x52: {  	_ =	shalt  }
0x53: {  	_ =	shalt  }
0x54: {  	_ =	shalt  }
0x55: {  	_ =	shalt  }
0x56: {  	_ =	shalt  }
0x57: {  	_ =	shalt  }
0x58: {  	_ =	shalt  }
0x59: {  	_ =	shalt  }
0x5a: {  	_ =	shalt  }
0x5b: {  	_ =	shalt  }
0x5c: {  	_ =	shalt  }
0x5d: {  	_ =	shalt  }
0x5e: {  	_ =	shalt  }
0x5f: {  	_ =	shalt  }
0x60: {  	_ =	shalt  }
0x61: {  	_ =	shalt  }
0x62: {  	_ =	shalt  }
0x63: {  	_ =	shalt  }
0x64: {  	_ =	shalt  }
0x65: {  	_ =	shalt  }
0x66: {  	_ =	shalt  }
0x67: {  	_ =	shalt  }
0x68: {  	_ =	shalt  }
0x69: {  	_ =	shalt  }
0x6a: {  	_ =	shalt  }
0x6b: {  	_ =	shalt  }
0x6c: {  	_ =	shalt  }
0x6d: {  	_ =	shalt  }
0x6e: {  	_ =	shalt  }
0x6f: {  	_ =	shalt  }
0x70: {  	_ =	shalt  }
0x71: {  	_ =	shalt  }
0x72: {  	_ =	shalt  }
0x73: {  	_ =	shalt  }
0x74: {  	_ =	shalt  }
0x75: {  	_ =	shalt  }
0x76: {  	_ =	shalt  }
0x77: {  	_ =	shalt  }
0x78: {  	_ =	shalt  }
0x79: {  	_ =	shalt  }
0x7a: {  	_ =	shalt  }
0x7b: {  	_ =	shalt  }
0x7c: {  	_ =	shalt  }
0x7d: {  	_ =	shalt  }
0x7e: {  	_ =	shalt  }
0x7f: {  	_ =	shalt  }
0x80: {  	_ =	shalt  }
0x81: {  	_ =	shalt  }
0x82: {  	_ =	shalt  }
0x83: {  	_ =	shalt  }
0x84: {  	_ =	shalt  }
0x85: {  	_ =	shalt  }
0x86: {  	_ =	shalt  }
0x87: {  	_ =	shalt  }
.Lfunc_end0:
.L_simem_size_0:
called_computation_lowered:
.L_overlay_start_0:
0x88: {  	s2 =	sld [smem:$0x3FD9]  }
0x89: {  	s3 =	sld [smem:$0x3FFE];
	_ =	sdelay $0x1  }
0x8a: {  	s1 =	srdreg.scid  }
0x8b: {  	s0 =	sand.u32 $0x1, s1  }
0x8c: {  	s16 =	sshll.u32 s0, $0xA;
	s2 =	sadd.s32 s3, s2  }
0x8d: {  	s2 =	sadd.s32 s2, s16  }
0x8e: {  	[smem:$0x3FC2] =	sst s2  }
0x8f: {  	_ = 	snop  }
0x90: {  	(tm) =	ssettm $0x1  }
0x91: {  	s17 =	sld [smem:$0x3FFB];
	_ =	sdelay $0x3  }
0x92: {  	_ =	strace s17  }
0x93: {  	s2 =	sld [smem:$0x3FFC];
	_ =	sdelay $0x3  }
0x94: {  	_ =	strace s2  }
0x95: {  	s2 =	sld [smem:$0x3FFD];
	_ =	sdelay $0x3  }
0x96: {  	_ =	strace s2  }
0x97: {  	_ =	strace $0x8FFFFFFF  }
0x98: {  	s18 =	sld [smem:$0x3FDB];
	_ =	sdelay $0x1  }
0x99: {  	s19 =	simm.s32 $_scs_section_size  }
0x9a: {  	s4 =	simm.s32 $_size__tile_overlayer_lowered;
	s5 =	simm.s32 $_tile_overlayer_lowered  }
0x9b: {  	s22 =	simm.s32 $0x1BFF;
	s21 =	sshll.u32 s5, $0x1;
	s2 =	sadd.s32 s19, s18  }
0x9c: {  	s6 =	simm.s32 $0x0;
	s20 =	sshll.u32 s4, $0x1;
	s4 =	sadd.s32 s21, s2  }
0x9d: {  	[timem:s6], [sflag:s22] =	dma.local [hbm:s4], s20  }
0x9e: {  	_ =	swait.ge [sflag:s22], s20  }
0x9f: {  	s3 =	ssub.s32 $0x0, s20;
	[sflag:s22] =	ssyncset.done $0x0  }
0xa0: {  	[sflag:s22] =	ssyncadd.s32 s3;
	_ =	sdelay $0x1  }
0xa1: {  	s23 =	simm.s32 $0x1B8B  }
0xa2: {  	_ =	swait.ge [sflag:s23], $0x1  }
0xa3: {  	[sflag:s23] =	ssyncset.done $0x0  }
0xa4: {  	s25 =	simm.s32 $0x1B8E;
	s24 =	sld [smem:$0x3FFE];
	[sflag:s23] =	ssyncadd.s32 $0xFFFFFFFF  }
0xa5: {  	s26 =	simm.s32 $execute0_lowered;
	[smem:$0x3FD2] =	sst s25  }
0xa6: {  	s4 =	sshll.u32 s26, $0x1;
	_ =	strace $0x80000046;
	[dreg:$0x1] =	wrdreg $0xFFFFFFFF  }
0xa7: {  	s28 =	simm.s32 $_size_execute0_lowered;
	s2 =	sadd.s32 s2, s4;
	[dreg:$0x0] =	wrdreg $0x0  }
0xa8: {  	s4 =	sshll.u32 s28, $0x1;
	[dreg:$0x2] =	wrdreg s2  }
0xa9: {  	[dreg:$0x3] =	wrdreg s4  }
0xaa: {  	[dreg:$0x4] =	wrdreg $0xC0  }
0xab: {  	_ =	task [dreg:s6], $0x5FFFF  }
0xac: {  	[dreg:$0x1] =	wrdreg $0xFFFFFFFF  }
0xad: {  	[dreg:$0x0] =	wrdreg $0x60  }
0xae: {  	[dreg:$0x2] =	wrdreg s24  }
0xaf: {  	[dreg:$0x3] =	wrdreg $0x68000  }
0xb0: {  	[dreg:$0x4] =	wrdreg $0x9  }
0xb1: {  	_ =	task.clear_ibuf [dreg:s6], $0x5FFFF;
	_ =	strace $0x90000046  }
0xb2: {  	s29 =	simm.s32 $0x9;
	_ =	strace $0x80000048  }
0xb3: {  	_ =	swait.ge [sflag:s29], $0x1  }
0xb4: {  	[sflag:s29] =	ssyncadd.s32 $0xFFFFFFFF  }
0xb5: {  	_ =	strace $0x90000048  }
0xb6: {  	_ =	sfence  }
0xb7: {  	s30 =	sld [smem:$0x0];
	_ =	sdelay $0x2  }
0xb8: {  	s31 =	sshll.u32 s1, $0xD;
	s1 =	sshrl.u32 s1, $0x2  }
0xb9: {  	s3 =	sand.u32 $0x4000, s31;
	s1 =	sadd.s32 s1, s30  }
0xba: {  	s0 =	sor.u32 s3, s0;
	s1 =	sshll.u32 s1, $0x11  }
0xbb: {  	s0 =	sor.u32 s1, s0  }
0xbc: {  	s0 =	sadd.s32 $0x8F2B, s0  }
0xbd: {  	[sflag:s0] =	ssyncadd.remote.s32 $0x1  }
0xbe: {  	_ =	sfence.sel $0xFFFF  }
0xbf: {  	[dreg:$0x0] =	wrdreg $0xFFFFFFFF;
	(pc) =	sbr.abs _section_cstart, $3  }
0xc0: {  	[dreg:$0x1] =	wrdreg $0xFFFFFFFF  }
0xc1: {  	_ =	task.clear_ibuf [dreg:s6], $0x2FFFF;
	_ =	strace $0x9FFFFFFF  }
0xc2: {  	(tm) =	ssettm $0x7FFFFFFF  }
0xc3: {  	_ =	shalt  }
tec
execute0_lowered:
.L_overlay_start_1:
0x0: {  	(tag) =	ssettag $0x1  }
0x1: {  	s4 =	rddreg [dreg:$0x0];
	s1 =	srdreg.scid  }
0x2: {  	s0 =	stileid.u32;
	s2 =	rddreg [dreg:$0x1]  }
0x3: {  	s3 =	simm.s32 $0x0;
	s19 =	simm.s32 $0x1;
	s20 =	simm.s32 $0x0  }
0x4: {  	s6 =	sand.u32 $0x1, s1;
	s1 =	rddreg [dreg:$0x2];
	s7 =	smul.u32 $0x50000, s0  }
0x5: {  	s5 =	sshll.u32 s0, $0x1;
	[smem:$0x7FF] =	sst s3;
	s9 =	smul.u32 $0x14000, s0  }
0x6: {  	s14 =	sadd.s32 $0xC400, s4;
	s5 =	sor.u32 s6, s5;
	s13 =	smul.u32 $0x140000, s6  }
0x7: {  	_ =	strace $0x80000047;
	s31 =	ssub.s32 $0x2, s6;
	s5 =	smul.u32 $0x500, s5  }
0x8: {  	s8 =	sshrl.u32 s31, $0x1;
	s7 =	sshrl.u32 s7, $0x2;
	s10 =	sadd.s32 $0x4000, s9  }
0x9: {  	s12 =	sadd.s32 $0x8000, s9;
	s16 =	sadd.s32 $0xC000, s9;
	s17 =	sadd.s32 $0x10000, s9  }
0xa: {  	s15 =	ssub.s32 s31, s8;
	s6 =	sadd.s32 s10, s2;
	s8 =	sadd.s32 s16, s2  }
0xb: {  	s11 =	sadd.s32 s9, s13;
	s10 =	sadd.s32 s13, s10;
	s9 =	sadd.s32 s17, s2  }
0xc: {  	s16 =	sadd.s32 s13, s16;
	s5 =	sadd.s32 s5, s4;
	s11 =	sshrl.u32 s11, $0x3  }
0xd: {  	s18 =	sshrl.u32 s10, $0x3;
	s16 =	sshrl.u32 s16, $0x3;
	s15 =	smax.u32 s15, $0x1  }
0xe: {  	s4 =	sadd.s32 $0x2400, s5;
	s5 =	sadd.s32 s7, s2;
	s7 =	sadd.s32 s12, s2  }
0xf: {  	s10 =	sadd.s32 s14, s11;
	s11 =	sadd.s32 s14, s18;
	s12 =	sadd.s32 s13, s12  }
0x10: {  	s13 =	sadd.s32 s13, s17;
	s18 =	simm.s32 $0x7D;
	s12 =	sshrl.u32 s12, $0x3  }
0x11: {  	s17 =	sshrl.u32 s13, $0x3;
	s13 =	sadd.s32 s14, s16;
	s16 =	simm.s32 $0x2  }
0x12: {  	v0 =	vimm.f32 $0.0e+00;
	v1 =	vimm.f32 $1.000000000e+00;
	s12 =	sadd.s32 s14, s12;
	s14 =	sadd.s32 s14, s17;
	s17 =	simm.s32 $0x2800  }
.LBB2_1:
0x13: {  	[tilespmem:s3], [sflag:$0x2] =	stream.linear.gather [hbm4b:s4+s3], $0x2800, $0x38;
	[tilespmem:$0x9000] =	vst v63  }
0x14: {  	_ =	swait.ge [sflag:s16], $0x2800  }
0x15: {  	[sflag:s16] =	ssyncset.done $0x0  }
0x16: {  	s21 =	simm.s32 $0x200;
	s22 =	simm.s32 $0x0;
	[sflag:s16] =	ssyncadd.s32 $0xFFFFD800  }
.LBB2_2:
0x17: {  	p0 =	sne.s32 s21, $0xFE00;
	[tilespmem:s22+$0x2800] =	vst v0;
	s22 =	smov.u32 s21;
	s21 =	sadd.s32 $0x200, s21  }
.Ltmp0:
0x18: {  	(pc) =	sbr.rel @p0 .LBB2_2-.Ltmp0, $2  }
0x19: {  	_ =	sdelay $0x2  }
0x1a: {  	s22 =	sshra.s32 s22, $0x2  }
0x1b: {  	[tilespmem:s22+$0x2800] =	vst v0  }
0x1c: {  	[spmem:s5] =	stream.linear.scatter [tilespmem:s17], [sflag:$0x2], $0x4000, $0x38;
	[tilespmem:$0x9000] =	vst v63  }
0x1d: {  	_ =	swait.ge [sflag:s16], $0x4000  }
0x1e: {  	[sflag:s16] =	ssyncset.done $0x0  }
0x1f: {  	[sflag:s16] =	ssyncadd.s32 $0xFFFFC000  }
0x20: {  	[spmem:s6] =	stream.linear.scatter [tilespmem:s17], [sflag:$0x2], $0x4000, $0x38;
	[tilespmem:$0x9000] =	vst v63  }
0x21: {  	_ =	swait.ge [sflag:s16], $0x4000  }
0x22: {  	[sflag:s16] =	ssyncset.done $0x0  }
0x23: {  	[sflag:s16] =	ssyncadd.s32 $0xFFFFC000  }
0x24: {  	[spmem:s7] =	stream.linear.scatter [tilespmem:s17], [sflag:$0x2], $0x4000, $0x38;
	[tilespmem:$0x9000] =	vst v63  }
0x25: {  	_ =	swait.ge [sflag:s16], $0x4000  }
0x26: {  	[sflag:s16] =	ssyncset.done $0x0  }
0x27: {  	[sflag:s16] =	ssyncadd.s32 $0xFFFFC000  }
0x28: {  	[spmem:s8] =	stream.linear.scatter [tilespmem:s17], [sflag:$0x2], $0x4000, $0x38;
	[tilespmem:$0x9000] =	vst v63  }
0x29: {  	_ =	swait.ge [sflag:s16], $0x4000  }
0x2a: {  	[sflag:s16] =	ssyncset.done $0x0  }
0x2b: {  	[sflag:s16] =	ssyncadd.s32 $0xFFFFC000  }
0x2c: {  	[spmem:s9] =	stream.linear.scatter [tilespmem:s17], [sflag:$0x2], $0x4000, $0x38;
	[tilespmem:$0x9000] =	vst v63  }
0x2d: {  	_ =	swait.ge [sflag:s16], $0x4000  }
0x2e: {  	[sflag:s16] =	ssyncset.done $0x0  }
0x2f: {  	s21 =	simm.s32 $0x200;
	s22 =	simm.s32 $0x0;
	[sflag:s16] =	ssyncadd.s32 $0xFFFFC000  }
.LBB2_4:
0x30: {  	p0 =	sne.s32 s21, $0xFE00;
	[tilespmem:s22+$0x2800] =	vst v1;
	s22 =	smov.u32 s21;
	s21 =	sadd.s32 $0x200, s21  }
.Ltmp1:
0x31: {  	(pc) =	sbr.rel @p0 .LBB2_4-.Ltmp1, $2  }
0x32: {  	_ =	sdelay $0x2  }
0x33: {  	s22 =	sshra.s32 s22, $0x2  }
0x34: {  	[tilespmem:s22+$0x2800] =	vst v1  }
0x35: {  	s21 =	simm.s32 $0x0;
	[bflag:$0x0] =	sbarrier.arrive $0xFFFF  }
0x36: {  	[spmem:s2] =	stream.indirect.scatter.add.f32 [tilespmem:s17], [sflag:$0x1], $0x10, s21, s18, $0xb8;
	[tilespmem:$0x9000] =	vst v63  }
0x37: {  	s24 =	simm.s32 $0x80  }
0x38: {  	[spmem:s2] =	stream.indirect.scatter.add.f32 [tilespmem:s17], [sflag:$0x1], $0x10, s24, s18, $0xb8;
	[tilespmem:$0x9000] =	vst v63  }
0x39: {  	s25 =	simm.s32 $0x100  }
0x3a: {  	[spmem:s2] =	stream.indirect.scatter.add.f32 [tilespmem:s17], [sflag:$0x1], $0x10, s25, s18, $0xb8;
	[tilespmem:$0x9000] =	vst v63  }
0x3b: {  	s26 =	simm.s32 $0x180  }
0x3c: {  	[spmem:s2] =	stream.indirect.scatter.add.f32 [tilespmem:s17], [sflag:$0x1], $0x10, s26, s18, $0xb8;
	[tilespmem:$0x9000] =	vst v63  }
0x3d: {  	s28 =	simm.s32 $0x200  }
0x3e: {  	[spmem:s2] =	stream.indirect.scatter.add.f32 [tilespmem:s17], [sflag:$0x1], $0x10, s28, s18, $0xb8;
	[tilespmem:$0x9000] =	vst v63  }
0x3f: {  	s29 =	simm.s32 $0x280  }
0x40: {  	[spmem:s2] =	stream.indirect.scatter.add.f32 [tilespmem:s17], [sflag:$0x1], $0x10, s29, s18, $0xb8;
	[tilespmem:$0x9000] =	vst v63  }
0x41: {  	s30 =	simm.s32 $0x300  }
0x42: {  	[spmem:s2] =	stream.indirect.scatter.add.f32 [tilespmem:s17], [sflag:$0x1], $0x10, s30, s18, $0xb8;
	[tilespmem:$0x9000] =	vst v63  }
0x43: {  	s31 =	simm.s32 $0x380  }
0x44: {  	[spmem:s2] =	stream.indirect.scatter.add.f32 [tilespmem:s17], [sflag:$0x1], $0x10, s31, s18, $0xb8;
	[tilespmem:$0x9000] =	vst v63  }
0x45: {  	_ =	swait.ge [sflag:s19], $0x7D0  }
0x46: {  	[sflag:s19] =	ssyncset.done $0x0  }
0x47: {  	[sflag:s19] =	ssyncadd.s32 $0xFFFFF830  }
0x48: {  	_ =	swait.ge [sflag:s19], $0x7D0  }
0x49: {  	[sflag:s19] =	ssyncset.done $0x0  }
0x4a: {  	[sflag:s19] =	ssyncadd.s32 $0xFFFFF830  }
0x4b: {  	_ =	swait.ge [sflag:s19], $0x7D0  }
0x4c: {  	[sflag:s19] =	ssyncset.done $0x0  }
0x4d: {  	[sflag:s19] =	ssyncadd.s32 $0xFFFFF830  }
0x4e: {  	_ =	swait.ge [sflag:s19], $0x7D0  }
0x4f: {  	[sflag:s19] =	ssyncset.done $0x0  }
0x50: {  	[sflag:s19] =	ssyncadd.s32 $0xFFFFF830  }
0x51: {  	_ =	swait.ge [sflag:s19], $0x7D0  }
0x52: {  	[sflag:s19] =	ssyncset.done $0x0  }
0x53: {  	[sflag:s19] =	ssyncadd.s32 $0xFFFFF830  }
0x54: {  	_ =	swait.ge [sflag:s19], $0x7D0  }
0x55: {  	[sflag:s19] =	ssyncset.done $0x0  }
0x56: {  	[sflag:s19] =	ssyncadd.s32 $0xFFFFF830  }
0x57: {  	_ =	swait.ge [sflag:s19], $0x7D0  }
0x58: {  	[sflag:s19] =	ssyncset.done $0x0  }
0x59: {  	[sflag:s19] =	ssyncadd.s32 $0xFFFFF830  }
0x5a: {  	_ =	swait.ge [sflag:s19], $0x7D0  }
0x5b: {  	s23 =	simm.s32 $0x2000;
	s21 =	simm.s32 $0x1000;
	[sflag:s19] =	ssyncset.done $0x0  }
.LBB2_6:
0x5c: {  	s24 =	sshra.s32 s21, $0x2  }
0x5d: {  	[sflag:s19] =	ssyncadd.s32 $0xFFFFF830;
	s21 =	smov.u32 s23;
	s22 =	sadd.s32 $0x1000, s23  }
0x5e: {  	[spmem:s2] =	stream.indirect.scatter.add.f32 [tilespmem:s17], [sflag:$0x1], $0x10, s24, s18, $0xb8;
	[tilespmem:$0x9000] =	vst v63  }
0x5f: {  	p0 =	sne.s32 s23, $0x9000;
	s23 =	sadd.s32 $0x80, s24  }
0x60: {  	[spmem:s2] =	stream.indirect.scatter.add.f32 [tilespmem:s17], [sflag:$0x1], $0x10, s23, s18, $0xb8;
	[tilespmem:$0x9000] =	vst v63  }
0x61: {  	s23 =	sadd.s32 $0x100, s24  }
0x62: {  	[spmem:s2] =	stream.indirect.scatter.add.f32 [tilespmem:s17], [sflag:$0x1], $0x10, s23, s18, $0xb8;
	[tilespmem:$0x9000] =	vst v63  }
0x63: {  	s23 =	sadd.s32 $0x180, s24  }
0x64: {  	[spmem:s2] =	stream.indirect.scatter.add.f32 [tilespmem:s17], [sflag:$0x1], $0x10, s23, s18, $0xb8;
	[tilespmem:$0x9000] =	vst v63  }
0x65: {  	s23 =	sadd.s32 $0x200, s24  }
0x66: {  	[spmem:s2] =	stream.indirect.scatter.add.f32 [tilespmem:s17], [sflag:$0x1], $0x10, s23, s18, $0xb8;
	[tilespmem:$0x9000] =	vst v63  }
0x67: {  	s23 =	sadd.s32 $0x280, s24  }
0x68: {  	[spmem:s2] =	stream.indirect.scatter.add.f32 [tilespmem:s17], [sflag:$0x1], $0x10, s23, s18, $0xb8;
	[tilespmem:$0x9000] =	vst v63  }
0x69: {  	s23 =	sadd.s32 $0x300, s24  }
0x6a: {  	[spmem:s2] =	stream.indirect.scatter.add.f32 [tilespmem:s17], [sflag:$0x1], $0x10, s23, s18, $0xb8;
	[tilespmem:$0x9000] =	vst v63  }
0x6b: {  	s23 =	sadd.s32 $0x380, s24  }
0x6c: {  	[spmem:s2] =	stream.indirect.scatter.add.f32 [tilespmem:s17], [sflag:$0x1], $0x10, s23, s18, $0xb8;
	[tilespmem:$0x9000] =	vst v63  }
0x6d: {  	_ =	swait.ge [sflag:s19], $0x7D0  }
0x6e: {  	[sflag:s19] =	ssyncset.done $0x0  }
0x6f: {  	[sflag:s19] =	ssyncadd.s32 $0xFFFFF830  }
0x70: {  	_ =	swait.ge [sflag:s19], $0x7D0  }
0x71: {  	[sflag:s19] =	ssyncset.done $0x0  }
0x72: {  	[sflag:s19] =	ssyncadd.s32 $0xFFFFF830  }
0x73: {  	_ =	swait.ge [sflag:s19], $0x7D0  }
0x74: {  	[sflag:s19] =	ssyncset.done $0x0  }
0x75: {  	[sflag:s19] =	ssyncadd.s32 $0xFFFFF830  }
0x76: {  	_ =	swait.ge [sflag:s19], $0x7D0  }
0x77: {  	[sflag:s19] =	ssyncset.done $0x0  }
0x78: {  	[sflag:s19] =	ssyncadd.s32 $0xFFFFF830  }
0x79: {  	_ =	swait.ge [sflag:s19], $0x7D0  }
0x7a: {  	[sflag:s19] =	ssyncset.done $0x0  }
0x7b: {  	[sflag:s19] =	ssyncadd.s32 $0xFFFFF830  }
0x7c: {  	_ =	swait.ge [sflag:s19], $0x7D0  }
0x7d: {  	[sflag:s19] =	ssyncset.done $0x0  }
0x7e: {  	[sflag:s19] =	ssyncadd.s32 $0xFFFFF830  }
.Ltmp2:
0x7f: {  	_ =	swait.ge [sflag:s19], $0x7D0;
	(pc) =	sbr.rel @p0 .LBB2_6-.Ltmp2, $4  }
0x80: {  	[sflag:s19] =	ssyncset.done $0x0  }
0x81: {  	[sflag:s19] =	ssyncadd.s32 $0xFFFFF830  }
0x82: {  	_ =	swait.ge [sflag:s19], $0x7D0  }
0x83: {  	s23 =	smov.u32 s22;
	[sflag:s19] =	ssyncset.done $0x0  }
0x84: {  	s21 =	sshra.s32 s21, $0x2;
	[sflag:s19] =	ssyncadd.s32 $0xFFFFF830  }
0x85: {  	[spmem:s2] =	stream.indirect.scatter.add.f32 [tilespmem:s17], [sflag:$0x1], $0x10, s21, s18, $0xb8;
	[tilespmem:$0x9000] =	vst v63  }
0x86: {  	s22 =	sadd.s32 $0x80, s21  }
0x87: {  	[spmem:s2] =	stream.indirect.scatter.add.f32 [tilespmem:s17], [sflag:$0x1], $0x10, s22, s18, $0xb8;
	[tilespmem:$0x9000] =	vst v63  }
0x88: {  	s26 =	sadd.s32 $0x100, s21  }
0x89: {  	[spmem:s2] =	stream.indirect.scatter.add.f32 [tilespmem:s17], [sflag:$0x1], $0x10, s26, s18, $0xb8;
	[tilespmem:$0x9000] =	vst v63  }
0x8a: {  	s28 =	sadd.s32 $0x180, s21  }
0x8b: {  	[spmem:s2] =	stream.indirect.scatter.add.f32 [tilespmem:s17], [sflag:$0x1], $0x10, s28, s18, $0xb8;
	[tilespmem:$0x9000] =	vst v63  }
0x8c: {  	s29 =	sadd.s32 $0x200, s21  }
0x8d: {  	[spmem:s2] =	stream.indirect.scatter.add.f32 [tilespmem:s17], [sflag:$0x1], $0x10, s29, s18, $0xb8;
	[tilespmem:$0x9000] =	vst v63  }
0x8e: {  	s30 =	sadd.s32 $0x280, s21  }
0x8f: {  	[spmem:s2] =	stream.indirect.scatter.add.f32 [tilespmem:s17], [sflag:$0x1], $0x10, s30, s18, $0xb8;
	[tilespmem:$0x9000] =	vst v63  }
0x90: {  	s31 =	sadd.s32 $0x300, s21  }
0x91: {  	[spmem:s2] =	stream.indirect.scatter.add.f32 [tilespmem:s17], [sflag:$0x1], $0x10, s31, s18, $0xb8;
	[tilespmem:$0x9000] =	vst v63  }
0x92: {  	s21 =	sadd.s32 $0x380, s21  }
0x93: {  	[spmem:s2] =	stream.indirect.scatter.add.f32 [tilespmem:s17], [sflag:$0x1], $0x10, s21, s18, $0xb8;
	[tilespmem:$0x9000] =	vst v63  }
0x94: {  	_ =	swait.ge [sflag:s19], $0x7D0  }
0x95: {  	[sflag:s19] =	ssyncset.done $0x0  }
0x96: {  	[sflag:s19] =	ssyncadd.s32 $0xFFFFF830  }
0x97: {  	_ =	swait.ge [sflag:s19], $0x7D0  }
0x98: {  	[sflag:s19] =	ssyncset.done $0x0  }
0x99: {  	[sflag:s19] =	ssyncadd.s32 $0xFFFFF830  }
0x9a: {  	_ =	swait.ge [sflag:s19], $0x7D0  }
0x9b: {  	[sflag:s19] =	ssyncset.done $0x0  }
0x9c: {  	[sflag:s19] =	ssyncadd.s32 $0xFFFFF830  }
0x9d: {  	_ =	swait.ge [sflag:s19], $0x7D0  }
0x9e: {  	[sflag:s19] =	ssyncset.done $0x0  }
0x9f: {  	[sflag:s19] =	ssyncadd.s32 $0xFFFFF830  }
0xa0: {  	_ =	swait.ge [sflag:s19], $0x7D0  }
0xa1: {  	[sflag:s19] =	ssyncset.done $0x0  }
0xa2: {  	[sflag:s19] =	ssyncadd.s32 $0xFFFFF830  }
0xa3: {  	_ =	swait.ge [sflag:s19], $0x7D0  }
0xa4: {  	[sflag:s19] =	ssyncset.done $0x0  }
0xa5: {  	[sflag:s19] =	ssyncadd.s32 $0xFFFFF830  }
0xa6: {  	_ =	swait.ge [sflag:s19], $0x7D0  }
0xa7: {  	[sflag:s19] =	ssyncset.done $0x0  }
0xa8: {  	[sflag:s19] =	ssyncadd.s32 $0xFFFFF830  }
0xa9: {  	_ =	swait.ge [sflag:s19], $0x7D0  }
0xaa: {  	[sflag:s19] =	ssyncset.done $0x0  }
0xab: {  	[sflag:s19] =	ssyncadd.s32 $0xFFFFF830  }
0xac: {  	[bflag:$0x0] =	sbarrier.arrive $0xFFFF  }
0xad: {  	[tilespmem:s17], [sflag:$0x2] =	stream.linear.gather [spmem:s5], $0x4000, $0x38;
	[tilespmem:$0x9000] =	vst v63  }
0xae: {  	_ =	swait.ge [sflag:s16], $0x4000  }
0xaf: {  	[sflag:s16] =	ssyncset.done $0x0  }
0xb0: {  	[sflag:s16] =	ssyncadd.s32 $0xFFFFC000  }
0xb1: {  	[hbm4b:s10+s3] =	stream.linear.scatter [tilespmem:s17], [sflag:$0x2], $0x4000, $0x38;
	[tilespmem:$0x9000] =	vst v63  }
0xb2: {  	_ =	swait.ge [sflag:s16], $0x4000  }
0xb3: {  	[sflag:s16] =	ssyncset.done $0x0  }
0xb4: {  	[sflag:s16] =	ssyncadd.s32 $0xFFFFC000  }
0xb5: {  	[tilespmem:s17], [sflag:$0x2] =	stream.linear.gather [spmem:s6], $0x4000, $0x38;
	[tilespmem:$0x9000] =	vst v63  }
0xb6: {  	_ =	swait.ge [sflag:s16], $0x4000  }
0xb7: {  	[sflag:s16] =	ssyncset.done $0x0  }
0xb8: {  	[sflag:s16] =	ssyncadd.s32 $0xFFFFC000  }
0xb9: {  	[hbm4b:s11+s3] =	stream.linear.scatter [tilespmem:s17], [sflag:$0x2], $0x4000, $0x38;
	[tilespmem:$0x9000] =	vst v63  }
0xba: {  	_ =	swait.ge [sflag:s16], $0x4000  }
0xbb: {  	[sflag:s16] =	ssyncset.done $0x0  }
0xbc: {  	[sflag:s16] =	ssyncadd.s32 $0xFFFFC000  }
0xbd: {  	[tilespmem:s17], [sflag:$0x2] =	stream.linear.gather [spmem:s7], $0x4000, $0x38;
	[tilespmem:$0x9000] =	vst v63  }
0xbe: {  	_ =	swait.ge [sflag:s16], $0x4000  }
0xbf: {  	[sflag:s16] =	ssyncset.done $0x0  }
0xc0: {  	[sflag:s16] =	ssyncadd.s32 $0xFFFFC000  }
0xc1: {  	[hbm4b:s12+s3] =	stream.linear.scatter [tilespmem:s17], [sflag:$0x2], $0x4000, $0x38;
	[tilespmem:$0x9000] =	vst v63  }
0xc2: {  	_ =	swait.ge [sflag:s16], $0x4000  }
0xc3: {  	[sflag:s16] =	ssyncset.done $0x0  }
0xc4: {  	[sflag:s16] =	ssyncadd.s32 $0xFFFFC000  }
0xc5: {  	[tilespmem:s17], [sflag:$0x2] =	stream.linear.gather [spmem:s8], $0x4000, $0x38;
	[tilespmem:$0x9000] =	vst v63  }
0xc6: {  	_ =	swait.ge [sflag:s16], $0x4000  }
0xc7: {  	[sflag:s16] =	ssyncset.done $0x0  }
0xc8: {  	[sflag:s16] =	ssyncadd.s32 $0xFFFFC000  }
0xc9: {  	[hbm4b:s13+s3] =	stream.linear.scatter [tilespmem:s17], [sflag:$0x2], $0x4000, $0x38;
	[tilespmem:$0x9000] =	vst v63  }
0xca: {  	_ =	swait.ge [sflag:s16], $0x4000  }
0xcb: {  	[sflag:s16] =	ssyncset.done $0x0  }
0xcc: {  	[sflag:s16] =	ssyncadd.s32 $0xFFFFC000  }
0xcd: {  	[tilespmem:s17], [sflag:$0x2] =	stream.linear.gather [spmem:s9], $0x4000, $0x38;
	[tilespmem:$0x9000] =	vst v63  }
0xce: {  	s20 =	sadd.s32 $0x1, s20;
	_ =	swait.ge [sflag:s16], $0x4000  }
0xcf: {  	p0 =	sne.s32 s20, s15;
	[sflag:s16] =	ssyncset.done $0x0  }
.Ltmp3:
0xd0: {  	[sflag:s16] =	ssyncadd.s32 $0xFFFFC000;
	(pc) =	sbr.rel @p0 .LBB2_1-.Ltmp3, $4  }
0xd1: {  	[hbm4b:s14+s3] =	stream.linear.scatter [tilespmem:s17], [sflag:$0x2], $0x4000, $0x38;
	[tilespmem:$0x9000] =	vst v63  }
0xd2: {  	_ =	swait.ge [sflag:s16], $0x4000  }
0xd3: {  	[sflag:s16] =	ssyncset.done $0x0  }
0xd4: {  	[sflag:s16] =	ssyncadd.s32 $0xFFFFC000  }
0xd5: {  	_ =	sfence.sel $0x180000  }
0xd6: {  	[bflag:$0x0] =	sbarrier.arrive $0xFFFF  }
0xd7: {  	p0 =	sne.s32 s0, $0x0;
	_ =	strace $0x90000047  }
0xd8: {  	s0 =	sadd.s32 @!p0 $0x100000, s1;
	[bflag:$0x2] =	sbarrier.arrive $0xFFFF  }
0xd9: {  	[sflag:s0] =	ssyncadd.tile.s32 @!p0 $0x1;
	_ =	shalt  }
.Lfunc_end2:
_tile_overlayer_lowered:
.L_overlay_start_2:
0xda: {  	(tag) =	ssettag $0x2  }
0xdb: {  	s0 =	rddreg [dreg:$0x0];
	s2 =	stileid.u32  }
0xdc: {  	s1 =	rddreg [dreg:$0x1];
	p0 =	sne.s32 s2, $0x0  }
0xdd: {  	s3 =	rddreg [dreg:$0x2];
	[bflag:$0x3] =	sbarrier.arrive $0xFFFF;
	s2 =	simm.s32 @!p0 $0x1C02  }
0xde: {  	[timem:s3], [sflag:s2] =	dma.local @!p0 [hbm:s0], s1  }
0xdf: {  	s0 =	simm.s32 @!p0 $0x2  }
0xe0: {  	_ =	swait.ge @!p0 [sflag:s0], s1  }
0xe1: {  	s1 =	ssub.s32 @!p0 $0x0, s1;
	[sflag:s0] =	ssyncset.done @!p0 $0x0  }
0xe2: {  	[sflag:s0] =	ssyncadd.s32 @!p0 s1  }
0xe3: {  	[bflag:$0x3] =	sbarrier.arrive $0xFFFF  }
0xe4: {  	_ =	shalt  }

</sc_bundles>
